<compile_context>
chip_gen: v7x
topology: tpu7x:2x2x1
jax: 0.10.2.dev20260603
libtpu: 0.0.44.dev20260713+nightly
codegen_flags: <defaults>
</compile_context>

<pallas_src>
import functools

import jax
import jax.numpy as jnp
from jax import lax
from jax.experimental import pallas as pl
from jax.experimental.pallas import tpu as pltpu
from jax.experimental.pallas import tpu_sc as plsc

N_EXAMPLES = 100000
CLASS_NUM = 128
BATCH = 16384

_INFO = plsc.get_sparse_core_info()
_NC = _INFO.num_cores
_NS = _INFO.num_subcores
_LANES = _INFO.num_lanes
_NW = _NC * _NS
_B_PER_W = BATCH // _NW
_CHUNK = 128
_NCHUNK = _B_PER_W // _CHUNK
_UNROLL = 4


def _sc_body(idx_hbm, table_hbm, out_hbm, idx_v, rows_v,
             gsem0, gsem1, gsem2, gsem3, ssem):
    wid = lax.axis_index("s") * _NC + lax.axis_index("c")
    base = wid * _B_PER_W
    pltpu.sync_copy(idx_hbm.at[wid], idx_v)

    gsems = (gsem0, gsem1, gsem2, gsem3)
    gathers = []
    for g in range(_NCHUNK):
        gathers.append(pltpu.async_copy(
            table_hbm.at[idx_v.at[g]],
            rows_v.at[pl.ds(g * _CHUNK, _CHUNK)],
            gsems[g]))

    def sigmoid_rows(lo, n):
        def row(b, carry):
            for j in range(CLASS_NUM // _LANES):
                x = rows_v[lo + b, pl.ds(j * _LANES, _LANES)]
                rows_v[lo + b, pl.ds(j * _LANES, _LANES)] = (
                    1.0 / (1.0 + jnp.exp(-x)))
            return carry

        lax.fori_loop(0, n, row, 0, unroll=_UNROLL)

    pieces = [(g * _CHUNK, _CHUNK) for g in range(_NCHUNK)]

    scatters = []
    for lo, n in pieces:
        g = lo // _CHUNK
        if lo % _CHUNK == 0:
            gathers[g].wait()
        sigmoid_rows(lo, n)
        scatters.append(pltpu.async_copy(
            rows_v.at[pl.ds(lo, n)],
            out_hbm.at[pl.ds(base + lo, n)],
            ssem))
    for s in scatters:
        s.wait()


@functools.partial(jax.jit)
def kernel(indices, logits):
    mesh = plsc.VectorSubcoreMesh(core_axis_name="c", subcore_axis_name="s")
    run = functools.partial(
        pl.kernel,
        mesh=mesh,
        out_type=jax.ShapeDtypeStruct((BATCH, CLASS_NUM), jnp.float32),
        scratch_types=[
            pltpu.VMEM((_NCHUNK, _CHUNK), jnp.int32),
            pltpu.VMEM((_B_PER_W, CLASS_NUM), jnp.float32),
        ] + [pltpu.SemaphoreType.DMA] * 5,
    )(_sc_body)
    return run(indices.astype(jnp.int32).reshape(_NW, _NCHUNK, _CHUNK), logits)

# --- scband reference (transcript-rebuilt; emitter-appended) ---
"""Pipeline reference for scband-label-estimator-29566554866293 (READ-ONLY COPY).

The authoritative reference and input builder live on the scoring server;
editing this copy changes nothing except your own understanding.
"""

import jax, jax.numpy as jnp
import numpy as np

N_EXAMPLES = 100000
CLASS_NUM = 128
BATCH = 16384


def _inverse_sigmoid(p):
    epsilon = 1e-05
    p = np.minimum(p, 1 - epsilon)
    p = np.maximum(p, epsilon)
    return np.log(p / (1 - p))


def setup_inputs(seed: int = 0) -> dict:
    key = jax.random.key(seed)
    k1, k2, k3 = jax.random.split(key, 3)
    # Replicate the module's __init__: logits parameter initialized from
    # uniform noise, overwritten at observed positive/negative positions.
    w = 0.1
    q = float(_inverse_sigmoid(0.5 + w))
    logits = q * (2.0 * jax.random.uniform(k1, (N_EXAMPLES, CLASS_NUM), dtype=jnp.float32) - 1.0)
    # simulate observed_label_matrix with entries in {-1, 0, 1}
    obs = jax.random.randint(k2, (N_EXAMPLES, CLASS_NUM), -1, 2)
    init_logit_pos = jnp.float32(_inverse_sigmoid(0.995))
    init_logit_neg = jnp.float32(_inverse_sigmoid(0.005))
    logits = jnp.where(obs == 1, init_logit_pos, logits)
    logits = jnp.where(obs == -1, init_logit_neg, logits)
    indices = jax.random.randint(k3, (BATCH,), 0, N_EXAMPLES)
    return {"indices": indices, "logits": logits}


def reference(indices, logits):
    # forward: x = self.logits[indices, :]; x = sigmoid(x)
    x = jnp.take(logits, indices, axis=0)
    return jax.nn.sigmoid(x)

if __name__ == "__main__":
    import jax
    _d = setup_inputs()
    print(jax.jit(kernel)(*tuple(_d.values())))

</pallas_src>

<mosaic_0001>
#map = affine_map<(d0, d1) -> (0, 0, 0)>
#map1 = affine_map<(d0, d1) -> (0, 0)>
module attributes {stable_mosaic.version = 14 : i64} {
  func.func @_sc_body(%arg0: i32, %arg1: i32, %arg2: memref<32x4x128xi32, #tpu.memory_space<hbm>>, %arg3: memref<100000x128xf32, #tpu.memory_space<hbm>>, %arg4: memref<16384x128xf32, #tpu.memory_space<hbm>>, %arg5: memref<4x128xi32, #tpu.memory_space<vmem>>, %arg6: memref<512x128xf32, #tpu.memory_space<vmem>>, %arg7: memref<!tpu.dma_semaphore, #tpu.memory_space<semaphore_mem>>, %arg8: memref<!tpu.dma_semaphore, #tpu.memory_space<semaphore_mem>>, %arg9: memref<!tpu.dma_semaphore, #tpu.memory_space<semaphore_mem>>, %arg10: memref<!tpu.dma_semaphore, #tpu.memory_space<semaphore_mem>>, %arg11: memref<!tpu.dma_semaphore, #tpu.memory_space<semaphore_mem>>) attributes {dimension_semantics = [#tpu.dimension_semantics<core_parallel>, #tpu.dimension_semantics<subcore_parallel>], iteration_bounds = array<i64: 2, 16>, scalar_prefetch = 0 : i64, scratch_operands = 7 : i64, tpu.core_type = #tpu.core_type<sc_vector_subcore>, window_params = [{transform_indices = #map}, {transform_indices = #map1}, {transform_indices = #map1}]} {
    %mul3A = arith.constant 2 : i32
    %mul3A_0 = arith.muli %arg1, %mul3A : i32
    %add3A = arith.addi %mul3A_0, %arg0 : i32
    %mul3A_1 = arith.constant 512 : i32
    %mul3A_2 = arith.muli %add3A, %mul3A_1 : i32
    "tpu.region"() ({
      %run_scoped3A = tpu.sem_alloc : memref<!tpu.dma_semaphore, #tpu.memory_space<semaphore_mem>>
      %dma_start3A_192 = arith.constant 0 : i32
      %dma_start3A_193 = arith.constant 0 : i32
      %dma_start3A_194 = tpu.memref_slice %arg2[%add3A, %dma_start3A_192, %dma_start3A_193] : memref<32x4x128xi32, #tpu.memory_space<hbm>> -> memref<1x4x128xi32, #tpu.memory_space<hbm>>
      %dma_start3A_195 = tpu.memref_squeeze %dma_start3A_194 : memref<1x4x128xi32, #tpu.memory_space<hbm>> -> memref<4x128xi32, #tpu.memory_space<hbm>>
      %dma_start3A_196 = arith.constant 0 : i32
      %dma_start3A_197 = arith.constant 0 : i32
      %dma_start3A_198 = tpu.memref_slice %arg2[%add3A, %dma_start3A_196, %dma_start3A_197] : memref<32x4x128xi32, #tpu.memory_space<hbm>> -> memref<1x4x128xi32, #tpu.memory_space<hbm>>
      %dma_start3A_199 = tpu.memref_squeeze %dma_start3A_198 : memref<1x4x128xi32, #tpu.memory_space<hbm>> -> memref<4x128xi32, #tpu.memory_space<hbm>>
      tpu.enqueue_dma source(%dma_start3A_199 : memref<4x128xi32, #tpu.memory_space<hbm>>) target(%arg5 : memref<4x128xi32, #tpu.memory_space<vmem>>) target_semaphore(%run_scoped3A : memref<!tpu.dma_semaphore, #tpu.memory_space<semaphore_mem>>)
      %dma_wait3A_200 = arith.constant 0 : i32
      %dma_wait3A_201 = arith.constant 0 : i32
      %dma_wait3A_202 = tpu.memref_slice %arg2[%add3A, %dma_wait3A_200, %dma_wait3A_201] : memref<32x4x128xi32, #tpu.memory_space<hbm>> -> memref<1x4x128xi32, #tpu.memory_space<hbm>>
      %dma_wait3A_203 = tpu.memref_squeeze %dma_wait3A_202 : memref<1x4x128xi32, #tpu.memory_space<hbm>> -> memref<4x128xi32, #tpu.memory_space<hbm>>
      %dma_wait3A_204 = arith.constant 0 : i32
      %dma_wait3A_205 = arith.constant 0 : i32
      %dma_wait3A_206 = tpu.memref_slice %arg2[%add3A, %dma_wait3A_204, %dma_wait3A_205] : memref<32x4x128xi32, #tpu.memory_space<hbm>> -> memref<1x4x128xi32, #tpu.memory_space<hbm>>
      %dma_wait3A_207 = tpu.memref_squeeze %dma_wait3A_206 : memref<1x4x128xi32, #tpu.memory_space<hbm>> -> memref<4x128xi32, #tpu.memory_space<hbm>>
      tpu.wait_dma2 semaphore(%run_scoped3A : memref<!tpu.dma_semaphore, #tpu.memory_space<semaphore_mem>>) src(%dma_wait3A_207 : memref<4x128xi32, #tpu.memory_space<hbm>>) dst(%arg5 : memref<4x128xi32, #tpu.memory_space<vmem>>)
      tpu.yield
    }) : () -> ()
    %dma_start3A = arith.constant 0 : i32
    %dma_start3A_3 = arith.constant 0 : i32
    %dma_start3A_4 = arith.constant 0 : i32
    %dma_start3A_5 = tpu.memref_slice %arg6[%dma_start3A_3, %dma_start3A_4] : memref<512x128xf32, #tpu.memory_space<vmem>> -> memref<128x128xf32, #tpu.memory_space<vmem>>
    %dma_start3A_6 = arith.constant 0 : i32
    %dma_start3A_7 = tpu.memref_slice %arg5[%dma_start3A, %dma_start3A_6] : memref<4x128xi32, #tpu.memory_space<vmem>> -> memref<1x128xi32, #tpu.memory_space<vmem>>
    %dma_start3A_8 = tpu.memref_squeeze %dma_start3A_7 : memref<1x128xi32, #tpu.memory_space<vmem>> -> memref<128xi32, #tpu.memory_space<vmem>>
    %dma_start3A_9 = arith.constant 0 : i32
    %dma_start3A_10 = arith.constant 0 : i32
    %dma_start3A_11 = tpu.memref_slice %arg3[%dma_start3A_9, %dma_start3A_10] : memref<100000x128xf32, #tpu.memory_space<hbm>> -> memref<100000x128xf32, #tpu.memory_space<hbm>>
    tpu.enqueue_indirect_dma source(%dma_start3A_11 : memref<100000x128xf32, #tpu.memory_space<hbm>>) target(%dma_start3A_5 : memref<128x128xf32, #tpu.memory_space<vmem>>) offsets(%dma_start3A_8 : memref<128xi32, #tpu.memory_space<vmem>>) semaphore(%arg7 : memref<!tpu.dma_semaphore, #tpu.memory_space<semaphore_mem>>)
    %dma_start3A_12 = arith.constant 1 : i32
    %dma_start3A_13 = arith.constant 128 : i32
    %dma_start3A_14 = arith.constant 0 : i32
    %dma_start3A_15 = tpu.memref_slice %arg6[%dma_start3A_13, %dma_start3A_14] : memref<512x128xf32, #tpu.memory_space<vmem>> -> memref<128x128xf32, #tpu.memory_space<vmem>>
    %dma_start3A_16 = arith.constant 0 : i32
    %dma_start3A_17 = tpu.memref_slice %arg5[%dma_start3A_12, %dma_start3A_16] : memref<4x128xi32, #tpu.memory_space<vmem>> -> memref<1x128xi32, #tpu.memory_space<vmem>>
    %dma_start3A_18 = tpu.memref_squeeze %dma_start3A_17 : memref<1x128xi32, #tpu.memory_space<vmem>> -> memref<128xi32, #tpu.memory_space<vmem>>
    %dma_start3A_19 = arith.constant 0 : i32
    %dma_start3A_20 = arith.constant 0 : i32
    %dma_start3A_21 = tpu.memref_slice %arg3[%dma_start3A_19, %dma_start3A_20] : memref<100000x128xf32, #tpu.memory_space<hbm>> -> memref<100000x128xf32, #tpu.memory_space<hbm>>
    tpu.enqueue_indirect_dma source(%dma_start3A_21 : memref<100000x128xf32, #tpu.memory_space<hbm>>) target(%dma_start3A_15 : memref<128x128xf32, #tpu.memory_space<vmem>>) offsets(%dma_start3A_18 : memref<128xi32, #tpu.memory_space<vmem>>) semaphore(%arg8 : memref<!tpu.dma_semaphore, #tpu.memory_space<semaphore_mem>>)
    %dma_start3A_22 = arith.constant 2 : i32
    %dma_start3A_23 = arith.constant 256 : i32
    %dma_start3A_24 = arith.constant 0 : i32
    %dma_start3A_25 = tpu.memref_slice %arg6[%dma_start3A_23, %dma_start3A_24] : memref<512x128xf32, #tpu.memory_space<vmem>> -> memref<128x128xf32, #tpu.memory_space<vmem>>
    %dma_start3A_26 = arith.constant 0 : i32
    %dma_start3A_27 = tpu.memref_slice %arg5[%dma_start3A_22, %dma_start3A_26] : memref<4x128xi32, #tpu.memory_space<vmem>> -> memref<1x128xi32, #tpu.memory_space<vmem>>
    %dma_start3A_28 = tpu.memref_squeeze %dma_start3A_27 : memref<1x128xi32, #tpu.memory_space<vmem>> -> memref<128xi32, #tpu.memory_space<vmem>>
    %dma_start3A_29 = arith.constant 0 : i32
    %dma_start3A_30 = arith.constant 0 : i32
    %dma_start3A_31 = tpu.memref_slice %arg3[%dma_start3A_29, %dma_start3A_30] : memref<100000x128xf32, #tpu.memory_space<hbm>> -> memref<100000x128xf32, #tpu.memory_space<hbm>>
    tpu.enqueue_indirect_dma source(%dma_start3A_31 : memref<100000x128xf32, #tpu.memory_space<hbm>>) target(%dma_start3A_25 : memref<128x128xf32, #tpu.memory_space<vmem>>) offsets(%dma_start3A_28 : memref<128xi32, #tpu.memory_space<vmem>>) semaphore(%arg9 : memref<!tpu.dma_semaphore, #tpu.memory_space<semaphore_mem>>)
    %dma_start3A_32 = arith.constant 3 : i32
    %dma_start3A_33 = arith.constant 384 : i32
    %dma_start3A_34 = arith.constant 0 : i32
    %dma_start3A_35 = tpu.memref_slice %arg6[%dma_start3A_33, %dma_start3A_34] : memref<512x128xf32, #tpu.memory_space<vmem>> -> memref<128x128xf32, #tpu.memory_space<vmem>>
    %dma_start3A_36 = arith.constant 0 : i32
    %dma_start3A_37 = tpu.memref_slice %arg5[%dma_start3A_32, %dma_start3A_36] : memref<4x128xi32, #tpu.memory_space<vmem>> -> memref<1x128xi32, #tpu.memory_space<vmem>>
    %dma_start3A_38 = tpu.memref_squeeze %dma_start3A_37 : memref<1x128xi32, #tpu.memory_space<vmem>> -> memref<128xi32, #tpu.memory_space<vmem>>
    %dma_start3A_39 = arith.constant 0 : i32
    %dma_start3A_40 = arith.constant 0 : i32
    %dma_start3A_41 = tpu.memref_slice %arg3[%dma_start3A_39, %dma_start3A_40] : memref<100000x128xf32, #tpu.memory_space<hbm>> -> memref<100000x128xf32, #tpu.memory_space<hbm>>
    tpu.enqueue_indirect_dma source(%dma_start3A_41 : memref<100000x128xf32, #tpu.memory_space<hbm>>) target(%dma_start3A_35 : memref<128x128xf32, #tpu.memory_space<vmem>>) offsets(%dma_start3A_38 : memref<128xi32, #tpu.memory_space<vmem>>) semaphore(%arg10 : memref<!tpu.dma_semaphore, #tpu.memory_space<semaphore_mem>>)
    %dma_wait3A = arith.constant 0 : i32
    %dma_wait3A_42 = arith.constant 0 : i32
    %dma_wait3A_43 = arith.constant 0 : i32
    %dma_wait3A_44 = tpu.memref_slice %arg6[%dma_wait3A_42, %dma_wait3A_43] : memref<512x128xf32, #tpu.memory_space<vmem>> -> memref<128x128xf32, #tpu.memory_space<vmem>>
    %dma_wait3A_45 = arith.constant 0 : i32
    %dma_wait3A_46 = tpu.memref_slice %arg5[%dma_wait3A, %dma_wait3A_45] : memref<4x128xi32, #tpu.memory_space<vmem>> -> memref<1x128xi32, #tpu.memory_space<vmem>>
    %dma_wait3A_47 = tpu.memref_squeeze %dma_wait3A_46 : memref<1x128xi32, #tpu.memory_space<vmem>> -> memref<128xi32, #tpu.memory_space<vmem>>
    %dma_wait3A_48 = arith.constant 0 : i32
    %dma_wait3A_49 = arith.constant 0 : i32
    %dma_wait3A_50 = tpu.memref_slice %arg3[%dma_wait3A_48, %dma_wait3A_49] : memref<100000x128xf32, #tpu.memory_space<hbm>> -> memref<100000x128xf32, #tpu.memory_space<hbm>>
    tpu.wait_indirect_dma semaphore(%arg7 : memref<!tpu.dma_semaphore, #tpu.memory_space<semaphore_mem>>) src(%dma_wait3A_50 : memref<100000x128xf32, #tpu.memory_space<hbm>>) dst(%dma_wait3A_44 : memref<128x128xf32, #tpu.memory_space<vmem>>)
    %scan3A = arith.constant 0 : i32
    %scan3A_51 = arith.constant 0 : i32
    %scan3A_52 = arith.constant 128 : i32
    %scan3A_53 = arith.addi %scan3A_51, %scan3A_52 : i32
    %scan3A_54 = arith.constant 4 : i32
    scf.for %scan3A_192 = %scan3A_51 to %scan3A_53 step %scan3A_54  : i32 {
      %add3A_193 = arith.constant 0 : i32
      %add3A_194 = arith.addi %add3A_193, %scan3A_192 : i32
      %get3A = arith.index_cast %add3A_194 : i32 to index
      %get3A_195 = arith.constant 0 : index
      %get3A_196 = tpu.vector_load %arg6[%get3A, %get3A_195] {strides = array<i32>} : memref<512x128xf32, #tpu.memory_space<vmem>>, vector<1x16xf32>,
      %get3A_197 = vector.shape_cast %get3A_196 : vector<1x16xf32> to vector<16xf32>
      %neg3A = arith.constant 0.000000e+00 : f32
      %neg3A_198 = vector.broadcast %neg3A : f32 to vector<16xf32>
      %neg3A_199 = arith.subf %neg3A_198, %get3A_197 : vector<16xf32>
      %exp3A = math.exp %neg3A_199 : vector<16xf32>
      %add3A_200 = arith.constant 1.000000e+00 : f32
      %add3A_201 = vector.broadcast %add3A_200 : f32 to vector<16xf32>
      %add3A_202 = arith.addf %add3A_201, %exp3A : vector<16xf32>
      %div3A = arith.constant 1.000000e+00 : f32
      %div3A_203 = vector.broadcast %div3A : f32 to vector<16xf32>
      %div3A_204 = arith.divf %div3A_203, %add3A_202 : vector<16xf32>
      %add3A_205 = arith.constant 0 : i32
      %add3A_206 = arith.addi %add3A_205, %scan3A_192 : i32
      %swap3A = arith.index_cast %add3A_206 : i32 to index
      %swap3A_207 = arith.constant 0 : index
      %swap3A_208 = tpu.vector_load %arg6[%swap3A, %swap3A_207] {strides = array<i32>} : memref<512x128xf32, #tpu.memory_space<vmem>>, vector<1x16xf32>,
      %swap3A_209 = vector.shape_cast %swap3A_208 : vector<1x16xf32> to vector<16xf32>
      %swap3A_210 = vector.shape_cast %div3A_204 : vector<16xf32> to vector<1x16xf32>
      tpu.vector_store %arg6[%swap3A, %swap3A_207], %swap3A_210 {strides = array<i32>} : memref<512x128xf32, #tpu.memory_space<vmem>>, vector<1x16xf32>,
      %add3A_211 = arith.constant 0 : i32
      %add3A_212 = arith.addi %add3A_211, %scan3A_192 : i32
      %get3A_213 = arith.index_cast %add3A_212 : i32 to index
      %get3A_214 = arith.constant 16 : index
      %get3A_215 = tpu.vector_load %arg6[%get3A_213, %get3A_214] {strides = array<i32>} : memref<512x128xf32, #tpu.memory_space<vmem>>, vector<1x16xf32>,
      %get3A_216 = vector.shape_cast %get3A_215 : vector<1x16xf32> to vector<16xf32>
      %neg3A_217 = arith.constant 0.000000e+00 : f32
      %neg3A_218 = vector.broadcast %neg3A_217 : f32 to vector<16xf32>
      %neg3A_219 = arith.subf %neg3A_218, %get3A_216 : vector<16xf32>
      %exp3A_220 = math.exp %neg3A_219 : vector<16xf32>
      %add3A_221 = arith.constant 1.000000e+00 : f32
      %add3A_222 = vector.broadcast %add3A_221 : f32 to vector<16xf32>
      %add3A_223 = arith.addf %add3A_222, %exp3A_220 : vector<16xf32>
      %div3A_224 = arith.constant 1.000000e+00 : f32
      %div3A_225 = vector.broadcast %div3A_224 : f32 to vector<16xf32>
      %div3A_226 = arith.divf %div3A_225, %add3A_223 : vector<16xf32>
      %add3A_227 = arith.constant 0 : i32
      %add3A_228 = arith.addi %add3A_227, %scan3A_192 : i32
      %swap3A_229 = arith.index_cast %add3A_228 : i32 to index
      %swap3A_230 = arith.constant 16 : index
      %swap3A_231 = tpu.vector_load %arg6[%swap3A_229, %swap3A_230] {strides = array<i32>} : memref<512x128xf32, #tpu.memory_space<vmem>>, vector<1x16xf32>,
      %swap3A_232 = vector.shape_cast %swap3A_231 : vector<1x16xf32> to vector<16xf32>
      %swap3A_233 = vector.shape_cast %div3A_226 : vector<16xf32> to vector<1x16xf32>
      tpu.vector_store %arg6[%swap3A_229, %swap3A_230], %swap3A_233 {strides = array<i32>} : memref<512x128xf32, #tpu.memory_space<vmem>>, vector<1x16xf32>,
      %add3A_234 = arith.constant 0 : i32
      %add3A_235 = arith.addi %add3A_234, %scan3A_192 : i32
      %get3A_236 = arith.index_cast %add3A_235 : i32 to index
      %get3A_237 = arith.constant 32 : index
      %get3A_238 = tpu.vector_load %arg6[%get3A_236, %get3A_237] {strides = array<i32>} : memref<512x128xf32, #tpu.memory_space<vmem>>, vector<1x16xf32>,
      %get3A_239 = vector.shape_cast %get3A_238 : vector<1x16xf32> to vector<16xf32>
      %neg3A_240 = arith.constant 0.000000e+00 : f32
      %neg3A_241 = vector.broadcast %neg3A_240 : f32 to vector<16xf32>
      %neg3A_242 = arith.subf %neg3A_241, %get3A_239 : vector<16xf32>
      %exp3A_243 = math.exp %neg3A_242 : vector<16xf32>
      %add3A_244 = arith.constant 1.000000e+00 : f32
      %add3A_245 = vector.broadcast %add3A_244 : f32 to vector<16xf32>
      %add3A_246 = arith.addf %add3A_245, %exp3A_243 : vector<16xf32>
      %div3A_247 = arith.constant 1.000000e+00 : f32
      %div3A_248 = vector.broadcast %div3A_247 : f32 to vector<16xf32>
      %div3A_249 = arith.divf %div3A_248, %add3A_246 : vector<16xf32>
      %add3A_250 = arith.constant 0 : i32
      %add3A_251 = arith.addi %add3A_250, %scan3A_192 : i32
      %swap3A_252 = arith.index_cast %add3A_251 : i32 to index
      %swap3A_253 = arith.constant 32 : index
      %swap3A_254 = tpu.vector_load %arg6[%swap3A_252, %swap3A_253] {strides = array<i32>} : memref<512x128xf32, #tpu.memory_space<vmem>>, vector<1x16xf32>,
      %swap3A_255 = vector.shape_cast %swap3A_254 : vector<1x16xf32> to vector<16xf32>
      %swap3A_256 = vector.shape_cast %div3A_249 : vector<16xf32> to vector<1x16xf32>
      tpu.vector_store %arg6[%swap3A_252, %swap3A_253], %swap3A_256 {strides = array<i32>} : memref<512x128xf32, #tpu.memory_space<vmem>>, vector<1x16xf32>,
      %add3A_257 = arith.constant 0 : i32
      %add3A_258 = arith.addi %add3A_257, %scan3A_192 : i32
      %get3A_259 = arith.index_cast %add3A_258 : i32 to index
      %get3A_260 = arith.constant 48 : index
      %get3A_261 = tpu.vector_load %arg6[%get3A_259, %get3A_260] {strides = array<i32>} : memref<512x128xf32, #tpu.memory_space<vmem>>, vector<1x16xf32>,
      %get3A_262 = vector.shape_cast %get3A_261 : vector<1x16xf32> to vector<16xf32>
      %neg3A_263 = arith.constant 0.000000e+00 : f32
      %neg3A_264 = vector.broadcast %neg3A_263 : f32 to vector<16xf32>
      %neg3A_265 = arith.subf %neg3A_264, %get3A_262 : vector<16xf32>
      %exp3A_266 = math.exp %neg3A_265 : vector<16xf32>
      %add3A_267 = arith.constant 1.000000e+00 : f32
      %add3A_268 = vector.broadcast %add3A_267 : f32 to vector<16xf32>
      %add3A_269 = arith.addf %add3A_268, %exp3A_266 : vector<16xf32>
      %div3A_270 = arith.constant 1.000000e+00 : f32
      %div3A_271 = vector.broadcast %div3A_270 : f32 to vector<16xf32>
      %div3A_272 = arith.divf %div3A_271, %add3A_269 : vector<16xf32>
      %add3A_273 = arith.constant 0 : i32
      %add3A_274 = arith.addi %add3A_273, %scan3A_192 : i32
      %swap3A_275 = arith.index_cast %add3A_274 : i32 to index
      %swap3A_276 = arith.constant 48 : index
      %swap3A_277 = tpu.vector_load %arg6[%swap3A_275, %swap3A_276] {strides = array<i32>} : memref<512x128xf32, #tpu.memory_space<vmem>>, vector<1x16xf32>,
      %swap3A_278 = vector.shape_cast %swap3A_277 : vector<1x16xf32> to vector<16xf32>
      %swap3A_279 = vector.shape_cast %div3A_272 : vector<16xf32> to vector<1x16xf32>
      tpu.vector_store %arg6[%swap3A_275, %swap3A_276], %swap3A_279 {strides = array<i32>} : memref<512x128xf32, #tpu.memory_space<vmem>>, vector<1x16xf32>,
      %add3A_280 = arith.constant 0 : i32
      %add3A_281 = arith.addi %add3A_280, %scan3A_192 : i32
      %get3A_282 = arith.index_cast %add3A_281 : i32 to index
      %get3A_283 = arith.constant 64 : index
      %get3A_284 = tpu.vector_load %arg6[%get3A_282, %get3A_283] {strides = array<i32>} : memref<512x128xf32, #tpu.memory_space<vmem>>, vector<1x16xf32>,
      %get3A_285 = vector.shape_cast %get3A_284 : vector<1x16xf32> to vector<16xf32>
      %neg3A_286 = arith.constant 0.000000e+00 : f32
      %neg3A_287 = vector.broadcast %neg3A_286 : f32 to vector<16xf32>
      %neg3A_288 = arith.subf %neg3A_287, %get3A_285 : vector<16xf32>
      %exp3A_289 = math.exp %neg3A_288 : vector<16xf32>
      %add3A_290 = arith.constant 1.000000e+00 : f32
      %add3A_291 = vector.broadcast %add3A_290 : f32 to vector<16xf32>
      %add3A_292 = arith.addf %add3A_291, %exp3A_289 : vector<16xf32>
      %div3A_293 = arith.constant 1.000000e+00 : f32
      %div3A_294 = vector.broadcast %div3A_293 : f32 to vector<16xf32>
      %div3A_295 = arith.divf %div3A_294, %add3A_292 : vector<16xf32>
      %add3A_296 = arith.constant 0 : i32
      %add3A_297 = arith.addi %add3A_296, %scan3A_192 : i32
      %swap3A_298 = arith.index_cast %add3A_297 : i32 to index
      %swap3A_299 = arith.constant 64 : index
      %swap3A_300 = tpu.vector_load %arg6[%swap3A_298, %swap3A_299] {strides = array<i32>} : memref<512x128xf32, #tpu.memory_space<vmem>>, vector<1x16xf32>,
      %swap3A_301 = vector.shape_cast %swap3A_300 : vector<1x16xf32> to vector<16xf32>
      %swap3A_302 = vector.shape_cast %div3A_295 : vector<16xf32> to vector<1x16xf32>
      tpu.vector_store %arg6[%swap3A_298, %swap3A_299], %swap3A_302 {strides = array<i32>} : memref<512x128xf32, #tpu.memory_space<vmem>>, vector<1x16xf32>,
      %add3A_303 = arith.constant 0 : i32
      %add3A_304 = arith.addi %add3A_303, %scan3A_192 : i32
      %get3A_305 = arith.index_cast %add3A_304 : i32 to index
      %get3A_306 = arith.constant 80 : index
      %get3A_307 = tpu.vector_load %arg6[%get3A_305, %get3A_306] {strides = array<i32>} : memref<512x128xf32, #tpu.memory_space<vmem>>, vector<1x16xf32>,
      %get3A_308 = vector.shape_cast %get3A_307 : vector<1x16xf32> to vector<16xf32>
      %neg3A_309 = arith.constant 0.000000e+00 : f32
      %neg3A_310 = vector.broadcast %neg3A_309 : f32 to vector<16xf32>
      %neg3A_311 = arith.subf %neg3A_310, %get3A_308 : vector<16xf32>
      %exp3A_312 = math.exp %neg3A_311 : vector<16xf32>
      %add3A_313 = arith.constant 1.000000e+00 : f32
      %add3A_314 = vector.broadcast %add3A_313 : f32 to vector<16xf32>
      %add3A_315 = arith.addf %add3A_314, %exp3A_312 : vector<16xf32>
      %div3A_316 = arith.constant 1.000000e+00 : f32
      %div3A_317 = vector.broadcast %div3A_316 : f32 to vector<16xf32>
      %div3A_318 = arith.divf %div3A_317, %add3A_315 : vector<16xf32>
      %add3A_319 = arith.constant 0 : i32
      %add3A_320 = arith.addi %add3A_319, %scan3A_192 : i32
      %swap3A_321 = arith.index_cast %add3A_320 : i32 to index
      %swap3A_322 = arith.constant 80 : index
      %swap3A_323 = tpu.vector_load %arg6[%swap3A_321, %swap3A_322] {strides = array<i32>} : memref<512x128xf32, #tpu.memory_space<vmem>>, vector<1x16xf32>,
      %swap3A_324 = vector.shape_cast %swap3A_323 : vector<1x16xf32> to vector<16xf32>
      %swap3A_325 = vector.shape_cast %div3A_318 : vector<16xf32> to vector<1x16xf32>
      tpu.vector_store %arg6[%swap3A_321, %swap3A_322], %swap3A_325 {strides = array<i32>} : memref<512x128xf32, #tpu.memory_space<vmem>>, vector<1x16xf32>,
      %add3A_326 = arith.constant 0 : i32
      %add3A_327 = arith.addi %add3A_326, %scan3A_192 : i32
      %get3A_328 = arith.index_cast %add3A_327 : i32 to index
      %get3A_329 = arith.constant 96 : index
      %get3A_330 = tpu.vector_load %arg6[%get3A_328, %get3A_329] {strides = array<i32>} : memref<512x128xf32, #tpu.memory_space<vmem>>, vector<1x16xf32>,
      %get3A_331 = vector.shape_cast %get3A_330 : vector<1x16xf32> to vector<16xf32>
      %neg3A_332 = arith.constant 0.000000e+00 : f32
      %neg3A_333 = vector.broadcast %neg3A_332 : f32 to vector<16xf32>
      %neg3A_334 = arith.subf %neg3A_333, %get3A_331 : vector<16xf32>
      %exp3A_335 = math.exp %neg3A_334 : vector<16xf32>
      %add3A_336 = arith.constant 1.000000e+00 : f32
      %add3A_337 = vector.broadcast %add3A_336 : f32 to vector<16xf32>
      %add3A_338 = arith.addf %add3A_337, %exp3A_335 : vector<16xf32>
      %div3A_339 = arith.constant 1.000000e+00 : f32
      %div3A_340 = vector.broadcast %div3A_339 : f32 to vector<16xf32>
      %div3A_341 = arith.divf %div3A_340, %add3A_338 : vector<16xf32>
      %add3A_342 = arith.constant 0 : i32
      %add3A_343 = arith.addi %add3A_342, %scan3A_192 : i32
      %swap3A_344 = arith.index_cast %add3A_343 : i32 to index
      %swap3A_345 = arith.constant 96 : index
      %swap3A_346 = tpu.vector_load %arg6[%swap3A_344, %swap3A_345] {strides = array<i32>} : memref<512x128xf32, #tpu.memory_space<vmem>>, vector<1x16xf32>,
      %swap3A_347 = vector.shape_cast %swap3A_346 : vector<1x16xf32> to vector<16xf32>
      %swap3A_348 = vector.shape_cast %div3A_341 : vector<16xf32> to vector<1x16xf32>
      tpu.vector_store %arg6[%swap3A_344, %swap3A_345], %swap3A_348 {strides = array<i32>} : memref<512x128xf32, #tpu.memory_space<vmem>>, vector<1x16xf32>,
      %add3A_349 = arith.constant 0 : i32
      %add3A_350 = arith.addi %add3A_349, %scan3A_192 : i32
      %get3A_351 = arith.index_cast %add3A_350 : i32 to index
      %get3A_352 = arith.constant 112 : index
      %get3A_353 = tpu.vector_load %arg6[%get3A_351, %get3A_352] {strides = array<i32>} : memref<512x128xf32, #tpu.memory_space<vmem>>, vector<1x16xf32>,
      %get3A_354 = vector.shape_cast %get3A_353 : vector<1x16xf32> to vector<16xf32>
      %neg3A_355 = arith.constant 0.000000e+00 : f32
      %neg3A_356 = vector.broadcast %neg3A_355 : f32 to vector<16xf32>
      %neg3A_357 = arith.subf %neg3A_356, %get3A_354 : vector<16xf32>
      %exp3A_358 = math.exp %neg3A_357 : vector<16xf32>
      %add3A_359 = arith.constant 1.000000e+00 : f32
      %add3A_360 = vector.broadcast %add3A_359 : f32 to vector<16xf32>
      %add3A_361 = arith.addf %add3A_360, %exp3A_358 : vector<16xf32>
      %div3A_362 = arith.constant 1.000000e+00 : f32
      %div3A_363 = vector.broadcast %div3A_362 : f32 to vector<16xf32>
      %div3A_364 = arith.divf %div3A_363, %add3A_361 : vector<16xf32>
      %add3A_365 = arith.constant 0 : i32
      %add3A_366 = arith.addi %add3A_365, %scan3A_192 : i32
      %swap3A_367 = arith.index_cast %add3A_366 : i32 to index
      %swap3A_368 = arith.constant 112 : index
      %swap3A_369 = tpu.vector_load %arg6[%swap3A_367, %swap3A_368] {strides = array<i32>} : memref<512x128xf32, #tpu.memory_space<vmem>>, vector<1x16xf32>,
      %swap3A_370 = vector.shape_cast %swap3A_369 : vector<1x16xf32> to vector<16xf32>
      %swap3A_371 = vector.shape_cast %div3A_364 : vector<16xf32> to vector<1x16xf32>
      tpu.vector_store %arg6[%swap3A_367, %swap3A_368], %swap3A_371 {strides = array<i32>} : memref<512x128xf32, #tpu.memory_space<vmem>>, vector<1x16xf32>,
      %scan3A_372 = arith.constant 1 : i32
      %scan3A_373 = arith.addi %scan3A_192, %scan3A_372 : i32
      %add3A_374 = arith.constant 0 : i32
      %add3A_375 = arith.addi %add3A_374, %scan3A_373 : i32
      %get3A_376 = arith.index_cast %add3A_375 : i32 to index
      %get3A_377 = arith.constant 0 : index
      %get3A_378 = tpu.vector_load %arg6[%get3A_376, %get3A_377] {strides = array<i32>} : memref<512x128xf32, #tpu.memory_space<vmem>>, vector<1x16xf32>,
      %get3A_379 = vector.shape_cast %get3A_378 : vector<1x16xf32> to vector<16xf32>
      %neg3A_380 = arith.constant 0.000000e+00 : f32
      %neg3A_381 = vector.broadcast %neg3A_380 : f32 to vector<16xf32>
      %neg3A_382 = arith.subf %neg3A_381, %get3A_379 : vector<16xf32>
      %exp3A_383 = math.exp %neg3A_382 : vector<16xf32>
      %add3A_384 = arith.constant 1.000000e+00 : f32
      %add3A_385 = vector.broadcast %add3A_384 : f32 to vector<16xf32>
      %add3A_386 = arith.addf %add3A_385, %exp3A_383 : vector<16xf32>
      %div3A_387 = arith.constant 1.000000e+00 : f32
      %div3A_388 = vector.broadcast %div3A_387 : f32 to vector<16xf32>
      %div3A_389 = arith.divf %div3A_388, %add3A_386 : vector<16xf32>
      %add3A_390 = arith.constant 0 : i32
      %add3A_391 = arith.addi %add3A_390, %scan3A_373 : i32
      %swap3A_392 = arith.index_cast %add3A_391 : i32 to index
      %swap3A_393 = arith.constant 0 : index
      %swap3A_394 = tpu.vector_load %arg6[%swap3A_392, %swap3A_393] {strides = array<i32>} : memref<512x128xf32, #tpu.memory_space<vmem>>, vector<1x16xf32>,
      %swap3A_395 = vector.shape_cast %swap3A_394 : vector<1x16xf32> to vector<16xf32>
      %swap3A_396 = vector.shape_cast %div3A_389 : vector<16xf32> to vector<1x16xf32>
      tpu.vector_store %arg6[%swap3A_392, %swap3A_393], %swap3A_396 {strides = array<i32>} : memref<512x128xf32, #tpu.memory_space<vmem>>, vector<1x16xf32>,
      %add3A_397 = arith.constant 0 : i32
      %add3A_398 = arith.addi %add3A_397, %scan3A_373 : i32
      %get3A_399 = arith.index_cast %add3A_398 : i32 to index
      %get3A_400 = arith.constant 16 : index
      %get3A_401 = tpu.vector_load %arg6[%get3A_399, %get3A_400] {strides = array<i32>} : memref<512x128xf32, #tpu.memory_space<vmem>>, vector<1x16xf32>,
      %get3A_402 = vector.shape_cast %get3A_401 : vector<1x16xf32> to vector<16xf32>
      %neg3A_403 = arith.constant 0.000000e+00 : f32
      %neg3A_404 = vector.broadcast %neg3A_403 : f32 to vector<16xf32>
      %neg3A_405 = arith.subf %neg3A_404, %get3A_402 : vector<16xf32>
      %exp3A_406 = math.exp %neg3A_405 : vector<16xf32>
      %add3A_407 = arith.constant 1.000000e+00 : f32
      %add3A_408 = vector.broadcast %add3A_407 : f32 to vector<16xf32>
      %add3A_409 = arith.addf %add3A_408, %exp3A_406 : vector<16xf32>
      %div3A_410 = arith.constant 1.000000e+00 : f32
      %div3A_411 = vector.broadcast %div3A_410 : f32 to vector<16xf32>
      %div3A_412 = arith.divf %div3A_411, %add3A_409 : vector<16xf32>
      %add3A_413 = arith.constant 0 : i32
      %add3A_414 = arith.addi %add3A_413, %scan3A_373 : i32
      %swap3A_415 = arith.index_cast %add3A_414 : i32 to index
      %swap3A_416 = arith.constant 16 : index
      %swap3A_417 = tpu.vector_load %arg6[%swap3A_415, %swap3A_416] {strides = array<i32>} : memref<512x128xf32, #tpu.memory_space<vmem>>, vector<1x16xf32>,
      %swap3A_418 = vector.shape_cast %swap3A_417 : vector<1x16xf32> to vector<16xf32>
      %swap3A_419 = vector.shape_cast %div3A_412 : vector<16xf32> to vector<1x16xf32>
      tpu.vector_store %arg6[%swap3A_415, %swap3A_416], %swap3A_419 {strides = array<i32>} : memref<512x128xf32, #tpu.memory_space<vmem>>, vector<1x16xf32>,
      %add3A_420 = arith.constant 0 : i32
      %add3A_421 = arith.addi %add3A_420, %scan3A_373 : i32
      %get3A_422 = arith.index_cast %add3A_421 : i32 to index
      %get3A_423 = arith.constant 32 : index
      %get3A_424 = tpu.vector_load %arg6[%get3A_422, %get3A_423] {strides = array<i32>} : memref<512x128xf32, #tpu.memory_space<vmem>>, vector<1x16xf32>,
      %get3A_425 = vector.shape_cast %get3A_424 : vector<1x16xf32> to vector<16xf32>
      %neg3A_426 = arith.constant 0.000000e+00 : f32
      %neg3A_427 = vector.broadcast %neg3A_426 : f32 to vector<16xf32>
      %neg3A_428 = arith.subf %neg3A_427, %get3A_425 : vector<16xf32>
      %exp3A_429 = math.exp %neg3A_428 : vector<16xf32>
      %add3A_430 = arith.constant 1.000000e+00 : f32
      %add3A_431 = vector.broadcast %add3A_430 : f32 to vector<16xf32>
      %add3A_432 = arith.addf %add3A_431, %exp3A_429 : vector<16xf32>
      %div3A_433 = arith.constant 1.000000e+00 : f32
      %div3A_434 = vector.broadcast %div3A_433 : f32 to vector<16xf32>
      %div3A_435 = arith.divf %div3A_434, %add3A_432 : vector<16xf32>
      %add3A_436 = arith.constant 0 : i32
      %add3A_437 = arith.addi %add3A_436, %scan3A_373 : i32
      %swap3A_438 = arith.index_cast %add3A_437 : i32 to index
      %swap3A_439 = arith.constant 32 : index
      %swap3A_440 = tpu.vector_load %arg6[%swap3A_438, %swap3A_439] {strides = array<i32>} : memref<512x128xf32, #tpu.memory_space<vmem>>, vector<1x16xf32>,
      %swap3A_441 = vector.shape_cast %swap3A_440 : vector<1x16xf32> to vector<16xf32>
      %swap3A_442 = vector.shape_cast %div3A_435 : vector<16xf32> to vector<1x16xf32>
      tpu.vector_store %arg6[%swap3A_438, %swap3A_439], %swap3A_442 {strides = array<i32>} : memref<512x128xf32, #tpu.memory_space<vmem>>, vector<1x16xf32>,
      %add3A_443 = arith.constant 0 : i32
      %add3A_444 = arith.addi %add3A_443, %scan3A_373 : i32
      %get3A_445 = arith.index_cast %add3A_444 : i32 to index
      %get3A_446 = arith.constant 48 : index
      %get3A_447 = tpu.vector_load %arg6[%get3A_445, %get3A_446] {strides = array<i32>} : memref<512x128xf32, #tpu.memory_space<vmem>>, vector<1x16xf32>,
      %get3A_448 = vector.shape_cast %get3A_447 : vector<1x16xf32> to vector<16xf32>
      %neg3A_449 = arith.constant 0.000000e+00 : f32
      %neg3A_450 = vector.broadcast %neg3A_449 : f32 to vector<16xf32>
      %neg3A_451 = arith.subf %neg3A_450, %get3A_448 : vector<16xf32>
      %exp3A_452 = math.exp %neg3A_451 : vector<16xf32>
      %add3A_453 = arith.constant 1.000000e+00 : f32
      %add3A_454 = vector.broadcast %add3A_453 : f32 to vector<16xf32>
      %add3A_455 = arith.addf %add3A_454, %exp3A_452 : vector<16xf32>
      %div3A_456 = arith.constant 1.000000e+00 : f32
      %div3A_457 = vector.broadcast %div3A_456 : f32 to vector<16xf32>
      %div3A_458 = arith.divf %div3A_457, %add3A_455 : vector<16xf32>
      %add3A_459 = arith.constant 0 : i32
      %add3A_460 = arith.addi %add3A_459, %scan3A_373 : i32
      %swap3A_461 = arith.index_cast %add3A_460 : i32 to index
      %swap3A_462 = arith.constant 48 : index
      %swap3A_463 = tpu.vector_load %arg6[%swap3A_461, %swap3A_462] {strides = array<i32>} : memref<512x128xf32, #tpu.memory_space<vmem>>, vector<1x16xf32>,
      %swap3A_464 = vector.shape_cast %swap3A_463 : vector<1x16xf32> to vector<16xf32>
      %swap3A_465 = vector.shape_cast %div3A_458 : vector<16xf32> to vector<1x16xf32>
      tpu.vector_store %arg6[%swap3A_461, %swap3A_462], %swap3A_465 {strides = array<i32>} : memref<512x128xf32, #tpu.memory_space<vmem>>, vector<1x16xf32>,
      %add3A_466 = arith.constant 0 : i32
      %add3A_467 = arith.addi %add3A_466, %scan3A_373 : i32
      %get3A_468 = arith.index_cast %add3A_467 : i32 to index
      %get3A_469 = arith.constant 64 : index
      %get3A_470 = tpu.vector_load %arg6[%get3A_468, %get3A_469] {strides = array<i32>} : memref<512x128xf32, #tpu.memory_space<vmem>>, vector<1x16xf32>,
      %get3A_471 = vector.shape_cast %get3A_470 : vector<1x16xf32> to vector<16xf32>
      %neg3A_472 = arith.constant 0.000000e+00 : f32
      %neg3A_473 = vector.broadcast %neg3A_472 : f32 to vector<16xf32>
      %neg3A_474 = arith.subf %neg3A_473, %get3A_471 : vector<16xf32>
      %exp3A_475 = math.exp %neg3A_474 : vector<16xf32>
      %add3A_476 = arith.constant 1.000000e+00 : f32
      %add3A_477 = vector.broadcast %add3A_476 : f32 to vector<16xf32>
      %add3A_478 = arith.addf %add3A_477, %exp3A_475 : vector<16xf32>
      %div3A_479 = arith.constant 1.000000e+00 : f32
      %div3A_480 = vector.broadcast %div3A_479 : f32 to vector<16xf32>
      %div3A_481 = arith.divf %div3A_480, %add3A_478 : vector<16xf32>
      %add3A_482 = arith.constant 0 : i32
      %add3A_483 = arith.addi %add3A_482, %scan3A_373 : i32
      %swap3A_484 = arith.index_cast %add3A_483 : i32 to index
      %swap3A_485 = arith.constant 64 : index
      %swap3A_486 = tpu.vector_load %arg6[%swap3A_484, %swap3A_485] {strides = array<i32>} : memref<512x128xf32, #tpu.memory_space<vmem>>, vector<1x16xf32>,
      %swap3A_487 = vector.shape_cast %swap3A_486 : vector<1x16xf32> to vector<16xf32>
      %swap3A_488 = vector.shape_cast %div3A_481 : vector<16xf32> to vector<1x16xf32>
      tpu.vector_store %arg6[%swap3A_484, %swap3A_485], %swap3A_488 {strides = array<i32>} : memref<512x128xf32, #tpu.memory_space<vmem>>, vector<1x16xf32>,
      %add3A_489 = arith.constant 0 : i32
      %add3A_490 = arith.addi %add3A_489, %scan3A_373 : i32
      %get3A_491 = arith.index_cast %add3A_490 : i32 to index
      %get3A_492 = arith.constant 80 : index
      %get3A_493 = tpu.vector_load %arg6[%get3A_491, %get3A_492] {strides = array<i32>} : memref<512x128xf32, #tpu.memory_space<vmem>>, vector<1x16xf32>,
      %get3A_494 = vector.shape_cast %get3A_493 : vector<1x16xf32> to vector<16xf32>
      %neg3A_495 = arith.constant 0.000000e+00 : f32
      %neg3A_496 = vector.broadcast %neg3A_495 : f32 to vector<16xf32>
      %neg3A_497 = arith.subf %neg3A_496, %get3A_494 : vector<16xf32>
      %exp3A_498 = math.exp %neg3A_497 : vector<16xf32>
      %add3A_499 = arith.constant 1.000000e+00 : f32
      %add3A_500 = vector.broadcast %add3A_499 : f32 to vector<16xf32>
      %add3A_501 = arith.addf %add3A_500, %exp3A_498 : vector<16xf32>
      %div3A_502 = arith.constant 1.000000e+00 : f32
      %div3A_503 = vector.broadcast %div3A_502 : f32 to vector<16xf32>
      %div3A_504 = arith.divf %div3A_503, %add3A_501 : vector<16xf32>
      %add3A_505 = arith.constant 0 : i32
      %add3A_506 = arith.addi %add3A_505, %scan3A_373 : i32
      %swap3A_507 = arith.index_cast %add3A_506 : i32 to index
      %swap3A_508 = arith.constant 80 : index
      %swap3A_509 = tpu.vector_load %arg6[%swap3A_507, %swap3A_508] {strides = array<i32>} : memref<512x128xf32, #tpu.memory_space<vmem>>, vector<1x16xf32>,
      %swap3A_510 = vector.shape_cast %swap3A_509 : vector<1x16xf32> to vector<16xf32>
      %swap3A_511 = vector.shape_cast %div3A_504 : vector<16xf32> to vector<1x16xf32>
      tpu.vector_store %arg6[%swap3A_507, %swap3A_508], %swap3A_511 {strides = array<i32>} : memref<512x128xf32, #tpu.memory_space<vmem>>, vector<1x16xf32>,
      %add3A_512 = arith.constant 0 : i32
      %add3A_513 = arith.addi %add3A_512, %scan3A_373 : i32
      %get3A_514 = arith.index_cast %add3A_513 : i32 to index
      %get3A_515 = arith.constant 96 : index
      %get3A_516 = tpu.vector_load %arg6[%get3A_514, %get3A_515] {strides = array<i32>} : memref<512x128xf32, #tpu.memory_space<vmem>>, vector<1x16xf32>,
      %get3A_517 = vector.shape_cast %get3A_516 : vector<1x16xf32> to vector<16xf32>
      %neg3A_518 = arith.constant 0.000000e+00 : f32
      %neg3A_519 = vector.broadcast %neg3A_518 : f32 to vector<16xf32>
      %neg3A_520 = arith.subf %neg3A_519, %get3A_517 : vector<16xf32>
      %exp3A_521 = math.exp %neg3A_520 : vector<16xf32>
      %add3A_522 = arith.constant 1.000000e+00 : f32
      %add3A_523 = vector.broadcast %add3A_522 : f32 to vector<16xf32>
      %add3A_524 = arith.addf %add3A_523, %exp3A_521 : vector<16xf32>
      %div3A_525 = arith.constant 1.000000e+00 : f32
      %div3A_526 = vector.broadcast %div3A_525 : f32 to vector<16xf32>
      %div3A_527 = arith.divf %div3A_526, %add3A_524 : vector<16xf32>
      %add3A_528 = arith.constant 0 : i32
      %add3A_529 = arith.addi %add3A_528, %scan3A_373 : i32
      %swap3A_530 = arith.index_cast %add3A_529 : i32 to index
      %swap3A_531 = arith.constant 96 : index
      %swap3A_532 = tpu.vector_load %arg6[%swap3A_530, %swap3A_531] {strides = array<i32>} : memref<512x128xf32, #tpu.memory_space<vmem>>, vector<1x16xf32>,
      %swap3A_533 = vector.shape_cast %swap3A_532 : vector<1x16xf32> to vector<16xf32>
      %swap3A_534 = vector.shape_cast %div3A_527 : vector<16xf32> to vector<1x16xf32>
      tpu.vector_store %arg6[%swap3A_530, %swap3A_531], %swap3A_534 {strides = array<i32>} : memref<512x128xf32, #tpu.memory_space<vmem>>, vector<1x16xf32>,
      %add3A_535 = arith.constant 0 : i32
      %add3A_536 = arith.addi %add3A_535, %scan3A_373 : i32
      %get3A_537 = arith.index_cast %add3A_536 : i32 to index
      %get3A_538 = arith.constant 112 : index
      %get3A_539 = tpu.vector_load %arg6[%get3A_537, %get3A_538] {strides = array<i32>} : memref<512x128xf32, #tpu.memory_space<vmem>>, vector<1x16xf32>,
      %get3A_540 = vector.shape_cast %get3A_539 : vector<1x16xf32> to vector<16xf32>
      %neg3A_541 = arith.constant 0.000000e+00 : f32
      %neg3A_542 = vector.broadcast %neg3A_541 : f32 to vector<16xf32>
      %neg3A_543 = arith.subf %neg3A_542, %get3A_540 : vector<16xf32>
      %exp3A_544 = math.exp %neg3A_543 : vector<16xf32>
      %add3A_545 = arith.constant 1.000000e+00 : f32
      %add3A_546 = vector.broadcast %add3A_545 : f32 to vector<16xf32>
      %add3A_547 = arith.addf %add3A_546, %exp3A_544 : vector<16xf32>
      %div3A_548 = arith.constant 1.000000e+00 : f32
      %div3A_549 = vector.broadcast %div3A_548 : f32 to vector<16xf32>
      %div3A_550 = arith.divf %div3A_549, %add3A_547 : vector<16xf32>
      %add3A_551 = arith.constant 0 : i32
      %add3A_552 = arith.addi %add3A_551, %scan3A_373 : i32
      %swap3A_553 = arith.index_cast %add3A_552 : i32 to index
      %swap3A_554 = arith.constant 112 : index
      %swap3A_555 = tpu.vector_load %arg6[%swap3A_553, %swap3A_554] {strides = array<i32>} : memref<512x128xf32, #tpu.memory_space<vmem>>, vector<1x16xf32>,
      %swap3A_556 = vector.shape_cast %swap3A_555 : vector<1x16xf32> to vector<16xf32>
      %swap3A_557 = vector.shape_cast %div3A_550 : vector<16xf32> to vector<1x16xf32>
      tpu.vector_store %arg6[%swap3A_553, %swap3A_554], %swap3A_557 {strides = array<i32>} : memref<512x128xf32, #tpu.memory_space<vmem>>, vector<1x16xf32>,
      %scan3A_558 = arith.constant 2 : i32
      %scan3A_559 = arith.addi %scan3A_192, %scan3A_558 : i32
      %add3A_560 = arith.constant 0 : i32
      %add3A_561 = arith.addi %add3A_560, %scan3A_559 : i32
      %get3A_562 = arith.index_cast %add3A_561 : i32 to index
      %get3A_563 = arith.constant 0 : index
      %get3A_564 = tpu.vector_load %arg6[%get3A_562, %get3A_563] {strides = array<i32>} : memref<512x128xf32, #tpu.memory_space<vmem>>, vector<1x16xf32>,
      %get3A_565 = vector.shape_cast %get3A_564 : vector<1x16xf32> to vector<16xf32>
      %neg3A_566 = arith.constant 0.000000e+00 : f32
      %neg3A_567 = vector.broadcast %neg3A_566 : f32 to vector<16xf32>
      %neg3A_568 = arith.subf %neg3A_567, %get3A_565 : vector<16xf32>
      %exp3A_569 = math.exp %neg3A_568 : vector<16xf32>
      %add3A_570 = arith.constant 1.000000e+00 : f32
      %add3A_571 = vector.broadcast %add3A_570 : f32 to vector<16xf32>
      %add3A_572 = arith.addf %add3A_571, %exp3A_569 : vector<16xf32>
      %div3A_573 = arith.constant 1.000000e+00 : f32
      %div3A_574 = vector.broadcast %div3A_573 : f32 to vector<16xf32>
      %div3A_575 = arith.divf %div3A_574, %add3A_572 : vector<16xf32>
      %add3A_576 = arith.constant 0 : i32
      %add3A_577 = arith.addi %add3A_576, %scan3A_559 : i32
      %swap3A_578 = arith.index_cast %add3A_577 : i32 to index
      %swap3A_579 = arith.constant 0 : index
      %swap3A_580 = tpu.vector_load %arg6[%swap3A_578, %swap3A_579] {strides = array<i32>} : memref<512x128xf32, #tpu.memory_space<vmem>>, vector<1x16xf32>,
      %swap3A_581 = vector.shape_cast %swap3A_580 : vector<1x16xf32> to vector<16xf32>
      %swap3A_582 = vector.shape_cast %div3A_575 : vector<16xf32> to vector<1x16xf32>
      tpu.vector_store %arg6[%swap3A_578, %swap3A_579], %swap3A_582 {strides = array<i32>} : memref<512x128xf32, #tpu.memory_space<vmem>>, vector<1x16xf32>,
      %add3A_583 = arith.constant 0 : i32
      %add3A_584 = arith.addi %add3A_583, %scan3A_559 : i32
      %get3A_585 = arith.index_cast %add3A_584 : i32 to index
      %get3A_586 = arith.constant 16 : index
      %get3A_587 = tpu.vector_load %arg6[%get3A_585, %get3A_586] {strides = array<i32>} : memref<512x128xf32, #tpu.memory_space<vmem>>, vector<1x16xf32>,
      %get3A_588 = vector.shape_cast %get3A_587 : vector<1x16xf32> to vector<16xf32>
      %neg3A_589 = arith.constant 0.000000e+00 : f32
      %neg3A_590 = vector.broadcast %neg3A_589 : f32 to vector<16xf32>
      %neg3A_591 = arith.subf %neg3A_590, %get3A_588 : vector<16xf32>
      %exp3A_592 = math.exp %neg3A_591 : vector<16xf32>
      %add3A_593 = arith.constant 1.000000e+00 : f32
      %add3A_594 = vector.broadcast %add3A_593 : f32 to vector<16xf32>
      %add3A_595 = arith.addf %add3A_594, %exp3A_592 : vector<16xf32>
      %div3A_596 = arith.constant 1.000000e+00 : f32
      %div3A_597 = vector.broadcast %div3A_596 : f32 to vector<16xf32>
      %div3A_598 = arith.divf %div3A_597, %add3A_595 : vector<16xf32>
      %add3A_599 = arith.constant 0 : i32
      %add3A_600 = arith.addi %add3A_599, %scan3A_559 : i32
      %swap3A_601 = arith.index_cast %add3A_600 : i32 to index
      %swap3A_602 = arith.constant 16 : index
      %swap3A_603 = tpu.vector_load %arg6[%swap3A_601, %swap3A_602] {strides = array<i32>} : memref<512x128xf32, #tpu.memory_space<vmem>>, vector<1x16xf32>,
      %swap3A_604 = vector.shape_cast %swap3A_603 : vector<1x16xf32> to vector<16xf32>
      %swap3A_605 = vector.shape_cast %div3A_598 : vector<16xf32> to vector<1x16xf32>
      tpu.vector_store %arg6[%swap3A_601, %swap3A_602], %swap3A_605 {strides = array<i32>} : memref<512x128xf32, #tpu.memory_space<vmem>>, vector<1x16xf32>,
      %add3A_606 = arith.constant 0 : i32
      %add3A_607 = arith.addi %add3A_606, %scan3A_559 : i32
      %get3A_608 = arith.index_cast %add3A_607 : i32 to index
      %get3A_609 = arith.constant 32 : index
      %get3A_610 = tpu.vector_load %arg6[%get3A_608, %get3A_609] {strides = array<i32>} : memref<512x128xf32, #tpu.memory_space<vmem>>, vector<1x16xf32>,
      %get3A_611 = vector.shape_cast %get3A_610 : vector<1x16xf32> to vector<16xf32>
      %neg3A_612 = arith.constant 0.000000e+00 : f32
      %neg3A_613 = vector.broadcast %neg3A_612 : f32 to vector<16xf32>
      %neg3A_614 = arith.subf %neg3A_613, %get3A_611 : vector<16xf32>
      %exp3A_615 = math.exp %neg3A_614 : vector<16xf32>
      %add3A_616 = arith.constant 1.000000e+00 : f32
      %add3A_617 = vector.broadcast %add3A_616 : f32 to vector<16xf32>
      %add3A_618 = arith.addf %add3A_617, %exp3A_615 : vector<16xf32>
      %div3A_619 = arith.constant 1.000000e+00 : f32
      %div3A_620 = vector.broadcast %div3A_619 : f32 to vector<16xf32>
      %div3A_621 = arith.divf %div3A_620, %add3A_618 : vector<16xf32>
      %add3A_622 = arith.constant 0 : i32
      %add3A_623 = arith.addi %add3A_622, %scan3A_559 : i32
      %swap3A_624 = arith.index_cast %add3A_623 : i32 to index
      %swap3A_625 = arith.constant 32 : index
      %swap3A_626 = tpu.vector_load %arg6[%swap3A_624, %swap3A_625] {strides = array<i32>} : memref<512x128xf32, #tpu.memory_space<vmem>>, vector<1x16xf32>,
      %swap3A_627 = vector.shape_cast %swap3A_626 : vector<1x16xf32> to vector<16xf32>
      %swap3A_628 = vector.shape_cast %div3A_621 : vector<16xf32> to vector<1x16xf32>
      tpu.vector_store %arg6[%swap3A_624, %swap3A_625], %swap3A_628 {strides = array<i32>} : memref<512x128xf32, #tpu.memory_space<vmem>>, vector<1x16xf32>,
      %add3A_629 = arith.constant 0 : i32
      %add3A_630 = arith.addi %add3A_629, %scan3A_559 : i32
      %get3A_631 = arith.index_cast %add3A_630 : i32 to index
      %get3A_632 = arith.constant 48 : index
      %get3A_633 = tpu.vector_load %arg6[%get3A_631, %get3A_632] {strides = array<i32>} : memref<512x128xf32, #tpu.memory_space<vmem>>, vector<1x16xf32>,
      %get3A_634 = vector.shape_cast %get3A_633 : vector<1x16xf32> to vector<16xf32>
      %neg3A_635 = arith.constant 0.000000e+00 : f32
      %neg3A_636 = vector.broadcast %neg3A_635 : f32 to vector<16xf32>
      %neg3A_637 = arith.subf %neg3A_636, %get3A_634 : vector<16xf32>
      %exp3A_638 = math.exp %neg3A_637 : vector<16xf32>
      %add3A_639 = arith.constant 1.000000e+00 : f32
      %add3A_640 = vector.broadcast %add3A_639 : f32 to vector<16xf32>
      %add3A_641 = arith.addf %add3A_640, %exp3A_638 : vector<16xf32>
      %div3A_642 = arith.constant 1.000000e+00 : f32
      %div3A_643 = vector.broadcast %div3A_642 : f32 to vector<16xf32>
      %div3A_644 = arith.divf %div3A_643, %add3A_641 : vector<16xf32>
      %add3A_645 = arith.constant 0 : i32
      %add3A_646 = arith.addi %add3A_645, %scan3A_559 : i32
      %swap3A_647 = arith.index_cast %add3A_646 : i32 to index
      %swap3A_648 = arith.constant 48 : index
      %swap3A_649 = tpu.vector_load %arg6[%swap3A_647, %swap3A_648] {strides = array<i32>} : memref<512x128xf32, #tpu.memory_space<vmem>>, vector<1x16xf32>,
      %swap3A_650 = vector.shape_cast %swap3A_649 : vector<1x16xf32> to vector<16xf32>
      %swap3A_651 = vector.shape_cast %div3A_644 : vector<16xf32> to vector<1x16xf32>
      tpu.vector_store %arg6[%swap3A_647, %swap3A_648], %swap3A_651 {strides = array<i32>} : memref<512x128xf32, #tpu.memory_space<vmem>>, vector<1x16xf32>,
      %add3A_652 = arith.constant 0 : i32
      %add3A_653 = arith.addi %add3A_652, %scan3A_559 : i32
      %get3A_654 = arith.index_cast %add3A_653 : i32 to index
      %get3A_655 = arith.constant 64 : index
      %get3A_656 = tpu.vector_load %arg6[%get3A_654, %get3A_655] {strides = array<i32>} : memref<512x128xf32, #tpu.memory_space<vmem>>, vector<1x16xf32>,
      %get3A_657 = vector.shape_cast %get3A_656 : vector<1x16xf32> to vector<16xf32>
      %neg3A_658 = arith.constant 0.000000e+00 : f32
      %neg3A_659 = vector.broadcast %neg3A_658 : f32 to vector<16xf32>
      %neg3A_660 = arith.subf %neg3A_659, %get3A_657 : vector<16xf32>
      %exp3A_661 = math.exp %neg3A_660 : vector<16xf32>
      %add3A_662 = arith.constant 1.000000e+00 : f32
      %add3A_663 = vector.broadcast %add3A_662 : f32 to vector<16xf32>
      %add3A_664 = arith.addf %add3A_663, %exp3A_661 : vector<16xf32>
      %div3A_665 = arith.constant 1.000000e+00 : f32
      %div3A_666 = vector.broadcast %div3A_665 : f32 to vector<16xf32>
      %div3A_667 = arith.divf %div3A_666, %add3A_664 : vector<16xf32>
      %add3A_668 = arith.constant 0 : i32
      %add3A_669 = arith.addi %add3A_668, %scan3A_559 : i32
      %swap3A_670 = arith.index_cast %add3A_669 : i32 to index
      %swap3A_671 = arith.constant 64 : index
      %swap3A_672 = tpu.vector_load %arg6[%swap3A_670, %swap3A_671] {strides = array<i32>} : memref<512x128xf32, #tpu.memory_space<vmem>>, vector<1x16xf32>,
      %swap3A_673 = vector.shape_cast %swap3A_672 : vector<1x16xf32> to vector<16xf32>
      %swap3A_674 = vector.shape_cast %div3A_667 : vector<16xf32> to vector<1x16xf32>
      tpu.vector_store %arg6[%swap3A_670, %swap3A_671], %swap3A_674 {strides = array<i32>} : memref<512x128xf32, #tpu.memory_space<vmem>>, vector<1x16xf32>,
      %add3A_675 = arith.constant 0 : i32
      %add3A_676 = arith.addi %add3A_675, %scan3A_559 : i32
      %get3A_677 = arith.index_cast %add3A_676 : i32 to index
      %get3A_678 = arith.constant 80 : index
      %get3A_679 = tpu.vector_load %arg6[%get3A_677, %get3A_678] {strides = array<i32>} : memref<512x128xf32, #tpu.memory_space<vmem>>, vector<1x16xf32>,
      %get3A_680 = vector.shape_cast %get3A_679 : vector<1x16xf32> to vector<16xf32>
      %neg3A_681 = arith.constant 0.000000e+00 : f32
      %neg3A_682 = vector.broadcast %neg3A_681 : f32 to vector<16xf32>
      %neg3A_683 = arith.subf %neg3A_682, %get3A_680 : vector<16xf32>
      %exp3A_684 = math.exp %neg3A_683 : vector<16xf32>
      %add3A_685 = arith.constant 1.000000e+00 : f32
      %add3A_686 = vector.broadcast %add3A_685 : f32 to vector<16xf32>
      %add3A_687 = arith.addf %add3A_686, %exp3A_684 : vector<16xf32>
      %div3A_688 = arith.constant 1.000000e+00 : f32
      %div3A_689 = vector.broadcast %div3A_688 : f32 to vector<16xf32>
      %div3A_690 = arith.divf %div3A_689, %add3A_687 : vector<16xf32>
      %add3A_691 = arith.constant 0 : i32
      %add3A_692 = arith.addi %add3A_691, %scan3A_559 : i32
      %swap3A_693 = arith.index_cast %add3A_692 : i32 to index
      %swap3A_694 = arith.constant 80 : index
      %swap3A_695 = tpu.vector_load %arg6[%swap3A_693, %swap3A_694] {strides = array<i32>} : memref<512x128xf32, #tpu.memory_space<vmem>>, vector<1x16xf32>,
      %swap3A_696 = vector.shape_cast %swap3A_695 : vector<1x16xf32> to vector<16xf32>
      %swap3A_697 = vector.shape_cast %div3A_690 : vector<16xf32> to vector<1x16xf32>
      tpu.vector_store %arg6[%swap3A_693, %swap3A_694], %swap3A_697 {strides = array<i32>} : memref<512x128xf32, #tpu.memory_space<vmem>>, vector<1x16xf32>,
      %add3A_698 = arith.constant 0 : i32
      %add3A_699 = arith.addi %add3A_698, %scan3A_559 : i32
      %get3A_700 = arith.index_cast %add3A_699 : i32 to index
      %get3A_701 = arith.constant 96 : index
      %get3A_702 = tpu.vector_load %arg6[%get3A_700, %get3A_701] {strides = array<i32>} : memref<512x128xf32, #tpu.memory_space<vmem>>, vector<1x16xf32>,
      %get3A_703 = vector.shape_cast %get3A_702 : vector<1x16xf32> to vector<16xf32>
      %neg3A_704 = arith.constant 0.000000e+00 : f32
      %neg3A_705 = vector.broadcast %neg3A_704 : f32 to vector<16xf32>
      %neg3A_706 = arith.subf %neg3A_705, %get3A_703 : vector<16xf32>
      %exp3A_707 = math.exp %neg3A_706 : vector<16xf32>
      %add3A_708 = arith.constant 1.000000e+00 : f32
      %add3A_709 = vector.broadcast %add3A_708 : f32 to vector<16xf32>
      %add3A_710 = arith.addf %add3A_709, %exp3A_707 : vector<16xf32>
      %div3A_711 = arith.constant 1.000000e+00 : f32
      %div3A_712 = vector.broadcast %div3A_711 : f32 to vector<16xf32>
      %div3A_713 = arith.divf %div3A_712, %add3A_710 : vector<16xf32>
      %add3A_714 = arith.constant 0 : i32
      %add3A_715 = arith.addi %add3A_714, %scan3A_559 : i32
      %swap3A_716 = arith.index_cast %add3A_715 : i32 to index
      %swap3A_717 = arith.constant 96 : index
      %swap3A_718 = tpu.vector_load %arg6[%swap3A_716, %swap3A_717] {strides = array<i32>} : memref<512x128xf32, #tpu.memory_space<vmem>>, vector<1x16xf32>,
      %swap3A_719 = vector.shape_cast %swap3A_718 : vector<1x16xf32> to vector<16xf32>
      %swap3A_720 = vector.shape_cast %div3A_713 : vector<16xf32> to vector<1x16xf32>
      tpu.vector_store %arg6[%swap3A_716, %swap3A_717], %swap3A_720 {strides = array<i32>} : memref<512x128xf32, #tpu.memory_space<vmem>>, vector<1x16xf32>,
      %add3A_721 = arith.constant 0 : i32
      %add3A_722 = arith.addi %add3A_721, %scan3A_559 : i32
      %get3A_723 = arith.index_cast %add3A_722 : i32 to index
      %get3A_724 = arith.constant 112 : index
      %get3A_725 = tpu.vector_load %arg6[%get3A_723, %get3A_724] {strides = array<i32>} : memref<512x128xf32, #tpu.memory_space<vmem>>, vector<1x16xf32>,
      %get3A_726 = vector.shape_cast %get3A_725 : vector<1x16xf32> to vector<16xf32>
      %neg3A_727 = arith.constant 0.000000e+00 : f32
      %neg3A_728 = vector.broadcast %neg3A_727 : f32 to vector<16xf32>
      %neg3A_729 = arith.subf %neg3A_728, %get3A_726 : vector<16xf32>
      %exp3A_730 = math.exp %neg3A_729 : vector<16xf32>
      %add3A_731 = arith.constant 1.000000e+00 : f32
      %add3A_732 = vector.broadcast %add3A_731 : f32 to vector<16xf32>
      %add3A_733 = arith.addf %add3A_732, %exp3A_730 : vector<16xf32>
      %div3A_734 = arith.constant 1.000000e+00 : f32
      %div3A_735 = vector.broadcast %div3A_734 : f32 to vector<16xf32>
      %div3A_736 = arith.divf %div3A_735, %add3A_733 : vector<16xf32>
      %add3A_737 = arith.constant 0 : i32
      %add3A_738 = arith.addi %add3A_737, %scan3A_559 : i32
      %swap3A_739 = arith.index_cast %add3A_738 : i32 to index
      %swap3A_740 = arith.constant 112 : index
      %swap3A_741 = tpu.vector_load %arg6[%swap3A_739, %swap3A_740] {strides = array<i32>} : memref<512x128xf32, #tpu.memory_space<vmem>>, vector<1x16xf32>,
      %swap3A_742 = vector.shape_cast %swap3A_741 : vector<1x16xf32> to vector<16xf32>
      %swap3A_743 = vector.shape_cast %div3A_736 : vector<16xf32> to vector<1x16xf32>
      tpu.vector_store %arg6[%swap3A_739, %swap3A_740], %swap3A_743 {strides = array<i32>} : memref<512x128xf32, #tpu.memory_space<vmem>>, vector<1x16xf32>,
      %scan3A_744 = arith.constant 3 : i32
      %scan3A_745 = arith.addi %scan3A_192, %scan3A_744 : i32
      %add3A_746 = arith.constant 0 : i32
      %add3A_747 = arith.addi %add3A_746, %scan3A_745 : i32
      %get3A_748 = arith.index_cast %add3A_747 : i32 to index
      %get3A_749 = arith.constant 0 : index
      %get3A_750 = tpu.vector_load %arg6[%get3A_748, %get3A_749] {strides = array<i32>} : memref<512x128xf32, #tpu.memory_space<vmem>>, vector<1x16xf32>,
      %get3A_751 = vector.shape_cast %get3A_750 : vector<1x16xf32> to vector<16xf32>
      %neg3A_752 = arith.constant 0.000000e+00 : f32
      %neg3A_753 = vector.broadcast %neg3A_752 : f32 to vector<16xf32>
      %neg3A_754 = arith.subf %neg3A_753, %get3A_751 : vector<16xf32>
      %exp3A_755 = math.exp %neg3A_754 : vector<16xf32>
      %add3A_756 = arith.constant 1.000000e+00 : f32
      %add3A_757 = vector.broadcast %add3A_756 : f32 to vector<16xf32>
      %add3A_758 = arith.addf %add3A_757, %exp3A_755 : vector<16xf32>
      %div3A_759 = arith.constant 1.000000e+00 : f32
      %div3A_760 = vector.broadcast %div3A_759 : f32 to vector<16xf32>
      %div3A_761 = arith.divf %div3A_760, %add3A_758 : vector<16xf32>
      %add3A_762 = arith.constant 0 : i32
      %add3A_763 = arith.addi %add3A_762, %scan3A_745 : i32
      %swap3A_764 = arith.index_cast %add3A_763 : i32 to index
      %swap3A_765 = arith.constant 0 : index
      %swap3A_766 = tpu.vector_load %arg6[%swap3A_764, %swap3A_765] {strides = array<i32>} : memref<512x128xf32, #tpu.memory_space<vmem>>, vector<1x16xf32>,
      %swap3A_767 = vector.shape_cast %swap3A_766 : vector<1x16xf32> to vector<16xf32>
      %swap3A_768 = vector.shape_cast %div3A_761 : vector<16xf32> to vector<1x16xf32>
      tpu.vector_store %arg6[%swap3A_764, %swap3A_765], %swap3A_768 {strides = array<i32>} : memref<512x128xf32, #tpu.memory_space<vmem>>, vector<1x16xf32>,
      %add3A_769 = arith.constant 0 : i32
      %add3A_770 = arith.addi %add3A_769, %scan3A_745 : i32
      %get3A_771 = arith.index_cast %add3A_770 : i32 to index
      %get3A_772 = arith.constant 16 : index
      %get3A_773 = tpu.vector_load %arg6[%get3A_771, %get3A_772] {strides = array<i32>} : memref<512x128xf32, #tpu.memory_space<vmem>>, vector<1x16xf32>,
      %get3A_774 = vector.shape_cast %get3A_773 : vector<1x16xf32> to vector<16xf32>
      %neg3A_775 = arith.constant 0.000000e+00 : f32
      %neg3A_776 = vector.broadcast %neg3A_775 : f32 to vector<16xf32>
      %neg3A_777 = arith.subf %neg3A_776, %get3A_774 : vector<16xf32>
      %exp3A_778 = math.exp %neg3A_777 : vector<16xf32>
      %add3A_779 = arith.constant 1.000000e+00 : f32
      %add3A_780 = vector.broadcast %add3A_779 : f32 to vector<16xf32>
      %add3A_781 = arith.addf %add3A_780, %exp3A_778 : vector<16xf32>
      %div3A_782 = arith.constant 1.000000e+00 : f32
      %div3A_783 = vector.broadcast %div3A_782 : f32 to vector<16xf32>
      %div3A_784 = arith.divf %div3A_783, %add3A_781 : vector<16xf32>
      %add3A_785 = arith.constant 0 : i32
      %add3A_786 = arith.addi %add3A_785, %scan3A_745 : i32
      %swap3A_787 = arith.index_cast %add3A_786 : i32 to index
      %swap3A_788 = arith.constant 16 : index
      %swap3A_789 = tpu.vector_load %arg6[%swap3A_787, %swap3A_788] {strides = array<i32>} : memref<512x128xf32, #tpu.memory_space<vmem>>, vector<1x16xf32>,
      %swap3A_790 = vector.shape_cast %swap3A_789 : vector<1x16xf32> to vector<16xf32>
      %swap3A_791 = vector.shape_cast %div3A_784 : vector<16xf32> to vector<1x16xf32>
      tpu.vector_store %arg6[%swap3A_787, %swap3A_788], %swap3A_791 {strides = array<i32>} : memref<512x128xf32, #tpu.memory_space<vmem>>, vector<1x16xf32>,
      %add3A_792 = arith.constant 0 : i32
      %add3A_793 = arith.addi %add3A_792, %scan3A_745 : i32
      %get3A_794 = arith.index_cast %add3A_793 : i32 to index
      %get3A_795 = arith.constant 32 : index
      %get3A_796 = tpu.vector_load %arg6[%get3A_794, %get3A_795] {strides = array<i32>} : memref<512x128xf32, #tpu.memory_space<vmem>>, vector<1x16xf32>,
      %get3A_797 = vector.shape_cast %get3A_796 : vector<1x16xf32> to vector<16xf32>
      %neg3A_798 = arith.constant 0.000000e+00 : f32
      %neg3A_799 = vector.broadcast %neg3A_798 : f32 to vector<16xf32>
      %neg3A_800 = arith.subf %neg3A_799, %get3A_797 : vector<16xf32>
      %exp3A_801 = math.exp %neg3A_800 : vector<16xf32>
      %add3A_802 = arith.constant 1.000000e+00 : f32
      %add3A_803 = vector.broadcast %add3A_802 : f32 to vector<16xf32>
      %add3A_804 = arith.addf %add3A_803, %exp3A_801 : vector<16xf32>
      %div3A_805 = arith.constant 1.000000e+00 : f32
      %div3A_806 = vector.broadcast %div3A_805 : f32 to vector<16xf32>
      %div3A_807 = arith.divf %div3A_806, %add3A_804 : vector<16xf32>
      %add3A_808 = arith.constant 0 : i32
      %add3A_809 = arith.addi %add3A_808, %scan3A_745 : i32
      %swap3A_810 = arith.index_cast %add3A_809 : i32 to index
      %swap3A_811 = arith.constant 32 : index
      %swap3A_812 = tpu.vector_load %arg6[%swap3A_810, %swap3A_811] {strides = array<i32>} : memref<512x128xf32, #tpu.memory_space<vmem>>, vector<1x16xf32>,
      %swap3A_813 = vector.shape_cast %swap3A_812 : vector<1x16xf32> to vector<16xf32>
      %swap3A_814 = vector.shape_cast %div3A_807 : vector<16xf32> to vector<1x16xf32>
      tpu.vector_store %arg6[%swap3A_810, %swap3A_811], %swap3A_814 {strides = array<i32>} : memref<512x128xf32, #tpu.memory_space<vmem>>, vector<1x16xf32>,
      %add3A_815 = arith.constant 0 : i32
      %add3A_816 = arith.addi %add3A_815, %scan3A_745 : i32
      %get3A_817 = arith.index_cast %add3A_816 : i32 to index
      %get3A_818 = arith.constant 48 : index
      %get3A_819 = tpu.vector_load %arg6[%get3A_817, %get3A_818] {strides = array<i32>} : memref<512x128xf32, #tpu.memory_space<vmem>>, vector<1x16xf32>,
      %get3A_820 = vector.shape_cast %get3A_819 : vector<1x16xf32> to vector<16xf32>
      %neg3A_821 = arith.constant 0.000000e+00 : f32
      %neg3A_822 = vector.broadcast %neg3A_821 : f32 to vector<16xf32>
      %neg3A_823 = arith.subf %neg3A_822, %get3A_820 : vector<16xf32>
      %exp3A_824 = math.exp %neg3A_823 : vector<16xf32>
      %add3A_825 = arith.constant 1.000000e+00 : f32
      %add3A_826 = vector.broadcast %add3A_825 : f32 to vector<16xf32>
      %add3A_827 = arith.addf %add3A_826, %exp3A_824 : vector<16xf32>
      %div3A_828 = arith.constant 1.000000e+00 : f32
      %div3A_829 = vector.broadcast %div3A_828 : f32 to vector<16xf32>
      %div3A_830 = arith.divf %div3A_829, %add3A_827 : vector<16xf32>
      %add3A_831 = arith.constant 0 : i32
      %add3A_832 = arith.addi %add3A_831, %scan3A_745 : i32
      %swap3A_833 = arith.index_cast %add3A_832 : i32 to index
      %swap3A_834 = arith.constant 48 : index
      %swap3A_835 = tpu.vector_load %arg6[%swap3A_833, %swap3A_834] {strides = array<i32>} : memref<512x128xf32, #tpu.memory_space<vmem>>, vector<1x16xf32>,
      %swap3A_836 = vector.shape_cast %swap3A_835 : vector<1x16xf32> to vector<16xf32>
      %swap3A_837 = vector.shape_cast %div3A_830 : vector<16xf32> to vector<1x16xf32>
      tpu.vector_store %arg6[%swap3A_833, %swap3A_834], %swap3A_837 {strides = array<i32>} : memref<512x128xf32, #tpu.memory_space<vmem>>, vector<1x16xf32>,
      %add3A_838 = arith.constant 0 : i32
      %add3A_839 = arith.addi %add3A_838, %scan3A_745 : i32
      %get3A_840 = arith.index_cast %add3A_839 : i32 to index
      %get3A_841 = arith.constant 64 : index
      %get3A_842 = tpu.vector_load %arg6[%get3A_840, %get3A_841] {strides = array<i32>} : memref<512x128xf32, #tpu.memory_space<vmem>>, vector<1x16xf32>,
      %get3A_843 = vector.shape_cast %get3A_842 : vector<1x16xf32> to vector<16xf32>
      %neg3A_844 = arith.constant 0.000000e+00 : f32
      %neg3A_845 = vector.broadcast %neg3A_844 : f32 to vector<16xf32>
      %neg3A_846 = arith.subf %neg3A_845, %get3A_843 : vector<16xf32>
      %exp3A_847 = math.exp %neg3A_846 : vector<16xf32>
      %add3A_848 = arith.constant 1.000000e+00 : f32
      %add3A_849 = vector.broadcast %add3A_848 : f32 to vector<16xf32>
      %add3A_850 = arith.addf %add3A_849, %exp3A_847 : vector<16xf32>
      %div3A_851 = arith.constant 1.000000e+00 : f32
      %div3A_852 = vector.broadcast %div3A_851 : f32 to vector<16xf32>
      %div3A_853 = arith.divf %div3A_852, %add3A_850 : vector<16xf32>
      %add3A_854 = arith.constant 0 : i32
      %add3A_855 = arith.addi %add3A_854, %scan3A_745 : i32
      %swap3A_856 = arith.index_cast %add3A_855 : i32 to index
      %swap3A_857 = arith.constant 64 : index
      %swap3A_858 = tpu.vector_load %arg6[%swap3A_856, %swap3A_857] {strides = array<i32>} : memref<512x128xf32, #tpu.memory_space<vmem>>, vector<1x16xf32>,
      %swap3A_859 = vector.shape_cast %swap3A_858 : vector<1x16xf32> to vector<16xf32>
      %swap3A_860 = vector.shape_cast %div3A_853 : vector<16xf32> to vector<1x16xf32>
      tpu.vector_store %arg6[%swap3A_856, %swap3A_857], %swap3A_860 {strides = array<i32>} : memref<512x128xf32, #tpu.memory_space<vmem>>, vector<1x16xf32>,
      %add3A_861 = arith.constant 0 : i32
      %add3A_862 = arith.addi %add3A_861, %scan3A_745 : i32
      %get3A_863 = arith.index_cast %add3A_862 : i32 to index
      %get3A_864 = arith.constant 80 : index
      %get3A_865 = tpu.vector_load %arg6[%get3A_863, %get3A_864] {strides = array<i32>} : memref<512x128xf32, #tpu.memory_space<vmem>>, vector<1x16xf32>,
      %get3A_866 = vector.shape_cast %get3A_865 : vector<1x16xf32> to vector<16xf32>
      %neg3A_867 = arith.constant 0.000000e+00 : f32
      %neg3A_868 = vector.broadcast %neg3A_867 : f32 to vector<16xf32>
      %neg3A_869 = arith.subf %neg3A_868, %get3A_866 : vector<16xf32>
      %exp3A_870 = math.exp %neg3A_869 : vector<16xf32>
      %add3A_871 = arith.constant 1.000000e+00 : f32
      %add3A_872 = vector.broadcast %add3A_871 : f32 to vector<16xf32>
      %add3A_873 = arith.addf %add3A_872, %exp3A_870 : vector<16xf32>
      %div3A_874 = arith.constant 1.000000e+00 : f32
      %div3A_875 = vector.broadcast %div3A_874 : f32 to vector<16xf32>
      %div3A_876 = arith.divf %div3A_875, %add3A_873 : vector<16xf32>
      %add3A_877 = arith.constant 0 : i32
      %add3A_878 = arith.addi %add3A_877, %scan3A_745 : i32
      %swap3A_879 = arith.index_cast %add3A_878 : i32 to index
      %swap3A_880 = arith.constant 80 : index
      %swap3A_881 = tpu.vector_load %arg6[%swap3A_879, %swap3A_880] {strides = array<i32>} : memref<512x128xf32, #tpu.memory_space<vmem>>, vector<1x16xf32>,
      %swap3A_882 = vector.shape_cast %swap3A_881 : vector<1x16xf32> to vector<16xf32>
      %swap3A_883 = vector.shape_cast %div3A_876 : vector<16xf32> to vector<1x16xf32>
      tpu.vector_store %arg6[%swap3A_879, %swap3A_880], %swap3A_883 {strides = array<i32>} : memref<512x128xf32, #tpu.memory_space<vmem>>, vector<1x16xf32>,
      %add3A_884 = arith.constant 0 : i32
      %add3A_885 = arith.addi %add3A_884, %scan3A_745 : i32
      %get3A_886 = arith.index_cast %add3A_885 : i32 to index
      %get3A_887 = arith.constant 96 : index
      %get3A_888 = tpu.vector_load %arg6[%get3A_886, %get3A_887] {strides = array<i32>} : memref<512x128xf32, #tpu.memory_space<vmem>>, vector<1x16xf32>,
      %get3A_889 = vector.shape_cast %get3A_888 : vector<1x16xf32> to vector<16xf32>
      %neg3A_890 = arith.constant 0.000000e+00 : f32
      %neg3A_891 = vector.broadcast %neg3A_890 : f32 to vector<16xf32>
      %neg3A_892 = arith.subf %neg3A_891, %get3A_889 : vector<16xf32>
      %exp3A_893 = math.exp %neg3A_892 : vector<16xf32>
      %add3A_894 = arith.constant 1.000000e+00 : f32
      %add3A_895 = vector.broadcast %add3A_894 : f32 to vector<16xf32>
      %add3A_896 = arith.addf %add3A_895, %exp3A_893 : vector<16xf32>
      %div3A_897 = arith.constant 1.000000e+00 : f32
      %div3A_898 = vector.broadcast %div3A_897 : f32 to vector<16xf32>
      %div3A_899 = arith.divf %div3A_898, %add3A_896 : vector<16xf32>
      %add3A_900 = arith.constant 0 : i32
      %add3A_901 = arith.addi %add3A_900, %scan3A_745 : i32
      %swap3A_902 = arith.index_cast %add3A_901 : i32 to index
      %swap3A_903 = arith.constant 96 : index
      %swap3A_904 = tpu.vector_load %arg6[%swap3A_902, %swap3A_903] {strides = array<i32>} : memref<512x128xf32, #tpu.memory_space<vmem>>, vector<1x16xf32>,
      %swap3A_905 = vector.shape_cast %swap3A_904 : vector<1x16xf32> to vector<16xf32>
      %swap3A_906 = vector.shape_cast %div3A_899 : vector<16xf32> to vector<1x16xf32>
      tpu.vector_store %arg6[%swap3A_902, %swap3A_903], %swap3A_906 {strides = array<i32>} : memref<512x128xf32, #tpu.memory_space<vmem>>, vector<1x16xf32>,
      %add3A_907 = arith.constant 0 : i32
      %add3A_908 = arith.addi %add3A_907, %scan3A_745 : i32
      %get3A_909 = arith.index_cast %add3A_908 : i32 to index
      %get3A_910 = arith.constant 112 : index
      %get3A_911 = tpu.vector_load %arg6[%get3A_909, %get3A_910] {strides = array<i32>} : memref<512x128xf32, #tpu.memory_space<vmem>>, vector<1x16xf32>,
      %get3A_912 = vector.shape_cast %get3A_911 : vector<1x16xf32> to vector<16xf32>
      %neg3A_913 = arith.constant 0.000000e+00 : f32
      %neg3A_914 = vector.broadcast %neg3A_913 : f32 to vector<16xf32>
      %neg3A_915 = arith.subf %neg3A_914, %get3A_912 : vector<16xf32>
      %exp3A_916 = math.exp %neg3A_915 : vector<16xf32>
      %add3A_917 = arith.constant 1.000000e+00 : f32
      %add3A_918 = vector.broadcast %add3A_917 : f32 to vector<16xf32>
      %add3A_919 = arith.addf %add3A_918, %exp3A_916 : vector<16xf32>
      %div3A_920 = arith.constant 1.000000e+00 : f32
      %div3A_921 = vector.broadcast %div3A_920 : f32 to vector<16xf32>
      %div3A_922 = arith.divf %div3A_921, %add3A_919 : vector<16xf32>
      %add3A_923 = arith.constant 0 : i32
      %add3A_924 = arith.addi %add3A_923, %scan3A_745 : i32
      %swap3A_925 = arith.index_cast %add3A_924 : i32 to index
      %swap3A_926 = arith.constant 112 : index
      %swap3A_927 = tpu.vector_load %arg6[%swap3A_925, %swap3A_926] {strides = array<i32>} : memref<512x128xf32, #tpu.memory_space<vmem>>, vector<1x16xf32>,
      %swap3A_928 = vector.shape_cast %swap3A_927 : vector<1x16xf32> to vector<16xf32>
      %swap3A_929 = vector.shape_cast %div3A_922 : vector<16xf32> to vector<1x16xf32>
      tpu.vector_store %arg6[%swap3A_925, %swap3A_926], %swap3A_929 {strides = array<i32>} : memref<512x128xf32, #tpu.memory_space<vmem>>, vector<1x16xf32>,
    }
    %scan3A_55 = arith.constant 128 : i32
    %add3A_56 = arith.constant 0 : i32
    %add3A_57 = arith.addi %mul3A_2, %add3A_56 : i32
    %dma_start3A_58 = arith.constant 0 : i32
    %dma_start3A_59 = arith.constant 0 : i32
    %dma_start3A_60 = tpu.memref_slice %arg6[%dma_start3A_58, %dma_start3A_59] : memref<512x128xf32, #tpu.memory_space<vmem>> -> memref<128x128xf32, #tpu.memory_space<vmem>>
    %dma_start3A_61 = arith.constant 0 : i32
    %dma_start3A_62 = tpu.memref_slice %arg4[%add3A_57, %dma_start3A_61] : memref<16384x128xf32, #tpu.memory_space<hbm>> -> memref<128x128xf32, #tpu.memory_space<hbm>>
    %dma_start3A_63 = arith.constant 0 : i32
    %dma_start3A_64 = tpu.memref_slice %arg4[%add3A_57, %dma_start3A_63] : memref<16384x128xf32, #tpu.memory_space<hbm>> -> memref<128x128xf32, #tpu.memory_space<hbm>>
    %dma_start3A_65 = arith.constant 0 : i32
    %dma_start3A_66 = arith.constant 0 : i32
    %dma_start3A_67 = tpu.memref_slice %arg6[%dma_start3A_65, %dma_start3A_66] : memref<512x128xf32, #tpu.memory_space<vmem>> -> memref<128x128xf32, #tpu.memory_space<vmem>>
    tpu.enqueue_dma source(%dma_start3A_67 : memref<128x128xf32, #tpu.memory_space<vmem>>) target(%dma_start3A_64 : memref<128x128xf32, #tpu.memory_space<hbm>>) target_semaphore(%arg11 : memref<!tpu.dma_semaphore, #tpu.memory_space<semaphore_mem>>)
    %dma_wait3A_68 = arith.constant 1 : i32
    %dma_wait3A_69 = arith.constant 128 : i32
    %dma_wait3A_70 = arith.constant 0 : i32
    %dma_wait3A_71 = tpu.memref_slice %arg6[%dma_wait3A_69, %dma_wait3A_70] : memref<512x128xf32, #tpu.memory_space<vmem>> -> memref<128x128xf32, #tpu.memory_space<vmem>>
    %dma_wait3A_72 = arith.constant 0 : i32
    %dma_wait3A_73 = tpu.memref_slice %arg5[%dma_wait3A_68, %dma_wait3A_72] : memref<4x128xi32, #tpu.memory_space<vmem>> -> memref<1x128xi32, #tpu.memory_space<vmem>>
    %dma_wait3A_74 = tpu.memref_squeeze %dma_wait3A_73 : memref<1x128xi32, #tpu.memory_space<vmem>> -> memref<128xi32, #tpu.memory_space<vmem>>
    %dma_wait3A_75 = arith.constant 0 : i32
    %dma_wait3A_76 = arith.constant 0 : i32
    %dma_wait3A_77 = tpu.memref_slice %arg3[%dma_wait3A_75, %dma_wait3A_76] : memref<100000x128xf32, #tpu.memory_space<hbm>> -> memref<100000x128xf32, #tpu.memory_space<hbm>>
    tpu.wait_indirect_dma semaphore(%arg8 : memref<!tpu.dma_semaphore, #tpu.memory_space<semaphore_mem>>) src(%dma_wait3A_77 : memref<100000x128xf32, #tpu.memory_space<hbm>>) dst(%dma_wait3A_71 : memref<128x128xf32, #tpu.memory_space<vmem>>)
    %scan3A_78 = arith.constant 0 : i32
    %scan3A_79 = arith.constant 0 : i32
    %scan3A_80 = arith.constant 128 : i32
    %scan3A_81 = arith.addi %scan3A_79, %scan3A_80 : i32
    %scan3A_82 = arith.constant 4 : i32
    scf.for %scan3A_192 = %scan3A_79 to %scan3A_81 step %scan3A_82  : i32 {
      %add3A_193 = arith.constant 128 : i32
      %add3A_194 = arith.addi %add3A_193, %scan3A_192 : i32
      %get3A = arith.index_cast %add3A_194 : i32 to index
      %get3A_195 = arith.constant 0 : index
      %get3A_196 = tpu.vector_load %arg6[%get3A, %get3A_195] {strides = array<i32>} : memref<512x128xf32, #tpu.memory_space<vmem>>, vector<1x16xf32>,
      %get3A_197 = vector.shape_cast %get3A_196 : vector<1x16xf32> to vector<16xf32>
      %neg3A = arith.constant 0.000000e+00 : f32
      %neg3A_198 = vector.broadcast %neg3A : f32 to vector<16xf32>
      %neg3A_199 = arith.subf %neg3A_198, %get3A_197 : vector<16xf32>
      %exp3A = math.exp %neg3A_199 : vector<16xf32>
      %add3A_200 = arith.constant 1.000000e+00 : f32
      %add3A_201 = vector.broadcast %add3A_200 : f32 to vector<16xf32>
      %add3A_202 = arith.addf %add3A_201, %exp3A : vector<16xf32>
      %div3A = arith.constant 1.000000e+00 : f32
      %div3A_203 = vector.broadcast %div3A : f32 to vector<16xf32>
      %div3A_204 = arith.divf %div3A_203, %add3A_202 : vector<16xf32>
      %add3A_205 = arith.constant 128 : i32
      %add3A_206 = arith.addi %add3A_205, %scan3A_192 : i32
      %swap3A = arith.index_cast %add3A_206 : i32 to index
      %swap3A_207 = arith.constant 0 : index
      %swap3A_208 = tpu.vector_load %arg6[%swap3A, %swap3A_207] {strides = array<i32>} : memref<512x128xf32, #tpu.memory_space<vmem>>, vector<1x16xf32>,
      %swap3A_209 = vector.shape_cast %swap3A_208 : vector<1x16xf32> to vector<16xf32>
      %swap3A_210 = vector.shape_cast %div3A_204 : vector<16xf32> to vector<1x16xf32>
      tpu.vector_store %arg6[%swap3A, %swap3A_207], %swap3A_210 {strides = array<i32>} : memref<512x128xf32, #tpu.memory_space<vmem>>, vector<1x16xf32>,
      %add3A_211 = arith.constant 128 : i32
      %add3A_212 = arith.addi %add3A_211, %scan3A_192 : i32
      %get3A_213 = arith.index_cast %add3A_212 : i32 to index
      %get3A_214 = arith.constant 16 : index
      %get3A_215 = tpu.vector_load %arg6[%get3A_213, %get3A_214] {strides = array<i32>} : memref<512x128xf32, #tpu.memory_space<vmem>>, vector<1x16xf32>,
      %get3A_216 = vector.shape_cast %get3A_215 : vector<1x16xf32> to vector<16xf32>
      %neg3A_217 = arith.constant 0.000000e+00 : f32
      %neg3A_218 = vector.broadcast %neg3A_217 : f32 to vector<16xf32>
      %neg3A_219 = arith.subf %neg3A_218, %get3A_216 : vector<16xf32>
      %exp3A_220 = math.exp %neg3A_219 : vector<16xf32>
      %add3A_221 = arith.constant 1.000000e+00 : f32
      %add3A_222 = vector.broadcast %add3A_221 : f32 to vector<16xf32>
      %add3A_223 = arith.addf %add3A_222, %exp3A_220 : vector<16xf32>
      %div3A_224 = arith.constant 1.000000e+00 : f32
      %div3A_225 = vector.broadcast %div3A_224 : f32 to vector<16xf32>
      %div3A_226 = arith.divf %div3A_225, %add3A_223 : vector<16xf32>
      %add3A_227 = arith.constant 128 : i32
      %add3A_228 = arith.addi %add3A_227, %scan3A_192 : i32
      %swap3A_229 = arith.index_cast %add3A_228 : i32 to index
      %swap3A_230 = arith.constant 16 : index
      %swap3A_231 = tpu.vector_load %arg6[%swap3A_229, %swap3A_230] {strides = array<i32>} : memref<512x128xf32, #tpu.memory_space<vmem>>, vector<1x16xf32>,
      %swap3A_232 = vector.shape_cast %swap3A_231 : vector<1x16xf32> to vector<16xf32>
      %swap3A_233 = vector.shape_cast %div3A_226 : vector<16xf32> to vector<1x16xf32>
      tpu.vector_store %arg6[%swap3A_229, %swap3A_230], %swap3A_233 {strides = array<i32>} : memref<512x128xf32, #tpu.memory_space<vmem>>, vector<1x16xf32>,
      %add3A_234 = arith.constant 128 : i32
      %add3A_235 = arith.addi %add3A_234, %scan3A_192 : i32
      %get3A_236 = arith.index_cast %add3A_235 : i32 to index
      %get3A_237 = arith.constant 32 : index
      %get3A_238 = tpu.vector_load %arg6[%get3A_236, %get3A_237] {strides = array<i32>} : memref<512x128xf32, #tpu.memory_space<vmem>>, vector<1x16xf32>,
      %get3A_239 = vector.shape_cast %get3A_238 : vector<1x16xf32> to vector<16xf32>
      %neg3A_240 = arith.constant 0.000000e+00 : f32
      %neg3A_241 = vector.broadcast %neg3A_240 : f32 to vector<16xf32>
      %neg3A_242 = arith.subf %neg3A_241, %get3A_239 : vector<16xf32>
      %exp3A_243 = math.exp %neg3A_242 : vector<16xf32>
      %add3A_244 = arith.constant 1.000000e+00 : f32
      %add3A_245 = vector.broadcast %add3A_244 : f32 to vector<16xf32>
      %add3A_246 = arith.addf %add3A_245, %exp3A_243 : vector<16xf32>
      %div3A_247 = arith.constant 1.000000e+00 : f32
      %div3A_248 = vector.broadcast %div3A_247 : f32 to vector<16xf32>
      %div3A_249 = arith.divf %div3A_248, %add3A_246 : vector<16xf32>
      %add3A_250 = arith.constant 128 : i32
      %add3A_251 = arith.addi %add3A_250, %scan3A_192 : i32
      %swap3A_252 = arith.index_cast %add3A_251 : i32 to index
      %swap3A_253 = arith.constant 32 : index
      %swap3A_254 = tpu.vector_load %arg6[%swap3A_252, %swap3A_253] {strides = array<i32>} : memref<512x128xf32, #tpu.memory_space<vmem>>, vector<1x16xf32>,
      %swap3A_255 = vector.shape_cast %swap3A_254 : vector<1x16xf32> to vector<16xf32>
      %swap3A_256 = vector.shape_cast %div3A_249 : vector<16xf32> to vector<1x16xf32>
      tpu.vector_store %arg6[%swap3A_252, %swap3A_253], %swap3A_256 {strides = array<i32>} : memref<512x128xf32, #tpu.memory_space<vmem>>, vector<1x16xf32>,
      %add3A_257 = arith.constant 128 : i32
      %add3A_258 = arith.addi %add3A_257, %scan3A_192 : i32
      %get3A_259 = arith.index_cast %add3A_258 : i32 to index
      %get3A_260 = arith.constant 48 : index
      %get3A_261 = tpu.vector_load %arg6[%get3A_259, %get3A_260] {strides = array<i32>} : memref<512x128xf32, #tpu.memory_space<vmem>>, vector<1x16xf32>,
      %get3A_262 = vector.shape_cast %get3A_261 : vector<1x16xf32> to vector<16xf32>
      %neg3A_263 = arith.constant 0.000000e+00 : f32
      %neg3A_264 = vector.broadcast %neg3A_263 : f32 to vector<16xf32>
      %neg3A_265 = arith.subf %neg3A_264, %get3A_262 : vector<16xf32>
      %exp3A_266 = math.exp %neg3A_265 : vector<16xf32>
      %add3A_267 = arith.constant 1.000000e+00 : f32
      %add3A_268 = vector.broadcast %add3A_267 : f32 to vector<16xf32>
      %add3A_269 = arith.addf %add3A_268, %exp3A_266 : vector<16xf32>
      %div3A_270 = arith.constant 1.000000e+00 : f32
      %div3A_271 = vector.broadcast %div3A_270 : f32 to vector<16xf32>
      %div3A_272 = arith.divf %div3A_271, %add3A_269 : vector<16xf32>
      %add3A_273 = arith.constant 128 : i32
      %add3A_274 = arith.addi %add3A_273, %scan3A_192 : i32
      %swap3A_275 = arith.index_cast %add3A_274 : i32 to index
      %swap3A_276 = arith.constant 48 : index
      %swap3A_277 = tpu.vector_load %arg6[%swap3A_275, %swap3A_276] {strides = array<i32>} : memref<512x128xf32, #tpu.memory_space<vmem>>, vector<1x16xf32>,
      %swap3A_278 = vector.shape_cast %swap3A_277 : vector<1x16xf32> to vector<16xf32>
      %swap3A_279 = vector.shape_cast %div3A_272 : vector<16xf32> to vector<1x16xf32>
      tpu.vector_store %arg6[%swap3A_275, %swap3A_276], %swap3A_279 {strides = array<i32>} : memref<512x128xf32, #tpu.memory_space<vmem>>, vector<1x16xf32>,
      %add3A_280 = arith.constant 128 : i32
      %add3A_281 = arith.addi %add3A_280, %scan3A_192 : i32
      %get3A_282 = arith.index_cast %add3A_281 : i32 to index
      %get3A_283 = arith.constant 64 : index
      %get3A_284 = tpu.vector_load %arg6[%get3A_282, %get3A_283] {strides = array<i32>} : memref<512x128xf32, #tpu.memory_space<vmem>>, vector<1x16xf32>,
      %get3A_285 = vector.shape_cast %get3A_284 : vector<1x16xf32> to vector<16xf32>
      %neg3A_286 = arith.constant 0.000000e+00 : f32
      %neg3A_287 = vector.broadcast %neg3A_286 : f32 to vector<16xf32>
      %neg3A_288 = arith.subf %neg3A_287, %get3A_285 : vector<16xf32>
      %exp3A_289 = math.exp %neg3A_288 : vector<16xf32>
      %add3A_290 = arith.constant 1.000000e+00 : f32
      %add3A_291 = vector.broadcast %add3A_290 : f32 to vector<16xf32>
      %add3A_292 = arith.addf %add3A_291, %exp3A_289 : vector<16xf32>
      %div3A_293 = arith.constant 1.000000e+00 : f32
      %div3A_294 = vector.broadcast %div3A_293 : f32 to vector<16xf32>
      %div3A_295 = arith.divf %div3A_294, %add3A_292 : vector<16xf32>
      %add3A_296 = arith.constant 128 : i32
      %add3A_297 = arith.addi %add3A_296, %scan3A_192 : i32
      %swap3A_298 = arith.index_cast %add3A_297 : i32 to index
      %swap3A_299 = arith.constant 64 : index
      %swap3A_300 = tpu.vector_load %arg6[%swap3A_298, %swap3A_299] {strides = array<i32>} : memref<512x128xf32, #tpu.memory_space<vmem>>, vector<1x16xf32>,
      %swap3A_301 = vector.shape_cast %swap3A_300 : vector<1x16xf32> to vector<16xf32>
      %swap3A_302 = vector.shape_cast %div3A_295 : vector<16xf32> to vector<1x16xf32>
      tpu.vector_store %arg6[%swap3A_298, %swap3A_299], %swap3A_302 {strides = array<i32>} : memref<512x128xf32, #tpu.memory_space<vmem>>, vector<1x16xf32>,
      %add3A_303 = arith.constant 128 : i32
      %add3A_304 = arith.addi %add3A_303, %scan3A_192 : i32
      %get3A_305 = arith.index_cast %add3A_304 : i32 to index
      %get3A_306 = arith.constant 80 : index
      %get3A_307 = tpu.vector_load %arg6[%get3A_305, %get3A_306] {strides = array<i32>} : memref<512x128xf32, #tpu.memory_space<vmem>>, vector<1x16xf32>,
      %get3A_308 = vector.shape_cast %get3A_307 : vector<1x16xf32> to vector<16xf32>
      %neg3A_309 = arith.constant 0.000000e+00 : f32
      %neg3A_310 = vector.broadcast %neg3A_309 : f32 to vector<16xf32>
      %neg3A_311 = arith.subf %neg3A_310, %get3A_308 : vector<16xf32>
      %exp3A_312 = math.exp %neg3A_311 : vector<16xf32>
      %add3A_313 = arith.constant 1.000000e+00 : f32
      %add3A_314 = vector.broadcast %add3A_313 : f32 to vector<16xf32>
      %add3A_315 = arith.addf %add3A_314, %exp3A_312 : vector<16xf32>
      %div3A_316 = arith.constant 1.000000e+00 : f32
      %div3A_317 = vector.broadcast %div3A_316 : f32 to vector<16xf32>
      %div3A_318 = arith.divf %div3A_317, %add3A_315 : vector<16xf32>
      %add3A_319 = arith.constant 128 : i32
      %add3A_320 = arith.addi %add3A_319, %scan3A_192 : i32
      %swap3A_321 = arith.index_cast %add3A_320 : i32 to index
      %swap3A_322 = arith.constant 80 : index
      %swap3A_323 = tpu.vector_load %arg6[%swap3A_321, %swap3A_322] {strides = array<i32>} : memref<512x128xf32, #tpu.memory_space<vmem>>, vector<1x16xf32>,
      %swap3A_324 = vector.shape_cast %swap3A_323 : vector<1x16xf32> to vector<16xf32>
      %swap3A_325 = vector.shape_cast %div3A_318 : vector<16xf32> to vector<1x16xf32>
      tpu.vector_store %arg6[%swap3A_321, %swap3A_322], %swap3A_325 {strides = array<i32>} : memref<512x128xf32, #tpu.memory_space<vmem>>, vector<1x16xf32>,
      %add3A_326 = arith.constant 128 : i32
      %add3A_327 = arith.addi %add3A_326, %scan3A_192 : i32
      %get3A_328 = arith.index_cast %add3A_327 : i32 to index
      %get3A_329 = arith.constant 96 : index
      %get3A_330 = tpu.vector_load %arg6[%get3A_328, %get3A_329] {strides = array<i32>} : memref<512x128xf32, #tpu.memory_space<vmem>>, vector<1x16xf32>,
      %get3A_331 = vector.shape_cast %get3A_330 : vector<1x16xf32> to vector<16xf32>
      %neg3A_332 = arith.constant 0.000000e+00 : f32
      %neg3A_333 = vector.broadcast %neg3A_332 : f32 to vector<16xf32>
      %neg3A_334 = arith.subf %neg3A_333, %get3A_331 : vector<16xf32>
      %exp3A_335 = math.exp %neg3A_334 : vector<16xf32>
      %add3A_336 = arith.constant 1.000000e+00 : f32
      %add3A_337 = vector.broadcast %add3A_336 : f32 to vector<16xf32>
      %add3A_338 = arith.addf %add3A_337, %exp3A_335 : vector<16xf32>
      %div3A_339 = arith.constant 1.000000e+00 : f32
      %div3A_340 = vector.broadcast %div3A_339 : f32 to vector<16xf32>
      %div3A_341 = arith.divf %div3A_340, %add3A_338 : vector<16xf32>
      %add3A_342 = arith.constant 128 : i32
      %add3A_343 = arith.addi %add3A_342, %scan3A_192 : i32
      %swap3A_344 = arith.index_cast %add3A_343 : i32 to index
      %swap3A_345 = arith.constant 96 : index
      %swap3A_346 = tpu.vector_load %arg6[%swap3A_344, %swap3A_345] {strides = array<i32>} : memref<512x128xf32, #tpu.memory_space<vmem>>, vector<1x16xf32>,
      %swap3A_347 = vector.shape_cast %swap3A_346 : vector<1x16xf32> to vector<16xf32>
      %swap3A_348 = vector.shape_cast %div3A_341 : vector<16xf32> to vector<1x16xf32>
      tpu.vector_store %arg6[%swap3A_344, %swap3A_345], %swap3A_348 {strides = array<i32>} : memref<512x128xf32, #tpu.memory_space<vmem>>, vector<1x16xf32>,
      %add3A_349 = arith.constant 128 : i32
      %add3A_350 = arith.addi %add3A_349, %scan3A_192 : i32
      %get3A_351 = arith.index_cast %add3A_350 : i32 to index
      %get3A_352 = arith.constant 112 : index
      %get3A_353 = tpu.vector_load %arg6[%get3A_351, %get3A_352] {strides = array<i32>} : memref<512x128xf32, #tpu.memory_space<vmem>>, vector<1x16xf32>,
      %get3A_354 = vector.shape_cast %get3A_353 : vector<1x16xf32> to vector<16xf32>
      %neg3A_355 = arith.constant 0.000000e+00 : f32
      %neg3A_356 = vector.broadcast %neg3A_355 : f32 to vector<16xf32>
      %neg3A_357 = arith.subf %neg3A_356, %get3A_354 : vector<16xf32>
      %exp3A_358 = math.exp %neg3A_357 : vector<16xf32>
      %add3A_359 = arith.constant 1.000000e+00 : f32
      %add3A_360 = vector.broadcast %add3A_359 : f32 to vector<16xf32>
      %add3A_361 = arith.addf %add3A_360, %exp3A_358 : vector<16xf32>
      %div3A_362 = arith.constant 1.000000e+00 : f32
      %div3A_363 = vector.broadcast %div3A_362 : f32 to vector<16xf32>
      %div3A_364 = arith.divf %div3A_363, %add3A_361 : vector<16xf32>
      %add3A_365 = arith.constant 128 : i32
      %add3A_366 = arith.addi %add3A_365, %scan3A_192 : i32
      %swap3A_367 = arith.index_cast %add3A_366 : i32 to index
      %swap3A_368 = arith.constant 112 : index
      %swap3A_369 = tpu.vector_load %arg6[%swap3A_367, %swap3A_368] {strides = array<i32>} : memref<512x128xf32, #tpu.memory_space<vmem>>, vector<1x16xf32>,
      %swap3A_370 = vector.shape_cast %swap3A_369 : vector<1x16xf32> to vector<16xf32>
      %swap3A_371 = vector.shape_cast %div3A_364 : vector<16xf32> to vector<1x16xf32>
      tpu.vector_store %arg6[%swap3A_367, %swap3A_368], %swap3A_371 {strides = array<i32>} : memref<512x128xf32, #tpu.memory_space<vmem>>, vector<1x16xf32>,
      %scan3A_372 = arith.constant 1 : i32
      %scan3A_373 = arith.addi %scan3A_192, %scan3A_372 : i32
      %add3A_374 = arith.constant 128 : i32
      %add3A_375 = arith.addi %add3A_374, %scan3A_373 : i32
      %get3A_376 = arith.index_cast %add3A_375 : i32 to index
      %get3A_377 = arith.constant 0 : index
      %get3A_378 = tpu.vector_load %arg6[%get3A_376, %get3A_377] {strides = array<i32>} : memref<512x128xf32, #tpu.memory_space<vmem>>, vector<1x16xf32>,
      %get3A_379 = vector.shape_cast %get3A_378 : vector<1x16xf32> to vector<16xf32>
      %neg3A_380 = arith.constant 0.000000e+00 : f32
      %neg3A_381 = vector.broadcast %neg3A_380 : f32 to vector<16xf32>
      %neg3A_382 = arith.subf %neg3A_381, %get3A_379 : vector<16xf32>
      %exp3A_383 = math.exp %neg3A_382 : vector<16xf32>
      %add3A_384 = arith.constant 1.000000e+00 : f32
      %add3A_385 = vector.broadcast %add3A_384 : f32 to vector<16xf32>
      %add3A_386 = arith.addf %add3A_385, %exp3A_383 : vector<16xf32>
      %div3A_387 = arith.constant 1.000000e+00 : f32
      %div3A_388 = vector.broadcast %div3A_387 : f32 to vector<16xf32>
      %div3A_389 = arith.divf %div3A_388, %add3A_386 : vector<16xf32>
      %add3A_390 = arith.constant 128 : i32
      %add3A_391 = arith.addi %add3A_390, %scan3A_373 : i32
      %swap3A_392 = arith.index_cast %add3A_391 : i32 to index
      %swap3A_393 = arith.constant 0 : index
      %swap3A_394 = tpu.vector_load %arg6[%swap3A_392, %swap3A_393] {strides = array<i32>} : memref<512x128xf32, #tpu.memory_space<vmem>>, vector<1x16xf32>,
      %swap3A_395 = vector.shape_cast %swap3A_394 : vector<1x16xf32> to vector<16xf32>
      %swap3A_396 = vector.shape_cast %div3A_389 : vector<16xf32> to vector<1x16xf32>
      tpu.vector_store %arg6[%swap3A_392, %swap3A_393], %swap3A_396 {strides = array<i32>} : memref<512x128xf32, #tpu.memory_space<vmem>>, vector<1x16xf32>,
      %add3A_397 = arith.constant 128 : i32
      %add3A_398 = arith.addi %add3A_397, %scan3A_373 : i32
      %get3A_399 = arith.index_cast %add3A_398 : i32 to index
      %get3A_400 = arith.constant 16 : index
      %get3A_401 = tpu.vector_load %arg6[%get3A_399, %get3A_400] {strides = array<i32>} : memref<512x128xf32, #tpu.memory_space<vmem>>, vector<1x16xf32>,
      %get3A_402 = vector.shape_cast %get3A_401 : vector<1x16xf32> to vector<16xf32>
      %neg3A_403 = arith.constant 0.000000e+00 : f32
      %neg3A_404 = vector.broadcast %neg3A_403 : f32 to vector<16xf32>
      %neg3A_405 = arith.subf %neg3A_404, %get3A_402 : vector<16xf32>
      %exp3A_406 = math.exp %neg3A_405 : vector<16xf32>
      %add3A_407 = arith.constant 1.000000e+00 : f32
      %add3A_408 = vector.broadcast %add3A_407 : f32 to vector<16xf32>
      %add3A_409 = arith.addf %add3A_408, %exp3A_406 : vector<16xf32>
      %div3A_410 = arith.constant 1.000000e+00 : f32
      %div3A_411 = vector.broadcast %div3A_410 : f32 to vector<16xf32>
      %div3A_412 = arith.divf %div3A_411, %add3A_409 : vector<16xf32>
      %add3A_413 = arith.constant 128 : i32
      %add3A_414 = arith.addi %add3A_413, %scan3A_373 : i32
      %swap3A_415 = arith.index_cast %add3A_414 : i32 to index
      %swap3A_416 = arith.constant 16 : index
      %swap3A_417 = tpu.vector_load %arg6[%swap3A_415, %swap3A_416] {strides = array<i32>} : memref<512x128xf32, #tpu.memory_space<vmem>>, vector<1x16xf32>,
      %swap3A_418 = vector.shape_cast %swap3A_417 : vector<1x16xf32> to vector<16xf32>
      %swap3A_419 = vector.shape_cast %div3A_412 : vector<16xf32> to vector<1x16xf32>
      tpu.vector_store %arg6[%swap3A_415, %swap3A_416], %swap3A_419 {strides = array<i32>} : memref<512x128xf32, #tpu.memory_space<vmem>>, vector<1x16xf32>,
      %add3A_420 = arith.constant 128 : i32
      %add3A_421 = arith.addi %add3A_420, %scan3A_373 : i32
      %get3A_422 = arith.index_cast %add3A_421 : i32 to index
      %get3A_423 = arith.constant 32 : index
      %get3A_424 = tpu.vector_load %arg6[%get3A_422, %get3A_423] {strides = array<i32>} : memref<512x128xf32, #tpu.memory_space<vmem>>, vector<1x16xf32>,
      %get3A_425 = vector.shape_cast %get3A_424 : vector<1x16xf32> to vector<16xf32>
      %neg3A_426 = arith.constant 0.000000e+00 : f32
      %neg3A_427 = vector.broadcast %neg3A_426 : f32 to vector<16xf32>
      %neg3A_428 = arith.subf %neg3A_427, %get3A_425 : vector<16xf32>
      %exp3A_429 = math.exp %neg3A_428 : vector<16xf32>
      %add3A_430 = arith.constant 1.000000e+00 : f32
      %add3A_431 = vector.broadcast %add3A_430 : f32 to vector<16xf32>
      %add3A_432 = arith.addf %add3A_431, %exp3A_429 : vector<16xf32>
      %div3A_433 = arith.constant 1.000000e+00 : f32
      %div3A_434 = vector.broadcast %div3A_433 : f32 to vector<16xf32>
      %div3A_435 = arith.divf %div3A_434, %add3A_432 : vector<16xf32>
      %add3A_436 = arith.constant 128 : i32
      %add3A_437 = arith.addi %add3A_436, %scan3A_373 : i32
      %swap3A_438 = arith.index_cast %add3A_437 : i32 to index
      %swap3A_439 = arith.constant 32 : index
      %swap3A_440 = tpu.vector_load %arg6[%swap3A_438, %swap3A_439] {strides = array<i32>} : memref<512x128xf32, #tpu.memory_space<vmem>>, vector<1x16xf32>,
      %swap3A_441 = vector.shape_cast %swap3A_440 : vector<1x16xf32> to vector<16xf32>
      %swap3A_442 = vector.shape_cast %div3A_435 : vector<16xf32> to vector<1x16xf32>
      tpu.vector_store %arg6[%swap3A_438, %swap3A_439], %swap3A_442 {strides = array<i32>} : memref<512x128xf32, #tpu.memory_space<vmem>>, vector<1x16xf32>,
      %add3A_443 = arith.constant 128 : i32
      %add3A_444 = arith.addi %add3A_443, %scan3A_373 : i32
      %get3A_445 = arith.index_cast %add3A_444 : i32 to index
      %get3A_446 = arith.constant 48 : index
      %get3A_447 = tpu.vector_load %arg6[%get3A_445, %get3A_446] {strides = array<i32>} : memref<512x128xf32, #tpu.memory_space<vmem>>, vector<1x16xf32>,
      %get3A_448 = vector.shape_cast %get3A_447 : vector<1x16xf32> to vector<16xf32>
      %neg3A_449 = arith.constant 0.000000e+00 : f32
      %neg3A_450 = vector.broadcast %neg3A_449 : f32 to vector<16xf32>
      %neg3A_451 = arith.subf %neg3A_450, %get3A_448 : vector<16xf32>
      %exp3A_452 = math.exp %neg3A_451 : vector<16xf32>
      %add3A_453 = arith.constant 1.000000e+00 : f32
      %add3A_454 = vector.broadcast %add3A_453 : f32 to vector<16xf32>
      %add3A_455 = arith.addf %add3A_454, %exp3A_452 : vector<16xf32>
      %div3A_456 = arith.constant 1.000000e+00 : f32
      %div3A_457 = vector.broadcast %div3A_456 : f32 to vector<16xf32>
      %div3A_458 = arith.divf %div3A_457, %add3A_455 : vector<16xf32>
      %add3A_459 = arith.constant 128 : i32
      %add3A_460 = arith.addi %add3A_459, %scan3A_373 : i32
      %swap3A_461 = arith.index_cast %add3A_460 : i32 to index
      %swap3A_462 = arith.constant 48 : index
      %swap3A_463 = tpu.vector_load %arg6[%swap3A_461, %swap3A_462] {strides = array<i32>} : memref<512x128xf32, #tpu.memory_space<vmem>>, vector<1x16xf32>,
      %swap3A_464 = vector.shape_cast %swap3A_463 : vector<1x16xf32> to vector<16xf32>
      %swap3A_465 = vector.shape_cast %div3A_458 : vector<16xf32> to vector<1x16xf32>
      tpu.vector_store %arg6[%swap3A_461, %swap3A_462], %swap3A_465 {strides = array<i32>} : memref<512x128xf32, #tpu.memory_space<vmem>>, vector<1x16xf32>,
      %add3A_466 = arith.constant 128 : i32
      %add3A_467 = arith.addi %add3A_466, %scan3A_373 : i32
      %get3A_468 = arith.index_cast %add3A_467 : i32 to index
      %get3A_469 = arith.constant 64 : index
      %get3A_470 = tpu.vector_load %arg6[%get3A_468, %get3A_469] {strides = array<i32>} : memref<512x128xf32, #tpu.memory_space<vmem>>, vector<1x16xf32>,
      %get3A_471 = vector.shape_cast %get3A_470 : vector<1x16xf32> to vector<16xf32>
      %neg3A_472 = arith.constant 0.000000e+00 : f32
      %neg3A_473 = vector.broadcast %neg3A_472 : f32 to vector<16xf32>
      %neg3A_474 = arith.subf %neg3A_473, %get3A_471 : vector<16xf32>
      %exp3A_475 = math.exp %neg3A_474 : vector<16xf32>
      %add3A_476 = arith.constant 1.000000e+00 : f32
      %add3A_477 = vector.broadcast %add3A_476 : f32 to vector<16xf32>
      %add3A_478 = arith.addf %add3A_477, %exp3A_475 : vector<16xf32>
      %div3A_479 = arith.constant 1.000000e+00 : f32
      %div3A_480 = vector.broadcast %div3A_479 : f32 to vector<16xf32>
      %div3A_481 = arith.divf %div3A_480, %add3A_478 : vector<16xf32>
      %add3A_482 = arith.constant 128 : i32
      %add3A_483 = arith.addi %add3A_482, %scan3A_373 : i32
      %swap3A_484 = arith.index_cast %add3A_483 : i32 to index
      %swap3A_485 = arith.constant 64 : index
      %swap3A_486 = tpu.vector_load %arg6[%swap3A_484, %swap3A_485] {strides = array<i32>} : memref<512x128xf32, #tpu.memory_space<vmem>>, vector<1x16xf32>,
      %swap3A_487 = vector.shape_cast %swap3A_486 : vector<1x16xf32> to vector<16xf32>
      %swap3A_488 = vector.shape_cast %div3A_481 : vector<16xf32> to vector<1x16xf32>
      tpu.vector_store %arg6[%swap3A_484, %swap3A_485], %swap3A_488 {strides = array<i32>} : memref<512x128xf32, #tpu.memory_space<vmem>>, vector<1x16xf32>,
      %add3A_489 = arith.constant 128 : i32
      %add3A_490 = arith.addi %add3A_489, %scan3A_373 : i32
      %get3A_491 = arith.index_cast %add3A_490 : i32 to index
      %get3A_492 = arith.constant 80 : index
      %get3A_493 = tpu.vector_load %arg6[%get3A_491, %get3A_492] {strides = array<i32>} : memref<512x128xf32, #tpu.memory_space<vmem>>, vector<1x16xf32>,
      %get3A_494 = vector.shape_cast %get3A_493 : vector<1x16xf32> to vector<16xf32>
      %neg3A_495 = arith.constant 0.000000e+00 : f32
      %neg3A_496 = vector.broadcast %neg3A_495 : f32 to vector<16xf32>
      %neg3A_497 = arith.subf %neg3A_496, %get3A_494 : vector<16xf32>
      %exp3A_498 = math.exp %neg3A_497 : vector<16xf32>
      %add3A_499 = arith.constant 1.000000e+00 : f32
      %add3A_500 = vector.broadcast %add3A_499 : f32 to vector<16xf32>
      %add3A_501 = arith.addf %add3A_500, %exp3A_498 : vector<16xf32>
      %div3A_502 = arith.constant 1.000000e+00 : f32
      %div3A_503 = vector.broadcast %div3A_502 : f32 to vector<16xf32>
      %div3A_504 = arith.divf %div3A_503, %add3A_501 : vector<16xf32>
      %add3A_505 = arith.constant 128 : i32
      %add3A_506 = arith.addi %add3A_505, %scan3A_373 : i32
      %swap3A_507 = arith.index_cast %add3A_506 : i32 to index
      %swap3A_508 = arith.constant 80 : index
      %swap3A_509 = tpu.vector_load %arg6[%swap3A_507, %swap3A_508] {strides = array<i32>} : memref<512x128xf32, #tpu.memory_space<vmem>>, vector<1x16xf32>,
      %swap3A_510 = vector.shape_cast %swap3A_509 : vector<1x16xf32> to vector<16xf32>
      %swap3A_511 = vector.shape_cast %div3A_504 : vector<16xf32> to vector<1x16xf32>
      tpu.vector_store %arg6[%swap3A_507, %swap3A_508], %swap3A_511 {strides = array<i32>} : memref<512x128xf32, #tpu.memory_space<vmem>>, vector<1x16xf32>,
      %add3A_512 = arith.constant 128 : i32
      %add3A_513 = arith.addi %add3A_512, %scan3A_373 : i32
      %get3A_514 = arith.index_cast %add3A_513 : i32 to index
      %get3A_515 = arith.constant 96 : index
      %get3A_516 = tpu.vector_load %arg6[%get3A_514, %get3A_515] {strides = array<i32>} : memref<512x128xf32, #tpu.memory_space<vmem>>, vector<1x16xf32>,
      %get3A_517 = vector.shape_cast %get3A_516 : vector<1x16xf32> to vector<16xf32>
      %neg3A_518 = arith.constant 0.000000e+00 : f32
      %neg3A_519 = vector.broadcast %neg3A_518 : f32 to vector<16xf32>
      %neg3A_520 = arith.subf %neg3A_519, %get3A_517 : vector<16xf32>
      %exp3A_521 = math.exp %neg3A_520 : vector<16xf32>
      %add3A_522 = arith.constant 1.000000e+00 : f32
      %add3A_523 = vector.broadcast %add3A_522 : f32 to vector<16xf32>
      %add3A_524 = arith.addf %add3A_523, %exp3A_521 : vector<16xf32>
      %div3A_525 = arith.constant 1.000000e+00 : f32
      %div3A_526 = vector.broadcast %div3A_525 : f32 to vector<16xf32>
      %div3A_527 = arith.divf %div3A_526, %add3A_524 : vector<16xf32>
      %add3A_528 = arith.constant 128 : i32
      %add3A_529 = arith.addi %add3A_528, %scan3A_373 : i32
      %swap3A_530 = arith.index_cast %add3A_529 : i32 to index
      %swap3A_531 = arith.constant 96 : index
      %swap3A_532 = tpu.vector_load %arg6[%swap3A_530, %swap3A_531] {strides = array<i32>} : memref<512x128xf32, #tpu.memory_space<vmem>>, vector<1x16xf32>,
      %swap3A_533 = vector.shape_cast %swap3A_532 : vector<1x16xf32> to vector<16xf32>
      %swap3A_534 = vector.shape_cast %div3A_527 : vector<16xf32> to vector<1x16xf32>
      tpu.vector_store %arg6[%swap3A_530, %swap3A_531], %swap3A_534 {strides = array<i32>} : memref<512x128xf32, #tpu.memory_space<vmem>>, vector<1x16xf32>,
      %add3A_535 = arith.constant 128 : i32
      %add3A_536 = arith.addi %add3A_535, %scan3A_373 : i32
      %get3A_537 = arith.index_cast %add3A_536 : i32 to index
      %get3A_538 = arith.constant 112 : index
      %get3A_539 = tpu.vector_load %arg6[%get3A_537, %get3A_538] {strides = array<i32>} : memref<512x128xf32, #tpu.memory_space<vmem>>, vector<1x16xf32>,
      %get3A_540 = vector.shape_cast %get3A_539 : vector<1x16xf32> to vector<16xf32>
      %neg3A_541 = arith.constant 0.000000e+00 : f32
      %neg3A_542 = vector.broadcast %neg3A_541 : f32 to vector<16xf32>
      %neg3A_543 = arith.subf %neg3A_542, %get3A_540 : vector<16xf32>
      %exp3A_544 = math.exp %neg3A_543 : vector<16xf32>
      %add3A_545 = arith.constant 1.000000e+00 : f32
      %add3A_546 = vector.broadcast %add3A_545 : f32 to vector<16xf32>
      %add3A_547 = arith.addf %add3A_546, %exp3A_544 : vector<16xf32>
      %div3A_548 = arith.constant 1.000000e+00 : f32
      %div3A_549 = vector.broadcast %div3A_548 : f32 to vector<16xf32>
      %div3A_550 = arith.divf %div3A_549, %add3A_547 : vector<16xf32>
      %add3A_551 = arith.constant 128 : i32
      %add3A_552 = arith.addi %add3A_551, %scan3A_373 : i32
      %swap3A_553 = arith.index_cast %add3A_552 : i32 to index
      %swap3A_554 = arith.constant 112 : index
      %swap3A_555 = tpu.vector_load %arg6[%swap3A_553, %swap3A_554] {strides = array<i32>} : memref<512x128xf32, #tpu.memory_space<vmem>>, vector<1x16xf32>,
      %swap3A_556 = vector.shape_cast %swap3A_555 : vector<1x16xf32> to vector<16xf32>
      %swap3A_557 = vector.shape_cast %div3A_550 : vector<16xf32> to vector<1x16xf32>
      tpu.vector_store %arg6[%swap3A_553, %swap3A_554], %swap3A_557 {strides = array<i32>} : memref<512x128xf32, #tpu.memory_space<vmem>>, vector<1x16xf32>,
      %scan3A_558 = arith.constant 2 : i32
      %scan3A_559 = arith.addi %scan3A_192, %scan3A_558 : i32
      %add3A_560 = arith.constant 128 : i32
      %add3A_561 = arith.addi %add3A_560, %scan3A_559 : i32
      %get3A_562 = arith.index_cast %add3A_561 : i32 to index
      %get3A_563 = arith.constant 0 : index
      %get3A_564 = tpu.vector_load %arg6[%get3A_562, %get3A_563] {strides = array<i32>} : memref<512x128xf32, #tpu.memory_space<vmem>>, vector<1x16xf32>,
      %get3A_565 = vector.shape_cast %get3A_564 : vector<1x16xf32> to vector<16xf32>
      %neg3A_566 = arith.constant 0.000000e+00 : f32
      %neg3A_567 = vector.broadcast %neg3A_566 : f32 to vector<16xf32>
      %neg3A_568 = arith.subf %neg3A_567, %get3A_565 : vector<16xf32>
      %exp3A_569 = math.exp %neg3A_568 : vector<16xf32>
      %add3A_570 = arith.constant 1.000000e+00 : f32
      %add3A_571 = vector.broadcast %add3A_570 : f32 to vector<16xf32>
      %add3A_572 = arith.addf %add3A_571, %exp3A_569 : vector<16xf32>
      %div3A_573 = arith.constant 1.000000e+00 : f32
      %div3A_574 = vector.broadcast %div3A_573 : f32 to vector<16xf32>
      %div3A_575 = arith.divf %div3A_574, %add3A_572 : vector<16xf32>
      %add3A_576 = arith.constant 128 : i32
      %add3A_577 = arith.addi %add3A_576, %scan3A_559 : i32
      %swap3A_578 = arith.index_cast %add3A_577 : i32 to index
      %swap3A_579 = arith.constant 0 : index
      %swap3A_580 = tpu.vector_load %arg6[%swap3A_578, %swap3A_579] {strides = array<i32>} : memref<512x128xf32, #tpu.memory_space<vmem>>, vector<1x16xf32>,
      %swap3A_581 = vector.shape_cast %swap3A_580 : vector<1x16xf32> to vector<16xf32>
      %swap3A_582 = vector.shape_cast %div3A_575 : vector<16xf32> to vector<1x16xf32>
      tpu.vector_store %arg6[%swap3A_578, %swap3A_579], %swap3A_582 {strides = array<i32>} : memref<512x128xf32, #tpu.memory_space<vmem>>, vector<1x16xf32>,
      %add3A_583 = arith.constant 128 : i32
      %add3A_584 = arith.addi %add3A_583, %scan3A_559 : i32
      %get3A_585 = arith.index_cast %add3A_584 : i32 to index
      %get3A_586 = arith.constant 16 : index
      %get3A_587 = tpu.vector_load %arg6[%get3A_585, %get3A_586] {strides = array<i32>} : memref<512x128xf32, #tpu.memory_space<vmem>>, vector<1x16xf32>,
      %get3A_588 = vector.shape_cast %get3A_587 : vector<1x16xf32> to vector<16xf32>
      %neg3A_589 = arith.constant 0.000000e+00 : f32
      %neg3A_590 = vector.broadcast %neg3A_589 : f32 to vector<16xf32>
      %neg3A_591 = arith.subf %neg3A_590, %get3A_588 : vector<16xf32>
      %exp3A_592 = math.exp %neg3A_591 : vector<16xf32>
      %add3A_593 = arith.constant 1.000000e+00 : f32
      %add3A_594 = vector.broadcast %add3A_593 : f32 to vector<16xf32>
      %add3A_595 = arith.addf %add3A_594, %exp3A_592 : vector<16xf32>
      %div3A_596 = arith.constant 1.000000e+00 : f32
      %div3A_597 = vector.broadcast %div3A_596 : f32 to vector<16xf32>
      %div3A_598 = arith.divf %div3A_597, %add3A_595 : vector<16xf32>
      %add3A_599 = arith.constant 128 : i32
      %add3A_600 = arith.addi %add3A_599, %scan3A_559 : i32
      %swap3A_601 = arith.index_cast %add3A_600 : i32 to index
      %swap3A_602 = arith.constant 16 : index
      %swap3A_603 = tpu.vector_load %arg6[%swap3A_601, %swap3A_602] {strides = array<i32>} : memref<512x128xf32, #tpu.memory_space<vmem>>, vector<1x16xf32>,
      %swap3A_604 = vector.shape_cast %swap3A_603 : vector<1x16xf32> to vector<16xf32>
      %swap3A_605 = vector.shape_cast %div3A_598 : vector<16xf32> to vector<1x16xf32>
      tpu.vector_store %arg6[%swap3A_601, %swap3A_602], %swap3A_605 {strides = array<i32>} : memref<512x128xf32, #tpu.memory_space<vmem>>, vector<1x16xf32>,
      %add3A_606 = arith.constant 128 : i32
      %add3A_607 = arith.addi %add3A_606, %scan3A_559 : i32
      %get3A_608 = arith.index_cast %add3A_607 : i32 to index
      %get3A_609 = arith.constant 32 : index
      %get3A_610 = tpu.vector_load %arg6[%get3A_608, %get3A_609] {strides = array<i32>} : memref<512x128xf32, #tpu.memory_space<vmem>>, vector<1x16xf32>,
      %get3A_611 = vector.shape_cast %get3A_610 : vector<1x16xf32> to vector<16xf32>
      %neg3A_612 = arith.constant 0.000000e+00 : f32
      %neg3A_613 = vector.broadcast %neg3A_612 : f32 to vector<16xf32>
      %neg3A_614 = arith.subf %neg3A_613, %get3A_611 : vector<16xf32>
      %exp3A_615 = math.exp %neg3A_614 : vector<16xf32>
      %add3A_616 = arith.constant 1.000000e+00 : f32
      %add3A_617 = vector.broadcast %add3A_616 : f32 to vector<16xf32>
      %add3A_618 = arith.addf %add3A_617, %exp3A_615 : vector<16xf32>
      %div3A_619 = arith.constant 1.000000e+00 : f32
      %div3A_620 = vector.broadcast %div3A_619 : f32 to vector<16xf32>
      %div3A_621 = arith.divf %div3A_620, %add3A_618 : vector<16xf32>
      %add3A_622 = arith.constant 128 : i32
      %add3A_623 = arith.addi %add3A_622, %scan3A_559 : i32
      %swap3A_624 = arith.index_cast %add3A_623 : i32 to index
      %swap3A_625 = arith.constant 32 : index
      %swap3A_626 = tpu.vector_load %arg6[%swap3A_624, %swap3A_625] {strides = array<i32>} : memref<512x128xf32, #tpu.memory_space<vmem>>, vector<1x16xf32>,
      %swap3A_627 = vector.shape_cast %swap3A_626 : vector<1x16xf32> to vector<16xf32>
      %swap3A_628 = vector.shape_cast %div3A_621 : vector<16xf32> to vector<1x16xf32>
      tpu.vector_store %arg6[%swap3A_624, %swap3A_625], %swap3A_628 {strides = array<i32>} : memref<512x128xf32, #tpu.memory_space<vmem>>, vector<1x16xf32>,
      %add3A_629 = arith.constant 128 : i32
      %add3A_630 = arith.addi %add3A_629, %scan3A_559 : i32
      %get3A_631 = arith.index_cast %add3A_630 : i32 to index
      %get3A_632 = arith.constant 48 : index
      %get3A_633 = tpu.vector_load %arg6[%get3A_631, %get3A_632] {strides = array<i32>} : memref<512x128xf32, #tpu.memory_space<vmem>>, vector<1x16xf32>,
      %get3A_634 = vector.shape_cast %get3A_633 : vector<1x16xf32> to vector<16xf32>
      %neg3A_635 = arith.constant 0.000000e+00 : f32
      %neg3A_636 = vector.broadcast %neg3A_635 : f32 to vector<16xf32>
      %neg3A_637 = arith.subf %neg3A_636, %get3A_634 : vector<16xf32>
      %exp3A_638 = math.exp %neg3A_637 : vector<16xf32>
      %add3A_639 = arith.constant 1.000000e+00 : f32
      %add3A_640 = vector.broadcast %add3A_639 : f32 to vector<16xf32>
      %add3A_641 = arith.addf %add3A_640, %exp3A_638 : vector<16xf32>
      %div3A_642 = arith.constant 1.000000e+00 : f32
      %div3A_643 = vector.broadcast %div3A_642 : f32 to vector<16xf32>
      %div3A_644 = arith.divf %div3A_643, %add3A_641 : vector<16xf32>
      %add3A_645 = arith.constant 128 : i32
      %add3A_646 = arith.addi %add3A_645, %scan3A_559 : i32
      %swap3A_647 = arith.index_cast %add3A_646 : i32 to index
      %swap3A_648 = arith.constant 48 : index
      %swap3A_649 = tpu.vector_load %arg6[%swap3A_647, %swap3A_648] {strides = array<i32>} : memref<512x128xf32, #tpu.memory_space<vmem>>, vector<1x16xf32>,
      %swap3A_650 = vector.shape_cast %swap3A_649 : vector<1x16xf32> to vector<16xf32>
      %swap3A_651 = vector.shape_cast %div3A_644 : vector<16xf32> to vector<1x16xf32>
      tpu.vector_store %arg6[%swap3A_647, %swap3A_648], %swap3A_651 {strides = array<i32>} : memref<512x128xf32, #tpu.memory_space<vmem>>, vector<1x16xf32>,
      %add3A_652 = arith.constant 128 : i32
      %add3A_653 = arith.addi %add3A_652, %scan3A_559 : i32
      %get3A_654 = arith.index_cast %add3A_653 : i32 to index
      %get3A_655 = arith.constant 64 : index
      %get3A_656 = tpu.vector_load %arg6[%get3A_654, %get3A_655] {strides = array<i32>} : memref<512x128xf32, #tpu.memory_space<vmem>>, vector<1x16xf32>,
      %get3A_657 = vector.shape_cast %get3A_656 : vector<1x16xf32> to vector<16xf32>
      %neg3A_658 = arith.constant 0.000000e+00 : f32
      %neg3A_659 = vector.broadcast %neg3A_658 : f32 to vector<16xf32>
      %neg3A_660 = arith.subf %neg3A_659, %get3A_657 : vector<16xf32>
      %exp3A_661 = math.exp %neg3A_660 : vector<16xf32>
      %add3A_662 = arith.constant 1.000000e+00 : f32
      %add3A_663 = vector.broadcast %add3A_662 : f32 to vector<16xf32>
      %add3A_664 = arith.addf %add3A_663, %exp3A_661 : vector<16xf32>
      %div3A_665 = arith.constant 1.000000e+00 : f32
      %div3A_666 = vector.broadcast %div3A_665 : f32 to vector<16xf32>
      %div3A_667 = arith.divf %div3A_666, %add3A_664 : vector<16xf32>
      %add3A_668 = arith.constant 128 : i32
      %add3A_669 = arith.addi %add3A_668, %scan3A_559 : i32
      %swap3A_670 = arith.index_cast %add3A_669 : i32 to index
      %swap3A_671 = arith.constant 64 : index
      %swap3A_672 = tpu.vector_load %arg6[%swap3A_670, %swap3A_671] {strides = array<i32>} : memref<512x128xf32, #tpu.memory_space<vmem>>, vector<1x16xf32>,
      %swap3A_673 = vector.shape_cast %swap3A_672 : vector<1x16xf32> to vector<16xf32>
      %swap3A_674 = vector.shape_cast %div3A_667 : vector<16xf32> to vector<1x16xf32>
      tpu.vector_store %arg6[%swap3A_670, %swap3A_671], %swap3A_674 {strides = array<i32>} : memref<512x128xf32, #tpu.memory_space<vmem>>, vector<1x16xf32>,
      %add3A_675 = arith.constant 128 : i32
      %add3A_676 = arith.addi %add3A_675, %scan3A_559 : i32
      %get3A_677 = arith.index_cast %add3A_676 : i32 to index
      %get3A_678 = arith.constant 80 : index
      %get3A_679 = tpu.vector_load %arg6[%get3A_677, %get3A_678] {strides = array<i32>} : memref<512x128xf32, #tpu.memory_space<vmem>>, vector<1x16xf32>,
      %get3A_680 = vector.shape_cast %get3A_679 : vector<1x16xf32> to vector<16xf32>
      %neg3A_681 = arith.constant 0.000000e+00 : f32
      %neg3A_682 = vector.broadcast %neg3A_681 : f32 to vector<16xf32>
      %neg3A_683 = arith.subf %neg3A_682, %get3A_680 : vector<16xf32>
      %exp3A_684 = math.exp %neg3A_683 : vector<16xf32>
      %add3A_685 = arith.constant 1.000000e+00 : f32
      %add3A_686 = vector.broadcast %add3A_685 : f32 to vector<16xf32>
      %add3A_687 = arith.addf %add3A_686, %exp3A_684 : vector<16xf32>
      %div3A_688 = arith.constant 1.000000e+00 : f32
      %div3A_689 = vector.broadcast %div3A_688 : f32 to vector<16xf32>
      %div3A_690 = arith.divf %div3A_689, %add3A_687 : vector<16xf32>
      %add3A_691 = arith.constant 128 : i32
      %add3A_692 = arith.addi %add3A_691, %scan3A_559 : i32
      %swap3A_693 = arith.index_cast %add3A_692 : i32 to index
      %swap3A_694 = arith.constant 80 : index
      %swap3A_695 = tpu.vector_load %arg6[%swap3A_693, %swap3A_694] {strides = array<i32>} : memref<512x128xf32, #tpu.memory_space<vmem>>, vector<1x16xf32>,
      %swap3A_696 = vector.shape_cast %swap3A_695 : vector<1x16xf32> to vector<16xf32>
      %swap3A_697 = vector.shape_cast %div3A_690 : vector<16xf32> to vector<1x16xf32>
      tpu.vector_store %arg6[%swap3A_693, %swap3A_694], %swap3A_697 {strides = array<i32>} : memref<512x128xf32, #tpu.memory_space<vmem>>, vector<1x16xf32>,
      %add3A_698 = arith.constant 128 : i32
      %add3A_699 = arith.addi %add3A_698, %scan3A_559 : i32
      %get3A_700 = arith.index_cast %add3A_699 : i32 to index
      %get3A_701 = arith.constant 96 : index
      %get3A_702 = tpu.vector_load %arg6[%get3A_700, %get3A_701] {strides = array<i32>} : memref<512x128xf32, #tpu.memory_space<vmem>>, vector<1x16xf32>,
      %get3A_703 = vector.shape_cast %get3A_702 : vector<1x16xf32> to vector<16xf32>
      %neg3A_704 = arith.constant 0.000000e+00 : f32
      %neg3A_705 = vector.broadcast %neg3A_704 : f32 to vector<16xf32>
      %neg3A_706 = arith.subf %neg3A_705, %get3A_703 : vector<16xf32>
      %exp3A_707 = math.exp %neg3A_706 : vector<16xf32>
      %add3A_708 = arith.constant 1.000000e+00 : f32
      %add3A_709 = vector.broadcast %add3A_708 : f32 to vector<16xf32>
      %add3A_710 = arith.addf %add3A_709, %exp3A_707 : vector<16xf32>
      %div3A_711 = arith.constant 1.000000e+00 : f32
      %div3A_712 = vector.broadcast %div3A_711 : f32 to vector<16xf32>
      %div3A_713 = arith.divf %div3A_712, %add3A_710 : vector<16xf32>
      %add3A_714 = arith.constant 128 : i32
      %add3A_715 = arith.addi %add3A_714, %scan3A_559 : i32
      %swap3A_716 = arith.index_cast %add3A_715 : i32 to index
      %swap3A_717 = arith.constant 96 : index
      %swap3A_718 = tpu.vector_load %arg6[%swap3A_716, %swap3A_717] {strides = array<i32>} : memref<512x128xf32, #tpu.memory_space<vmem>>, vector<1x16xf32>,
      %swap3A_719 = vector.shape_cast %swap3A_718 : vector<1x16xf32> to vector<16xf32>
      %swap3A_720 = vector.shape_cast %div3A_713 : vector<16xf32> to vector<1x16xf32>
      tpu.vector_store %arg6[%swap3A_716, %swap3A_717], %swap3A_720 {strides = array<i32>} : memref<512x128xf32, #tpu.memory_space<vmem>>, vector<1x16xf32>,
      %add3A_721 = arith.constant 128 : i32
      %add3A_722 = arith.addi %add3A_721, %scan3A_559 : i32
      %get3A_723 = arith.index_cast %add3A_722 : i32 to index
      %get3A_724 = arith.constant 112 : index
      %get3A_725 = tpu.vector_load %arg6[%get3A_723, %get3A_724] {strides = array<i32>} : memref<512x128xf32, #tpu.memory_space<vmem>>, vector<1x16xf32>,
      %get3A_726 = vector.shape_cast %get3A_725 : vector<1x16xf32> to vector<16xf32>
      %neg3A_727 = arith.constant 0.000000e+00 : f32
      %neg3A_728 = vector.broadcast %neg3A_727 : f32 to vector<16xf32>
      %neg3A_729 = arith.subf %neg3A_728, %get3A_726 : vector<16xf32>
      %exp3A_730 = math.exp %neg3A_729 : vector<16xf32>
      %add3A_731 = arith.constant 1.000000e+00 : f32
      %add3A_732 = vector.broadcast %add3A_731 : f32 to vector<16xf32>
      %add3A_733 = arith.addf %add3A_732, %exp3A_730 : vector<16xf32>
      %div3A_734 = arith.constant 1.000000e+00 : f32
      %div3A_735 = vector.broadcast %div3A_734 : f32 to vector<16xf32>
      %div3A_736 = arith.divf %div3A_735, %add3A_733 : vector<16xf32>
      %add3A_737 = arith.constant 128 : i32
      %add3A_738 = arith.addi %add3A_737, %scan3A_559 : i32
      %swap3A_739 = arith.index_cast %add3A_738 : i32 to index
      %swap3A_740 = arith.constant 112 : index
      %swap3A_741 = tpu.vector_load %arg6[%swap3A_739, %swap3A_740] {strides = array<i32>} : memref<512x128xf32, #tpu.memory_space<vmem>>, vector<1x16xf32>,
      %swap3A_742 = vector.shape_cast %swap3A_741 : vector<1x16xf32> to vector<16xf32>
      %swap3A_743 = vector.shape_cast %div3A_736 : vector<16xf32> to vector<1x16xf32>
      tpu.vector_store %arg6[%swap3A_739, %swap3A_740], %swap3A_743 {strides = array<i32>} : memref<512x128xf32, #tpu.memory_space<vmem>>, vector<1x16xf32>,
      %scan3A_744 = arith.constant 3 : i32
      %scan3A_745 = arith.addi %scan3A_192, %scan3A_744 : i32
      %add3A_746 = arith.constant 128 : i32
      %add3A_747 = arith.addi %add3A_746, %scan3A_745 : i32
      %get3A_748 = arith.index_cast %add3A_747 : i32 to index
      %get3A_749 = arith.constant 0 : index
      %get3A_750 = tpu.vector_load %arg6[%get3A_748, %get3A_749] {strides = array<i32>} : memref<512x128xf32, #tpu.memory_space<vmem>>, vector<1x16xf32>,
      %get3A_751 = vector.shape_cast %get3A_750 : vector<1x16xf32> to vector<16xf32>
      %neg3A_752 = arith.constant 0.000000e+00 : f32
      %neg3A_753 = vector.broadcast %neg3A_752 : f32 to vector<16xf32>
      %neg3A_754 = arith.subf %neg3A_753, %get3A_751 : vector<16xf32>
      %exp3A_755 = math.exp %neg3A_754 : vector<16xf32>
      %add3A_756 = arith.constant 1.000000e+00 : f32
      %add3A_757 = vector.broadcast %add3A_756 : f32 to vector<16xf32>
      %add3A_758 = arith.addf %add3A_757, %exp3A_755 : vector<16xf32>
      %div3A_759 = arith.constant 1.000000e+00 : f32
      %div3A_760 = vector.broadcast %div3A_759 : f32 to vector<16xf32>
      %div3A_761 = arith.divf %div3A_760, %add3A_758 : vector<16xf32>
      %add3A_762 = arith.constant 128 : i32
      %add3A_763 = arith.addi %add3A_762, %scan3A_745 : i32
      %swap3A_764 = arith.index_cast %add3A_763 : i32 to index
      %swap3A_765 = arith.constant 0 : index
      %swap3A_766 = tpu.vector_load %arg6[%swap3A_764, %swap3A_765] {strides = array<i32>} : memref<512x128xf32, #tpu.memory_space<vmem>>, vector<1x16xf32>,
      %swap3A_767 = vector.shape_cast %swap3A_766 : vector<1x16xf32> to vector<16xf32>
      %swap3A_768 = vector.shape_cast %div3A_761 : vector<16xf32> to vector<1x16xf32>
      tpu.vector_store %arg6[%swap3A_764, %swap3A_765], %swap3A_768 {strides = array<i32>} : memref<512x128xf32, #tpu.memory_space<vmem>>, vector<1x16xf32>,
      %add3A_769 = arith.constant 128 : i32
      %add3A_770 = arith.addi %add3A_769, %scan3A_745 : i32
      %get3A_771 = arith.index_cast %add3A_770 : i32 to index
      %get3A_772 = arith.constant 16 : index
      %get3A_773 = tpu.vector_load %arg6[%get3A_771, %get3A_772] {strides = array<i32>} : memref<512x128xf32, #tpu.memory_space<vmem>>, vector<1x16xf32>,
      %get3A_774 = vector.shape_cast %get3A_773 : vector<1x16xf32> to vector<16xf32>
      %neg3A_775 = arith.constant 0.000000e+00 : f32
      %neg3A_776 = vector.broadcast %neg3A_775 : f32 to vector<16xf32>
      %neg3A_777 = arith.subf %neg3A_776, %get3A_774 : vector<16xf32>
      %exp3A_778 = math.exp %neg3A_777 : vector<16xf32>
      %add3A_779 = arith.constant 1.000000e+00 : f32
      %add3A_780 = vector.broadcast %add3A_779 : f32 to vector<16xf32>
      %add3A_781 = arith.addf %add3A_780, %exp3A_778 : vector<16xf32>
      %div3A_782 = arith.constant 1.000000e+00 : f32
      %div3A_783 = vector.broadcast %div3A_782 : f32 to vector<16xf32>
      %div3A_784 = arith.divf %div3A_783, %add3A_781 : vector<16xf32>
      %add3A_785 = arith.constant 128 : i32
      %add3A_786 = arith.addi %add3A_785, %scan3A_745 : i32
      %swap3A_787 = arith.index_cast %add3A_786 : i32 to index
      %swap3A_788 = arith.constant 16 : index
      %swap3A_789 = tpu.vector_load %arg6[%swap3A_787, %swap3A_788] {strides = array<i32>} : memref<512x128xf32, #tpu.memory_space<vmem>>, vector<1x16xf32>,
      %swap3A_790 = vector.shape_cast %swap3A_789 : vector<1x16xf32> to vector<16xf32>
      %swap3A_791 = vector.shape_cast %div3A_784 : vector<16xf32> to vector<1x16xf32>
      tpu.vector_store %arg6[%swap3A_787, %swap3A_788], %swap3A_791 {strides = array<i32>} : memref<512x128xf32, #tpu.memory_space<vmem>>, vector<1x16xf32>,
      %add3A_792 = arith.constant 128 : i32
      %add3A_793 = arith.addi %add3A_792, %scan3A_745 : i32
      %get3A_794 = arith.index_cast %add3A_793 : i32 to index
      %get3A_795 = arith.constant 32 : index
      %get3A_796 = tpu.vector_load %arg6[%get3A_794, %get3A_795] {strides = array<i32>} : memref<512x128xf32, #tpu.memory_space<vmem>>, vector<1x16xf32>,
      %get3A_797 = vector.shape_cast %get3A_796 : vector<1x16xf32> to vector<16xf32>
      %neg3A_798 = arith.constant 0.000000e+00 : f32
      %neg3A_799 = vector.broadcast %neg3A_798 : f32 to vector<16xf32>
      %neg3A_800 = arith.subf %neg3A_799, %get3A_797 : vector<16xf32>
      %exp3A_801 = math.exp %neg3A_800 : vector<16xf32>
      %add3A_802 = arith.constant 1.000000e+00 : f32
      %add3A_803 = vector.broadcast %add3A_802 : f32 to vector<16xf32>
      %add3A_804 = arith.addf %add3A_803, %exp3A_801 : vector<16xf32>
      %div3A_805 = arith.constant 1.000000e+00 : f32
      %div3A_806 = vector.broadcast %div3A_805 : f32 to vector<16xf32>
      %div3A_807 = arith.divf %div3A_806, %add3A_804 : vector<16xf32>
      %add3A_808 = arith.constant 128 : i32
      %add3A_809 = arith.addi %add3A_808, %scan3A_745 : i32
      %swap3A_810 = arith.index_cast %add3A_809 : i32 to index
      %swap3A_811 = arith.constant 32 : index
      %swap3A_812 = tpu.vector_load %arg6[%swap3A_810, %swap3A_811] {strides = array<i32>} : memref<512x128xf32, #tpu.memory_space<vmem>>, vector<1x16xf32>,
      %swap3A_813 = vector.shape_cast %swap3A_812 : vector<1x16xf32> to vector<16xf32>
      %swap3A_814 = vector.shape_cast %div3A_807 : vector<16xf32> to vector<1x16xf32>
      tpu.vector_store %arg6[%swap3A_810, %swap3A_811], %swap3A_814 {strides = array<i32>} : memref<512x128xf32, #tpu.memory_space<vmem>>, vector<1x16xf32>,
      %add3A_815 = arith.constant 128 : i32
      %add3A_816 = arith.addi %add3A_815, %scan3A_745 : i32
      %get3A_817 = arith.index_cast %add3A_816 : i32 to index
      %get3A_818 = arith.constant 48 : index
      %get3A_819 = tpu.vector_load %arg6[%get3A_817, %get3A_818] {strides = array<i32>} : memref<512x128xf32, #tpu.memory_space<vmem>>, vector<1x16xf32>,
      %get3A_820 = vector.shape_cast %get3A_819 : vector<1x16xf32> to vector<16xf32>
      %neg3A_821 = arith.constant 0.000000e+00 : f32
      %neg3A_822 = vector.broadcast %neg3A_821 : f32 to vector<16xf32>
      %neg3A_823 = arith.subf %neg3A_822, %get3A_820 : vector<16xf32>
      %exp3A_824 = math.exp %neg3A_823 : vector<16xf32>
      %add3A_825 = arith.constant 1.000000e+00 : f32
      %add3A_826 = vector.broadcast %add3A_825 : f32 to vector<16xf32>
      %add3A_827 = arith.addf %add3A_826, %exp3A_824 : vector<16xf32>
      %div3A_828 = arith.constant 1.000000e+00 : f32
      %div3A_829 = vector.broadcast %div3A_828 : f32 to vector<16xf32>
      %div3A_830 = arith.divf %div3A_829, %add3A_827 : vector<16xf32>
      %add3A_831 = arith.constant 128 : i32
      %add3A_832 = arith.addi %add3A_831, %scan3A_745 : i32
      %swap3A_833 = arith.index_cast %add3A_832 : i32 to index
      %swap3A_834 = arith.constant 48 : index
      %swap3A_835 = tpu.vector_load %arg6[%swap3A_833, %swap3A_834] {strides = array<i32>} : memref<512x128xf32, #tpu.memory_space<vmem>>, vector<1x16xf32>,
      %swap3A_836 = vector.shape_cast %swap3A_835 : vector<1x16xf32> to vector<16xf32>
      %swap3A_837 = vector.shape_cast %div3A_830 : vector<16xf32> to vector<1x16xf32>
      tpu.vector_store %arg6[%swap3A_833, %swap3A_834], %swap3A_837 {strides = array<i32>} : memref<512x128xf32, #tpu.memory_space<vmem>>, vector<1x16xf32>,
      %add3A_838 = arith.constant 128 : i32
      %add3A_839 = arith.addi %add3A_838, %scan3A_745 : i32
      %get3A_840 = arith.index_cast %add3A_839 : i32 to index
      %get3A_841 = arith.constant 64 : index
      %get3A_842 = tpu.vector_load %arg6[%get3A_840, %get3A_841] {strides = array<i32>} : memref<512x128xf32, #tpu.memory_space<vmem>>, vector<1x16xf32>,
      %get3A_843 = vector.shape_cast %get3A_842 : vector<1x16xf32> to vector<16xf32>
      %neg3A_844 = arith.constant 0.000000e+00 : f32
      %neg3A_845 = vector.broadcast %neg3A_844 : f32 to vector<16xf32>
      %neg3A_846 = arith.subf %neg3A_845, %get3A_843 : vector<16xf32>
      %exp3A_847 = math.exp %neg3A_846 : vector<16xf32>
      %add3A_848 = arith.constant 1.000000e+00 : f32
      %add3A_849 = vector.broadcast %add3A_848 : f32 to vector<16xf32>
      %add3A_850 = arith.addf %add3A_849, %exp3A_847 : vector<16xf32>
      %div3A_851 = arith.constant 1.000000e+00 : f32
      %div3A_852 = vector.broadcast %div3A_851 : f32 to vector<16xf32>
      %div3A_853 = arith.divf %div3A_852, %add3A_850 : vector<16xf32>
      %add3A_854 = arith.constant 128 : i32
      %add3A_855 = arith.addi %add3A_854, %scan3A_745 : i32
      %swap3A_856 = arith.index_cast %add3A_855 : i32 to index
      %swap3A_857 = arith.constant 64 : index
      %swap3A_858 = tpu.vector_load %arg6[%swap3A_856, %swap3A_857] {strides = array<i32>} : memref<512x128xf32, #tpu.memory_space<vmem>>, vector<1x16xf32>,
      %swap3A_859 = vector.shape_cast %swap3A_858 : vector<1x16xf32> to vector<16xf32>
      %swap3A_860 = vector.shape_cast %div3A_853 : vector<16xf32> to vector<1x16xf32>
      tpu.vector_store %arg6[%swap3A_856, %swap3A_857], %swap3A_860 {strides = array<i32>} : memref<512x128xf32, #tpu.memory_space<vmem>>, vector<1x16xf32>,
      %add3A_861 = arith.constant 128 : i32
      %add3A_862 = arith.addi %add3A_861, %scan3A_745 : i32
      %get3A_863 = arith.index_cast %add3A_862 : i32 to index
      %get3A_864 = arith.constant 80 : index
      %get3A_865 = tpu.vector_load %arg6[%get3A_863, %get3A_864] {strides = array<i32>} : memref<512x128xf32, #tpu.memory_space<vmem>>, vector<1x16xf32>,
      %get3A_866 = vector.shape_cast %get3A_865 : vector<1x16xf32> to vector<16xf32>
      %neg3A_867 = arith.constant 0.000000e+00 : f32
      %neg3A_868 = vector.broadcast %neg3A_867 : f32 to vector<16xf32>
      %neg3A_869 = arith.subf %neg3A_868, %get3A_866 : vector<16xf32>
      %exp3A_870 = math.exp %neg3A_869 : vector<16xf32>
      %add3A_871 = arith.constant 1.000000e+00 : f32
      %add3A_872 = vector.broadcast %add3A_871 : f32 to vector<16xf32>
      %add3A_873 = arith.addf %add3A_872, %exp3A_870 : vector<16xf32>
      %div3A_874 = arith.constant 1.000000e+00 : f32
      %div3A_875 = vector.broadcast %div3A_874 : f32 to vector<16xf32>
      %div3A_876 = arith.divf %div3A_875, %add3A_873 : vector<16xf32>
      %add3A_877 = arith.constant 128 : i32
      %add3A_878 = arith.addi %add3A_877, %scan3A_745 : i32
      %swap3A_879 = arith.index_cast %add3A_878 : i32 to index
      %swap3A_880 = arith.constant 80 : index
      %swap3A_881 = tpu.vector_load %arg6[%swap3A_879, %swap3A_880] {strides = array<i32>} : memref<512x128xf32, #tpu.memory_space<vmem>>, vector<1x16xf32>,
      %swap3A_882 = vector.shape_cast %swap3A_881 : vector<1x16xf32> to vector<16xf32>
      %swap3A_883 = vector.shape_cast %div3A_876 : vector<16xf32> to vector<1x16xf32>
      tpu.vector_store %arg6[%swap3A_879, %swap3A_880], %swap3A_883 {strides = array<i32>} : memref<512x128xf32, #tpu.memory_space<vmem>>, vector<1x16xf32>,
      %add3A_884 = arith.constant 128 : i32
      %add3A_885 = arith.addi %add3A_884, %scan3A_745 : i32
      %get3A_886 = arith.index_cast %add3A_885 : i32 to index
      %get3A_887 = arith.constant 96 : index
      %get3A_888 = tpu.vector_load %arg6[%get3A_886, %get3A_887] {strides = array<i32>} : memref<512x128xf32, #tpu.memory_space<vmem>>, vector<1x16xf32>,
      %get3A_889 = vector.shape_cast %get3A_888 : vector<1x16xf32> to vector<16xf32>
      %neg3A_890 = arith.constant 0.000000e+00 : f32
      %neg3A_891 = vector.broadcast %neg3A_890 : f32 to vector<16xf32>
      %neg3A_892 = arith.subf %neg3A_891, %get3A_889 : vector<16xf32>
      %exp3A_893 = math.exp %neg3A_892 : vector<16xf32>
      %add3A_894 = arith.constant 1.000000e+00 : f32
      %add3A_895 = vector.broadcast %add3A_894 : f32 to vector<16xf32>
      %add3A_896 = arith.addf %add3A_895, %exp3A_893 : vector<16xf32>
      %div3A_897 = arith.constant 1.000000e+00 : f32
      %div3A_898 = vector.broadcast %div3A_897 : f32 to vector<16xf32>
      %div3A_899 = arith.divf %div3A_898, %add3A_896 : vector<16xf32>
      %add3A_900 = arith.constant 128 : i32
      %add3A_901 = arith.addi %add3A_900, %scan3A_745 : i32
      %swap3A_902 = arith.index_cast %add3A_901 : i32 to index
      %swap3A_903 = arith.constant 96 : index
      %swap3A_904 = tpu.vector_load %arg6[%swap3A_902, %swap3A_903] {strides = array<i32>} : memref<512x128xf32, #tpu.memory_space<vmem>>, vector<1x16xf32>,
      %swap3A_905 = vector.shape_cast %swap3A_904 : vector<1x16xf32> to vector<16xf32>
      %swap3A_906 = vector.shape_cast %div3A_899 : vector<16xf32> to vector<1x16xf32>
      tpu.vector_store %arg6[%swap3A_902, %swap3A_903], %swap3A_906 {strides = array<i32>} : memref<512x128xf32, #tpu.memory_space<vmem>>, vector<1x16xf32>,
      %add3A_907 = arith.constant 128 : i32
      %add3A_908 = arith.addi %add3A_907, %scan3A_745 : i32
      %get3A_909 = arith.index_cast %add3A_908 : i32 to index
      %get3A_910 = arith.constant 112 : index
      %get3A_911 = tpu.vector_load %arg6[%get3A_909, %get3A_910] {strides = array<i32>} : memref<512x128xf32, #tpu.memory_space<vmem>>, vector<1x16xf32>,
      %get3A_912 = vector.shape_cast %get3A_911 : vector<1x16xf32> to vector<16xf32>
      %neg3A_913 = arith.constant 0.000000e+00 : f32
      %neg3A_914 = vector.broadcast %neg3A_913 : f32 to vector<16xf32>
      %neg3A_915 = arith.subf %neg3A_914, %get3A_912 : vector<16xf32>
      %exp3A_916 = math.exp %neg3A_915 : vector<16xf32>
      %add3A_917 = arith.constant 1.000000e+00 : f32
      %add3A_918 = vector.broadcast %add3A_917 : f32 to vector<16xf32>
      %add3A_919 = arith.addf %add3A_918, %exp3A_916 : vector<16xf32>
      %div3A_920 = arith.constant 1.000000e+00 : f32
      %div3A_921 = vector.broadcast %div3A_920 : f32 to vector<16xf32>
      %div3A_922 = arith.divf %div3A_921, %add3A_919 : vector<16xf32>
      %add3A_923 = arith.constant 128 : i32
      %add3A_924 = arith.addi %add3A_923, %scan3A_745 : i32
      %swap3A_925 = arith.index_cast %add3A_924 : i32 to index
      %swap3A_926 = arith.constant 112 : index
      %swap3A_927 = tpu.vector_load %arg6[%swap3A_925, %swap3A_926] {strides = array<i32>} : memref<512x128xf32, #tpu.memory_space<vmem>>, vector<1x16xf32>,
      %swap3A_928 = vector.shape_cast %swap3A_927 : vector<1x16xf32> to vector<16xf32>
      %swap3A_929 = vector.shape_cast %div3A_922 : vector<16xf32> to vector<1x16xf32>
      tpu.vector_store %arg6[%swap3A_925, %swap3A_926], %swap3A_929 {strides = array<i32>} : memref<512x128xf32, #tpu.memory_space<vmem>>, vector<1x16xf32>,
    }
    %scan3A_83 = arith.constant 128 : i32
    %add3A_84 = arith.constant 128 : i32
    %add3A_85 = arith.addi %mul3A_2, %add3A_84 : i32
    %dma_start3A_86 = arith.constant 128 : i32
    %dma_start3A_87 = arith.constant 0 : i32
    %dma_start3A_88 = tpu.memref_slice %arg6[%dma_start3A_86, %dma_start3A_87] : memref<512x128xf32, #tpu.memory_space<vmem>> -> memref<128x128xf32, #tpu.memory_space<vmem>>
    %dma_start3A_89 = arith.constant 0 : i32
    %dma_start3A_90 = tpu.memref_slice %arg4[%add3A_85, %dma_start3A_89] : memref<16384x128xf32, #tpu.memory_space<hbm>> -> memref<128x128xf32, #tpu.memory_space<hbm>>
    %dma_start3A_91 = arith.constant 0 : i32
    %dma_start3A_92 = tpu.memref_slice %arg4[%add3A_85, %dma_start3A_91] : memref<16384x128xf32, #tpu.memory_space<hbm>> -> memref<128x128xf32, #tpu.memory_space<hbm>>
    %dma_start3A_93 = arith.constant 128 : i32
    %dma_start3A_94 = arith.constant 0 : i32
    %dma_start3A_95 = tpu.memref_slice %arg6[%dma_start3A_93, %dma_start3A_94] : memref<512x128xf32, #tpu.memory_space<vmem>> -> memref<128x128xf32, #tpu.memory_space<vmem>>
    tpu.enqueue_dma source(%dma_start3A_95 : memref<128x128xf32, #tpu.memory_space<vmem>>) target(%dma_start3A_92 : memref<128x128xf32, #tpu.memory_space<hbm>>) target_semaphore(%arg11 : memref<!tpu.dma_semaphore, #tpu.memory_space<semaphore_mem>>)
    %dma_wait3A_96 = arith.constant 2 : i32
    %dma_wait3A_97 = arith.constant 256 : i32
    %dma_wait3A_98 = arith.constant 0 : i32
    %dma_wait3A_99 = tpu.memref_slice %arg6[%dma_wait3A_97, %dma_wait3A_98] : memref<512x128xf32, #tpu.memory_space<vmem>> -> memref<128x128xf32, #tpu.memory_space<vmem>>
    %dma_wait3A_100 = arith.constant 0 : i32
    %dma_wait3A_101 = tpu.memref_slice %arg5[%dma_wait3A_96, %dma_wait3A_100] : memref<4x128xi32, #tpu.memory_space<vmem>> -> memref<1x128xi32, #tpu.memory_space<vmem>>
    %dma_wait3A_102 = tpu.memref_squeeze %dma_wait3A_101 : memref<1x128xi32, #tpu.memory_space<vmem>> -> memref<128xi32, #tpu.memory_space<vmem>>
    %dma_wait3A_103 = arith.constant 0 : i32
    %dma_wait3A_104 = arith.constant 0 : i32
    %dma_wait3A_105 = tpu.memref_slice %arg3[%dma_wait3A_103, %dma_wait3A_104] : memref<100000x128xf32, #tpu.memory_space<hbm>> -> memref<100000x128xf32, #tpu.memory_space<hbm>>
    tpu.wait_indirect_dma semaphore(%arg9 : memref<!tpu.dma_semaphore, #tpu.memory_space<semaphore_mem>>) src(%dma_wait3A_105 : memref<100000x128xf32, #tpu.memory_space<hbm>>) dst(%dma_wait3A_99 : memref<128x128xf32, #tpu.memory_space<vmem>>)
    %scan3A_106 = arith.constant 0 : i32
    %scan3A_107 = arith.constant 0 : i32
    %scan3A_108 = arith.constant 128 : i32
    %scan3A_109 = arith.addi %scan3A_107, %scan3A_108 : i32
    %scan3A_110 = arith.constant 4 : i32
    scf.for %scan3A_192 = %scan3A_107 to %scan3A_109 step %scan3A_110  : i32 {
      %add3A_193 = arith.constant 256 : i32
      %add3A_194 = arith.addi %add3A_193, %scan3A_192 : i32
      %get3A = arith.index_cast %add3A_194 : i32 to index
      %get3A_195 = arith.constant 0 : index
      %get3A_196 = tpu.vector_load %arg6[%get3A, %get3A_195] {strides = array<i32>} : memref<512x128xf32, #tpu.memory_space<vmem>>, vector<1x16xf32>,
      %get3A_197 = vector.shape_cast %get3A_196 : vector<1x16xf32> to vector<16xf32>
      %neg3A = arith.constant 0.000000e+00 : f32
      %neg3A_198 = vector.broadcast %neg3A : f32 to vector<16xf32>
      %neg3A_199 = arith.subf %neg3A_198, %get3A_197 : vector<16xf32>
      %exp3A = math.exp %neg3A_199 : vector<16xf32>
      %add3A_200 = arith.constant 1.000000e+00 : f32
      %add3A_201 = vector.broadcast %add3A_200 : f32 to vector<16xf32>
      %add3A_202 = arith.addf %add3A_201, %exp3A : vector<16xf32>
      %div3A = arith.constant 1.000000e+00 : f32
      %div3A_203 = vector.broadcast %div3A : f32 to vector<16xf32>
      %div3A_204 = arith.divf %div3A_203, %add3A_202 : vector<16xf32>
      %add3A_205 = arith.constant 256 : i32
      %add3A_206 = arith.addi %add3A_205, %scan3A_192 : i32
      %swap3A = arith.index_cast %add3A_206 : i32 to index
      %swap3A_207 = arith.constant 0 : index
      %swap3A_208 = tpu.vector_load %arg6[%swap3A, %swap3A_207] {strides = array<i32>} : memref<512x128xf32, #tpu.memory_space<vmem>>, vector<1x16xf32>,
      %swap3A_209 = vector.shape_cast %swap3A_208 : vector<1x16xf32> to vector<16xf32>
      %swap3A_210 = vector.shape_cast %div3A_204 : vector<16xf32> to vector<1x16xf32>
      tpu.vector_store %arg6[%swap3A, %swap3A_207], %swap3A_210 {strides = array<i32>} : memref<512x128xf32, #tpu.memory_space<vmem>>, vector<1x16xf32>,
      %add3A_211 = arith.constant 256 : i32
      %add3A_212 = arith.addi %add3A_211, %scan3A_192 : i32
      %get3A_213 = arith.index_cast %add3A_212 : i32 to index
      %get3A_214 = arith.constant 16 : index
      %get3A_215 = tpu.vector_load %arg6[%get3A_213, %get3A_214] {strides = array<i32>} : memref<512x128xf32, #tpu.memory_space<vmem>>, vector<1x16xf32>,
      %get3A_216 = vector.shape_cast %get3A_215 : vector<1x16xf32> to vector<16xf32>
      %neg3A_217 = arith.constant 0.000000e+00 : f32
      %neg3A_218 = vector.broadcast %neg3A_217 : f32 to vector<16xf32>
      %neg3A_219 = arith.subf %neg3A_218, %get3A_216 : vector<16xf32>
      %exp3A_220 = math.exp %neg3A_219 : vector<16xf32>
      %add3A_221 = arith.constant 1.000000e+00 : f32
      %add3A_222 = vector.broadcast %add3A_221 : f32 to vector<16xf32>
      %add3A_223 = arith.addf %add3A_222, %exp3A_220 : vector<16xf32>
      %div3A_224 = arith.constant 1.000000e+00 : f32
      %div3A_225 = vector.broadcast %div3A_224 : f32 to vector<16xf32>
      %div3A_226 = arith.divf %div3A_225, %add3A_223 : vector<16xf32>
      %add3A_227 = arith.constant 256 : i32
      %add3A_228 = arith.addi %add3A_227, %scan3A_192 : i32
      %swap3A_229 = arith.index_cast %add3A_228 : i32 to index
      %swap3A_230 = arith.constant 16 : index
      %swap3A_231 = tpu.vector_load %arg6[%swap3A_229, %swap3A_230] {strides = array<i32>} : memref<512x128xf32, #tpu.memory_space<vmem>>, vector<1x16xf32>,
      %swap3A_232 = vector.shape_cast %swap3A_231 : vector<1x16xf32> to vector<16xf32>
      %swap3A_233 = vector.shape_cast %div3A_226 : vector<16xf32> to vector<1x16xf32>
      tpu.vector_store %arg6[%swap3A_229, %swap3A_230], %swap3A_233 {strides = array<i32>} : memref<512x128xf32, #tpu.memory_space<vmem>>, vector<1x16xf32>,
      %add3A_234 = arith.constant 256 : i32
      %add3A_235 = arith.addi %add3A_234, %scan3A_192 : i32
      %get3A_236 = arith.index_cast %add3A_235 : i32 to index
      %get3A_237 = arith.constant 32 : index
      %get3A_238 = tpu.vector_load %arg6[%get3A_236, %get3A_237] {strides = array<i32>} : memref<512x128xf32, #tpu.memory_space<vmem>>, vector<1x16xf32>,
      %get3A_239 = vector.shape_cast %get3A_238 : vector<1x16xf32> to vector<16xf32>
      %neg3A_240 = arith.constant 0.000000e+00 : f32
      %neg3A_241 = vector.broadcast %neg3A_240 : f32 to vector<16xf32>
      %neg3A_242 = arith.subf %neg3A_241, %get3A_239 : vector<16xf32>
      %exp3A_243 = math.exp %neg3A_242 : vector<16xf32>
      %add3A_244 = arith.constant 1.000000e+00 : f32
      %add3A_245 = vector.broadcast %add3A_244 : f32 to vector<16xf32>
      %add3A_246 = arith.addf %add3A_245, %exp3A_243 : vector<16xf32>
      %div3A_247 = arith.constant 1.000000e+00 : f32
      %div3A_248 = vector.broadcast %div3A_247 : f32 to vector<16xf32>
      %div3A_249 = arith.divf %div3A_248, %add3A_246 : vector<16xf32>
      %add3A_250 = arith.constant 256 : i32
      %add3A_251 = arith.addi %add3A_250, %scan3A_192 : i32
      %swap3A_252 = arith.index_cast %add3A_251 : i32 to index
      %swap3A_253 = arith.constant 32 : index
      %swap3A_254 = tpu.vector_load %arg6[%swap3A_252, %swap3A_253] {strides = array<i32>} : memref<512x128xf32, #tpu.memory_space<vmem>>, vector<1x16xf32>,
      %swap3A_255 = vector.shape_cast %swap3A_254 : vector<1x16xf32> to vector<16xf32>
      %swap3A_256 = vector.shape_cast %div3A_249 : vector<16xf32> to vector<1x16xf32>
      tpu.vector_store %arg6[%swap3A_252, %swap3A_253], %swap3A_256 {strides = array<i32>} : memref<512x128xf32, #tpu.memory_space<vmem>>, vector<1x16xf32>,
      %add3A_257 = arith.constant 256 : i32
      %add3A_258 = arith.addi %add3A_257, %scan3A_192 : i32
      %get3A_259 = arith.index_cast %add3A_258 : i32 to index
      %get3A_260 = arith.constant 48 : index
      %get3A_261 = tpu.vector_load %arg6[%get3A_259, %get3A_260] {strides = array<i32>} : memref<512x128xf32, #tpu.memory_space<vmem>>, vector<1x16xf32>,
      %get3A_262 = vector.shape_cast %get3A_261 : vector<1x16xf32> to vector<16xf32>
      %neg3A_263 = arith.constant 0.000000e+00 : f32
      %neg3A_264 = vector.broadcast %neg3A_263 : f32 to vector<16xf32>
      %neg3A_265 = arith.subf %neg3A_264, %get3A_262 : vector<16xf32>
      %exp3A_266 = math.exp %neg3A_265 : vector<16xf32>
      %add3A_267 = arith.constant 1.000000e+00 : f32
      %add3A_268 = vector.broadcast %add3A_267 : f32 to vector<16xf32>
      %add3A_269 = arith.addf %add3A_268, %exp3A_266 : vector<16xf32>
      %div3A_270 = arith.constant 1.000000e+00 : f32
      %div3A_271 = vector.broadcast %div3A_270 : f32 to vector<16xf32>
      %div3A_272 = arith.divf %div3A_271, %add3A_269 : vector<16xf32>
      %add3A_273 = arith.constant 256 : i32
      %add3A_274 = arith.addi %add3A_273, %scan3A_192 : i32
      %swap3A_275 = arith.index_cast %add3A_274 : i32 to index
      %swap3A_276 = arith.constant 48 : index
      %swap3A_277 = tpu.vector_load %arg6[%swap3A_275, %swap3A_276] {strides = array<i32>} : memref<512x128xf32, #tpu.memory_space<vmem>>, vector<1x16xf32>,
      %swap3A_278 = vector.shape_cast %swap3A_277 : vector<1x16xf32> to vector<16xf32>
      %swap3A_279 = vector.shape_cast %div3A_272 : vector<16xf32> to vector<1x16xf32>
      tpu.vector_store %arg6[%swap3A_275, %swap3A_276], %swap3A_279 {strides = array<i32>} : memref<512x128xf32, #tpu.memory_space<vmem>>, vector<1x16xf32>,
      %add3A_280 = arith.constant 256 : i32
      %add3A_281 = arith.addi %add3A_280, %scan3A_192 : i32
      %get3A_282 = arith.index_cast %add3A_281 : i32 to index
      %get3A_283 = arith.constant 64 : index
      %get3A_284 = tpu.vector_load %arg6[%get3A_282, %get3A_283] {strides = array<i32>} : memref<512x128xf32, #tpu.memory_space<vmem>>, vector<1x16xf32>,
      %get3A_285 = vector.shape_cast %get3A_284 : vector<1x16xf32> to vector<16xf32>
      %neg3A_286 = arith.constant 0.000000e+00 : f32
      %neg3A_287 = vector.broadcast %neg3A_286 : f32 to vector<16xf32>
      %neg3A_288 = arith.subf %neg3A_287, %get3A_285 : vector<16xf32>
      %exp3A_289 = math.exp %neg3A_288 : vector<16xf32>
      %add3A_290 = arith.constant 1.000000e+00 : f32
      %add3A_291 = vector.broadcast %add3A_290 : f32 to vector<16xf32>
      %add3A_292 = arith.addf %add3A_291, %exp3A_289 : vector<16xf32>
      %div3A_293 = arith.constant 1.000000e+00 : f32
      %div3A_294 = vector.broadcast %div3A_293 : f32 to vector<16xf32>
      %div3A_295 = arith.divf %div3A_294, %add3A_292 : vector<16xf32>
      %add3A_296 = arith.constant 256 : i32
      %add3A_297 = arith.addi %add3A_296, %scan3A_192 : i32
      %swap3A_298 = arith.index_cast %add3A_297 : i32 to index
      %swap3A_299 = arith.constant 64 : index
      %swap3A_300 = tpu.vector_load %arg6[%swap3A_298, %swap3A_299] {strides = array<i32>} : memref<512x128xf32, #tpu.memory_space<vmem>>, vector<1x16xf32>,
      %swap3A_301 = vector.shape_cast %swap3A_300 : vector<1x16xf32> to vector<16xf32>
      %swap3A_302 = vector.shape_cast %div3A_295 : vector<16xf32> to vector<1x16xf32>
      tpu.vector_store %arg6[%swap3A_298, %swap3A_299], %swap3A_302 {strides = array<i32>} : memref<512x128xf32, #tpu.memory_space<vmem>>, vector<1x16xf32>,
      %add3A_303 = arith.constant 256 : i32
      %add3A_304 = arith.addi %add3A_303, %scan3A_192 : i32
      %get3A_305 = arith.index_cast %add3A_304 : i32 to index
      %get3A_306 = arith.constant 80 : index
      %get3A_307 = tpu.vector_load %arg6[%get3A_305, %get3A_306] {strides = array<i32>} : memref<512x128xf32, #tpu.memory_space<vmem>>, vector<1x16xf32>,
      %get3A_308 = vector.shape_cast %get3A_307 : vector<1x16xf32> to vector<16xf32>
      %neg3A_309 = arith.constant 0.000000e+00 : f32
      %neg3A_310 = vector.broadcast %neg3A_309 : f32 to vector<16xf32>
      %neg3A_311 = arith.subf %neg3A_310, %get3A_308 : vector<16xf32>
      %exp3A_312 = math.exp %neg3A_311 : vector<16xf32>
      %add3A_313 = arith.constant 1.000000e+00 : f32
      %add3A_314 = vector.broadcast %add3A_313 : f32 to vector<16xf32>
      %add3A_315 = arith.addf %add3A_314, %exp3A_312 : vector<16xf32>
      %div3A_316 = arith.constant 1.000000e+00 : f32
      %div3A_317 = vector.broadcast %div3A_316 : f32 to vector<16xf32>
      %div3A_318 = arith.divf %div3A_317, %add3A_315 : vector<16xf32>
      %add3A_319 = arith.constant 256 : i32
      %add3A_320 = arith.addi %add3A_319, %scan3A_192 : i32
      %swap3A_321 = arith.index_cast %add3A_320 : i32 to index
      %swap3A_322 = arith.constant 80 : index
      %swap3A_323 = tpu.vector_load %arg6[%swap3A_321, %swap3A_322] {strides = array<i32>} : memref<512x128xf32, #tpu.memory_space<vmem>>, vector<1x16xf32>,
      %swap3A_324 = vector.shape_cast %swap3A_323 : vector<1x16xf32> to vector<16xf32>
      %swap3A_325 = vector.shape_cast %div3A_318 : vector<16xf32> to vector<1x16xf32>
      tpu.vector_store %arg6[%swap3A_321, %swap3A_322], %swap3A_325 {strides = array<i32>} : memref<512x128xf32, #tpu.memory_space<vmem>>, vector<1x16xf32>,
      %add3A_326 = arith.constant 256 : i32
      %add3A_327 = arith.addi %add3A_326, %scan3A_192 : i32
      %get3A_328 = arith.index_cast %add3A_327 : i32 to index
      %get3A_329 = arith.constant 96 : index
      %get3A_330 = tpu.vector_load %arg6[%get3A_328, %get3A_329] {strides = array<i32>} : memref<512x128xf32, #tpu.memory_space<vmem>>, vector<1x16xf32>,
      %get3A_331 = vector.shape_cast %get3A_330 : vector<1x16xf32> to vector<16xf32>
      %neg3A_332 = arith.constant 0.000000e+00 : f32
      %neg3A_333 = vector.broadcast %neg3A_332 : f32 to vector<16xf32>
      %neg3A_334 = arith.subf %neg3A_333, %get3A_331 : vector<16xf32>
      %exp3A_335 = math.exp %neg3A_334 : vector<16xf32>
      %add3A_336 = arith.constant 1.000000e+00 : f32
      %add3A_337 = vector.broadcast %add3A_336 : f32 to vector<16xf32>
      %add3A_338 = arith.addf %add3A_337, %exp3A_335 : vector<16xf32>
      %div3A_339 = arith.constant 1.000000e+00 : f32
      %div3A_340 = vector.broadcast %div3A_339 : f32 to vector<16xf32>
      %div3A_341 = arith.divf %div3A_340, %add3A_338 : vector<16xf32>
      %add3A_342 = arith.constant 256 : i32
      %add3A_343 = arith.addi %add3A_342, %scan3A_192 : i32
      %swap3A_344 = arith.index_cast %add3A_343 : i32 to index
      %swap3A_345 = arith.constant 96 : index
      %swap3A_346 = tpu.vector_load %arg6[%swap3A_344, %swap3A_345] {strides = array<i32>} : memref<512x128xf32, #tpu.memory_space<vmem>>, vector<1x16xf32>,
      %swap3A_347 = vector.shape_cast %swap3A_346 : vector<1x16xf32> to vector<16xf32>
      %swap3A_348 = vector.shape_cast %div3A_341 : vector<16xf32> to vector<1x16xf32>
      tpu.vector_store %arg6[%swap3A_344, %swap3A_345], %swap3A_348 {strides = array<i32>} : memref<512x128xf32, #tpu.memory_space<vmem>>, vector<1x16xf32>,
      %add3A_349 = arith.constant 256 : i32
      %add3A_350 = arith.addi %add3A_349, %scan3A_192 : i32
      %get3A_351 = arith.index_cast %add3A_350 : i32 to index
      %get3A_352 = arith.constant 112 : index
      %get3A_353 = tpu.vector_load %arg6[%get3A_351, %get3A_352] {strides = array<i32>} : memref<512x128xf32, #tpu.memory_space<vmem>>, vector<1x16xf32>,
      %get3A_354 = vector.shape_cast %get3A_353 : vector<1x16xf32> to vector<16xf32>
      %neg3A_355 = arith.constant 0.000000e+00 : f32
      %neg3A_356 = vector.broadcast %neg3A_355 : f32 to vector<16xf32>
      %neg3A_357 = arith.subf %neg3A_356, %get3A_354 : vector<16xf32>
      %exp3A_358 = math.exp %neg3A_357 : vector<16xf32>
      %add3A_359 = arith.constant 1.000000e+00 : f32
      %add3A_360 = vector.broadcast %add3A_359 : f32 to vector<16xf32>
      %add3A_361 = arith.addf %add3A_360, %exp3A_358 : vector<16xf32>
      %div3A_362 = arith.constant 1.000000e+00 : f32
      %div3A_363 = vector.broadcast %div3A_362 : f32 to vector<16xf32>
      %div3A_364 = arith.divf %div3A_363, %add3A_361 : vector<16xf32>
      %add3A_365 = arith.constant 256 : i32
      %add3A_366 = arith.addi %add3A_365, %scan3A_192 : i32
      %swap3A_367 = arith.index_cast %add3A_366 : i32 to index
      %swap3A_368 = arith.constant 112 : index
      %swap3A_369 = tpu.vector_load %arg6[%swap3A_367, %swap3A_368] {strides = array<i32>} : memref<512x128xf32, #tpu.memory_space<vmem>>, vector<1x16xf32>,
      %swap3A_370 = vector.shape_cast %swap3A_369 : vector<1x16xf32> to vector<16xf32>
      %swap3A_371 = vector.shape_cast %div3A_364 : vector<16xf32> to vector<1x16xf32>
      tpu.vector_store %arg6[%swap3A_367, %swap3A_368], %swap3A_371 {strides = array<i32>} : memref<512x128xf32, #tpu.memory_space<vmem>>, vector<1x16xf32>,
      %scan3A_372 = arith.constant 1 : i32
      %scan3A_373 = arith.addi %scan3A_192, %scan3A_372 : i32
      %add3A_374 = arith.constant 256 : i32
      %add3A_375 = arith.addi %add3A_374, %scan3A_373 : i32
      %get3A_376 = arith.index_cast %add3A_375 : i32 to index
      %get3A_377 = arith.constant 0 : index
      %get3A_378 = tpu.vector_load %arg6[%get3A_376, %get3A_377] {strides = array<i32>} : memref<512x128xf32, #tpu.memory_space<vmem>>, vector<1x16xf32>,
      %get3A_379 = vector.shape_cast %get3A_378 : vector<1x16xf32> to vector<16xf32>
      %neg3A_380 = arith.constant 0.000000e+00 : f32
      %neg3A_381 = vector.broadcast %neg3A_380 : f32 to vector<16xf32>
      %neg3A_382 = arith.subf %neg3A_381, %get3A_379 : vector<16xf32>
      %exp3A_383 = math.exp %neg3A_382 : vector<16xf32>
      %add3A_384 = arith.constant 1.000000e+00 : f32
      %add3A_385 = vector.broadcast %add3A_384 : f32 to vector<16xf32>
      %add3A_386 = arith.addf %add3A_385, %exp3A_383 : vector<16xf32>
      %div3A_387 = arith.constant 1.000000e+00 : f32
      %div3A_388 = vector.broadcast %div3A_387 : f32 to vector<16xf32>
      %div3A_389 = arith.divf %div3A_388, %add3A_386 : vector<16xf32>
      %add3A_390 = arith.constant 256 : i32
      %add3A_391 = arith.addi %add3A_390, %scan3A_373 : i32
      %swap3A_392 = arith.index_cast %add3A_391 : i32 to index
      %swap3A_393 = arith.constant 0 : index
      %swap3A_394 = tpu.vector_load %arg6[%swap3A_392, %swap3A_393] {strides = array<i32>} : memref<512x128xf32, #tpu.memory_space<vmem>>, vector<1x16xf32>,
      %swap3A_395 = vector.shape_cast %swap3A_394 : vector<1x16xf32> to vector<16xf32>
      %swap3A_396 = vector.shape_cast %div3A_389 : vector<16xf32> to vector<1x16xf32>
      tpu.vector_store %arg6[%swap3A_392, %swap3A_393], %swap3A_396 {strides = array<i32>} : memref<512x128xf32, #tpu.memory_space<vmem>>, vector<1x16xf32>,
      %add3A_397 = arith.constant 256 : i32
      %add3A_398 = arith.addi %add3A_397, %scan3A_373 : i32
      %get3A_399 = arith.index_cast %add3A_398 : i32 to index
      %get3A_400 = arith.constant 16 : index
      %get3A_401 = tpu.vector_load %arg6[%get3A_399, %get3A_400] {strides = array<i32>} : memref<512x128xf32, #tpu.memory_space<vmem>>, vector<1x16xf32>,
      %get3A_402 = vector.shape_cast %get3A_401 : vector<1x16xf32> to vector<16xf32>
      %neg3A_403 = arith.constant 0.000000e+00 : f32
      %neg3A_404 = vector.broadcast %neg3A_403 : f32 to vector<16xf32>
      %neg3A_405 = arith.subf %neg3A_404, %get3A_402 : vector<16xf32>
      %exp3A_406 = math.exp %neg3A_405 : vector<16xf32>
      %add3A_407 = arith.constant 1.000000e+00 : f32
      %add3A_408 = vector.broadcast %add3A_407 : f32 to vector<16xf32>
      %add3A_409 = arith.addf %add3A_408, %exp3A_406 : vector<16xf32>
      %div3A_410 = arith.constant 1.000000e+00 : f32
      %div3A_411 = vector.broadcast %div3A_410 : f32 to vector<16xf32>
      %div3A_412 = arith.divf %div3A_411, %add3A_409 : vector<16xf32>
      %add3A_413 = arith.constant 256 : i32
      %add3A_414 = arith.addi %add3A_413, %scan3A_373 : i32
      %swap3A_415 = arith.index_cast %add3A_414 : i32 to index
      %swap3A_416 = arith.constant 16 : index
      %swap3A_417 = tpu.vector_load %arg6[%swap3A_415, %swap3A_416] {strides = array<i32>} : memref<512x128xf32, #tpu.memory_space<vmem>>, vector<1x16xf32>,
      %swap3A_418 = vector.shape_cast %swap3A_417 : vector<1x16xf32> to vector<16xf32>
      %swap3A_419 = vector.shape_cast %div3A_412 : vector<16xf32> to vector<1x16xf32>
      tpu.vector_store %arg6[%swap3A_415, %swap3A_416], %swap3A_419 {strides = array<i32>} : memref<512x128xf32, #tpu.memory_space<vmem>>, vector<1x16xf32>,
      %add3A_420 = arith.constant 256 : i32
      %add3A_421 = arith.addi %add3A_420, %scan3A_373 : i32
      %get3A_422 = arith.index_cast %add3A_421 : i32 to index
      %get3A_423 = arith.constant 32 : index
      %get3A_424 = tpu.vector_load %arg6[%get3A_422, %get3A_423] {strides = array<i32>} : memref<512x128xf32, #tpu.memory_space<vmem>>, vector<1x16xf32>,
      %get3A_425 = vector.shape_cast %get3A_424 : vector<1x16xf32> to vector<16xf32>
      %neg3A_426 = arith.constant 0.000000e+00 : f32
      %neg3A_427 = vector.broadcast %neg3A_426 : f32 to vector<16xf32>
      %neg3A_428 = arith.subf %neg3A_427, %get3A_425 : vector<16xf32>
      %exp3A_429 = math.exp %neg3A_428 : vector<16xf32>
      %add3A_430 = arith.constant 1.000000e+00 : f32
      %add3A_431 = vector.broadcast %add3A_430 : f32 to vector<16xf32>
      %add3A_432 = arith.addf %add3A_431, %exp3A_429 : vector<16xf32>
      %div3A_433 = arith.constant 1.000000e+00 : f32
      %div3A_434 = vector.broadcast %div3A_433 : f32 to vector<16xf32>
      %div3A_435 = arith.divf %div3A_434, %add3A_432 : vector<16xf32>
      %add3A_436 = arith.constant 256 : i32
      %add3A_437 = arith.addi %add3A_436, %scan3A_373 : i32
      %swap3A_438 = arith.index_cast %add3A_437 : i32 to index
      %swap3A_439 = arith.constant 32 : index
      %swap3A_440 = tpu.vector_load %arg6[%swap3A_438, %swap3A_439] {strides = array<i32>} : memref<512x128xf32, #tpu.memory_space<vmem>>, vector<1x16xf32>,
      %swap3A_441 = vector.shape_cast %swap3A_440 : vector<1x16xf32> to vector<16xf32>
      %swap3A_442 = vector.shape_cast %div3A_435 : vector<16xf32> to vector<1x16xf32>
      tpu.vector_store %arg6[%swap3A_438, %swap3A_439], %swap3A_442 {strides = array<i32>} : memref<512x128xf32, #tpu.memory_space<vmem>>, vector<1x16xf32>,
      %add3A_443 = arith.constant 256 : i32
      %add3A_444 = arith.addi %add3A_443, %scan3A_373 : i32
      %get3A_445 = arith.index_cast %add3A_444 : i32 to index
      %get3A_446 = arith.constant 48 : index
      %get3A_447 = tpu.vector_load %arg6[%get3A_445, %get3A_446] {strides = array<i32>} : memref<512x128xf32, #tpu.memory_space<vmem>>, vector<1x16xf32>,
      %get3A_448 = vector.shape_cast %get3A_447 : vector<1x16xf32> to vector<16xf32>
      %neg3A_449 = arith.constant 0.000000e+00 : f32
      %neg3A_450 = vector.broadcast %neg3A_449 : f32 to vector<16xf32>
      %neg3A_451 = arith.subf %neg3A_450, %get3A_448 : vector<16xf32>
      %exp3A_452 = math.exp %neg3A_451 : vector<16xf32>
      %add3A_453 = arith.constant 1.000000e+00 : f32
      %add3A_454 = vector.broadcast %add3A_453 : f32 to vector<16xf32>
      %add3A_455 = arith.addf %add3A_454, %exp3A_452 : vector<16xf32>
      %div3A_456 = arith.constant 1.000000e+00 : f32
      %div3A_457 = vector.broadcast %div3A_456 : f32 to vector<16xf32>
      %div3A_458 = arith.divf %div3A_457, %add3A_455 : vector<16xf32>
      %add3A_459 = arith.constant 256 : i32
      %add3A_460 = arith.addi %add3A_459, %scan3A_373 : i32
      %swap3A_461 = arith.index_cast %add3A_460 : i32 to index
      %swap3A_462 = arith.constant 48 : index
      %swap3A_463 = tpu.vector_load %arg6[%swap3A_461, %swap3A_462] {strides = array<i32>} : memref<512x128xf32, #tpu.memory_space<vmem>>, vector<1x16xf32>,
      %swap3A_464 = vector.shape_cast %swap3A_463 : vector<1x16xf32> to vector<16xf32>
      %swap3A_465 = vector.shape_cast %div3A_458 : vector<16xf32> to vector<1x16xf32>
      tpu.vector_store %arg6[%swap3A_461, %swap3A_462], %swap3A_465 {strides = array<i32>} : memref<512x128xf32, #tpu.memory_space<vmem>>, vector<1x16xf32>,
      %add3A_466 = arith.constant 256 : i32
      %add3A_467 = arith.addi %add3A_466, %scan3A_373 : i32
      %get3A_468 = arith.index_cast %add3A_467 : i32 to index
      %get3A_469 = arith.constant 64 : index
      %get3A_470 = tpu.vector_load %arg6[%get3A_468, %get3A_469] {strides = array<i32>} : memref<512x128xf32, #tpu.memory_space<vmem>>, vector<1x16xf32>,
      %get3A_471 = vector.shape_cast %get3A_470 : vector<1x16xf32> to vector<16xf32>
      %neg3A_472 = arith.constant 0.000000e+00 : f32
      %neg3A_473 = vector.broadcast %neg3A_472 : f32 to vector<16xf32>
      %neg3A_474 = arith.subf %neg3A_473, %get3A_471 : vector<16xf32>
      %exp3A_475 = math.exp %neg3A_474 : vector<16xf32>
      %add3A_476 = arith.constant 1.000000e+00 : f32
      %add3A_477 = vector.broadcast %add3A_476 : f32 to vector<16xf32>
      %add3A_478 = arith.addf %add3A_477, %exp3A_475 : vector<16xf32>
      %div3A_479 = arith.constant 1.000000e+00 : f32
      %div3A_480 = vector.broadcast %div3A_479 : f32 to vector<16xf32>
      %div3A_481 = arith.divf %div3A_480, %add3A_478 : vector<16xf32>
      %add3A_482 = arith.constant 256 : i32
      %add3A_483 = arith.addi %add3A_482, %scan3A_373 : i32
      %swap3A_484 = arith.index_cast %add3A_483 : i32 to index
      %swap3A_485 = arith.constant 64 : index
      %swap3A_486 = tpu.vector_load %arg6[%swap3A_484, %swap3A_485] {strides = array<i32>} : memref<512x128xf32, #tpu.memory_space<vmem>>, vector<1x16xf32>,
      %swap3A_487 = vector.shape_cast %swap3A_486 : vector<1x16xf32> to vector<16xf32>
      %swap3A_488 = vector.shape_cast %div3A_481 : vector<16xf32> to vector<1x16xf32>
      tpu.vector_store %arg6[%swap3A_484, %swap3A_485], %swap3A_488 {strides = array<i32>} : memref<512x128xf32, #tpu.memory_space<vmem>>, vector<1x16xf32>,
      %add3A_489 = arith.constant 256 : i32
      %add3A_490 = arith.addi %add3A_489, %scan3A_373 : i32
      %get3A_491 = arith.index_cast %add3A_490 : i32 to index
      %get3A_492 = arith.constant 80 : index
      %get3A_493 = tpu.vector_load %arg6[%get3A_491, %get3A_492] {strides = array<i32>} : memref<512x128xf32, #tpu.memory_space<vmem>>, vector<1x16xf32>,
      %get3A_494 = vector.shape_cast %get3A_493 : vector<1x16xf32> to vector<16xf32>
      %neg3A_495 = arith.constant 0.000000e+00 : f32
      %neg3A_496 = vector.broadcast %neg3A_495 : f32 to vector<16xf32>
      %neg3A_497 = arith.subf %neg3A_496, %get3A_494 : vector<16xf32>
      %exp3A_498 = math.exp %neg3A_497 : vector<16xf32>
      %add3A_499 = arith.constant 1.000000e+00 : f32
      %add3A_500 = vector.broadcast %add3A_499 : f32 to vector<16xf32>
      %add3A_501 = arith.addf %add3A_500, %exp3A_498 : vector<16xf32>
      %div3A_502 = arith.constant 1.000000e+00 : f32
      %div3A_503 = vector.broadcast %div3A_502 : f32 to vector<16xf32>
      %div3A_504 = arith.divf %div3A_503, %add3A_501 : vector<16xf32>
      %add3A_505 = arith.constant 256 : i32
      %add3A_506 = arith.addi %add3A_505, %scan3A_373 : i32
      %swap3A_507 = arith.index_cast %add3A_506 : i32 to index
      %swap3A_508 = arith.constant 80 : index
      %swap3A_509 = tpu.vector_load %arg6[%swap3A_507, %swap3A_508] {strides = array<i32>} : memref<512x128xf32, #tpu.memory_space<vmem>>, vector<1x16xf32>,
      %swap3A_510 = vector.shape_cast %swap3A_509 : vector<1x16xf32> to vector<16xf32>
      %swap3A_511 = vector.shape_cast %div3A_504 : vector<16xf32> to vector<1x16xf32>
      tpu.vector_store %arg6[%swap3A_507, %swap3A_508], %swap3A_511 {strides = array<i32>} : memref<512x128xf32, #tpu.memory_space<vmem>>, vector<1x16xf32>,
      %add3A_512 = arith.constant 256 : i32
      %add3A_513 = arith.addi %add3A_512, %scan3A_373 : i32
      %get3A_514 = arith.index_cast %add3A_513 : i32 to index
      %get3A_515 = arith.constant 96 : index
      %get3A_516 = tpu.vector_load %arg6[%get3A_514, %get3A_515] {strides = array<i32>} : memref<512x128xf32, #tpu.memory_space<vmem>>, vector<1x16xf32>,
      %get3A_517 = vector.shape_cast %get3A_516 : vector<1x16xf32> to vector<16xf32>
      %neg3A_518 = arith.constant 0.000000e+00 : f32
      %neg3A_519 = vector.broadcast %neg3A_518 : f32 to vector<16xf32>
      %neg3A_520 = arith.subf %neg3A_519, %get3A_517 : vector<16xf32>
      %exp3A_521 = math.exp %neg3A_520 : vector<16xf32>
      %add3A_522 = arith.constant 1.000000e+00 : f32
      %add3A_523 = vector.broadcast %add3A_522 : f32 to vector<16xf32>
      %add3A_524 = arith.addf %add3A_523, %exp3A_521 : vector<16xf32>
      %div3A_525 = arith.constant 1.000000e+00 : f32
      %div3A_526 = vector.broadcast %div3A_525 : f32 to vector<16xf32>
      %div3A_527 = arith.divf %div3A_526, %add3A_524 : vector<16xf32>
      %add3A_528 = arith.constant 256 : i32
      %add3A_529 = arith.addi %add3A_528, %scan3A_373 : i32
      %swap3A_530 = arith.index_cast %add3A_529 : i32 to index
      %swap3A_531 = arith.constant 96 : index
      %swap3A_532 = tpu.vector_load %arg6[%swap3A_530, %swap3A_531] {strides = array<i32>} : memref<512x128xf32, #tpu.memory_space<vmem>>, vector<1x16xf32>,
      %swap3A_533 = vector.shape_cast %swap3A_532 : vector<1x16xf32> to vector<16xf32>
      %swap3A_534 = vector.shape_cast %div3A_527 : vector<16xf32> to vector<1x16xf32>
      tpu.vector_store %arg6[%swap3A_530, %swap3A_531], %swap3A_534 {strides = array<i32>} : memref<512x128xf32, #tpu.memory_space<vmem>>, vector<1x16xf32>,
      %add3A_535 = arith.constant 256 : i32
      %add3A_536 = arith.addi %add3A_535, %scan3A_373 : i32
      %get3A_537 = arith.index_cast %add3A_536 : i32 to index
      %get3A_538 = arith.constant 112 : index
      %get3A_539 = tpu.vector_load %arg6[%get3A_537, %get3A_538] {strides = array<i32>} : memref<512x128xf32, #tpu.memory_space<vmem>>, vector<1x16xf32>,
      %get3A_540 = vector.shape_cast %get3A_539 : vector<1x16xf32> to vector<16xf32>
      %neg3A_541 = arith.constant 0.000000e+00 : f32
      %neg3A_542 = vector.broadcast %neg3A_541 : f32 to vector<16xf32>
      %neg3A_543 = arith.subf %neg3A_542, %get3A_540 : vector<16xf32>
      %exp3A_544 = math.exp %neg3A_543 : vector<16xf32>
      %add3A_545 = arith.constant 1.000000e+00 : f32
      %add3A_546 = vector.broadcast %add3A_545 : f32 to vector<16xf32>
      %add3A_547 = arith.addf %add3A_546, %exp3A_544 : vector<16xf32>
      %div3A_548 = arith.constant 1.000000e+00 : f32
      %div3A_549 = vector.broadcast %div3A_548 : f32 to vector<16xf32>
      %div3A_550 = arith.divf %div3A_549, %add3A_547 : vector<16xf32>
      %add3A_551 = arith.constant 256 : i32
      %add3A_552 = arith.addi %add3A_551, %scan3A_373 : i32
      %swap3A_553 = arith.index_cast %add3A_552 : i32 to index
      %swap3A_554 = arith.constant 112 : index
      %swap3A_555 = tpu.vector_load %arg6[%swap3A_553, %swap3A_554] {strides = array<i32>} : memref<512x128xf32, #tpu.memory_space<vmem>>, vector<1x16xf32>,
      %swap3A_556 = vector.shape_cast %swap3A_555 : vector<1x16xf32> to vector<16xf32>
      %swap3A_557 = vector.shape_cast %div3A_550 : vector<16xf32> to vector<1x16xf32>
      tpu.vector_store %arg6[%swap3A_553, %swap3A_554], %swap3A_557 {strides = array<i32>} : memref<512x128xf32, #tpu.memory_space<vmem>>, vector<1x16xf32>,
      %scan3A_558 = arith.constant 2 : i32
      %scan3A_559 = arith.addi %scan3A_192, %scan3A_558 : i32
      %add3A_560 = arith.constant 256 : i32
      %add3A_561 = arith.addi %add3A_560, %scan3A_559 : i32
      %get3A_562 = arith.index_cast %add3A_561 : i32 to index
      %get3A_563 = arith.constant 0 : index
      %get3A_564 = tpu.vector_load %arg6[%get3A_562, %get3A_563] {strides = array<i32>} : memref<512x128xf32, #tpu.memory_space<vmem>>, vector<1x16xf32>,
      %get3A_565 = vector.shape_cast %get3A_564 : vector<1x16xf32> to vector<16xf32>
      %neg3A_566 = arith.constant 0.000000e+00 : f32
      %neg3A_567 = vector.broadcast %neg3A_566 : f32 to vector<16xf32>
      %neg3A_568 = arith.subf %neg3A_567, %get3A_565 : vector<16xf32>
      %exp3A_569 = math.exp %neg3A_568 : vector<16xf32>
      %add3A_570 = arith.constant 1.000000e+00 : f32
      %add3A_571 = vector.broadcast %add3A_570 : f32 to vector<16xf32>
      %add3A_572 = arith.addf %add3A_571, %exp3A_569 : vector<16xf32>
      %div3A_573 = arith.constant 1.000000e+00 : f32
      %div3A_574 = vector.broadcast %div3A_573 : f32 to vector<16xf32>
      %div3A_575 = arith.divf %div3A_574, %add3A_572 : vector<16xf32>
      %add3A_576 = arith.constant 256 : i32
      %add3A_577 = arith.addi %add3A_576, %scan3A_559 : i32
      %swap3A_578 = arith.index_cast %add3A_577 : i32 to index
      %swap3A_579 = arith.constant 0 : index
      %swap3A_580 = tpu.vector_load %arg6[%swap3A_578, %swap3A_579] {strides = array<i32>} : memref<512x128xf32, #tpu.memory_space<vmem>>, vector<1x16xf32>,
      %swap3A_581 = vector.shape_cast %swap3A_580 : vector<1x16xf32> to vector<16xf32>
      %swap3A_582 = vector.shape_cast %div3A_575 : vector<16xf32> to vector<1x16xf32>
      tpu.vector_store %arg6[%swap3A_578, %swap3A_579], %swap3A_582 {strides = array<i32>} : memref<512x128xf32, #tpu.memory_space<vmem>>, vector<1x16xf32>,
      %add3A_583 = arith.constant 256 : i32
      %add3A_584 = arith.addi %add3A_583, %scan3A_559 : i32
      %get3A_585 = arith.index_cast %add3A_584 : i32 to index
      %get3A_586 = arith.constant 16 : index
      %get3A_587 = tpu.vector_load %arg6[%get3A_585, %get3A_586] {strides = array<i32>} : memref<512x128xf32, #tpu.memory_space<vmem>>, vector<1x16xf32>,
      %get3A_588 = vector.shape_cast %get3A_587 : vector<1x16xf32> to vector<16xf32>
      %neg3A_589 = arith.constant 0.000000e+00 : f32
      %neg3A_590 = vector.broadcast %neg3A_589 : f32 to vector<16xf32>
      %neg3A_591 = arith.subf %neg3A_590, %get3A_588 : vector<16xf32>
      %exp3A_592 = math.exp %neg3A_591 : vector<16xf32>
      %add3A_593 = arith.constant 1.000000e+00 : f32
      %add3A_594 = vector.broadcast %add3A_593 : f32 to vector<16xf32>
      %add3A_595 = arith.addf %add3A_594, %exp3A_592 : vector<16xf32>
      %div3A_596 = arith.constant 1.000000e+00 : f32
      %div3A_597 = vector.broadcast %div3A_596 : f32 to vector<16xf32>
      %div3A_598 = arith.divf %div3A_597, %add3A_595 : vector<16xf32>
      %add3A_599 = arith.constant 256 : i32
      %add3A_600 = arith.addi %add3A_599, %scan3A_559 : i32
      %swap3A_601 = arith.index_cast %add3A_600 : i32 to index
      %swap3A_602 = arith.constant 16 : index
      %swap3A_603 = tpu.vector_load %arg6[%swap3A_601, %swap3A_602] {strides = array<i32>} : memref<512x128xf32, #tpu.memory_space<vmem>>, vector<1x16xf32>,
      %swap3A_604 = vector.shape_cast %swap3A_603 : vector<1x16xf32> to vector<16xf32>
      %swap3A_605 = vector.shape_cast %div3A_598 : vector<16xf32> to vector<1x16xf32>
      tpu.vector_store %arg6[%swap3A_601, %swap3A_602], %swap3A_605 {strides = array<i32>} : memref<512x128xf32, #tpu.memory_space<vmem>>, vector<1x16xf32>,
      %add3A_606 = arith.constant 256 : i32
      %add3A_607 = arith.addi %add3A_606, %scan3A_559 : i32
      %get3A_608 = arith.index_cast %add3A_607 : i32 to index
      %get3A_609 = arith.constant 32 : index
      %get3A_610 = tpu.vector_load %arg6[%get3A_608, %get3A_609] {strides = array<i32>} : memref<512x128xf32, #tpu.memory_space<vmem>>, vector<1x16xf32>,
      %get3A_611 = vector.shape_cast %get3A_610 : vector<1x16xf32> to vector<16xf32>
      %neg3A_612 = arith.constant 0.000000e+00 : f32
      %neg3A_613 = vector.broadcast %neg3A_612 : f32 to vector<16xf32>
      %neg3A_614 = arith.subf %neg3A_613, %get3A_611 : vector<16xf32>
      %exp3A_615 = math.exp %neg3A_614 : vector<16xf32>
      %add3A_616 = arith.constant 1.000000e+00 : f32
      %add3A_617 = vector.broadcast %add3A_616 : f32 to vector<16xf32>
      %add3A_618 = arith.addf %add3A_617, %exp3A_615 : vector<16xf32>
      %div3A_619 = arith.constant 1.000000e+00 : f32
      %div3A_620 = vector.broadcast %div3A_619 : f32 to vector<16xf32>
      %div3A_621 = arith.divf %div3A_620, %add3A_618 : vector<16xf32>
      %add3A_622 = arith.constant 256 : i32
      %add3A_623 = arith.addi %add3A_622, %scan3A_559 : i32
      %swap3A_624 = arith.index_cast %add3A_623 : i32 to index
      %swap3A_625 = arith.constant 32 : index
      %swap3A_626 = tpu.vector_load %arg6[%swap3A_624, %swap3A_625] {strides = array<i32>} : memref<512x128xf32, #tpu.memory_space<vmem>>, vector<1x16xf32>,
      %swap3A_627 = vector.shape_cast %swap3A_626 : vector<1x16xf32> to vector<16xf32>
      %swap3A_628 = vector.shape_cast %div3A_621 : vector<16xf32> to vector<1x16xf32>
      tpu.vector_store %arg6[%swap3A_624, %swap3A_625], %swap3A_628 {strides = array<i32>} : memref<512x128xf32, #tpu.memory_space<vmem>>, vector<1x16xf32>,
      %add3A_629 = arith.constant 256 : i32
      %add3A_630 = arith.addi %add3A_629, %scan3A_559 : i32
      %get3A_631 = arith.index_cast %add3A_630 : i32 to index
      %get3A_632 = arith.constant 48 : index
      %get3A_633 = tpu.vector_load %arg6[%get3A_631, %get3A_632] {strides = array<i32>} : memref<512x128xf32, #tpu.memory_space<vmem>>, vector<1x16xf32>,
      %get3A_634 = vector.shape_cast %get3A_633 : vector<1x16xf32> to vector<16xf32>
      %neg3A_635 = arith.constant 0.000000e+00 : f32
      %neg3A_636 = vector.broadcast %neg3A_635 : f32 to vector<16xf32>
      %neg3A_637 = arith.subf %neg3A_636, %get3A_634 : vector<16xf32>
      %exp3A_638 = math.exp %neg3A_637 : vector<16xf32>
      %add3A_639 = arith.constant 1.000000e+00 : f32
      %add3A_640 = vector.broadcast %add3A_639 : f32 to vector<16xf32>
      %add3A_641 = arith.addf %add3A_640, %exp3A_638 : vector<16xf32>
      %div3A_642 = arith.constant 1.000000e+00 : f32
      %div3A_643 = vector.broadcast %div3A_642 : f32 to vector<16xf32>
      %div3A_644 = arith.divf %div3A_643, %add3A_641 : vector<16xf32>
      %add3A_645 = arith.constant 256 : i32
      %add3A_646 = arith.addi %add3A_645, %scan3A_559 : i32
      %swap3A_647 = arith.index_cast %add3A_646 : i32 to index
      %swap3A_648 = arith.constant 48 : index
      %swap3A_649 = tpu.vector_load %arg6[%swap3A_647, %swap3A_648] {strides = array<i32>} : memref<512x128xf32, #tpu.memory_space<vmem>>, vector<1x16xf32>,
      %swap3A_650 = vector.shape_cast %swap3A_649 : vector<1x16xf32> to vector<16xf32>
      %swap3A_651 = vector.shape_cast %div3A_644 : vector<16xf32> to vector<1x16xf32>
      tpu.vector_store %arg6[%swap3A_647, %swap3A_648], %swap3A_651 {strides = array<i32>} : memref<512x128xf32, #tpu.memory_space<vmem>>, vector<1x16xf32>,
      %add3A_652 = arith.constant 256 : i32
      %add3A_653 = arith.addi %add3A_652, %scan3A_559 : i32
      %get3A_654 = arith.index_cast %add3A_653 : i32 to index
      %get3A_655 = arith.constant 64 : index
      %get3A_656 = tpu.vector_load %arg6[%get3A_654, %get3A_655] {strides = array<i32>} : memref<512x128xf32, #tpu.memory_space<vmem>>, vector<1x16xf32>,
      %get3A_657 = vector.shape_cast %get3A_656 : vector<1x16xf32> to vector<16xf32>
      %neg3A_658 = arith.constant 0.000000e+00 : f32
      %neg3A_659 = vector.broadcast %neg3A_658 : f32 to vector<16xf32>
      %neg3A_660 = arith.subf %neg3A_659, %get3A_657 : vector<16xf32>
      %exp3A_661 = math.exp %neg3A_660 : vector<16xf32>
      %add3A_662 = arith.constant 1.000000e+00 : f32
      %add3A_663 = vector.broadcast %add3A_662 : f32 to vector<16xf32>
      %add3A_664 = arith.addf %add3A_663, %exp3A_661 : vector<16xf32>
      %div3A_665 = arith.constant 1.000000e+00 : f32
      %div3A_666 = vector.broadcast %div3A_665 : f32 to vector<16xf32>
      %div3A_667 = arith.divf %div3A_666, %add3A_664 : vector<16xf32>
      %add3A_668 = arith.constant 256 : i32
      %add3A_669 = arith.addi %add3A_668, %scan3A_559 : i32
      %swap3A_670 = arith.index_cast %add3A_669 : i32 to index
      %swap3A_671 = arith.constant 64 : index
      %swap3A_672 = tpu.vector_load %arg6[%swap3A_670, %swap3A_671] {strides = array<i32>} : memref<512x128xf32, #tpu.memory_space<vmem>>, vector<1x16xf32>,
      %swap3A_673 = vector.shape_cast %swap3A_672 : vector<1x16xf32> to vector<16xf32>
      %swap3A_674 = vector.shape_cast %div3A_667 : vector<16xf32> to vector<1x16xf32>
      tpu.vector_store %arg6[%swap3A_670, %swap3A_671], %swap3A_674 {strides = array<i32>} : memref<512x128xf32, #tpu.memory_space<vmem>>, vector<1x16xf32>,
      %add3A_675 = arith.constant 256 : i32
      %add3A_676 = arith.addi %add3A_675, %scan3A_559 : i32
      %get3A_677 = arith.index_cast %add3A_676 : i32 to index
      %get3A_678 = arith.constant 80 : index
      %get3A_679 = tpu.vector_load %arg6[%get3A_677, %get3A_678] {strides = array<i32>} : memref<512x128xf32, #tpu.memory_space<vmem>>, vector<1x16xf32>,
      %get3A_680 = vector.shape_cast %get3A_679 : vector<1x16xf32> to vector<16xf32>
      %neg3A_681 = arith.constant 0.000000e+00 : f32
      %neg3A_682 = vector.broadcast %neg3A_681 : f32 to vector<16xf32>
      %neg3A_683 = arith.subf %neg3A_682, %get3A_680 : vector<16xf32>
      %exp3A_684 = math.exp %neg3A_683 : vector<16xf32>
      %add3A_685 = arith.constant 1.000000e+00 : f32
      %add3A_686 = vector.broadcast %add3A_685 : f32 to vector<16xf32>
      %add3A_687 = arith.addf %add3A_686, %exp3A_684 : vector<16xf32>
      %div3A_688 = arith.constant 1.000000e+00 : f32
      %div3A_689 = vector.broadcast %div3A_688 : f32 to vector<16xf32>
      %div3A_690 = arith.divf %div3A_689, %add3A_687 : vector<16xf32>
      %add3A_691 = arith.constant 256 : i32
      %add3A_692 = arith.addi %add3A_691, %scan3A_559 : i32
      %swap3A_693 = arith.index_cast %add3A_692 : i32 to index
      %swap3A_694 = arith.constant 80 : index
      %swap3A_695 = tpu.vector_load %arg6[%swap3A_693, %swap3A_694] {strides = array<i32>} : memref<512x128xf32, #tpu.memory_space<vmem>>, vector<1x16xf32>,
      %swap3A_696 = vector.shape_cast %swap3A_695 : vector<1x16xf32> to vector<16xf32>
      %swap3A_697 = vector.shape_cast %div3A_690 : vector<16xf32> to vector<1x16xf32>
      tpu.vector_store %arg6[%swap3A_693, %swap3A_694], %swap3A_697 {strides = array<i32>} : memref<512x128xf32, #tpu.memory_space<vmem>>, vector<1x16xf32>,
      %add3A_698 = arith.constant 256 : i32
      %add3A_699 = arith.addi %add3A_698, %scan3A_559 : i32
      %get3A_700 = arith.index_cast %add3A_699 : i32 to index
      %get3A_701 = arith.constant 96 : index
      %get3A_702 = tpu.vector_load %arg6[%get3A_700, %get3A_701] {strides = array<i32>} : memref<512x128xf32, #tpu.memory_space<vmem>>, vector<1x16xf32>,
      %get3A_703 = vector.shape_cast %get3A_702 : vector<1x16xf32> to vector<16xf32>
      %neg3A_704 = arith.constant 0.000000e+00 : f32
      %neg3A_705 = vector.broadcast %neg3A_704 : f32 to vector<16xf32>
      %neg3A_706 = arith.subf %neg3A_705, %get3A_703 : vector<16xf32>
      %exp3A_707 = math.exp %neg3A_706 : vector<16xf32>
      %add3A_708 = arith.constant 1.000000e+00 : f32
      %add3A_709 = vector.broadcast %add3A_708 : f32 to vector<16xf32>
      %add3A_710 = arith.addf %add3A_709, %exp3A_707 : vector<16xf32>
      %div3A_711 = arith.constant 1.000000e+00 : f32
      %div3A_712 = vector.broadcast %div3A_711 : f32 to vector<16xf32>
      %div3A_713 = arith.divf %div3A_712, %add3A_710 : vector<16xf32>
      %add3A_714 = arith.constant 256 : i32
      %add3A_715 = arith.addi %add3A_714, %scan3A_559 : i32
      %swap3A_716 = arith.index_cast %add3A_715 : i32 to index
      %swap3A_717 = arith.constant 96 : index
      %swap3A_718 = tpu.vector_load %arg6[%swap3A_716, %swap3A_717] {strides = array<i32>} : memref<512x128xf32, #tpu.memory_space<vmem>>, vector<1x16xf32>,
      %swap3A_719 = vector.shape_cast %swap3A_718 : vector<1x16xf32> to vector<16xf32>
      %swap3A_720 = vector.shape_cast %div3A_713 : vector<16xf32> to vector<1x16xf32>
      tpu.vector_store %arg6[%swap3A_716, %swap3A_717], %swap3A_720 {strides = array<i32>} : memref<512x128xf32, #tpu.memory_space<vmem>>, vector<1x16xf32>,
      %add3A_721 = arith.constant 256 : i32
      %add3A_722 = arith.addi %add3A_721, %scan3A_559 : i32
      %get3A_723 = arith.index_cast %add3A_722 : i32 to index
      %get3A_724 = arith.constant 112 : index
      %get3A_725 = tpu.vector_load %arg6[%get3A_723, %get3A_724] {strides = array<i32>} : memref<512x128xf32, #tpu.memory_space<vmem>>, vector<1x16xf32>,
      %get3A_726 = vector.shape_cast %get3A_725 : vector<1x16xf32> to vector<16xf32>
      %neg3A_727 = arith.constant 0.000000e+00 : f32
      %neg3A_728 = vector.broadcast %neg3A_727 : f32 to vector<16xf32>
      %neg3A_729 = arith.subf %neg3A_728, %get3A_726 : vector<16xf32>
      %exp3A_730 = math.exp %neg3A_729 : vector<16xf32>
      %add3A_731 = arith.constant 1.000000e+00 : f32
      %add3A_732 = vector.broadcast %add3A_731 : f32 to vector<16xf32>
      %add3A_733 = arith.addf %add3A_732, %exp3A_730 : vector<16xf32>
      %div3A_734 = arith.constant 1.000000e+00 : f32
      %div3A_735 = vector.broadcast %div3A_734 : f32 to vector<16xf32>
      %div3A_736 = arith.divf %div3A_735, %add3A_733 : vector<16xf32>
      %add3A_737 = arith.constant 256 : i32
      %add3A_738 = arith.addi %add3A_737, %scan3A_559 : i32
      %swap3A_739 = arith.index_cast %add3A_738 : i32 to index
      %swap3A_740 = arith.constant 112 : index
      %swap3A_741 = tpu.vector_load %arg6[%swap3A_739, %swap3A_740] {strides = array<i32>} : memref<512x128xf32, #tpu.memory_space<vmem>>, vector<1x16xf32>,
      %swap3A_742 = vector.shape_cast %swap3A_741 : vector<1x16xf32> to vector<16xf32>
      %swap3A_743 = vector.shape_cast %div3A_736 : vector<16xf32> to vector<1x16xf32>
      tpu.vector_store %arg6[%swap3A_739, %swap3A_740], %swap3A_743 {strides = array<i32>} : memref<512x128xf32, #tpu.memory_space<vmem>>, vector<1x16xf32>,
      %scan3A_744 = arith.constant 3 : i32
      %scan3A_745 = arith.addi %scan3A_192, %scan3A_744 : i32
      %add3A_746 = arith.constant 256 : i32
      %add3A_747 = arith.addi %add3A_746, %scan3A_745 : i32
      %get3A_748 = arith.index_cast %add3A_747 : i32 to index
      %get3A_749 = arith.constant 0 : index
      %get3A_750 = tpu.vector_load %arg6[%get3A_748, %get3A_749] {strides = array<i32>} : memref<512x128xf32, #tpu.memory_space<vmem>>, vector<1x16xf32>,
      %get3A_751 = vector.shape_cast %get3A_750 : vector<1x16xf32> to vector<16xf32>
      %neg3A_752 = arith.constant 0.000000e+00 : f32
      %neg3A_753 = vector.broadcast %neg3A_752 : f32 to vector<16xf32>
      %neg3A_754 = arith.subf %neg3A_753, %get3A_751 : vector<16xf32>
      %exp3A_755 = math.exp %neg3A_754 : vector<16xf32>
      %add3A_756 = arith.constant 1.000000e+00 : f32
      %add3A_757 = vector.broadcast %add3A_756 : f32 to vector<16xf32>
      %add3A_758 = arith.addf %add3A_757, %exp3A_755 : vector<16xf32>
      %div3A_759 = arith.constant 1.000000e+00 : f32
      %div3A_760 = vector.broadcast %div3A_759 : f32 to vector<16xf32>
      %div3A_761 = arith.divf %div3A_760, %add3A_758 : vector<16xf32>
      %add3A_762 = arith.constant 256 : i32
      %add3A_763 = arith.addi %add3A_762, %scan3A_745 : i32
      %swap3A_764 = arith.index_cast %add3A_763 : i32 to index
      %swap3A_765 = arith.constant 0 : index
      %swap3A_766 = tpu.vector_load %arg6[%swap3A_764, %swap3A_765] {strides = array<i32>} : memref<512x128xf32, #tpu.memory_space<vmem>>, vector<1x16xf32>,
      %swap3A_767 = vector.shape_cast %swap3A_766 : vector<1x16xf32> to vector<16xf32>
      %swap3A_768 = vector.shape_cast %div3A_761 : vector<16xf32> to vector<1x16xf32>
      tpu.vector_store %arg6[%swap3A_764, %swap3A_765], %swap3A_768 {strides = array<i32>} : memref<512x128xf32, #tpu.memory_space<vmem>>, vector<1x16xf32>,
      %add3A_769 = arith.constant 256 : i32
      %add3A_770 = arith.addi %add3A_769, %scan3A_745 : i32
      %get3A_771 = arith.index_cast %add3A_770 : i32 to index
      %get3A_772 = arith.constant 16 : index
      %get3A_773 = tpu.vector_load %arg6[%get3A_771, %get3A_772] {strides = array<i32>} : memref<512x128xf32, #tpu.memory_space<vmem>>, vector<1x16xf32>,
      %get3A_774 = vector.shape_cast %get3A_773 : vector<1x16xf32> to vector<16xf32>
      %neg3A_775 = arith.constant 0.000000e+00 : f32
      %neg3A_776 = vector.broadcast %neg3A_775 : f32 to vector<16xf32>
      %neg3A_777 = arith.subf %neg3A_776, %get3A_774 : vector<16xf32>
      %exp3A_778 = math.exp %neg3A_777 : vector<16xf32>
      %add3A_779 = arith.constant 1.000000e+00 : f32
      %add3A_780 = vector.broadcast %add3A_779 : f32 to vector<16xf32>
      %add3A_781 = arith.addf %add3A_780, %exp3A_778 : vector<16xf32>
      %div3A_782 = arith.constant 1.000000e+00 : f32
      %div3A_783 = vector.broadcast %div3A_782 : f32 to vector<16xf32>
      %div3A_784 = arith.divf %div3A_783, %add3A_781 : vector<16xf32>
      %add3A_785 = arith.constant 256 : i32
      %add3A_786 = arith.addi %add3A_785, %scan3A_745 : i32
      %swap3A_787 = arith.index_cast %add3A_786 : i32 to index
      %swap3A_788 = arith.constant 16 : index
      %swap3A_789 = tpu.vector_load %arg6[%swap3A_787, %swap3A_788] {strides = array<i32>} : memref<512x128xf32, #tpu.memory_space<vmem>>, vector<1x16xf32>,
      %swap3A_790 = vector.shape_cast %swap3A_789 : vector<1x16xf32> to vector<16xf32>
      %swap3A_791 = vector.shape_cast %div3A_784 : vector<16xf32> to vector<1x16xf32>
      tpu.vector_store %arg6[%swap3A_787, %swap3A_788], %swap3A_791 {strides = array<i32>} : memref<512x128xf32, #tpu.memory_space<vmem>>, vector<1x16xf32>,
      %add3A_792 = arith.constant 256 : i32
      %add3A_793 = arith.addi %add3A_792, %scan3A_745 : i32
      %get3A_794 = arith.index_cast %add3A_793 : i32 to index
      %get3A_795 = arith.constant 32 : index
      %get3A_796 = tpu.vector_load %arg6[%get3A_794, %get3A_795] {strides = array<i32>} : memref<512x128xf32, #tpu.memory_space<vmem>>, vector<1x16xf32>,
      %get3A_797 = vector.shape_cast %get3A_796 : vector<1x16xf32> to vector<16xf32>
      %neg3A_798 = arith.constant 0.000000e+00 : f32
      %neg3A_799 = vector.broadcast %neg3A_798 : f32 to vector<16xf32>
      %neg3A_800 = arith.subf %neg3A_799, %get3A_797 : vector<16xf32>
      %exp3A_801 = math.exp %neg3A_800 : vector<16xf32>
      %add3A_802 = arith.constant 1.000000e+00 : f32
      %add3A_803 = vector.broadcast %add3A_802 : f32 to vector<16xf32>
      %add3A_804 = arith.addf %add3A_803, %exp3A_801 : vector<16xf32>
      %div3A_805 = arith.constant 1.000000e+00 : f32
      %div3A_806 = vector.broadcast %div3A_805 : f32 to vector<16xf32>
      %div3A_807 = arith.divf %div3A_806, %add3A_804 : vector<16xf32>
      %add3A_808 = arith.constant 256 : i32
      %add3A_809 = arith.addi %add3A_808, %scan3A_745 : i32
      %swap3A_810 = arith.index_cast %add3A_809 : i32 to index
      %swap3A_811 = arith.constant 32 : index
      %swap3A_812 = tpu.vector_load %arg6[%swap3A_810, %swap3A_811] {strides = array<i32>} : memref<512x128xf32, #tpu.memory_space<vmem>>, vector<1x16xf32>,
      %swap3A_813 = vector.shape_cast %swap3A_812 : vector<1x16xf32> to vector<16xf32>
      %swap3A_814 = vector.shape_cast %div3A_807 : vector<16xf32> to vector<1x16xf32>
      tpu.vector_store %arg6[%swap3A_810, %swap3A_811], %swap3A_814 {strides = array<i32>} : memref<512x128xf32, #tpu.memory_space<vmem>>, vector<1x16xf32>,
      %add3A_815 = arith.constant 256 : i32
      %add3A_816 = arith.addi %add3A_815, %scan3A_745 : i32
      %get3A_817 = arith.index_cast %add3A_816 : i32 to index
      %get3A_818 = arith.constant 48 : index
      %get3A_819 = tpu.vector_load %arg6[%get3A_817, %get3A_818] {strides = array<i32>} : memref<512x128xf32, #tpu.memory_space<vmem>>, vector<1x16xf32>,
      %get3A_820 = vector.shape_cast %get3A_819 : vector<1x16xf32> to vector<16xf32>
      %neg3A_821 = arith.constant 0.000000e+00 : f32
      %neg3A_822 = vector.broadcast %neg3A_821 : f32 to vector<16xf32>
      %neg3A_823 = arith.subf %neg3A_822, %get3A_820 : vector<16xf32>
      %exp3A_824 = math.exp %neg3A_823 : vector<16xf32>
      %add3A_825 = arith.constant 1.000000e+00 : f32
      %add3A_826 = vector.broadcast %add3A_825 : f32 to vector<16xf32>
      %add3A_827 = arith.addf %add3A_826, %exp3A_824 : vector<16xf32>
      %div3A_828 = arith.constant 1.000000e+00 : f32
      %div3A_829 = vector.broadcast %div3A_828 : f32 to vector<16xf32>
      %div3A_830 = arith.divf %div3A_829, %add3A_827 : vector<16xf32>
      %add3A_831 = arith.constant 256 : i32
      %add3A_832 = arith.addi %add3A_831, %scan3A_745 : i32
      %swap3A_833 = arith.index_cast %add3A_832 : i32 to index
      %swap3A_834 = arith.constant 48 : index
      %swap3A_835 = tpu.vector_load %arg6[%swap3A_833, %swap3A_834] {strides = array<i32>} : memref<512x128xf32, #tpu.memory_space<vmem>>, vector<1x16xf32>,
      %swap3A_836 = vector.shape_cast %swap3A_835 : vector<1x16xf32> to vector<16xf32>
      %swap3A_837 = vector.shape_cast %div3A_830 : vector<16xf32> to vector<1x16xf32>
      tpu.vector_store %arg6[%swap3A_833, %swap3A_834], %swap3A_837 {strides = array<i32>} : memref<512x128xf32, #tpu.memory_space<vmem>>, vector<1x16xf32>,
      %add3A_838 = arith.constant 256 : i32
      %add3A_839 = arith.addi %add3A_838, %scan3A_745 : i32
      %get3A_840 = arith.index_cast %add3A_839 : i32 to index
      %get3A_841 = arith.constant 64 : index
      %get3A_842 = tpu.vector_load %arg6[%get3A_840, %get3A_841] {strides = array<i32>} : memref<512x128xf32, #tpu.memory_space<vmem>>, vector<1x16xf32>,
      %get3A_843 = vector.shape_cast %get3A_842 : vector<1x16xf32> to vector<16xf32>
      %neg3A_844 = arith.constant 0.000000e+00 : f32
      %neg3A_845 = vector.broadcast %neg3A_844 : f32 to vector<16xf32>
      %neg3A_846 = arith.subf %neg3A_845, %get3A_843 : vector<16xf32>
      %exp3A_847 = math.exp %neg3A_846 : vector<16xf32>
      %add3A_848 = arith.constant 1.000000e+00 : f32
      %add3A_849 = vector.broadcast %add3A_848 : f32 to vector<16xf32>
      %add3A_850 = arith.addf %add3A_849, %exp3A_847 : vector<16xf32>
      %div3A_851 = arith.constant 1.000000e+00 : f32
      %div3A_852 = vector.broadcast %div3A_851 : f32 to vector<16xf32>
      %div3A_853 = arith.divf %div3A_852, %add3A_850 : vector<16xf32>
      %add3A_854 = arith.constant 256 : i32
      %add3A_855 = arith.addi %add3A_854, %scan3A_745 : i32
      %swap3A_856 = arith.index_cast %add3A_855 : i32 to index
      %swap3A_857 = arith.constant 64 : index
      %swap3A_858 = tpu.vector_load %arg6[%swap3A_856, %swap3A_857] {strides = array<i32>} : memref<512x128xf32, #tpu.memory_space<vmem>>, vector<1x16xf32>,
      %swap3A_859 = vector.shape_cast %swap3A_858 : vector<1x16xf32> to vector<16xf32>
      %swap3A_860 = vector.shape_cast %div3A_853 : vector<16xf32> to vector<1x16xf32>
      tpu.vector_store %arg6[%swap3A_856, %swap3A_857], %swap3A_860 {strides = array<i32>} : memref<512x128xf32, #tpu.memory_space<vmem>>, vector<1x16xf32>,
      %add3A_861 = arith.constant 256 : i32
      %add3A_862 = arith.addi %add3A_861, %scan3A_745 : i32
      %get3A_863 = arith.index_cast %add3A_862 : i32 to index
      %get3A_864 = arith.constant 80 : index
      %get3A_865 = tpu.vector_load %arg6[%get3A_863, %get3A_864] {strides = array<i32>} : memref<512x128xf32, #tpu.memory_space<vmem>>, vector<1x16xf32>,
      %get3A_866 = vector.shape_cast %get3A_865 : vector<1x16xf32> to vector<16xf32>
      %neg3A_867 = arith.constant 0.000000e+00 : f32
      %neg3A_868 = vector.broadcast %neg3A_867 : f32 to vector<16xf32>
      %neg3A_869 = arith.subf %neg3A_868, %get3A_866 : vector<16xf32>
      %exp3A_870 = math.exp %neg3A_869 : vector<16xf32>
      %add3A_871 = arith.constant 1.000000e+00 : f32
      %add3A_872 = vector.broadcast %add3A_871 : f32 to vector<16xf32>
      %add3A_873 = arith.addf %add3A_872, %exp3A_870 : vector<16xf32>
      %div3A_874 = arith.constant 1.000000e+00 : f32
      %div3A_875 = vector.broadcast %div3A_874 : f32 to vector<16xf32>
      %div3A_876 = arith.divf %div3A_875, %add3A_873 : vector<16xf32>
      %add3A_877 = arith.constant 256 : i32
      %add3A_878 = arith.addi %add3A_877, %scan3A_745 : i32
      %swap3A_879 = arith.index_cast %add3A_878 : i32 to index
      %swap3A_880 = arith.constant 80 : index
      %swap3A_881 = tpu.vector_load %arg6[%swap3A_879, %swap3A_880] {strides = array<i32>} : memref<512x128xf32, #tpu.memory_space<vmem>>, vector<1x16xf32>,
      %swap3A_882 = vector.shape_cast %swap3A_881 : vector<1x16xf32> to vector<16xf32>
      %swap3A_883 = vector.shape_cast %div3A_876 : vector<16xf32> to vector<1x16xf32>
      tpu.vector_store %arg6[%swap3A_879, %swap3A_880], %swap3A_883 {strides = array<i32>} : memref<512x128xf32, #tpu.memory_space<vmem>>, vector<1x16xf32>,
      %add3A_884 = arith.constant 256 : i32
      %add3A_885 = arith.addi %add3A_884, %scan3A_745 : i32
      %get3A_886 = arith.index_cast %add3A_885 : i32 to index
      %get3A_887 = arith.constant 96 : index
      %get3A_888 = tpu.vector_load %arg6[%get3A_886, %get3A_887] {strides = array<i32>} : memref<512x128xf32, #tpu.memory_space<vmem>>, vector<1x16xf32>,
      %get3A_889 = vector.shape_cast %get3A_888 : vector<1x16xf32> to vector<16xf32>
      %neg3A_890 = arith.constant 0.000000e+00 : f32
      %neg3A_891 = vector.broadcast %neg3A_890 : f32 to vector<16xf32>
      %neg3A_892 = arith.subf %neg3A_891, %get3A_889 : vector<16xf32>
      %exp3A_893 = math.exp %neg3A_892 : vector<16xf32>
      %add3A_894 = arith.constant 1.000000e+00 : f32
      %add3A_895 = vector.broadcast %add3A_894 : f32 to vector<16xf32>
      %add3A_896 = arith.addf %add3A_895, %exp3A_893 : vector<16xf32>
      %div3A_897 = arith.constant 1.000000e+00 : f32
      %div3A_898 = vector.broadcast %div3A_897 : f32 to vector<16xf32>
      %div3A_899 = arith.divf %div3A_898, %add3A_896 : vector<16xf32>
      %add3A_900 = arith.constant 256 : i32
      %add3A_901 = arith.addi %add3A_900, %scan3A_745 : i32
      %swap3A_902 = arith.index_cast %add3A_901 : i32 to index
      %swap3A_903 = arith.constant 96 : index
      %swap3A_904 = tpu.vector_load %arg6[%swap3A_902, %swap3A_903] {strides = array<i32>} : memref<512x128xf32, #tpu.memory_space<vmem>>, vector<1x16xf32>,
      %swap3A_905 = vector.shape_cast %swap3A_904 : vector<1x16xf32> to vector<16xf32>
      %swap3A_906 = vector.shape_cast %div3A_899 : vector<16xf32> to vector<1x16xf32>
      tpu.vector_store %arg6[%swap3A_902, %swap3A_903], %swap3A_906 {strides = array<i32>} : memref<512x128xf32, #tpu.memory_space<vmem>>, vector<1x16xf32>,
      %add3A_907 = arith.constant 256 : i32
      %add3A_908 = arith.addi %add3A_907, %scan3A_745 : i32
      %get3A_909 = arith.index_cast %add3A_908 : i32 to index
      %get3A_910 = arith.constant 112 : index
      %get3A_911 = tpu.vector_load %arg6[%get3A_909, %get3A_910] {strides = array<i32>} : memref<512x128xf32, #tpu.memory_space<vmem>>, vector<1x16xf32>,
      %get3A_912 = vector.shape_cast %get3A_911 : vector<1x16xf32> to vector<16xf32>
      %neg3A_913 = arith.constant 0.000000e+00 : f32
      %neg3A_914 = vector.broadcast %neg3A_913 : f32 to vector<16xf32>
      %neg3A_915 = arith.subf %neg3A_914, %get3A_912 : vector<16xf32>
      %exp3A_916 = math.exp %neg3A_915 : vector<16xf32>
      %add3A_917 = arith.constant 1.000000e+00 : f32
      %add3A_918 = vector.broadcast %add3A_917 : f32 to vector<16xf32>
      %add3A_919 = arith.addf %add3A_918, %exp3A_916 : vector<16xf32>
      %div3A_920 = arith.constant 1.000000e+00 : f32
      %div3A_921 = vector.broadcast %div3A_920 : f32 to vector<16xf32>
      %div3A_922 = arith.divf %div3A_921, %add3A_919 : vector<16xf32>
      %add3A_923 = arith.constant 256 : i32
      %add3A_924 = arith.addi %add3A_923, %scan3A_745 : i32
      %swap3A_925 = arith.index_cast %add3A_924 : i32 to index
      %swap3A_926 = arith.constant 112 : index
      %swap3A_927 = tpu.vector_load %arg6[%swap3A_925, %swap3A_926] {strides = array<i32>} : memref<512x128xf32, #tpu.memory_space<vmem>>, vector<1x16xf32>,
      %swap3A_928 = vector.shape_cast %swap3A_927 : vector<1x16xf32> to vector<16xf32>
      %swap3A_929 = vector.shape_cast %div3A_922 : vector<16xf32> to vector<1x16xf32>
      tpu.vector_store %arg6[%swap3A_925, %swap3A_926], %swap3A_929 {strides = array<i32>} : memref<512x128xf32, #tpu.memory_space<vmem>>, vector<1x16xf32>,
    }
    %scan3A_111 = arith.constant 128 : i32
    %add3A_112 = arith.constant 256 : i32
    %add3A_113 = arith.addi %mul3A_2, %add3A_112 : i32
    %dma_start3A_114 = arith.constant 256 : i32
    %dma_start3A_115 = arith.constant 0 : i32
    %dma_start3A_116 = tpu.memref_slice %arg6[%dma_start3A_114, %dma_start3A_115] : memref<512x128xf32, #tpu.memory_space<vmem>> -> memref<128x128xf32, #tpu.memory_space<vmem>>
    %dma_start3A_117 = arith.constant 0 : i32
    %dma_start3A_118 = tpu.memref_slice %arg4[%add3A_113, %dma_start3A_117] : memref<16384x128xf32, #tpu.memory_space<hbm>> -> memref<128x128xf32, #tpu.memory_space<hbm>>
    %dma_start3A_119 = arith.constant 0 : i32
    %dma_start3A_120 = tpu.memref_slice %arg4[%add3A_113, %dma_start3A_119] : memref<16384x128xf32, #tpu.memory_space<hbm>> -> memref<128x128xf32, #tpu.memory_space<hbm>>
    %dma_start3A_121 = arith.constant 256 : i32
    %dma_start3A_122 = arith.constant 0 : i32
    %dma_start3A_123 = tpu.memref_slice %arg6[%dma_start3A_121, %dma_start3A_122] : memref<512x128xf32, #tpu.memory_space<vmem>> -> memref<128x128xf32, #tpu.memory_space<vmem>>
    tpu.enqueue_dma source(%dma_start3A_123 : memref<128x128xf32, #tpu.memory_space<vmem>>) target(%dma_start3A_120 : memref<128x128xf32, #tpu.memory_space<hbm>>) target_semaphore(%arg11 : memref<!tpu.dma_semaphore, #tpu.memory_space<semaphore_mem>>)
    %dma_wait3A_124 = arith.constant 3 : i32
    %dma_wait3A_125 = arith.constant 384 : i32
    %dma_wait3A_126 = arith.constant 0 : i32
    %dma_wait3A_127 = tpu.memref_slice %arg6[%dma_wait3A_125, %dma_wait3A_126] : memref<512x128xf32, #tpu.memory_space<vmem>> -> memref<128x128xf32, #tpu.memory_space<vmem>>
    %dma_wait3A_128 = arith.constant 0 : i32
    %dma_wait3A_129 = tpu.memref_slice %arg5[%dma_wait3A_124, %dma_wait3A_128] : memref<4x128xi32, #tpu.memory_space<vmem>> -> memref<1x128xi32, #tpu.memory_space<vmem>>
    %dma_wait3A_130 = tpu.memref_squeeze %dma_wait3A_129 : memref<1x128xi32, #tpu.memory_space<vmem>> -> memref<128xi32, #tpu.memory_space<vmem>>
    %dma_wait3A_131 = arith.constant 0 : i32
    %dma_wait3A_132 = arith.constant 0 : i32
    %dma_wait3A_133 = tpu.memref_slice %arg3[%dma_wait3A_131, %dma_wait3A_132] : memref<100000x128xf32, #tpu.memory_space<hbm>> -> memref<100000x128xf32, #tpu.memory_space<hbm>>
    tpu.wait_indirect_dma semaphore(%arg10 : memref<!tpu.dma_semaphore, #tpu.memory_space<semaphore_mem>>) src(%dma_wait3A_133 : memref<100000x128xf32, #tpu.memory_space<hbm>>) dst(%dma_wait3A_127 : memref<128x128xf32, #tpu.memory_space<vmem>>)
    %scan3A_134 = arith.constant 0 : i32
    %scan3A_135 = arith.constant 0 : i32
    %scan3A_136 = arith.constant 128 : i32
    %scan3A_137 = arith.addi %scan3A_135, %scan3A_136 : i32
    %scan3A_138 = arith.constant 4 : i32
    scf.for %scan3A_192 = %scan3A_135 to %scan3A_137 step %scan3A_138  : i32 {
      %add3A_193 = arith.constant 384 : i32
      %add3A_194 = arith.addi %add3A_193, %scan3A_192 : i32
      %get3A = arith.index_cast %add3A_194 : i32 to index
      %get3A_195 = arith.constant 0 : index
      %get3A_196 = tpu.vector_load %arg6[%get3A, %get3A_195] {strides = array<i32>} : memref<512x128xf32, #tpu.memory_space<vmem>>, vector<1x16xf32>,
      %get3A_197 = vector.shape_cast %get3A_196 : vector<1x16xf32> to vector<16xf32>
      %neg3A = arith.constant 0.000000e+00 : f32
      %neg3A_198 = vector.broadcast %neg3A : f32 to vector<16xf32>
      %neg3A_199 = arith.subf %neg3A_198, %get3A_197 : vector<16xf32>
      %exp3A = math.exp %neg3A_199 : vector<16xf32>
      %add3A_200 = arith.constant 1.000000e+00 : f32
      %add3A_201 = vector.broadcast %add3A_200 : f32 to vector<16xf32>
      %add3A_202 = arith.addf %add3A_201, %exp3A : vector<16xf32>
      %div3A = arith.constant 1.000000e+00 : f32
      %div3A_203 = vector.broadcast %div3A : f32 to vector<16xf32>
      %div3A_204 = arith.divf %div3A_203, %add3A_202 : vector<16xf32>
      %add3A_205 = arith.constant 384 : i32
      %add3A_206 = arith.addi %add3A_205, %scan3A_192 : i32
      %swap3A = arith.index_cast %add3A_206 : i32 to index
      %swap3A_207 = arith.constant 0 : index
      %swap3A_208 = tpu.vector_load %arg6[%swap3A, %swap3A_207] {strides = array<i32>} : memref<512x128xf32, #tpu.memory_space<vmem>>, vector<1x16xf32>,
      %swap3A_209 = vector.shape_cast %swap3A_208 : vector<1x16xf32> to vector<16xf32>
      %swap3A_210 = vector.shape_cast %div3A_204 : vector<16xf32> to vector<1x16xf32>
      tpu.vector_store %arg6[%swap3A, %swap3A_207], %swap3A_210 {strides = array<i32>} : memref<512x128xf32, #tpu.memory_space<vmem>>, vector<1x16xf32>,
      %add3A_211 = arith.constant 384 : i32
      %add3A_212 = arith.addi %add3A_211, %scan3A_192 : i32
      %get3A_213 = arith.index_cast %add3A_212 : i32 to index
      %get3A_214 = arith.constant 16 : index
      %get3A_215 = tpu.vector_load %arg6[%get3A_213, %get3A_214] {strides = array<i32>} : memref<512x128xf32, #tpu.memory_space<vmem>>, vector<1x16xf32>,
      %get3A_216 = vector.shape_cast %get3A_215 : vector<1x16xf32> to vector<16xf32>
      %neg3A_217 = arith.constant 0.000000e+00 : f32
      %neg3A_218 = vector.broadcast %neg3A_217 : f32 to vector<16xf32>
      %neg3A_219 = arith.subf %neg3A_218, %get3A_216 : vector<16xf32>
      %exp3A_220 = math.exp %neg3A_219 : vector<16xf32>
      %add3A_221 = arith.constant 1.000000e+00 : f32
      %add3A_222 = vector.broadcast %add3A_221 : f32 to vector<16xf32>
      %add3A_223 = arith.addf %add3A_222, %exp3A_220 : vector<16xf32>
      %div3A_224 = arith.constant 1.000000e+00 : f32
      %div3A_225 = vector.broadcast %div3A_224 : f32 to vector<16xf32>
      %div3A_226 = arith.divf %div3A_225, %add3A_223 : vector<16xf32>
      %add3A_227 = arith.constant 384 : i32
      %add3A_228 = arith.addi %add3A_227, %scan3A_192 : i32
      %swap3A_229 = arith.index_cast %add3A_228 : i32 to index
      %swap3A_230 = arith.constant 16 : index
      %swap3A_231 = tpu.vector_load %arg6[%swap3A_229, %swap3A_230] {strides = array<i32>} : memref<512x128xf32, #tpu.memory_space<vmem>>, vector<1x16xf32>,
      %swap3A_232 = vector.shape_cast %swap3A_231 : vector<1x16xf32> to vector<16xf32>
      %swap3A_233 = vector.shape_cast %div3A_226 : vector<16xf32> to vector<1x16xf32>
      tpu.vector_store %arg6[%swap3A_229, %swap3A_230], %swap3A_233 {strides = array<i32>} : memref<512x128xf32, #tpu.memory_space<vmem>>, vector<1x16xf32>,
      %add3A_234 = arith.constant 384 : i32
      %add3A_235 = arith.addi %add3A_234, %scan3A_192 : i32
      %get3A_236 = arith.index_cast %add3A_235 : i32 to index
      %get3A_237 = arith.constant 32 : index
      %get3A_238 = tpu.vector_load %arg6[%get3A_236, %get3A_237] {strides = array<i32>} : memref<512x128xf32, #tpu.memory_space<vmem>>, vector<1x16xf32>,
      %get3A_239 = vector.shape_cast %get3A_238 : vector<1x16xf32> to vector<16xf32>
      %neg3A_240 = arith.constant 0.000000e+00 : f32
      %neg3A_241 = vector.broadcast %neg3A_240 : f32 to vector<16xf32>
      %neg3A_242 = arith.subf %neg3A_241, %get3A_239 : vector<16xf32>
      %exp3A_243 = math.exp %neg3A_242 : vector<16xf32>
      %add3A_244 = arith.constant 1.000000e+00 : f32
      %add3A_245 = vector.broadcast %add3A_244 : f32 to vector<16xf32>
      %add3A_246 = arith.addf %add3A_245, %exp3A_243 : vector<16xf32>
      %div3A_247 = arith.constant 1.000000e+00 : f32
      %div3A_248 = vector.broadcast %div3A_247 : f32 to vector<16xf32>
      %div3A_249 = arith.divf %div3A_248, %add3A_246 : vector<16xf32>
      %add3A_250 = arith.constant 384 : i32
      %add3A_251 = arith.addi %add3A_250, %scan3A_192 : i32
      %swap3A_252 = arith.index_cast %add3A_251 : i32 to index
      %swap3A_253 = arith.constant 32 : index
      %swap3A_254 = tpu.vector_load %arg6[%swap3A_252, %swap3A_253] {strides = array<i32>} : memref<512x128xf32, #tpu.memory_space<vmem>>, vector<1x16xf32>,
      %swap3A_255 = vector.shape_cast %swap3A_254 : vector<1x16xf32> to vector<16xf32>
      %swap3A_256 = vector.shape_cast %div3A_249 : vector<16xf32> to vector<1x16xf32>
      tpu.vector_store %arg6[%swap3A_252, %swap3A_253], %swap3A_256 {strides = array<i32>} : memref<512x128xf32, #tpu.memory_space<vmem>>, vector<1x16xf32>,
      %add3A_257 = arith.constant 384 : i32
      %add3A_258 = arith.addi %add3A_257, %scan3A_192 : i32
      %get3A_259 = arith.index_cast %add3A_258 : i32 to index
      %get3A_260 = arith.constant 48 : index
      %get3A_261 = tpu.vector_load %arg6[%get3A_259, %get3A_260] {strides = array<i32>} : memref<512x128xf32, #tpu.memory_space<vmem>>, vector<1x16xf32>,
      %get3A_262 = vector.shape_cast %get3A_261 : vector<1x16xf32> to vector<16xf32>
      %neg3A_263 = arith.constant 0.000000e+00 : f32
      %neg3A_264 = vector.broadcast %neg3A_263 : f32 to vector<16xf32>
      %neg3A_265 = arith.subf %neg3A_264, %get3A_262 : vector<16xf32>
      %exp3A_266 = math.exp %neg3A_265 : vector<16xf32>
      %add3A_267 = arith.constant 1.000000e+00 : f32
      %add3A_268 = vector.broadcast %add3A_267 : f32 to vector<16xf32>
      %add3A_269 = arith.addf %add3A_268, %exp3A_266 : vector<16xf32>
      %div3A_270 = arith.constant 1.000000e+00 : f32
      %div3A_271 = vector.broadcast %div3A_270 : f32 to vector<16xf32>
      %div3A_272 = arith.divf %div3A_271, %add3A_269 : vector<16xf32>
      %add3A_273 = arith.constant 384 : i32
      %add3A_274 = arith.addi %add3A_273, %scan3A_192 : i32
      %swap3A_275 = arith.index_cast %add3A_274 : i32 to index
      %swap3A_276 = arith.constant 48 : index
      %swap3A_277 = tpu.vector_load %arg6[%swap3A_275, %swap3A_276] {strides = array<i32>} : memref<512x128xf32, #tpu.memory_space<vmem>>, vector<1x16xf32>,
      %swap3A_278 = vector.shape_cast %swap3A_277 : vector<1x16xf32> to vector<16xf32>
      %swap3A_279 = vector.shape_cast %div3A_272 : vector<16xf32> to vector<1x16xf32>
      tpu.vector_store %arg6[%swap3A_275, %swap3A_276], %swap3A_279 {strides = array<i32>} : memref<512x128xf32, #tpu.memory_space<vmem>>, vector<1x16xf32>,
      %add3A_280 = arith.constant 384 : i32
      %add3A_281 = arith.addi %add3A_280, %scan3A_192 : i32
      %get3A_282 = arith.index_cast %add3A_281 : i32 to index
      %get3A_283 = arith.constant 64 : index
      %get3A_284 = tpu.vector_load %arg6[%get3A_282, %get3A_283] {strides = array<i32>} : memref<512x128xf32, #tpu.memory_space<vmem>>, vector<1x16xf32>,
      %get3A_285 = vector.shape_cast %get3A_284 : vector<1x16xf32> to vector<16xf32>
      %neg3A_286 = arith.constant 0.000000e+00 : f32
      %neg3A_287 = vector.broadcast %neg3A_286 : f32 to vector<16xf32>
      %neg3A_288 = arith.subf %neg3A_287, %get3A_285 : vector<16xf32>
      %exp3A_289 = math.exp %neg3A_288 : vector<16xf32>
      %add3A_290 = arith.constant 1.000000e+00 : f32
      %add3A_291 = vector.broadcast %add3A_290 : f32 to vector<16xf32>
      %add3A_292 = arith.addf %add3A_291, %exp3A_289 : vector<16xf32>
      %div3A_293 = arith.constant 1.000000e+00 : f32
      %div3A_294 = vector.broadcast %div3A_293 : f32 to vector<16xf32>
      %div3A_295 = arith.divf %div3A_294, %add3A_292 : vector<16xf32>
      %add3A_296 = arith.constant 384 : i32
      %add3A_297 = arith.addi %add3A_296, %scan3A_192 : i32
      %swap3A_298 = arith.index_cast %add3A_297 : i32 to index
      %swap3A_299 = arith.constant 64 : index
      %swap3A_300 = tpu.vector_load %arg6[%swap3A_298, %swap3A_299] {strides = array<i32>} : memref<512x128xf32, #tpu.memory_space<vmem>>, vector<1x16xf32>,
      %swap3A_301 = vector.shape_cast %swap3A_300 : vector<1x16xf32> to vector<16xf32>
      %swap3A_302 = vector.shape_cast %div3A_295 : vector<16xf32> to vector<1x16xf32>
      tpu.vector_store %arg6[%swap3A_298, %swap3A_299], %swap3A_302 {strides = array<i32>} : memref<512x128xf32, #tpu.memory_space<vmem>>, vector<1x16xf32>,
      %add3A_303 = arith.constant 384 : i32
      %add3A_304 = arith.addi %add3A_303, %scan3A_192 : i32
      %get3A_305 = arith.index_cast %add3A_304 : i32 to index
      %get3A_306 = arith.constant 80 : index
      %get3A_307 = tpu.vector_load %arg6[%get3A_305, %get3A_306] {strides = array<i32>} : memref<512x128xf32, #tpu.memory_space<vmem>>, vector<1x16xf32>,
      %get3A_308 = vector.shape_cast %get3A_307 : vector<1x16xf32> to vector<16xf32>
      %neg3A_309 = arith.constant 0.000000e+00 : f32
      %neg3A_310 = vector.broadcast %neg3A_309 : f32 to vector<16xf32>
      %neg3A_311 = arith.subf %neg3A_310, %get3A_308 : vector<16xf32>
      %exp3A_312 = math.exp %neg3A_311 : vector<16xf32>
      %add3A_313 = arith.constant 1.000000e+00 : f32
      %add3A_314 = vector.broadcast %add3A_313 : f32 to vector<16xf32>
      %add3A_315 = arith.addf %add3A_314, %exp3A_312 : vector<16xf32>
      %div3A_316 = arith.constant 1.000000e+00 : f32
      %div3A_317 = vector.broadcast %div3A_316 : f32 to vector<16xf32>
      %div3A_318 = arith.divf %div3A_317, %add3A_315 : vector<16xf32>
      %add3A_319 = arith.constant 384 : i32
      %add3A_320 = arith.addi %add3A_319, %scan3A_192 : i32
      %swap3A_321 = arith.index_cast %add3A_320 : i32 to index
      %swap3A_322 = arith.constant 80 : index
      %swap3A_323 = tpu.vector_load %arg6[%swap3A_321, %swap3A_322] {strides = array<i32>} : memref<512x128xf32, #tpu.memory_space<vmem>>, vector<1x16xf32>,
      %swap3A_324 = vector.shape_cast %swap3A_323 : vector<1x16xf32> to vector<16xf32>
      %swap3A_325 = vector.shape_cast %div3A_318 : vector<16xf32> to vector<1x16xf32>
      tpu.vector_store %arg6[%swap3A_321, %swap3A_322], %swap3A_325 {strides = array<i32>} : memref<512x128xf32, #tpu.memory_space<vmem>>, vector<1x16xf32>,
      %add3A_326 = arith.constant 384 : i32
      %add3A_327 = arith.addi %add3A_326, %scan3A_192 : i32
      %get3A_328 = arith.index_cast %add3A_327 : i32 to index
      %get3A_329 = arith.constant 96 : index
      %get3A_330 = tpu.vector_load %arg6[%get3A_328, %get3A_329] {strides = array<i32>} : memref<512x128xf32, #tpu.memory_space<vmem>>, vector<1x16xf32>,
      %get3A_331 = vector.shape_cast %get3A_330 : vector<1x16xf32> to vector<16xf32>
      %neg3A_332 = arith.constant 0.000000e+00 : f32
      %neg3A_333 = vector.broadcast %neg3A_332 : f32 to vector<16xf32>
      %neg3A_334 = arith.subf %neg3A_333, %get3A_331 : vector<16xf32>
      %exp3A_335 = math.exp %neg3A_334 : vector<16xf32>
      %add3A_336 = arith.constant 1.000000e+00 : f32
      %add3A_337 = vector.broadcast %add3A_336 : f32 to vector<16xf32>
      %add3A_338 = arith.addf %add3A_337, %exp3A_335 : vector<16xf32>
      %div3A_339 = arith.constant 1.000000e+00 : f32
      %div3A_340 = vector.broadcast %div3A_339 : f32 to vector<16xf32>
      %div3A_341 = arith.divf %div3A_340, %add3A_338 : vector<16xf32>
      %add3A_342 = arith.constant 384 : i32
      %add3A_343 = arith.addi %add3A_342, %scan3A_192 : i32
      %swap3A_344 = arith.index_cast %add3A_343 : i32 to index
      %swap3A_345 = arith.constant 96 : index
      %swap3A_346 = tpu.vector_load %arg6[%swap3A_344, %swap3A_345] {strides = array<i32>} : memref<512x128xf32, #tpu.memory_space<vmem>>, vector<1x16xf32>,
      %swap3A_347 = vector.shape_cast %swap3A_346 : vector<1x16xf32> to vector<16xf32>
      %swap3A_348 = vector.shape_cast %div3A_341 : vector<16xf32> to vector<1x16xf32>
      tpu.vector_store %arg6[%swap3A_344, %swap3A_345], %swap3A_348 {strides = array<i32>} : memref<512x128xf32, #tpu.memory_space<vmem>>, vector<1x16xf32>,
      %add3A_349 = arith.constant 384 : i32
      %add3A_350 = arith.addi %add3A_349, %scan3A_192 : i32
      %get3A_351 = arith.index_cast %add3A_350 : i32 to index
      %get3A_352 = arith.constant 112 : index
      %get3A_353 = tpu.vector_load %arg6[%get3A_351, %get3A_352] {strides = array<i32>} : memref<512x128xf32, #tpu.memory_space<vmem>>, vector<1x16xf32>,
      %get3A_354 = vector.shape_cast %get3A_353 : vector<1x16xf32> to vector<16xf32>
      %neg3A_355 = arith.constant 0.000000e+00 : f32
      %neg3A_356 = vector.broadcast %neg3A_355 : f32 to vector<16xf32>
      %neg3A_357 = arith.subf %neg3A_356, %get3A_354 : vector<16xf32>
      %exp3A_358 = math.exp %neg3A_357 : vector<16xf32>
      %add3A_359 = arith.constant 1.000000e+00 : f32
      %add3A_360 = vector.broadcast %add3A_359 : f32 to vector<16xf32>
      %add3A_361 = arith.addf %add3A_360, %exp3A_358 : vector<16xf32>
      %div3A_362 = arith.constant 1.000000e+00 : f32
      %div3A_363 = vector.broadcast %div3A_362 : f32 to vector<16xf32>
      %div3A_364 = arith.divf %div3A_363, %add3A_361 : vector<16xf32>
      %add3A_365 = arith.constant 384 : i32
      %add3A_366 = arith.addi %add3A_365, %scan3A_192 : i32
      %swap3A_367 = arith.index_cast %add3A_366 : i32 to index
      %swap3A_368 = arith.constant 112 : index
      %swap3A_369 = tpu.vector_load %arg6[%swap3A_367, %swap3A_368] {strides = array<i32>} : memref<512x128xf32, #tpu.memory_space<vmem>>, vector<1x16xf32>,
      %swap3A_370 = vector.shape_cast %swap3A_369 : vector<1x16xf32> to vector<16xf32>
      %swap3A_371 = vector.shape_cast %div3A_364 : vector<16xf32> to vector<1x16xf32>
      tpu.vector_store %arg6[%swap3A_367, %swap3A_368], %swap3A_371 {strides = array<i32>} : memref<512x128xf32, #tpu.memory_space<vmem>>, vector<1x16xf32>,
      %scan3A_372 = arith.constant 1 : i32
      %scan3A_373 = arith.addi %scan3A_192, %scan3A_372 : i32
      %add3A_374 = arith.constant 384 : i32
      %add3A_375 = arith.addi %add3A_374, %scan3A_373 : i32
      %get3A_376 = arith.index_cast %add3A_375 : i32 to index
      %get3A_377 = arith.constant 0 : index
      %get3A_378 = tpu.vector_load %arg6[%get3A_376, %get3A_377] {strides = array<i32>} : memref<512x128xf32, #tpu.memory_space<vmem>>, vector<1x16xf32>,
      %get3A_379 = vector.shape_cast %get3A_378 : vector<1x16xf32> to vector<16xf32>
      %neg3A_380 = arith.constant 0.000000e+00 : f32
      %neg3A_381 = vector.broadcast %neg3A_380 : f32 to vector<16xf32>
      %neg3A_382 = arith.subf %neg3A_381, %get3A_379 : vector<16xf32>
      %exp3A_383 = math.exp %neg3A_382 : vector<16xf32>
      %add3A_384 = arith.constant 1.000000e+00 : f32
      %add3A_385 = vector.broadcast %add3A_384 : f32 to vector<16xf32>
      %add3A_386 = arith.addf %add3A_385, %exp3A_383 : vector<16xf32>
      %div3A_387 = arith.constant 1.000000e+00 : f32
      %div3A_388 = vector.broadcast %div3A_387 : f32 to vector<16xf32>
      %div3A_389 = arith.divf %div3A_388, %add3A_386 : vector<16xf32>
      %add3A_390 = arith.constant 384 : i32
      %add3A_391 = arith.addi %add3A_390, %scan3A_373 : i32
      %swap3A_392 = arith.index_cast %add3A_391 : i32 to index
      %swap3A_393 = arith.constant 0 : index
      %swap3A_394 = tpu.vector_load %arg6[%swap3A_392, %swap3A_393] {strides = array<i32>} : memref<512x128xf32, #tpu.memory_space<vmem>>, vector<1x16xf32>,
      %swap3A_395 = vector.shape_cast %swap3A_394 : vector<1x16xf32> to vector<16xf32>
      %swap3A_396 = vector.shape_cast %div3A_389 : vector<16xf32> to vector<1x16xf32>
      tpu.vector_store %arg6[%swap3A_392, %swap3A_393], %swap3A_396 {strides = array<i32>} : memref<512x128xf32, #tpu.memory_space<vmem>>, vector<1x16xf32>,
      %add3A_397 = arith.constant 384 : i32
      %add3A_398 = arith.addi %add3A_397, %scan3A_373 : i32
      %get3A_399 = arith.index_cast %add3A_398 : i32 to index
      %get3A_400 = arith.constant 16 : index
      %get3A_401 = tpu.vector_load %arg6[%get3A_399, %get3A_400] {strides = array<i32>} : memref<512x128xf32, #tpu.memory_space<vmem>>, vector<1x16xf32>,
      %get3A_402 = vector.shape_cast %get3A_401 : vector<1x16xf32> to vector<16xf32>
      %neg3A_403 = arith.constant 0.000000e+00 : f32
      %neg3A_404 = vector.broadcast %neg3A_403 : f32 to vector<16xf32>
      %neg3A_405 = arith.subf %neg3A_404, %get3A_402 : vector<16xf32>
      %exp3A_406 = math.exp %neg3A_405 : vector<16xf32>
      %add3A_407 = arith.constant 1.000000e+00 : f32
      %add3A_408 = vector.broadcast %add3A_407 : f32 to vector<16xf32>
      %add3A_409 = arith.addf %add3A_408, %exp3A_406 : vector<16xf32>
      %div3A_410 = arith.constant 1.000000e+00 : f32
      %div3A_411 = vector.broadcast %div3A_410 : f32 to vector<16xf32>
      %div3A_412 = arith.divf %div3A_411, %add3A_409 : vector<16xf32>
      %add3A_413 = arith.constant 384 : i32
      %add3A_414 = arith.addi %add3A_413, %scan3A_373 : i32
      %swap3A_415 = arith.index_cast %add3A_414 : i32 to index
      %swap3A_416 = arith.constant 16 : index
      %swap3A_417 = tpu.vector_load %arg6[%swap3A_415, %swap3A_416] {strides = array<i32>} : memref<512x128xf32, #tpu.memory_space<vmem>>, vector<1x16xf32>,
      %swap3A_418 = vector.shape_cast %swap3A_417 : vector<1x16xf32> to vector<16xf32>
      %swap3A_419 = vector.shape_cast %div3A_412 : vector<16xf32> to vector<1x16xf32>
      tpu.vector_store %arg6[%swap3A_415, %swap3A_416], %swap3A_419 {strides = array<i32>} : memref<512x128xf32, #tpu.memory_space<vmem>>, vector<1x16xf32>,
      %add3A_420 = arith.constant 384 : i32
      %add3A_421 = arith.addi %add3A_420, %scan3A_373 : i32
      %get3A_422 = arith.index_cast %add3A_421 : i32 to index
      %get3A_423 = arith.constant 32 : index
      %get3A_424 = tpu.vector_load %arg6[%get3A_422, %get3A_423] {strides = array<i32>} : memref<512x128xf32, #tpu.memory_space<vmem>>, vector<1x16xf32>,
      %get3A_425 = vector.shape_cast %get3A_424 : vector<1x16xf32> to vector<16xf32>
      %neg3A_426 = arith.constant 0.000000e+00 : f32
      %neg3A_427 = vector.broadcast %neg3A_426 : f32 to vector<16xf32>
      %neg3A_428 = arith.subf %neg3A_427, %get3A_425 : vector<16xf32>
      %exp3A_429 = math.exp %neg3A_428 : vector<16xf32>
      %add3A_430 = arith.constant 1.000000e+00 : f32
      %add3A_431 = vector.broadcast %add3A_430 : f32 to vector<16xf32>
      %add3A_432 = arith.addf %add3A_431, %exp3A_429 : vector<16xf32>
      %div3A_433 = arith.constant 1.000000e+00 : f32
      %div3A_434 = vector.broadcast %div3A_433 : f32 to vector<16xf32>
      %div3A_435 = arith.divf %div3A_434, %add3A_432 : vector<16xf32>
      %add3A_436 = arith.constant 384 : i32
      %add3A_437 = arith.addi %add3A_436, %scan3A_373 : i32
      %swap3A_438 = arith.index_cast %add3A_437 : i32 to index
      %swap3A_439 = arith.constant 32 : index
      %swap3A_440 = tpu.vector_load %arg6[%swap3A_438, %swap3A_439] {strides = array<i32>} : memref<512x128xf32, #tpu.memory_space<vmem>>, vector<1x16xf32>,
      %swap3A_441 = vector.shape_cast %swap3A_440 : vector<1x16xf32> to vector<16xf32>
      %swap3A_442 = vector.shape_cast %div3A_435 : vector<16xf32> to vector<1x16xf32>
      tpu.vector_store %arg6[%swap3A_438, %swap3A_439], %swap3A_442 {strides = array<i32>} : memref<512x128xf32, #tpu.memory_space<vmem>>, vector<1x16xf32>,
      %add3A_443 = arith.constant 384 : i32
      %add3A_444 = arith.addi %add3A_443, %scan3A_373 : i32
      %get3A_445 = arith.index_cast %add3A_444 : i32 to index
      %get3A_446 = arith.constant 48 : index
      %get3A_447 = tpu.vector_load %arg6[%get3A_445, %get3A_446] {strides = array<i32>} : memref<512x128xf32, #tpu.memory_space<vmem>>, vector<1x16xf32>,
      %get3A_448 = vector.shape_cast %get3A_447 : vector<1x16xf32> to vector<16xf32>
      %neg3A_449 = arith.constant 0.000000e+00 : f32
      %neg3A_450 = vector.broadcast %neg3A_449 : f32 to vector<16xf32>
      %neg3A_451 = arith.subf %neg3A_450, %get3A_448 : vector<16xf32>
      %exp3A_452 = math.exp %neg3A_451 : vector<16xf32>
      %add3A_453 = arith.constant 1.000000e+00 : f32
      %add3A_454 = vector.broadcast %add3A_453 : f32 to vector<16xf32>
      %add3A_455 = arith.addf %add3A_454, %exp3A_452 : vector<16xf32>
      %div3A_456 = arith.constant 1.000000e+00 : f32
      %div3A_457 = vector.broadcast %div3A_456 : f32 to vector<16xf32>
      %div3A_458 = arith.divf %div3A_457, %add3A_455 : vector<16xf32>
      %add3A_459 = arith.constant 384 : i32
      %add3A_460 = arith.addi %add3A_459, %scan3A_373 : i32
      %swap3A_461 = arith.index_cast %add3A_460 : i32 to index
      %swap3A_462 = arith.constant 48 : index
      %swap3A_463 = tpu.vector_load %arg6[%swap3A_461, %swap3A_462] {strides = array<i32>} : memref<512x128xf32, #tpu.memory_space<vmem>>, vector<1x16xf32>,
      %swap3A_464 = vector.shape_cast %swap3A_463 : vector<1x16xf32> to vector<16xf32>
      %swap3A_465 = vector.shape_cast %div3A_458 : vector<16xf32> to vector<1x16xf32>
      tpu.vector_store %arg6[%swap3A_461, %swap3A_462], %swap3A_465 {strides = array<i32>} : memref<512x128xf32, #tpu.memory_space<vmem>>, vector<1x16xf32>,
      %add3A_466 = arith.constant 384 : i32
      %add3A_467 = arith.addi %add3A_466, %scan3A_373 : i32
      %get3A_468 = arith.index_cast %add3A_467 : i32 to index
      %get3A_469 = arith.constant 64 : index
      %get3A_470 = tpu.vector_load %arg6[%get3A_468, %get3A_469] {strides = array<i32>} : memref<512x128xf32, #tpu.memory_space<vmem>>, vector<1x16xf32>,
      %get3A_471 = vector.shape_cast %get3A_470 : vector<1x16xf32> to vector<16xf32>
      %neg3A_472 = arith.constant 0.000000e+00 : f32
      %neg3A_473 = vector.broadcast %neg3A_472 : f32 to vector<16xf32>
      %neg3A_474 = arith.subf %neg3A_473, %get3A_471 : vector<16xf32>
      %exp3A_475 = math.exp %neg3A_474 : vector<16xf32>
      %add3A_476 = arith.constant 1.000000e+00 : f32
      %add3A_477 = vector.broadcast %add3A_476 : f32 to vector<16xf32>
      %add3A_478 = arith.addf %add3A_477, %exp3A_475 : vector<16xf32>
      %div3A_479 = arith.constant 1.000000e+00 : f32
      %div3A_480 = vector.broadcast %div3A_479 : f32 to vector<16xf32>
      %div3A_481 = arith.divf %div3A_480, %add3A_478 : vector<16xf32>
      %add3A_482 = arith.constant 384 : i32
      %add3A_483 = arith.addi %add3A_482, %scan3A_373 : i32
      %swap3A_484 = arith.index_cast %add3A_483 : i32 to index
      %swap3A_485 = arith.constant 64 : index
      %swap3A_486 = tpu.vector_load %arg6[%swap3A_484, %swap3A_485] {strides = array<i32>} : memref<512x128xf32, #tpu.memory_space<vmem>>, vector<1x16xf32>,
      %swap3A_487 = vector.shape_cast %swap3A_486 : vector<1x16xf32> to vector<16xf32>
      %swap3A_488 = vector.shape_cast %div3A_481 : vector<16xf32> to vector<1x16xf32>
      tpu.vector_store %arg6[%swap3A_484, %swap3A_485], %swap3A_488 {strides = array<i32>} : memref<512x128xf32, #tpu.memory_space<vmem>>, vector<1x16xf32>,
      %add3A_489 = arith.constant 384 : i32
      %add3A_490 = arith.addi %add3A_489, %scan3A_373 : i32
      %get3A_491 = arith.index_cast %add3A_490 : i32 to index
      %get3A_492 = arith.constant 80 : index
      %get3A_493 = tpu.vector_load %arg6[%get3A_491, %get3A_492] {strides = array<i32>} : memref<512x128xf32, #tpu.memory_space<vmem>>, vector<1x16xf32>,
      %get3A_494 = vector.shape_cast %get3A_493 : vector<1x16xf32> to vector<16xf32>
      %neg3A_495 = arith.constant 0.000000e+00 : f32
      %neg3A_496 = vector.broadcast %neg3A_495 : f32 to vector<16xf32>
      %neg3A_497 = arith.subf %neg3A_496, %get3A_494 : vector<16xf32>
      %exp3A_498 = math.exp %neg3A_497 : vector<16xf32>
      %add3A_499 = arith.constant 1.000000e+00 : f32
      %add3A_500 = vector.broadcast %add3A_499 : f32 to vector<16xf32>
      %add3A_501 = arith.addf %add3A_500, %exp3A_498 : vector<16xf32>
      %div3A_502 = arith.constant 1.000000e+00 : f32
      %div3A_503 = vector.broadcast %div3A_502 : f32 to vector<16xf32>
      %div3A_504 = arith.divf %div3A_503, %add3A_501 : vector<16xf32>
      %add3A_505 = arith.constant 384 : i32
      %add3A_506 = arith.addi %add3A_505, %scan3A_373 : i32
      %swap3A_507 = arith.index_cast %add3A_506 : i32 to index
      %swap3A_508 = arith.constant 80 : index
      %swap3A_509 = tpu.vector_load %arg6[%swap3A_507, %swap3A_508] {strides = array<i32>} : memref<512x128xf32, #tpu.memory_space<vmem>>, vector<1x16xf32>,
      %swap3A_510 = vector.shape_cast %swap3A_509 : vector<1x16xf32> to vector<16xf32>
      %swap3A_511 = vector.shape_cast %div3A_504 : vector<16xf32> to vector<1x16xf32>
      tpu.vector_store %arg6[%swap3A_507, %swap3A_508], %swap3A_511 {strides = array<i32>} : memref<512x128xf32, #tpu.memory_space<vmem>>, vector<1x16xf32>,
      %add3A_512 = arith.constant 384 : i32
      %add3A_513 = arith.addi %add3A_512, %scan3A_373 : i32
      %get3A_514 = arith.index_cast %add3A_513 : i32 to index
      %get3A_515 = arith.constant 96 : index
      %get3A_516 = tpu.vector_load %arg6[%get3A_514, %get3A_515] {strides = array<i32>} : memref<512x128xf32, #tpu.memory_space<vmem>>, vector<1x16xf32>,
      %get3A_517 = vector.shape_cast %get3A_516 : vector<1x16xf32> to vector<16xf32>
      %neg3A_518 = arith.constant 0.000000e+00 : f32
      %neg3A_519 = vector.broadcast %neg3A_518 : f32 to vector<16xf32>
      %neg3A_520 = arith.subf %neg3A_519, %get3A_517 : vector<16xf32>
      %exp3A_521 = math.exp %neg3A_520 : vector<16xf32>
      %add3A_522 = arith.constant 1.000000e+00 : f32
      %add3A_523 = vector.broadcast %add3A_522 : f32 to vector<16xf32>
      %add3A_524 = arith.addf %add3A_523, %exp3A_521 : vector<16xf32>
      %div3A_525 = arith.constant 1.000000e+00 : f32
      %div3A_526 = vector.broadcast %div3A_525 : f32 to vector<16xf32>
      %div3A_527 = arith.divf %div3A_526, %add3A_524 : vector<16xf32>
      %add3A_528 = arith.constant 384 : i32
      %add3A_529 = arith.addi %add3A_528, %scan3A_373 : i32
      %swap3A_530 = arith.index_cast %add3A_529 : i32 to index
      %swap3A_531 = arith.constant 96 : index
      %swap3A_532 = tpu.vector_load %arg6[%swap3A_530, %swap3A_531] {strides = array<i32>} : memref<512x128xf32, #tpu.memory_space<vmem>>, vector<1x16xf32>,
      %swap3A_533 = vector.shape_cast %swap3A_532 : vector<1x16xf32> to vector<16xf32>
      %swap3A_534 = vector.shape_cast %div3A_527 : vector<16xf32> to vector<1x16xf32>
      tpu.vector_store %arg6[%swap3A_530, %swap3A_531], %swap3A_534 {strides = array<i32>} : memref<512x128xf32, #tpu.memory_space<vmem>>, vector<1x16xf32>,
      %add3A_535 = arith.constant 384 : i32
      %add3A_536 = arith.addi %add3A_535, %scan3A_373 : i32
      %get3A_537 = arith.index_cast %add3A_536 : i32 to index
      %get3A_538 = arith.constant 112 : index
      %get3A_539 = tpu.vector_load %arg6[%get3A_537, %get3A_538] {strides = array<i32>} : memref<512x128xf32, #tpu.memory_space<vmem>>, vector<1x16xf32>,
      %get3A_540 = vector.shape_cast %get3A_539 : vector<1x16xf32> to vector<16xf32>
      %neg3A_541 = arith.constant 0.000000e+00 : f32
      %neg3A_542 = vector.broadcast %neg3A_541 : f32 to vector<16xf32>
      %neg3A_543 = arith.subf %neg3A_542, %get3A_540 : vector<16xf32>
      %exp3A_544 = math.exp %neg3A_543 : vector<16xf32>
      %add3A_545 = arith.constant 1.000000e+00 : f32
      %add3A_546 = vector.broadcast %add3A_545 : f32 to vector<16xf32>
      %add3A_547 = arith.addf %add3A_546, %exp3A_544 : vector<16xf32>
      %div3A_548 = arith.constant 1.000000e+00 : f32
      %div3A_549 = vector.broadcast %div3A_548 : f32 to vector<16xf32>
      %div3A_550 = arith.divf %div3A_549, %add3A_547 : vector<16xf32>
      %add3A_551 = arith.constant 384 : i32
      %add3A_552 = arith.addi %add3A_551, %scan3A_373 : i32
      %swap3A_553 = arith.index_cast %add3A_552 : i32 to index
      %swap3A_554 = arith.constant 112 : index
      %swap3A_555 = tpu.vector_load %arg6[%swap3A_553, %swap3A_554] {strides = array<i32>} : memref<512x128xf32, #tpu.memory_space<vmem>>, vector<1x16xf32>,
      %swap3A_556 = vector.shape_cast %swap3A_555 : vector<1x16xf32> to vector<16xf32>
      %swap3A_557 = vector.shape_cast %div3A_550 : vector<16xf32> to vector<1x16xf32>
      tpu.vector_store %arg6[%swap3A_553, %swap3A_554], %swap3A_557 {strides = array<i32>} : memref<512x128xf32, #tpu.memory_space<vmem>>, vector<1x16xf32>,
      %scan3A_558 = arith.constant 2 : i32
      %scan3A_559 = arith.addi %scan3A_192, %scan3A_558 : i32
      %add3A_560 = arith.constant 384 : i32
      %add3A_561 = arith.addi %add3A_560, %scan3A_559 : i32
      %get3A_562 = arith.index_cast %add3A_561 : i32 to index
      %get3A_563 = arith.constant 0 : index
      %get3A_564 = tpu.vector_load %arg6[%get3A_562, %get3A_563] {strides = array<i32>} : memref<512x128xf32, #tpu.memory_space<vmem>>, vector<1x16xf32>,
      %get3A_565 = vector.shape_cast %get3A_564 : vector<1x16xf32> to vector<16xf32>
      %neg3A_566 = arith.constant 0.000000e+00 : f32
      %neg3A_567 = vector.broadcast %neg3A_566 : f32 to vector<16xf32>
      %neg3A_568 = arith.subf %neg3A_567, %get3A_565 : vector<16xf32>
      %exp3A_569 = math.exp %neg3A_568 : vector<16xf32>
      %add3A_570 = arith.constant 1.000000e+00 : f32
      %add3A_571 = vector.broadcast %add3A_570 : f32 to vector<16xf32>
      %add3A_572 = arith.addf %add3A_571, %exp3A_569 : vector<16xf32>
      %div3A_573 = arith.constant 1.000000e+00 : f32
      %div3A_574 = vector.broadcast %div3A_573 : f32 to vector<16xf32>
      %div3A_575 = arith.divf %div3A_574, %add3A_572 : vector<16xf32>
      %add3A_576 = arith.constant 384 : i32
      %add3A_577 = arith.addi %add3A_576, %scan3A_559 : i32
      %swap3A_578 = arith.index_cast %add3A_577 : i32 to index
      %swap3A_579 = arith.constant 0 : index
      %swap3A_580 = tpu.vector_load %arg6[%swap3A_578, %swap3A_579] {strides = array<i32>} : memref<512x128xf32, #tpu.memory_space<vmem>>, vector<1x16xf32>,
      %swap3A_581 = vector.shape_cast %swap3A_580 : vector<1x16xf32> to vector<16xf32>
      %swap3A_582 = vector.shape_cast %div3A_575 : vector<16xf32> to vector<1x16xf32>
      tpu.vector_store %arg6[%swap3A_578, %swap3A_579], %swap3A_582 {strides = array<i32>} : memref<512x128xf32, #tpu.memory_space<vmem>>, vector<1x16xf32>,
      %add3A_583 = arith.constant 384 : i32
      %add3A_584 = arith.addi %add3A_583, %scan3A_559 : i32
      %get3A_585 = arith.index_cast %add3A_584 : i32 to index
      %get3A_586 = arith.constant 16 : index
      %get3A_587 = tpu.vector_load %arg6[%get3A_585, %get3A_586] {strides = array<i32>} : memref<512x128xf32, #tpu.memory_space<vmem>>, vector<1x16xf32>,
      %get3A_588 = vector.shape_cast %get3A_587 : vector<1x16xf32> to vector<16xf32>
      %neg3A_589 = arith.constant 0.000000e+00 : f32
      %neg3A_590 = vector.broadcast %neg3A_589 : f32 to vector<16xf32>
      %neg3A_591 = arith.subf %neg3A_590, %get3A_588 : vector<16xf32>
      %exp3A_592 = math.exp %neg3A_591 : vector<16xf32>
      %add3A_593 = arith.constant 1.000000e+00 : f32
      %add3A_594 = vector.broadcast %add3A_593 : f32 to vector<16xf32>
      %add3A_595 = arith.addf %add3A_594, %exp3A_592 : vector<16xf32>
      %div3A_596 = arith.constant 1.000000e+00 : f32
      %div3A_597 = vector.broadcast %div3A_596 : f32 to vector<16xf32>
      %div3A_598 = arith.divf %div3A_597, %add3A_595 : vector<16xf32>
      %add3A_599 = arith.constant 384 : i32
      %add3A_600 = arith.addi %add3A_599, %scan3A_559 : i32
      %swap3A_601 = arith.index_cast %add3A_600 : i32 to index
      %swap3A_602 = arith.constant 16 : index
      %swap3A_603 = tpu.vector_load %arg6[%swap3A_601, %swap3A_602] {strides = array<i32>} : memref<512x128xf32, #tpu.memory_space<vmem>>, vector<1x16xf32>,
      %swap3A_604 = vector.shape_cast %swap3A_603 : vector<1x16xf32> to vector<16xf32>
      %swap3A_605 = vector.shape_cast %div3A_598 : vector<16xf32> to vector<1x16xf32>
      tpu.vector_store %arg6[%swap3A_601, %swap3A_602], %swap3A_605 {strides = array<i32>} : memref<512x128xf32, #tpu.memory_space<vmem>>, vector<1x16xf32>,
      %add3A_606 = arith.constant 384 : i32
      %add3A_607 = arith.addi %add3A_606, %scan3A_559 : i32
      %get3A_608 = arith.index_cast %add3A_607 : i32 to index
      %get3A_609 = arith.constant 32 : index
      %get3A_610 = tpu.vector_load %arg6[%get3A_608, %get3A_609] {strides = array<i32>} : memref<512x128xf32, #tpu.memory_space<vmem>>, vector<1x16xf32>,
      %get3A_611 = vector.shape_cast %get3A_610 : vector<1x16xf32> to vector<16xf32>
      %neg3A_612 = arith.constant 0.000000e+00 : f32
      %neg3A_613 = vector.broadcast %neg3A_612 : f32 to vector<16xf32>
      %neg3A_614 = arith.subf %neg3A_613, %get3A_611 : vector<16xf32>
      %exp3A_615 = math.exp %neg3A_614 : vector<16xf32>
      %add3A_616 = arith.constant 1.000000e+00 : f32
      %add3A_617 = vector.broadcast %add3A_616 : f32 to vector<16xf32>
      %add3A_618 = arith.addf %add3A_617, %exp3A_615 : vector<16xf32>
      %div3A_619 = arith.constant 1.000000e+00 : f32
      %div3A_620 = vector.broadcast %div3A_619 : f32 to vector<16xf32>
      %div3A_621 = arith.divf %div3A_620, %add3A_618 : vector<16xf32>
      %add3A_622 = arith.constant 384 : i32
      %add3A_623 = arith.addi %add3A_622, %scan3A_559 : i32
      %swap3A_624 = arith.index_cast %add3A_623 : i32 to index
      %swap3A_625 = arith.constant 32 : index
      %swap3A_626 = tpu.vector_load %arg6[%swap3A_624, %swap3A_625] {strides = array<i32>} : memref<512x128xf32, #tpu.memory_space<vmem>>, vector<1x16xf32>,
      %swap3A_627 = vector.shape_cast %swap3A_626 : vector<1x16xf32> to vector<16xf32>
      %swap3A_628 = vector.shape_cast %div3A_621 : vector<16xf32> to vector<1x16xf32>
      tpu.vector_store %arg6[%swap3A_624, %swap3A_625], %swap3A_628 {strides = array<i32>} : memref<512x128xf32, #tpu.memory_space<vmem>>, vector<1x16xf32>,
      %add3A_629 = arith.constant 384 : i32
      %add3A_630 = arith.addi %add3A_629, %scan3A_559 : i32
      %get3A_631 = arith.index_cast %add3A_630 : i32 to index
      %get3A_632 = arith.constant 48 : index
      %get3A_633 = tpu.vector_load %arg6[%get3A_631, %get3A_632] {strides = array<i32>} : memref<512x128xf32, #tpu.memory_space<vmem>>, vector<1x16xf32>,
      %get3A_634 = vector.shape_cast %get3A_633 : vector<1x16xf32> to vector<16xf32>
      %neg3A_635 = arith.constant 0.000000e+00 : f32
      %neg3A_636 = vector.broadcast %neg3A_635 : f32 to vector<16xf32>
      %neg3A_637 = arith.subf %neg3A_636, %get3A_634 : vector<16xf32>
      %exp3A_638 = math.exp %neg3A_637 : vector<16xf32>
      %add3A_639 = arith.constant 1.000000e+00 : f32
      %add3A_640 = vector.broadcast %add3A_639 : f32 to vector<16xf32>
      %add3A_641 = arith.addf %add3A_640, %exp3A_638 : vector<16xf32>
      %div3A_642 = arith.constant 1.000000e+00 : f32
      %div3A_643 = vector.broadcast %div3A_642 : f32 to vector<16xf32>
      %div3A_644 = arith.divf %div3A_643, %add3A_641 : vector<16xf32>
      %add3A_645 = arith.constant 384 : i32
      %add3A_646 = arith.addi %add3A_645, %scan3A_559 : i32
      %swap3A_647 = arith.index_cast %add3A_646 : i32 to index
      %swap3A_648 = arith.constant 48 : index
      %swap3A_649 = tpu.vector_load %arg6[%swap3A_647, %swap3A_648] {strides = array<i32>} : memref<512x128xf32, #tpu.memory_space<vmem>>, vector<1x16xf32>,
      %swap3A_650 = vector.shape_cast %swap3A_649 : vector<1x16xf32> to vector<16xf32>
      %swap3A_651 = vector.shape_cast %div3A_644 : vector<16xf32> to vector<1x16xf32>
      tpu.vector_store %arg6[%swap3A_647, %swap3A_648], %swap3A_651 {strides = array<i32>} : memref<512x128xf32, #tpu.memory_space<vmem>>, vector<1x16xf32>,
      %add3A_652 = arith.constant 384 : i32
      %add3A_653 = arith.addi %add3A_652, %scan3A_559 : i32
      %get3A_654 = arith.index_cast %add3A_653 : i32 to index
      %get3A_655 = arith.constant 64 : index
      %get3A_656 = tpu.vector_load %arg6[%get3A_654, %get3A_655] {strides = array<i32>} : memref<512x128xf32, #tpu.memory_space<vmem>>, vector<1x16xf32>,
      %get3A_657 = vector.shape_cast %get3A_656 : vector<1x16xf32> to vector<16xf32>
      %neg3A_658 = arith.constant 0.000000e+00 : f32
      %neg3A_659 = vector.broadcast %neg3A_658 : f32 to vector<16xf32>
      %neg3A_660 = arith.subf %neg3A_659, %get3A_657 : vector<16xf32>
      %exp3A_661 = math.exp %neg3A_660 : vector<16xf32>
      %add3A_662 = arith.constant 1.000000e+00 : f32
      %add3A_663 = vector.broadcast %add3A_662 : f32 to vector<16xf32>
      %add3A_664 = arith.addf %add3A_663, %exp3A_661 : vector<16xf32>
      %div3A_665 = arith.constant 1.000000e+00 : f32
      %div3A_666 = vector.broadcast %div3A_665 : f32 to vector<16xf32>
      %div3A_667 = arith.divf %div3A_666, %add3A_664 : vector<16xf32>
      %add3A_668 = arith.constant 384 : i32
      %add3A_669 = arith.addi %add3A_668, %scan3A_559 : i32
      %swap3A_670 = arith.index_cast %add3A_669 : i32 to index
      %swap3A_671 = arith.constant 64 : index
      %swap3A_672 = tpu.vector_load %arg6[%swap3A_670, %swap3A_671] {strides = array<i32>} : memref<512x128xf32, #tpu.memory_space<vmem>>, vector<1x16xf32>,
      %swap3A_673 = vector.shape_cast %swap3A_672 : vector<1x16xf32> to vector<16xf32>
      %swap3A_674 = vector.shape_cast %div3A_667 : vector<16xf32> to vector<1x16xf32>
      tpu.vector_store %arg6[%swap3A_670, %swap3A_671], %swap3A_674 {strides = array<i32>} : memref<512x128xf32, #tpu.memory_space<vmem>>, vector<1x16xf32>,
      %add3A_675 = arith.constant 384 : i32
      %add3A_676 = arith.addi %add3A_675, %scan3A_559 : i32
      %get3A_677 = arith.index_cast %add3A_676 : i32 to index
      %get3A_678 = arith.constant 80 : index
      %get3A_679 = tpu.vector_load %arg6[%get3A_677, %get3A_678] {strides = array<i32>} : memref<512x128xf32, #tpu.memory_space<vmem>>, vector<1x16xf32>,
      %get3A_680 = vector.shape_cast %get3A_679 : vector<1x16xf32> to vector<16xf32>
      %neg3A_681 = arith.constant 0.000000e+00 : f32
      %neg3A_682 = vector.broadcast %neg3A_681 : f32 to vector<16xf32>
      %neg3A_683 = arith.subf %neg3A_682, %get3A_680 : vector<16xf32>
      %exp3A_684 = math.exp %neg3A_683 : vector<16xf32>
      %add3A_685 = arith.constant 1.000000e+00 : f32
      %add3A_686 = vector.broadcast %add3A_685 : f32 to vector<16xf32>
      %add3A_687 = arith.addf %add3A_686, %exp3A_684 : vector<16xf32>
      %div3A_688 = arith.constant 1.000000e+00 : f32
      %div3A_689 = vector.broadcast %div3A_688 : f32 to vector<16xf32>
      %div3A_690 = arith.divf %div3A_689, %add3A_687 : vector<16xf32>
      %add3A_691 = arith.constant 384 : i32
      %add3A_692 = arith.addi %add3A_691, %scan3A_559 : i32
      %swap3A_693 = arith.index_cast %add3A_692 : i32 to index
      %swap3A_694 = arith.constant 80 : index
      %swap3A_695 = tpu.vector_load %arg6[%swap3A_693, %swap3A_694] {strides = array<i32>} : memref<512x128xf32, #tpu.memory_space<vmem>>, vector<1x16xf32>,
      %swap3A_696 = vector.shape_cast %swap3A_695 : vector<1x16xf32> to vector<16xf32>
      %swap3A_697 = vector.shape_cast %div3A_690 : vector<16xf32> to vector<1x16xf32>
      tpu.vector_store %arg6[%swap3A_693, %swap3A_694], %swap3A_697 {strides = array<i32>} : memref<512x128xf32, #tpu.memory_space<vmem>>, vector<1x16xf32>,
      %add3A_698 = arith.constant 384 : i32
      %add3A_699 = arith.addi %add3A_698, %scan3A_559 : i32
      %get3A_700 = arith.index_cast %add3A_699 : i32 to index
      %get3A_701 = arith.constant 96 : index
      %get3A_702 = tpu.vector_load %arg6[%get3A_700, %get3A_701] {strides = array<i32>} : memref<512x128xf32, #tpu.memory_space<vmem>>, vector<1x16xf32>,
      %get3A_703 = vector.shape_cast %get3A_702 : vector<1x16xf32> to vector<16xf32>
      %neg3A_704 = arith.constant 0.000000e+00 : f32
      %neg3A_705 = vector.broadcast %neg3A_704 : f32 to vector<16xf32>
      %neg3A_706 = arith.subf %neg3A_705, %get3A_703 : vector<16xf32>
      %exp3A_707 = math.exp %neg3A_706 : vector<16xf32>
      %add3A_708 = arith.constant 1.000000e+00 : f32
      %add3A_709 = vector.broadcast %add3A_708 : f32 to vector<16xf32>
      %add3A_710 = arith.addf %add3A_709, %exp3A_707 : vector<16xf32>
      %div3A_711 = arith.constant 1.000000e+00 : f32
      %div3A_712 = vector.broadcast %div3A_711 : f32 to vector<16xf32>
      %div3A_713 = arith.divf %div3A_712, %add3A_710 : vector<16xf32>
      %add3A_714 = arith.constant 384 : i32
      %add3A_715 = arith.addi %add3A_714, %scan3A_559 : i32
      %swap3A_716 = arith.index_cast %add3A_715 : i32 to index
      %swap3A_717 = arith.constant 96 : index
      %swap3A_718 = tpu.vector_load %arg6[%swap3A_716, %swap3A_717] {strides = array<i32>} : memref<512x128xf32, #tpu.memory_space<vmem>>, vector<1x16xf32>,
      %swap3A_719 = vector.shape_cast %swap3A_718 : vector<1x16xf32> to vector<16xf32>
      %swap3A_720 = vector.shape_cast %div3A_713 : vector<16xf32> to vector<1x16xf32>
      tpu.vector_store %arg6[%swap3A_716, %swap3A_717], %swap3A_720 {strides = array<i32>} : memref<512x128xf32, #tpu.memory_space<vmem>>, vector<1x16xf32>,
      %add3A_721 = arith.constant 384 : i32
      %add3A_722 = arith.addi %add3A_721, %scan3A_559 : i32
      %get3A_723 = arith.index_cast %add3A_722 : i32 to index
      %get3A_724 = arith.constant 112 : index
      %get3A_725 = tpu.vector_load %arg6[%get3A_723, %get3A_724] {strides = array<i32>} : memref<512x128xf32, #tpu.memory_space<vmem>>, vector<1x16xf32>,
      %get3A_726 = vector.shape_cast %get3A_725 : vector<1x16xf32> to vector<16xf32>
      %neg3A_727 = arith.constant 0.000000e+00 : f32
      %neg3A_728 = vector.broadcast %neg3A_727 : f32 to vector<16xf32>
      %neg3A_729 = arith.subf %neg3A_728, %get3A_726 : vector<16xf32>
      %exp3A_730 = math.exp %neg3A_729 : vector<16xf32>
      %add3A_731 = arith.constant 1.000000e+00 : f32
      %add3A_732 = vector.broadcast %add3A_731 : f32 to vector<16xf32>
      %add3A_733 = arith.addf %add3A_732, %exp3A_730 : vector<16xf32>
      %div3A_734 = arith.constant 1.000000e+00 : f32
      %div3A_735 = vector.broadcast %div3A_734 : f32 to vector<16xf32>
      %div3A_736 = arith.divf %div3A_735, %add3A_733 : vector<16xf32>
      %add3A_737 = arith.constant 384 : i32
      %add3A_738 = arith.addi %add3A_737, %scan3A_559 : i32
      %swap3A_739 = arith.index_cast %add3A_738 : i32 to index
      %swap3A_740 = arith.constant 112 : index
      %swap3A_741 = tpu.vector_load %arg6[%swap3A_739, %swap3A_740] {strides = array<i32>} : memref<512x128xf32, #tpu.memory_space<vmem>>, vector<1x16xf32>,
      %swap3A_742 = vector.shape_cast %swap3A_741 : vector<1x16xf32> to vector<16xf32>
      %swap3A_743 = vector.shape_cast %div3A_736 : vector<16xf32> to vector<1x16xf32>
      tpu.vector_store %arg6[%swap3A_739, %swap3A_740], %swap3A_743 {strides = array<i32>} : memref<512x128xf32, #tpu.memory_space<vmem>>, vector<1x16xf32>,
      %scan3A_744 = arith.constant 3 : i32
      %scan3A_745 = arith.addi %scan3A_192, %scan3A_744 : i32
      %add3A_746 = arith.constant 384 : i32
      %add3A_747 = arith.addi %add3A_746, %scan3A_745 : i32
      %get3A_748 = arith.index_cast %add3A_747 : i32 to index
      %get3A_749 = arith.constant 0 : index
      %get3A_750 = tpu.vector_load %arg6[%get3A_748, %get3A_749] {strides = array<i32>} : memref<512x128xf32, #tpu.memory_space<vmem>>, vector<1x16xf32>,
      %get3A_751 = vector.shape_cast %get3A_750 : vector<1x16xf32> to vector<16xf32>
      %neg3A_752 = arith.constant 0.000000e+00 : f32
      %neg3A_753 = vector.broadcast %neg3A_752 : f32 to vector<16xf32>
      %neg3A_754 = arith.subf %neg3A_753, %get3A_751 : vector<16xf32>
      %exp3A_755 = math.exp %neg3A_754 : vector<16xf32>
      %add3A_756 = arith.constant 1.000000e+00 : f32
      %add3A_757 = vector.broadcast %add3A_756 : f32 to vector<16xf32>
      %add3A_758 = arith.addf %add3A_757, %exp3A_755 : vector<16xf32>
      %div3A_759 = arith.constant 1.000000e+00 : f32
      %div3A_760 = vector.broadcast %div3A_759 : f32 to vector<16xf32>
      %div3A_761 = arith.divf %div3A_760, %add3A_758 : vector<16xf32>
      %add3A_762 = arith.constant 384 : i32
      %add3A_763 = arith.addi %add3A_762, %scan3A_745 : i32
      %swap3A_764 = arith.index_cast %add3A_763 : i32 to index
      %swap3A_765 = arith.constant 0 : index
      %swap3A_766 = tpu.vector_load %arg6[%swap3A_764, %swap3A_765] {strides = array<i32>} : memref<512x128xf32, #tpu.memory_space<vmem>>, vector<1x16xf32>,
      %swap3A_767 = vector.shape_cast %swap3A_766 : vector<1x16xf32> to vector<16xf32>
      %swap3A_768 = vector.shape_cast %div3A_761 : vector<16xf32> to vector<1x16xf32>
      tpu.vector_store %arg6[%swap3A_764, %swap3A_765], %swap3A_768 {strides = array<i32>} : memref<512x128xf32, #tpu.memory_space<vmem>>, vector<1x16xf32>,
      %add3A_769 = arith.constant 384 : i32
      %add3A_770 = arith.addi %add3A_769, %scan3A_745 : i32
      %get3A_771 = arith.index_cast %add3A_770 : i32 to index
      %get3A_772 = arith.constant 16 : index
      %get3A_773 = tpu.vector_load %arg6[%get3A_771, %get3A_772] {strides = array<i32>} : memref<512x128xf32, #tpu.memory_space<vmem>>, vector<1x16xf32>,
      %get3A_774 = vector.shape_cast %get3A_773 : vector<1x16xf32> to vector<16xf32>
      %neg3A_775 = arith.constant 0.000000e+00 : f32
      %neg3A_776 = vector.broadcast %neg3A_775 : f32 to vector<16xf32>
      %neg3A_777 = arith.subf %neg3A_776, %get3A_774 : vector<16xf32>
      %exp3A_778 = math.exp %neg3A_777 : vector<16xf32>
      %add3A_779 = arith.constant 1.000000e+00 : f32
      %add3A_780 = vector.broadcast %add3A_779 : f32 to vector<16xf32>
      %add3A_781 = arith.addf %add3A_780, %exp3A_778 : vector<16xf32>
      %div3A_782 = arith.constant 1.000000e+00 : f32
      %div3A_783 = vector.broadcast %div3A_782 : f32 to vector<16xf32>
      %div3A_784 = arith.divf %div3A_783, %add3A_781 : vector<16xf32>
      %add3A_785 = arith.constant 384 : i32
      %add3A_786 = arith.addi %add3A_785, %scan3A_745 : i32
      %swap3A_787 = arith.index_cast %add3A_786 : i32 to index
      %swap3A_788 = arith.constant 16 : index
      %swap3A_789 = tpu.vector_load %arg6[%swap3A_787, %swap3A_788] {strides = array<i32>} : memref<512x128xf32, #tpu.memory_space<vmem>>, vector<1x16xf32>,
      %swap3A_790 = vector.shape_cast %swap3A_789 : vector<1x16xf32> to vector<16xf32>
      %swap3A_791 = vector.shape_cast %div3A_784 : vector<16xf32> to vector<1x16xf32>
      tpu.vector_store %arg6[%swap3A_787, %swap3A_788], %swap3A_791 {strides = array<i32>} : memref<512x128xf32, #tpu.memory_space<vmem>>, vector<1x16xf32>,
      %add3A_792 = arith.constant 384 : i32
      %add3A_793 = arith.addi %add3A_792, %scan3A_745 : i32
      %get3A_794 = arith.index_cast %add3A_793 : i32 to index
      %get3A_795 = arith.constant 32 : index
      %get3A_796 = tpu.vector_load %arg6[%get3A_794, %get3A_795] {strides = array<i32>} : memref<512x128xf32, #tpu.memory_space<vmem>>, vector<1x16xf32>,
      %get3A_797 = vector.shape_cast %get3A_796 : vector<1x16xf32> to vector<16xf32>
      %neg3A_798 = arith.constant 0.000000e+00 : f32
      %neg3A_799 = vector.broadcast %neg3A_798 : f32 to vector<16xf32>
      %neg3A_800 = arith.subf %neg3A_799, %get3A_797 : vector<16xf32>
      %exp3A_801 = math.exp %neg3A_800 : vector<16xf32>
      %add3A_802 = arith.constant 1.000000e+00 : f32
      %add3A_803 = vector.broadcast %add3A_802 : f32 to vector<16xf32>
      %add3A_804 = arith.addf %add3A_803, %exp3A_801 : vector<16xf32>
      %div3A_805 = arith.constant 1.000000e+00 : f32
      %div3A_806 = vector.broadcast %div3A_805 : f32 to vector<16xf32>
      %div3A_807 = arith.divf %div3A_806, %add3A_804 : vector<16xf32>
      %add3A_808 = arith.constant 384 : i32
      %add3A_809 = arith.addi %add3A_808, %scan3A_745 : i32
      %swap3A_810 = arith.index_cast %add3A_809 : i32 to index
      %swap3A_811 = arith.constant 32 : index
      %swap3A_812 = tpu.vector_load %arg6[%swap3A_810, %swap3A_811] {strides = array<i32>} : memref<512x128xf32, #tpu.memory_space<vmem>>, vector<1x16xf32>,
      %swap3A_813 = vector.shape_cast %swap3A_812 : vector<1x16xf32> to vector<16xf32>
      %swap3A_814 = vector.shape_cast %div3A_807 : vector<16xf32> to vector<1x16xf32>
      tpu.vector_store %arg6[%swap3A_810, %swap3A_811], %swap3A_814 {strides = array<i32>} : memref<512x128xf32, #tpu.memory_space<vmem>>, vector<1x16xf32>,
      %add3A_815 = arith.constant 384 : i32
      %add3A_816 = arith.addi %add3A_815, %scan3A_745 : i32
      %get3A_817 = arith.index_cast %add3A_816 : i32 to index
      %get3A_818 = arith.constant 48 : index
      %get3A_819 = tpu.vector_load %arg6[%get3A_817, %get3A_818] {strides = array<i32>} : memref<512x128xf32, #tpu.memory_space<vmem>>, vector<1x16xf32>,
      %get3A_820 = vector.shape_cast %get3A_819 : vector<1x16xf32> to vector<16xf32>
      %neg3A_821 = arith.constant 0.000000e+00 : f32
      %neg3A_822 = vector.broadcast %neg3A_821 : f32 to vector<16xf32>
      %neg3A_823 = arith.subf %neg3A_822, %get3A_820 : vector<16xf32>
      %exp3A_824 = math.exp %neg3A_823 : vector<16xf32>
      %add3A_825 = arith.constant 1.000000e+00 : f32
      %add3A_826 = vector.broadcast %add3A_825 : f32 to vector<16xf32>
      %add3A_827 = arith.addf %add3A_826, %exp3A_824 : vector<16xf32>
      %div3A_828 = arith.constant 1.000000e+00 : f32
      %div3A_829 = vector.broadcast %div3A_828 : f32 to vector<16xf32>
      %div3A_830 = arith.divf %div3A_829, %add3A_827 : vector<16xf32>
      %add3A_831 = arith.constant 384 : i32
      %add3A_832 = arith.addi %add3A_831, %scan3A_745 : i32
      %swap3A_833 = arith.index_cast %add3A_832 : i32 to index
      %swap3A_834 = arith.constant 48 : index
      %swap3A_835 = tpu.vector_load %arg6[%swap3A_833, %swap3A_834] {strides = array<i32>} : memref<512x128xf32, #tpu.memory_space<vmem>>, vector<1x16xf32>,
      %swap3A_836 = vector.shape_cast %swap3A_835 : vector<1x16xf32> to vector<16xf32>
      %swap3A_837 = vector.shape_cast %div3A_830 : vector<16xf32> to vector<1x16xf32>
      tpu.vector_store %arg6[%swap3A_833, %swap3A_834], %swap3A_837 {strides = array<i32>} : memref<512x128xf32, #tpu.memory_space<vmem>>, vector<1x16xf32>,
      %add3A_838 = arith.constant 384 : i32
      %add3A_839 = arith.addi %add3A_838, %scan3A_745 : i32
      %get3A_840 = arith.index_cast %add3A_839 : i32 to index
      %get3A_841 = arith.constant 64 : index
      %get3A_842 = tpu.vector_load %arg6[%get3A_840, %get3A_841] {strides = array<i32>} : memref<512x128xf32, #tpu.memory_space<vmem>>, vector<1x16xf32>,
      %get3A_843 = vector.shape_cast %get3A_842 : vector<1x16xf32> to vector<16xf32>
      %neg3A_844 = arith.constant 0.000000e+00 : f32
      %neg3A_845 = vector.broadcast %neg3A_844 : f32 to vector<16xf32>
      %neg3A_846 = arith.subf %neg3A_845, %get3A_843 : vector<16xf32>
      %exp3A_847 = math.exp %neg3A_846 : vector<16xf32>
      %add3A_848 = arith.constant 1.000000e+00 : f32
      %add3A_849 = vector.broadcast %add3A_848 : f32 to vector<16xf32>
      %add3A_850 = arith.addf %add3A_849, %exp3A_847 : vector<16xf32>
      %div3A_851 = arith.constant 1.000000e+00 : f32
      %div3A_852 = vector.broadcast %div3A_851 : f32 to vector<16xf32>
      %div3A_853 = arith.divf %div3A_852, %add3A_850 : vector<16xf32>
      %add3A_854 = arith.constant 384 : i32
      %add3A_855 = arith.addi %add3A_854, %scan3A_745 : i32
      %swap3A_856 = arith.index_cast %add3A_855 : i32 to index
      %swap3A_857 = arith.constant 64 : index
      %swap3A_858 = tpu.vector_load %arg6[%swap3A_856, %swap3A_857] {strides = array<i32>} : memref<512x128xf32, #tpu.memory_space<vmem>>, vector<1x16xf32>,
      %swap3A_859 = vector.shape_cast %swap3A_858 : vector<1x16xf32> to vector<16xf32>
      %swap3A_860 = vector.shape_cast %div3A_853 : vector<16xf32> to vector<1x16xf32>
      tpu.vector_store %arg6[%swap3A_856, %swap3A_857], %swap3A_860 {strides = array<i32>} : memref<512x128xf32, #tpu.memory_space<vmem>>, vector<1x16xf32>,
      %add3A_861 = arith.constant 384 : i32
      %add3A_862 = arith.addi %add3A_861, %scan3A_745 : i32
      %get3A_863 = arith.index_cast %add3A_862 : i32 to index
      %get3A_864 = arith.constant 80 : index
      %get3A_865 = tpu.vector_load %arg6[%get3A_863, %get3A_864] {strides = array<i32>} : memref<512x128xf32, #tpu.memory_space<vmem>>, vector<1x16xf32>,
      %get3A_866 = vector.shape_cast %get3A_865 : vector<1x16xf32> to vector<16xf32>
      %neg3A_867 = arith.constant 0.000000e+00 : f32
      %neg3A_868 = vector.broadcast %neg3A_867 : f32 to vector<16xf32>
      %neg3A_869 = arith.subf %neg3A_868, %get3A_866 : vector<16xf32>
      %exp3A_870 = math.exp %neg3A_869 : vector<16xf32>
      %add3A_871 = arith.constant 1.000000e+00 : f32
      %add3A_872 = vector.broadcast %add3A_871 : f32 to vector<16xf32>
      %add3A_873 = arith.addf %add3A_872, %exp3A_870 : vector<16xf32>
      %div3A_874 = arith.constant 1.000000e+00 : f32
      %div3A_875 = vector.broadcast %div3A_874 : f32 to vector<16xf32>
      %div3A_876 = arith.divf %div3A_875, %add3A_873 : vector<16xf32>
      %add3A_877 = arith.constant 384 : i32
      %add3A_878 = arith.addi %add3A_877, %scan3A_745 : i32
      %swap3A_879 = arith.index_cast %add3A_878 : i32 to index
      %swap3A_880 = arith.constant 80 : index
      %swap3A_881 = tpu.vector_load %arg6[%swap3A_879, %swap3A_880] {strides = array<i32>} : memref<512x128xf32, #tpu.memory_space<vmem>>, vector<1x16xf32>,
      %swap3A_882 = vector.shape_cast %swap3A_881 : vector<1x16xf32> to vector<16xf32>
      %swap3A_883 = vector.shape_cast %div3A_876 : vector<16xf32> to vector<1x16xf32>
      tpu.vector_store %arg6[%swap3A_879, %swap3A_880], %swap3A_883 {strides = array<i32>} : memref<512x128xf32, #tpu.memory_space<vmem>>, vector<1x16xf32>,
      %add3A_884 = arith.constant 384 : i32
      %add3A_885 = arith.addi %add3A_884, %scan3A_745 : i32
      %get3A_886 = arith.index_cast %add3A_885 : i32 to index
      %get3A_887 = arith.constant 96 : index
      %get3A_888 = tpu.vector_load %arg6[%get3A_886, %get3A_887] {strides = array<i32>} : memref<512x128xf32, #tpu.memory_space<vmem>>, vector<1x16xf32>,
      %get3A_889 = vector.shape_cast %get3A_888 : vector<1x16xf32> to vector<16xf32>
      %neg3A_890 = arith.constant 0.000000e+00 : f32
      %neg3A_891 = vector.broadcast %neg3A_890 : f32 to vector<16xf32>
      %neg3A_892 = arith.subf %neg3A_891, %get3A_889 : vector<16xf32>
      %exp3A_893 = math.exp %neg3A_892 : vector<16xf32>
      %add3A_894 = arith.constant 1.000000e+00 : f32
      %add3A_895 = vector.broadcast %add3A_894 : f32 to vector<16xf32>
      %add3A_896 = arith.addf %add3A_895, %exp3A_893 : vector<16xf32>
      %div3A_897 = arith.constant 1.000000e+00 : f32
      %div3A_898 = vector.broadcast %div3A_897 : f32 to vector<16xf32>
      %div3A_899 = arith.divf %div3A_898, %add3A_896 : vector<16xf32>
      %add3A_900 = arith.constant 384 : i32
      %add3A_901 = arith.addi %add3A_900, %scan3A_745 : i32
      %swap3A_902 = arith.index_cast %add3A_901 : i32 to index
      %swap3A_903 = arith.constant 96 : index
      %swap3A_904 = tpu.vector_load %arg6[%swap3A_902, %swap3A_903] {strides = array<i32>} : memref<512x128xf32, #tpu.memory_space<vmem>>, vector<1x16xf32>,
      %swap3A_905 = vector.shape_cast %swap3A_904 : vector<1x16xf32> to vector<16xf32>
      %swap3A_906 = vector.shape_cast %div3A_899 : vector<16xf32> to vector<1x16xf32>
      tpu.vector_store %arg6[%swap3A_902, %swap3A_903], %swap3A_906 {strides = array<i32>} : memref<512x128xf32, #tpu.memory_space<vmem>>, vector<1x16xf32>,
      %add3A_907 = arith.constant 384 : i32
      %add3A_908 = arith.addi %add3A_907, %scan3A_745 : i32
      %get3A_909 = arith.index_cast %add3A_908 : i32 to index
      %get3A_910 = arith.constant 112 : index
      %get3A_911 = tpu.vector_load %arg6[%get3A_909, %get3A_910] {strides = array<i32>} : memref<512x128xf32, #tpu.memory_space<vmem>>, vector<1x16xf32>,
      %get3A_912 = vector.shape_cast %get3A_911 : vector<1x16xf32> to vector<16xf32>
      %neg3A_913 = arith.constant 0.000000e+00 : f32
      %neg3A_914 = vector.broadcast %neg3A_913 : f32 to vector<16xf32>
      %neg3A_915 = arith.subf %neg3A_914, %get3A_912 : vector<16xf32>
      %exp3A_916 = math.exp %neg3A_915 : vector<16xf32>
      %add3A_917 = arith.constant 1.000000e+00 : f32
      %add3A_918 = vector.broadcast %add3A_917 : f32 to vector<16xf32>
      %add3A_919 = arith.addf %add3A_918, %exp3A_916 : vector<16xf32>
      %div3A_920 = arith.constant 1.000000e+00 : f32
      %div3A_921 = vector.broadcast %div3A_920 : f32 to vector<16xf32>
      %div3A_922 = arith.divf %div3A_921, %add3A_919 : vector<16xf32>
      %add3A_923 = arith.constant 384 : i32
      %add3A_924 = arith.addi %add3A_923, %scan3A_745 : i32
      %swap3A_925 = arith.index_cast %add3A_924 : i32 to index
      %swap3A_926 = arith.constant 112 : index
      %swap3A_927 = tpu.vector_load %arg6[%swap3A_925, %swap3A_926] {strides = array<i32>} : memref<512x128xf32, #tpu.memory_space<vmem>>, vector<1x16xf32>,
      %swap3A_928 = vector.shape_cast %swap3A_927 : vector<1x16xf32> to vector<16xf32>
      %swap3A_929 = vector.shape_cast %div3A_922 : vector<16xf32> to vector<1x16xf32>
      tpu.vector_store %arg6[%swap3A_925, %swap3A_926], %swap3A_929 {strides = array<i32>} : memref<512x128xf32, #tpu.memory_space<vmem>>, vector<1x16xf32>,
    }
    %scan3A_139 = arith.constant 128 : i32
    %add3A_140 = arith.constant 384 : i32
    %add3A_141 = arith.addi %mul3A_2, %add3A_140 : i32
    %dma_start3A_142 = arith.constant 384 : i32
    %dma_start3A_143 = arith.constant 0 : i32
    %dma_start3A_144 = tpu.memref_slice %arg6[%dma_start3A_142, %dma_start3A_143] : memref<512x128xf32, #tpu.memory_space<vmem>> -> memref<128x128xf32, #tpu.memory_space<vmem>>
    %dma_start3A_145 = arith.constant 0 : i32
    %dma_start3A_146 = tpu.memref_slice %arg4[%add3A_141, %dma_start3A_145] : memref<16384x128xf32, #tpu.memory_space<hbm>> -> memref<128x128xf32, #tpu.memory_space<hbm>>
    %dma_start3A_147 = arith.constant 0 : i32
    %dma_start3A_148 = tpu.memref_slice %arg4[%add3A_141, %dma_start3A_147] : memref<16384x128xf32, #tpu.memory_space<hbm>> -> memref<128x128xf32, #tpu.memory_space<hbm>>
    %dma_start3A_149 = arith.constant 384 : i32
    %dma_start3A_150 = arith.constant 0 : i32
    %dma_start3A_151 = tpu.memref_slice %arg6[%dma_start3A_149, %dma_start3A_150] : memref<512x128xf32, #tpu.memory_space<vmem>> -> memref<128x128xf32, #tpu.memory_space<vmem>>
    tpu.enqueue_dma source(%dma_start3A_151 : memref<128x128xf32, #tpu.memory_space<vmem>>) target(%dma_start3A_148 : memref<128x128xf32, #tpu.memory_space<hbm>>) target_semaphore(%arg11 : memref<!tpu.dma_semaphore, #tpu.memory_space<semaphore_mem>>)
    %dma_wait3A_152 = arith.constant 0 : i32
    %dma_wait3A_153 = arith.constant 0 : i32
    %dma_wait3A_154 = tpu.memref_slice %arg6[%dma_wait3A_152, %dma_wait3A_153] : memref<512x128xf32, #tpu.memory_space<vmem>> -> memref<128x128xf32, #tpu.memory_space<vmem>>
    %dma_wait3A_155 = arith.constant 0 : i32
    %dma_wait3A_156 = tpu.memref_slice %arg4[%add3A_57, %dma_wait3A_155] : memref<16384x128xf32, #tpu.memory_space<hbm>> -> memref<128x128xf32, #tpu.memory_space<hbm>>
    %dma_wait3A_157 = arith.constant 0 : i32
    %dma_wait3A_158 = tpu.memref_slice %arg4[%add3A_57, %dma_wait3A_157] : memref<16384x128xf32, #tpu.memory_space<hbm>> -> memref<128x128xf32, #tpu.memory_space<hbm>>
    %dma_wait3A_159 = arith.constant 0 : i32
    %dma_wait3A_160 = arith.constant 0 : i32
    %dma_wait3A_161 = tpu.memref_slice %arg6[%dma_wait3A_159, %dma_wait3A_160] : memref<512x128xf32, #tpu.memory_space<vmem>> -> memref<128x128xf32, #tpu.memory_space<vmem>>
    tpu.wait_dma2 semaphore(%arg11 : memref<!tpu.dma_semaphore, #tpu.memory_space<semaphore_mem>>) src(%dma_wait3A_161 : memref<128x128xf32, #tpu.memory_space<vmem>>) dst(%dma_wait3A_158 : memref<128x128xf32, #tpu.memory_space<hbm>>)
    %dma_wait3A_162 = arith.constant 128 : i32
    %dma_wait3A_163 = arith.constant 0 : i32
    %dma_wait3A_164 = tpu.memref_slice %arg6[%dma_wait3A_162, %dma_wait3A_163] : memref<512x128xf32, #tpu.memory_space<vmem>> -> memref<128x128xf32, #tpu.memory_space<vmem>>
    %dma_wait3A_165 = arith.constant 0 : i32
    %dma_wait3A_166 = tpu.memref_slice %arg4[%add3A_85, %dma_wait3A_165] : memref<16384x128xf32, #tpu.memory_space<hbm>> -> memref<128x128xf32, #tpu.memory_space<hbm>>
    %dma_wait3A_167 = arith.constant 0 : i32
    %dma_wait3A_168 = tpu.memref_slice %arg4[%add3A_85, %dma_wait3A_167] : memref<16384x128xf32, #tpu.memory_space<hbm>> -> memref<128x128xf32, #tpu.memory_space<hbm>>
    %dma_wait3A_169 = arith.constant 128 : i32
    %dma_wait3A_170 = arith.constant 0 : i32
    %dma_wait3A_171 = tpu.memref_slice %arg6[%dma_wait3A_169, %dma_wait3A_170] : memref<512x128xf32, #tpu.memory_space<vmem>> -> memref<128x128xf32, #tpu.memory_space<vmem>>
    tpu.wait_dma2 semaphore(%arg11 : memref<!tpu.dma_semaphore, #tpu.memory_space<semaphore_mem>>) src(%dma_wait3A_171 : memref<128x128xf32, #tpu.memory_space<vmem>>) dst(%dma_wait3A_168 : memref<128x128xf32, #tpu.memory_space<hbm>>)
    %dma_wait3A_172 = arith.constant 256 : i32
    %dma_wait3A_173 = arith.constant 0 : i32
    %dma_wait3A_174 = tpu.memref_slice %arg6[%dma_wait3A_172, %dma_wait3A_173] : memref<512x128xf32, #tpu.memory_space<vmem>> -> memref<128x128xf32, #tpu.memory_space<vmem>>
    %dma_wait3A_175 = arith.constant 0 : i32
    %dma_wait3A_176 = tpu.memref_slice %arg4[%add3A_113, %dma_wait3A_175] : memref<16384x128xf32, #tpu.memory_space<hbm>> -> memref<128x128xf32, #tpu.memory_space<hbm>>
    %dma_wait3A_177 = arith.constant 0 : i32
    %dma_wait3A_178 = tpu.memref_slice %arg4[%add3A_113, %dma_wait3A_177] : memref<16384x128xf32, #tpu.memory_space<hbm>> -> memref<128x128xf32, #tpu.memory_space<hbm>>
    %dma_wait3A_179 = arith.constant 256 : i32
    %dma_wait3A_180 = arith.constant 0 : i32
    %dma_wait3A_181 = tpu.memref_slice %arg6[%dma_wait3A_179, %dma_wait3A_180] : memref<512x128xf32, #tpu.memory_space<vmem>> -> memref<128x128xf32, #tpu.memory_space<vmem>>
    tpu.wait_dma2 semaphore(%arg11 : memref<!tpu.dma_semaphore, #tpu.memory_space<semaphore_mem>>) src(%dma_wait3A_181 : memref<128x128xf32, #tpu.memory_space<vmem>>) dst(%dma_wait3A_178 : memref<128x128xf32, #tpu.memory_space<hbm>>)
    %dma_wait3A_182 = arith.constant 384 : i32
    %dma_wait3A_183 = arith.constant 0 : i32
    %dma_wait3A_184 = tpu.memref_slice %arg6[%dma_wait3A_182, %dma_wait3A_183] : memref<512x128xf32, #tpu.memory_space<vmem>> -> memref<128x128xf32, #tpu.memory_space<vmem>>
    %dma_wait3A_185 = arith.constant 0 : i32
    %dma_wait3A_186 = tpu.memref_slice %arg4[%add3A_141, %dma_wait3A_185] : memref<16384x128xf32, #tpu.memory_space<hbm>> -> memref<128x128xf32, #tpu.memory_space<hbm>>
    %dma_wait3A_187 = arith.constant 0 : i32
    %dma_wait3A_188 = tpu.memref_slice %arg4[%add3A_141, %dma_wait3A_187] : memref<16384x128xf32, #tpu.memory_space<hbm>> -> memref<128x128xf32, #tpu.memory_space<hbm>>
    %dma_wait3A_189 = arith.constant 384 : i32
    %dma_wait3A_190 = arith.constant 0 : i32
    %dma_wait3A_191 = tpu.memref_slice %arg6[%dma_wait3A_189, %dma_wait3A_190] : memref<512x128xf32, #tpu.memory_space<vmem>> -> memref<128x128xf32, #tpu.memory_space<vmem>>
    tpu.wait_dma2 semaphore(%arg11 : memref<!tpu.dma_semaphore, #tpu.memory_space<semaphore_mem>>) src(%dma_wait3A_191 : memref<128x128xf32, #tpu.memory_space<vmem>>) dst(%dma_wait3A_188 : memref<128x128xf32, #tpu.memory_space<hbm>>)
    return
  }
}

</mosaic_0001>

<sc_bundles>
// kernel: kernel.3.cloned.1.call-start
scs
__scs_entry_jumppad:
0x0: {  	(pc) =	sbr.rel $0x88, $3  }
0x1: {  	(tag) =	ssettag $0x0;
	lr =	simm.s32 $0x1  }
0x2: {  	[smem:$0x3F9F] =	sst lr;
	_ =	strace $0xD0000000  }
0x3: {  	_ = 	snop  }
0x4: {  	_ = 	snop  }
0x5: {  	_ = 	snop  }
0x6: {  	_ = 	snop  }
0x7: {  	_ = 	snop  }
__scs_overlays_trampoline_lowered:
0x8: {  	[smem:$0x3FAE] =	sst s0  }
0x9: {  	[smem:$0x3FAF] =	sst s1  }
0xa: {  	[smem:$0x3FB0] =	sst s2  }
0xb: {  	[smem:$0x3FB1] =	sst s3  }
0xc: {  	[smem:$0x3FB2] =	sst s4  }
0xd: {  	[smem:$0x3FB3] =	sst s5  }
0xe: {  	[smem:$0x3FB4] =	sst s6  }
0xf: {  	[smem:$0x3FB5] =	sst s7  }
0x10: {  	[smem:$0x3FB6] =	sst s8  }
0x11: {  	[smem:$0x3FB7] =	sst s9;
	s0 =	simm.s32 @!p0 $0x0  }
0x12: {  	s1 =	sld [smem:$0x3F9D];
	s0 =	simm.s32 @p0 $0x1  }
0x13: {  	[smem:$0x3FB8] =	sst s0;
	s0 =	simm.s32 @!p1 $0x0  }
0x14: {  	s2 =	sld [smem:$0x3F9C];
	s0 =	simm.s32 @p1 $0x1  }
0x15: {  	[smem:$0x3FB9] =	sst s0;
	s0 =	simm.s32 @!p2 $0x0  }
0x16: {  	s3 =	sld [smem:$0x3FDB];
	s0 =	simm.s32 @p2 $0x1  }
0x17: {  	s4 =	simm.s32 $0x1BF5;
	[smem:$0x3FBB] =	sst s0  }
0x18: {  	s0 =	sld [smem:$0x3F9E];
	_ =	swait.ge [sflag:s4], $0x0  }
0x19: {  	s7 =	sld [smem:$0x3F9F]  }
0x1a: {  	s8 =	sadd.s32 $0xFFFFE003, lr  }
0x1b: {  	s9 =	sadd.s32 $0xFFFFFEF7, lr;
	s5 =	simm.s32 $0xFFFFFFFF;
	p2 =	slt.u32 s8, $0xFFFFF086  }
0x1c: {  	p1 =	slt.u32 s9, $0xF7A;
	s5 =	simm.s32 @!p2 $0x0  }
0x1d: {  	s5 =	simm.s32 @p1 $0x1;
	p0 =	seq.s32 s7, s2  }
0x1e: {  	s7 =	smul.u32 @!p0 $0xF7A, s2;
	p2 =	seq.s32 @!p0 s5, $0x0  }
0x1f: {  	s9 =	smul.u32 $0xF7A, s1;
	s8 =	simm.s32 @!p0 $0x1BF5;
	p2 =	por !p2, p0  }
0x20: {  	[sflag:s8] =	ssyncset.s32 @!p0 $0xFFFFF086;
	s6 =	sadd.s32 @!p0 s3, s7;
	s7 =	simm.s32 @!p0 $0x108  }
0x21: {  	s3 =	sadd.s32 s3, s9;
	s6 =	sadd.s32 @!p0 $0x88, s6;
	s7 =	simm.s32 @p2 $0x1082  }
0x22: {  	[simem:s7], [sflag:s8] =	dma.local @!p0 [hbm:s6], $0xF7A  }
0x23: {  	s9 =	sor.u32 $0xD0000000, s2;
	s6 =	simm.s32 $0x108;
	_ =	swait.ge @!p0 [sflag:s8], $0x0  }
0x24: {  	s3 =	sadd.s32 $0x88, s3;
	s6 =	simm.s32 @!p1 $0x1082;
	[sflag:s4] =	ssyncset.s32 $0xFFFFF086  }
0x25: {  	[simem:s6], [sflag:s4] =	dma.local [hbm:s3], $0xF7A  }
0x26: {  	[smem:$0x3F9F] =	sst s1;
	(tag) =	ssettag s2;
	_ =	strace s9  }
0x27: {  	s1 =	sld [smem:$0x3FAF]  }
0x28: {  	s2 =	sld [smem:$0x3FB0]  }
0x29: {  	s4 =	sld [smem:$0x3FB2]  }
0x2a: {  	p0 =	seq.s32 s5, $0x0;
	s5 =	sld [smem:$0x3FB3]  }
0x2b: {  	s6 =	sld [smem:$0x3FB4]  }
0x2c: {  	s7 =	sld [smem:$0x3FB5]  }
0x2d: {  	s3 =	simm.s32 $0x108;
	s8 =	sld [smem:$0x3FB6]  }
0x2e: {  	s3 =	simm.s32 @!p0 $0x1082;
	s9 =	sld [smem:$0x3FB7]  }
0x2f: {  	lr =	sadd.s32 s0, s3;
	s0 =	sld [smem:$0x3FAE]  }
0x30: {  	s3 =	sld [smem:$0x3FB1]  }
0x31: {  	[smem:$0x3FBA] =	sst s10  }
0x32: {  	s10 =	sld [smem:$0x3FB8];
	_ =	sdelay $0x3  }
0x33: {  	p0 =	seq.s32 s10, $0x1;
	s10 =	sld [smem:$0x3FBA];
	_ =	sdelay $0x3  }
0x34: {  	[smem:$0x3FBA] =	sst s10  }
0x35: {  	s10 =	sld [smem:$0x3FB9];
	_ =	sdelay $0x3  }
0x36: {  	p1 =	seq.s32 s10, $0x1;
	s10 =	sld [smem:$0x3FBA];
	_ =	sdelay $0x3  }
0x37: {  	[smem:$0x3FBA] =	sst s10  }
0x38: {  	s10 =	sld [smem:$0x3FBB]  }
0x39: {  	_ = 	snop;
	(pc) =	sbr.ind lr, $3  }
0x3a: {  	_ = 	snop  }
0x3b: {  	_ = 	snop  }
0x3c: {  	p2 =	seq.s32 s10, $0x1;
	s10 =	sld [smem:$0x3FBA]  }
0x3d: {  	_ =	shalt  }
0x3e: {  	_ =	shalt  }
0x3f: {  	_ =	shalt  }
0x40: {  	_ =	shalt  }
0x41: {  	_ =	shalt  }
0x42: {  	_ =	shalt  }
0x43: {  	_ =	shalt  }
0x44: {  	_ =	shalt  }
0x45: {  	_ =	shalt  }
0x46: {  	_ =	shalt  }
0x47: {  	_ =	shalt  }
0x48: {  	_ =	shalt  }
0x49: {  	_ =	shalt  }
0x4a: {  	_ =	shalt  }
0x4b: {  	_ =	shalt  }
0x4c: {  	_ =	shalt  }
0x4d: {  	_ =	shalt  }
0x4e: {  	_ =	shalt  }
0x4f: {  	_ =	shalt  }
0x50: {  	_ =	shalt  }
0x51: {  	_ =	shalt  }
0x52: {  	_ =	shalt  }
0x53: {  	_ =	shalt  }
0x54: {  	_ =	shalt  }
0x55: {  	_ =	shalt  }
0x56: {  	_ =	shalt  }
0x57: {  	_ =	shalt  }
0x58: {  	_ =	shalt  }
0x59: {  	_ =	shalt  }
0x5a: {  	_ =	shalt  }
0x5b: {  	_ =	shalt  }
0x5c: {  	_ =	shalt  }
0x5d: {  	_ =	shalt  }
0x5e: {  	_ =	shalt  }
0x5f: {  	_ =	shalt  }
0x60: {  	_ =	shalt  }
0x61: {  	_ =	shalt  }
0x62: {  	_ =	shalt  }
0x63: {  	_ =	shalt  }
0x64: {  	_ =	shalt  }
0x65: {  	_ =	shalt  }
0x66: {  	_ =	shalt  }
0x67: {  	_ =	shalt  }
0x68: {  	_ =	shalt  }
0x69: {  	_ =	shalt  }
0x6a: {  	_ =	shalt  }
0x6b: {  	_ =	shalt  }
0x6c: {  	_ =	shalt  }
0x6d: {  	_ =	shalt  }
0x6e: {  	_ =	shalt  }
0x6f: {  	_ =	shalt  }
0x70: {  	_ =	shalt  }
0x71: {  	_ =	shalt  }
0x72: {  	_ =	shalt  }
0x73: {  	_ =	shalt  }
0x74: {  	_ =	shalt  }
0x75: {  	_ =	shalt  }
0x76: {  	_ =	shalt  }
0x77: {  	_ =	shalt  }
0x78: {  	_ =	shalt  }
0x79: {  	_ =	shalt  }
0x7a: {  	_ =	shalt  }
0x7b: {  	_ =	shalt  }
0x7c: {  	_ =	shalt  }
0x7d: {  	_ =	shalt  }
0x7e: {  	_ =	shalt  }
0x7f: {  	_ =	shalt  }
0x80: {  	_ =	shalt  }
0x81: {  	_ =	shalt  }
0x82: {  	_ =	shalt  }
0x83: {  	_ =	shalt  }
0x84: {  	_ =	shalt  }
0x85: {  	_ =	shalt  }
0x86: {  	_ =	shalt  }
0x87: {  	_ =	shalt  }
.Lfunc_end0:
.L_simem_size_0:
called_computation_lowered:
.L_overlay_start_0:
0x88: {  	s2 =	sld [smem:$0x3FD9]  }
0x89: {  	s3 =	sld [smem:$0x3FFE];
	_ =	sdelay $0x1  }
0x8a: {  	s1 =	srdreg.scid  }
0x8b: {  	s0 =	sand.u32 $0x1, s1  }
0x8c: {  	s18 =	sshll.u32 s0, $0xA;
	s2 =	sadd.s32 s3, s2  }
0x8d: {  	s2 =	sadd.s32 s2, s18  }
0x8e: {  	[smem:$0x3FC6] =	sst s2  }
0x8f: {  	_ = 	snop  }
0x90: {  	s2 =	sld [smem:$0x3FC9]  }
0x91: {  	s19 =	sld [smem:$0x3FC8]  }
0x92: {  	s4 =	sld [smem:$0x3FD0];
	(tm) =	ssettm $0x1  }
0x93: {  	s5 =	sld [smem:$0x3FFB];
	_ =	sdelay $0x3  }
0x94: {  	_ =	strace s5  }
0x95: {  	s5 =	sld [smem:$0x3FFC];
	_ =	sdelay $0x3  }
0x96: {  	_ =	strace s5  }
0x97: {  	s5 =	sld [smem:$0x3FFD];
	_ =	sdelay $0x3  }
0x98: {  	_ =	strace s5  }
0x99: {  	_ =	strace $0x8FFFFFFF  }
0x9a: {  	s20 =	sld [smem:$0x3FDB];
	_ =	sdelay $0x1  }
0x9b: {  	s6 =	simm.s32 $_scs_section_size  }
0x9c: {  	s7 =	simm.s32 $_size__tile_overlayer_lowered;
	s8 =	simm.s32 $_tile_overlayer_lowered  }
0x9d: {  	s23 =	simm.s32 $0x1BFF;
	s22 =	sshll.u32 s8, $0x1;
	s5 =	sadd.s32 s6, s20  }
0x9e: {  	s9 =	simm.s32 $0x0;
	s21 =	sshll.u32 s7, $0x1;
	s7 =	sadd.s32 s22, s5  }
0x9f: {  	[timem:s9], [sflag:s23] =	dma.local [hbm:s7], s21  }
0xa0: {  	_ =	swait.ge [sflag:s23], s21  }
0xa1: {  	s6 =	ssub.s32 $0x0, s21;
	[sflag:s23] =	ssyncset.done $0x0  }
0xa2: {  	[sflag:s23] =	ssyncadd.s32 s6;
	_ =	sdelay $0x1  }
0xa3: {  	s24 =	simm.s32 $0x1B8B  }
0xa4: {  	_ =	swait.ge [sflag:s24], $0x1  }
0xa5: {  	[sflag:s24] =	ssyncset.done $0x0  }
0xa6: {  	s25 =	simm.s32 $0x1B8E;
	[sflag:s24] =	ssyncadd.s32 $0xFFFFFFFF  }
0xa7: {  	s26 =	simm.s32 $execute0_lowered;
	[smem:$0x3FD2] =	sst s25  }
0xa8: {  	s6 =	sshll.u32 s26, $0x1;
	_ =	strace $0x80000046;
	[dreg:$0x1] =	wrdreg $0xFFFFFFFF  }
0xa9: {  	s28 =	simm.s32 $_size_execute0_lowered;
	s5 =	sadd.s32 s5, s6;
	[dreg:$0x0] =	wrdreg $0x0  }
0xaa: {  	s6 =	sshll.u32 s28, $0x1;
	[dreg:$0x2] =	wrdreg s5  }
0xab: {  	[dreg:$0x3] =	wrdreg s6  }
0xac: {  	[dreg:$0x4] =	wrdreg $0xC0  }
0xad: {  	_ =	task [dreg:s9], $0x5FFFF  }
0xae: {  	[dreg:$0x1] =	wrdreg $0xFFFFFFFF  }
0xaf: {  	[dreg:$0x0] =	wrdreg $0x60  }
0xb0: {  	[dreg:$0x2] =	wrdreg s2  }
0xb1: {  	[dreg:$0x3] =	wrdreg s19  }
0xb2: {  	[dreg:$0x4] =	wrdreg s4  }
0xb3: {  	[dreg:$0x5] =	wrdreg $0x9  }
0xb4: {  	_ =	task.clear_ibuf [dreg:s9], $0x6FFFF;
	_ =	strace $0x90000046  }
0xb5: {  	s29 =	simm.s32 $0x9;
	_ =	strace $0x80000048  }
0xb6: {  	_ =	swait.ge [sflag:s29], $0x1  }
0xb7: {  	[sflag:s29] =	ssyncadd.s32 $0xFFFFFFFF  }
0xb8: {  	_ =	strace $0x90000048  }
0xb9: {  	_ =	sfence  }
0xba: {  	s30 =	sld [smem:$0x0];
	_ =	sdelay $0x2  }
0xbb: {  	s31 =	sshll.u32 s1, $0xD;
	s1 =	sshrl.u32 s1, $0x2  }
0xbc: {  	s3 =	sand.u32 $0x4000, s31;
	s1 =	sadd.s32 s1, s30  }
0xbd: {  	s0 =	sor.u32 s3, s0;
	s1 =	sshll.u32 s1, $0x11  }
0xbe: {  	s0 =	sor.u32 s1, s0  }
0xbf: {  	s0 =	sadd.s32 $0x8F2B, s0  }
0xc0: {  	[sflag:s0] =	ssyncadd.remote.s32 $0x1  }
0xc1: {  	_ =	sfence.sel $0xFFFF  }
0xc2: {  	[dreg:$0x0] =	wrdreg $0xFFFFFFFF;
	(pc) =	sbr.abs _section_cstart, $3  }
0xc3: {  	[dreg:$0x1] =	wrdreg $0xFFFFFFFF  }
0xc4: {  	_ =	task.clear_ibuf [dreg:s9], $0x2FFFF;
	_ =	strace $0x9FFFFFFF  }
0xc5: {  	(tm) =	ssettm $0x7FFFFFFF  }
tec
execute0_lowered:
.L_overlay_start_1:
0x0: {  	(tag) =	ssettag $0x1  }
0x1: {  	s4 =	rddreg [dreg:$0x0]  }
0x2: {  	s1 =	rddreg [dreg:$0x1]  }
0x3: {  	s5 =	rddreg [dreg:$0x2]  }
0x4: {  	s0 =	rddreg [dreg:$0x3];
	s6 =	srdreg.scid  }
0x5: {  	s3 =	simm.s32 $0x0;
	s2 =	stileid.u32;
	s11 =	simm.s32 $0x80  }
0x6: {  	s12 =	simm.s32 $0x200;
	s13 =	simm.s32 $0x4200;
	s14 =	simm.s32 $0x100  }
0x7: {  	s15 =	simm.s32 $0x8200;
	s16 =	simm.s32 $0x180;
	s17 =	simm.s32 $0xC200  }
0x8: {  	s18 =	simm.s32 $0x1;
	s19 =	simm.s32 $0x2;
	s20 =	simm.s32 $0x3  }
0x9: {  	s21 =	simm.s32 $0x4;
	s22 =	simm.s32 $0x5;
	s6 =	sand.u32 $0x1, s6  }
0xa: {  	s23 =	simm.s32 $0x0;
	s7 =	sshll.u32 s2, $0xA;
	s8 =	sshll.u32 s6, $0x9  }
0xb: {  	[smem:$0x7FF] =	sst s3;
	s6 =	ssub.s32 $0x2, s6;
	s7 =	sor.u32 s8, s7  }
0xc: {  	_ =	strace $0x80000047;
	s31 =	sshrl.u32 s6, $0x1;
	s9 =	sshrl.u32 s7, $0x3  }
0xd: {  	s7 =	sshll.u32 s7, $0x4;
	s10 =	ssub.s32 s6, s31;
	s4 =	sadd.s32 s4, s9  }
0xe: {  	s5 =	sadd.s32 s5, s7;
	s9 =	smax.u32 s10, $0x1;
	s10 =	simm.s32 $0x6  }
0xf: {  	s6 =	sadd.s32 $0x800, s5;
	s7 =	sadd.s32 $0x1000, s5;
	s8 =	sadd.s32 $0x1800, s5  }
.LBB2_1:
0x10: {  	[tilespmem:s3], [sflag:$0x6] =	stream.linear.gather [hbm4b:s4+s3], $0x200, $0x38;
	[tilespmem:$0x10200] =	vst v63  }
0x11: {  	_ =	swait.ge [sflag:s10], $0x200  }
0x12: {  	[sflag:s10] =	ssyncset.done $0x0  }
0x13: {  	[sflag:s10] =	ssyncadd.s32 $0xFFFFFE00  }
0x14: {  	[tilespmem:s12], [sflag:$0x1] =	stream.indirect.gather [hbm4b:s1+s11], $0x80, s3, s11, $0xb8;
	[tilespmem:$0x10200] =	vst v63  }
0x15: {  	_ = 	snop  }
0x16: {  	[tilespmem:s13], [sflag:$0x2] =	stream.indirect.gather [hbm4b:s1+s11], $0x80, s11, s11, $0xb8;
	[tilespmem:$0x10200] =	vst v63  }
0x17: {  	_ = 	snop  }
0x18: {  	[tilespmem:s15], [sflag:$0x3] =	stream.indirect.gather [hbm4b:s1+s11], $0x80, s14, s11, $0xb8;
	[tilespmem:$0x10200] =	vst v63  }
0x19: {  	_ = 	snop  }
0x1a: {  	[tilespmem:s17], [sflag:$0x4] =	stream.indirect.gather [hbm4b:s1+s11], $0x80, s16, s11, $0xb8;
	[tilespmem:$0x10200] =	vst v63  }
0x1b: {  	_ =	swait.ge [sflag:s18], $0x4000  }
0x1c: {  	[sflag:s18] =	ssyncset.done $0x0  }
0x1d: {  	s24 =	simm.s32 $0x300;
	[sflag:s18] =	ssyncadd.s32 $0xFFFFC000  }
0x1e: {  	v0 =	vld [tilespmem:s24+$0xFFFFFF00]  }
0x1f: {  	v1 =	vld [tilespmem:s24+$0xF0]  }
0x20: {  	v2 =	vld [tilespmem:s24+$0xE0]  }
0x21: {  	v3 =	vld [tilespmem:s24+$0xD0]  }
0x22: {  	v4 =	vld [tilespmem:s24+$0xC0]  }
0x23: {  	v5 =	vld [tilespmem:s24+$0xB0]  }
0x24: {  	v6 =	vld [tilespmem:s24+$0x90];
	v0 =	vsub.f32 $0.0e+00, v0  }
0x25: {  	v7 =	vld [tilespmem:s24+$0x80];
	v1 =	vsub.f32 $0.0e+00, v1;
	v2 =	vsub.f32 $0.0e+00, v2  }
0x26: {  	v8 =	vld [tilespmem:s24+$0x70];
	v3 =	vsub.f32 $0.0e+00, v3;
	v0 =	vmul.f32 $1.442695020e+00, v0  }
0x27: {  	v9 =	vld [tilespmem:s24+$0x60];
	v4 =	vsub.f32 $0.0e+00, v4;
	v1 =	vmul.f32 $1.442695020e+00, v1;
	v2 =	vmul.f32 $1.442695020e+00, v2  }
0x28: {  	v5 =	vsub.f32 $0.0e+00, v5;
	v3 =	vmul.f32 $1.442695020e+00, v3;
	(erf) = vpow2.f32 v0;
	v0 =	vld [tilespmem:s24+$0xA0]  }
0x29: {  	v6 =	vsub.f32 $0.0e+00, v6;
	v4 =	vmul.f32 $1.442695020e+00, v4;
	(erf) = vpow2.f32 v1;
	v1 =	vld [tilespmem:s24+$0x50]  }
0x2a: {  	v7 =	vsub.f32 $0.0e+00, v7;
	v5 =	vmul.f32 $1.442695020e+00, v5;
	(erf) = vpow2.f32 v2;
	v2 =	vld [tilespmem:s24+$0x40]  }
0x2b: {  	v8 =	vsub.f32 $0.0e+00, v8;
	v6 =	vmul.f32 $1.442695020e+00, v6;
	(erf) = vpow2.f32 v3;
	v3 =	vld [tilespmem:s24+$0x20]  }
0x2c: {  	v9 =	vsub.f32 $0.0e+00, v9;
	v7 =	vmul.f32 $1.442695020e+00, v7;
	(erf) = vpow2.f32 v4;
	v4 =	vld [tilespmem:s24+$0x10]  }
0x2d: {  	v8 =	vmul.f32 $1.442695020e+00, v8;
	(erf) = vpow2.f32 v5;
	v0 =	vsub.f32 $0.0e+00, v0;
	v5 =	vld [tilespmem:s24+$0x0]  }
0x2e: {  	v9 =	vmul.f32 $1.442695020e+00, v9;
	(erf) = vpow2.f32 v6;
	v6 =	vld [tilespmem:s24+$0x30];
	v1 =	vsub.f32 $0.0e+00, v1  }
0x2f: {  	(erf) = vpow2.f32 v7;
	v0 =	vmul.f32 $1.442695020e+00, v0;
	v2 =	vsub.f32 $0.0e+00, v2;
	v7 =	vld [tilespmem:s24+$0xFFFFFFE0]  }
0x30: {  	(erf) = vpow2.f32 v8;
	v8 =	vld [tilespmem:s24+$0xFFFFFFF0];
	v1 =	vmul.f32 $1.442695020e+00, v1;
	v3 =	vsub.f32 $0.0e+00, v3  }
0x31: {  	v10 =	vpop (erf);
	(erf) = vpow2.f32 v9;
	v2 =	vmul.f32 $1.442695020e+00, v2;
	v4 =	vsub.f32 $0.0e+00, v4  }
0x32: {  	(erf) = vpow2.f32 v0;
	v0 =	vsub.f32 $0.0e+00, v5;
	v3 =	vmul.f32 $1.442695020e+00, v3  }
0x33: {  	v9 =	vld [tilespmem:s24+$0xFFFFFFD0];
	v11 =	vpop (erf);
	(erf) = vpow2.f32 v1;
	v1 =	vsub.f32 $0.0e+00, v6;
	v4 =	vmul.f32 $1.442695020e+00, v4  }
0x34: {  	v5 =	vpop (erf);
	v6 =	vld [tilespmem:s24+$0xFFFFFFC0];
	(erf) = vpow2.f32 v2;
	v2 =	vsub.f32 $0.0e+00, v7;
	v0 =	vmul.f32 $1.442695020e+00, v0  }
0x35: {  	v12 =	vpop (erf);
	v1 =	vmul.f32 $1.442695020e+00, v1;
	v8 =	vsub.f32 $0.0e+00, v8  }
0x36: {  	v7 =	vpop (erf);
	(erf) = vpow2.f32 v3;
	v3 =	vld [tilespmem:s24+$0xFFFFFFA0];
	v2 =	vmul.f32 $1.442695020e+00, v2  }
0x37: {  	v13 =	vld [tilespmem:s24+$0xFFFFFF90];
	(erf) = vpow2.f32 v4;
	v4 =	vpop (erf);
	v8 =	vmul.f32 $1.442695020e+00, v8  }
0x38: {  	v9 =	vsub.f32 $0.0e+00, v9;
	(erf) = vpow2.f32 v0;
	v0 =	vpop (erf)  }
0x39: {  	v14 =	vld [tilespmem:s24+$0xFFFFFF80];
	(erf) = vpow2.f32 v1;
	v6 =	vsub.f32 $0.0e+00, v6;
	v1 =	vpop (erf)  }
0x3a: {  	v15 =	vld [tilespmem:s24+$0xFFFFFFB0];
	v9 =	vmul.f32 $1.442695020e+00, v9;
	(erf) = vpow2.f32 v2;
	v0 =	vadd.f32 $1.000000000e+00, v0;
	v2 =	vpop (erf)  }
0x3b: {  	(erf) = vpow2.f32 v8;
	v3 =	vsub.f32 $0.0e+00, v3;
	v8 =	vpop (erf)  }
0x3c: {  	v16 =	vld [tilespmem:s24+$0xFFFFFF70];
	v6 =	vmul.f32 $1.442695020e+00, v6;
	v17 =	vpop (erf);
	(erf) = vpow2.f32 v9;
	v9 =	vsub.f32 $0.0e+00, v13  }
0x3d: {  	v18 =	vld [tilespmem:s24+$0xFFFFFF60];
	v1 =	vadd.f32 $1.000000000e+00, v1;
	v3 =	vmul.f32 $1.442695020e+00, v3;
	v13 =	vpop (erf);
	(erf) = vrcp.f32 v0  }
0x3e: {  	v14 =	vsub.f32 $0.0e+00, v14;
	v0 =	vpop (erf);
	(erf) = vpow2.f32 v6;
	v9 =	vmul.f32 $1.442695020e+00, v9  }
0x3f: {  	v6 =	vsub.f32 $0.0e+00, v15;
	v15 =	vpop (erf);
	(erf) = vrcp.f32 v1  }
0x40: {  	v14 =	vmul.f32 $1.442695020e+00, v14;
	v1 =	vld [tilespmem:s24+$0xFFFFFF40];
	v19 =	vpop (erf);
	(erf) = vpow2.f32 v3  }
0x41: {  	v3 =	vsub.f32 $0.0e+00, v16;
	v6 =	vmul.f32 $1.442695020e+00, v6;
	v56 =	vpop (erf);
	(erf) = vpow2.f32 v9  }
0x42: {  	v18 =	vsub.f32 $0.0e+00, v18;
	v9 =	vpop (erf);
	v16 =	vadd.f32 $1.000000000e+00, v56;
	(erf) = vpow2.f32 v14;
	v14 =	vld [tilespmem:s24+$0xFFFFFF50]  }
0x43: {  	v3 =	vmul.f32 $1.442695020e+00, v3;
	v20 =	vpop (erf);
	(erf) = vpow2.f32 v6  }
0x44: {  	v58 =	vmul.f32 $1.442695020e+00, v18;
	v6 =	vadd.f32 $1.000000000e+00, v17;
	v57 =	vpop (erf);
	(erf) = vrcp.f32 v16  }
0x45: {  	v1 =	vsub.f32 $0.0e+00, v1;
	(erf) = vpow2.f32 v3;
	v3 =	vadd.f32 $1.000000000e+00, v19  }
0x46: {  	v59 =	vpop (erf);
	(erf) = vrcp.f32 v6  }
0x47: {  	v60 =	vpop (erf);
	v1 =	vmul.f32 $1.442695020e+00, v1;
	(erf) = vpow2.f32 v58;
	v6 =	vsub.f32 $0.0e+00, v14  }
0x48: {  	v61 =	vpop (erf);
	(erf) = vrcp.f32 v3  }
0x49: {  	v4 =	vadd.f32 $1.000000000e+00, v4;
	v3 =	vpop (erf);
	(erf) = vpow2.f32 v1;
	v1 =	vmul.f32 $1.442695020e+00, v6  }
0x4a: {  	v10 =	vadd.f32 $1.000000000e+00, v10;
	v14 =	vpop (erf)  }
0x4b: {  	(erf) = vrcp.f32 v4;
	v6 =	vpop (erf)  }
0x4c: {  	v21 =	vld [tilespmem:s24+$0xFFFFFF10];
	v5 =	vadd.f32 $1.000000000e+00, v5;
	v4 =	vadd.f32 $1.000000000e+00, v8;
	(erf) = vrcp.f32 v10;
	v8 =	vpop (erf)  }
0x4d: {  	v10 =	vld [tilespmem:s24+$0xFFFFFF30];
	(erf) = vpow2.f32 v1;
	v1 =	vpop (erf)  }
0x4e: {  	v11 =	vadd.f32 $1.000000000e+00, v11;
	v13 =	vadd.f32 $1.000000000e+00, v13;
	v22 =	vpop (erf);
	(erf) = vrcp.f32 v4;
	v4 =	vld [tilespmem:s24+$0xFFFFFF20]  }
0x4f: {  	v23 =	vpop (erf);
	(erf) = vrcp.f32 v5  }
0x50: {  	v2 =	vadd.f32 $1.000000000e+00, v2;
	v5 =	vpop (erf);
	(erf) = vrcp.f32 v11;
	v11 =	vadd.f32 $1.000000000e+00, v12  }
0x51: {  	v7 =	vadd.f32 $1.000000000e+00, v7;
	v6 =	vadd.f32 $1.000000000e+00, v6;
	v12 =	vpop (erf);
	(erf) = vrcp.f32 v13  }
0x52: {  	[tilespmem:s24+$0x90] =	vst v60;
	v10 =	vsub.f32 $0.0e+00, v10;
	v13 =	vpop (erf);
	(erf) = vrcp.f32 v2;
	v2 =	vsub.f32 $0.0e+00, v21  }
0x53: {  	[tilespmem:s24+$0x80] =	vst v3;
	v1 =	vadd.f32 $1.000000000e+00, v1;
	v62 =	vpop (erf);
	(erf) = vrcp.f32 v11;
	v4 =	vsub.f32 $0.0e+00, v4  }
0x54: {  	[tilespmem:s24+$0x0] =	vst v22;
	v11 =	vpop (erf);
	(erf) = vrcp.f32 v7;
	v3 =	vmul.f32 $1.442695020e+00, v2;
	v2 =	vadd.f32 $1.000000000e+00, v8  }
0x55: {  	[tilespmem:s24+$0xA0] =	vst v5;
	v7 =	vadd.f32 $1.000000000e+00, v9;
	v5 =	vpop (erf);
	(erf) = vrcp.f32 v1  }
0x56: {  	v63 =	vmul.f32 $1.442695020e+00, v10;
	[tilespmem:s24+$0x10] =	vst v13;
	v9 =	vadd.f32 $1.000000000e+00, v20;
	v10 =	vpop (erf);
	(erf) = vrcp.f32 v6  }
0x57: {  	[tilespmem:s24+$0xB0] =	vst v11;
	v6 =	vmul.f32 $1.442695020e+00, v4;
	(erf) = vrcp.f32 v7;
	v4 =	vpop (erf)  }
0x58: {  	v8 =	vadd.f32 $1.000000000e+00, v61;
	[tilespmem:s24+$0xFFFFFF00] =	vst v5;
	v7 =	vadd.f32 $1.000000000e+00, v62;
	(erf) = vrcp.f32 v2;
	v2 =	vpop (erf)  }
0x59: {  	v1 =	vadd.f32 $1.000000000e+00, v57;
	v11 =	vadd.f32 $1.000000000e+00, v12;
	[tilespmem:s24+$0x60] =	vst v4;
	(erf) = vrcp.f32 v9;
	v13 =	vpop (erf)  }
0x5a: {  	v5 =	vadd.f32 $1.000000000e+00, v14;
	v4 =	vadd.f32 $1.000000000e+00, v15;
	[tilespmem:s24+$0xE0] =	vst v2;
	(erf) = vrcp.f32 v7;
	v9 =	vpop (erf)  }
0x5b: {  	s26 =	simm.s32 $0x0;
	s25 =	simm.s32 $0x300;
	v2 =	vadd.f32 $1.000000000e+00, v59;
	v7 =	vadd.f32 $1.000000000e+00, v23;
	[tilespmem:s24+$0xF0] =	vst v13;
	(erf) = vpow2.f32 v63;
	v12 =	vpop (erf)  }
.LBB2_2:
0x5c: {  	s26 =	sadd.s32 $0x4, s26;
	s24 =	sadd.s32 $0x200, s24;
	(erf) = vpow2.f32 v6;
	v6 =	vpop (erf)  }
0x5d: {  	p0 =	slt.u32 s26, $0x7C;
	[tilespmem:s25+$0xD0] =	vst v6;
	(erf) = vpow2.f32 v3;
	v3 =	vpop (erf)  }
0x5e: {  	[tilespmem:s25+$0xC0] =	vst v3;
	(erf) = vrcp.f32 v11;
	v3 =	vpop (erf)  }
0x5f: {  	v0 =	vadd.f32 $1.000000000e+00, v0;
	[tilespmem:s25+$0x70] =	vst v12;
	v6 =	vpop (erf);
	(erf) = vrcp.f32 v8  }
0x60: {  	v8 =	vld [tilespmem:s24+$0xFFFFFF00];
	[tilespmem:s25+$0xFFFFFFB0] =	vst v3;
	(erf) = vrcp.f32 v4;
	v3 =	vpop (erf)  }
0x61: {  	v10 =	vadd.f32 $1.000000000e+00, v10;
	v4 =	vld [tilespmem:s24+$0xF0];
	[tilespmem:s25+$0xFFFFFF90] =	vst v6;
	v6 =	vpop (erf);
	(erf) = vrcp.f32 v0  }
0x62: {  	v0 =	vld [tilespmem:s24+$0xE0];
	[tilespmem:s25+$0x30] =	vst v3;
	v3 =	vpop (erf);
	(erf) = vrcp.f32 v1  }
0x63: {  	v1 =	vld [tilespmem:s24+$0xD0];
	[tilespmem:s25+$0xFFFFFF80] =	vst v6;
	v6 =	vpop (erf);
	(erf) = vrcp.f32 v10  }
0x64: {  	v10 =	vld [tilespmem:s24+$0xC0];
	[tilespmem:s25+$0xFFFFFF40] =	vst v6;
	v6 =	vpop (erf);
	(erf) = vrcp.f32 v7  }
0x65: {  	v7 =	vsub.f32 $0.0e+00, v8;
	v8 =	vld [tilespmem:s24+$0xB0];
	v11 =	vadd.f32 $1.000000000e+00, v6;
	[tilespmem:s25+$0x50] =	vst v9;
	v9 =	vpop (erf);
	(erf) = vrcp.f32 v5  }
0x66: {  	v5 =	vld [tilespmem:s24+$0xA0];
	v4 =	vsub.f32 $0.0e+00, v4;
	v9 =	vadd.f32 $1.000000000e+00, v9;
	[tilespmem:s25+$0xFFFFFFE0] =	vst v3;
	v3 =	vpop (erf);
	(erf) = vrcp.f32 v2  }
0x67: {  	v2 =	vld [tilespmem:s24+$0x90];
	v0 =	vsub.f32 $0.0e+00, v0;
	v3 =	vadd.f32 $1.000000000e+00, v3;
	(erf) = vrcp.f32 v11;
	v6 =	vpop (erf)  }
0x68: {  	v7 =	vmul.f32 $1.442695020e+00, v7;
	v11 =	vld [tilespmem:s24+$0x80];
	v1 =	vsub.f32 $0.0e+00, v1;
	v13 =	vmul.f32 $1.442695020e+00, v4;
	[tilespmem:s25+$0xFFFFFF60] =	vst v6;
	v6 =	vpop (erf)  }
0x69: {  	v12 =	vld [tilespmem:s24+$0x70];
	v10 =	vsub.f32 $0.0e+00, v10;
	v14 =	vmul.f32 $1.442695020e+00, v0;
	[tilespmem:s25+$0xFFFFFFC0] =	vst v6;
	(erf) = vrcp.f32 v9;
	v6 =	vpop (erf)  }
0x6a: {  	v9 =	vld [tilespmem:s24+$0x60];
	v8 =	vsub.f32 $0.0e+00, v8;
	v1 =	vmul.f32 $1.442695020e+00, v1;
	(erf) = vpow2.f32 v7;
	[tilespmem:s25+$0x20] =	vst v6;
	v6 =	vpop (erf)  }
0x6b: {  	v7 =	vld [tilespmem:s24+$0x50];
	v5 =	vsub.f32 $0.0e+00, v5;
	v10 =	vmul.f32 $1.442695020e+00, v10;
	(erf) = vpow2.f32 v13;
	[tilespmem:s25+$0x40] =	vst v6;
	v4 =	vpop (erf)  }
0x6c: {  	v6 =	vld [tilespmem:s24+$0x40];
	v2 =	vsub.f32 $0.0e+00, v2;
	v8 =	vmul.f32 $1.442695020e+00, v8;
	(erf) = vpow2.f32 v14;
	[tilespmem:s25+$0xFFFFFFF0] =	vst v4;
	v0 =	vpop (erf)  }
0x6d: {  	v4 =	vld [tilespmem:s24+$0x30];
	v11 =	vsub.f32 $0.0e+00, v11;
	v13 =	vmul.f32 $1.442695020e+00, v5;
	(erf) = vpow2.f32 v1;
	[tilespmem:s25+$0xFFFFFF50] =	vst v0;
	v0 =	vpop (erf)  }
0x6e: {  	v1 =	vld [tilespmem:s24+$0x20];
	v5 =	vsub.f32 $0.0e+00, v12;
	v2 =	vmul.f32 $1.442695020e+00, v2;
	(erf) = vpow2.f32 v10;
	[tilespmem:s25+$0xFFFFFF70] =	vst v0;
	v0 =	vpop (erf)  }
0x6f: {  	v10 =	vld [tilespmem:s24+$0x10];
	v9 =	vsub.f32 $0.0e+00, v9;
	v11 =	vmul.f32 $1.442695020e+00, v11;
	[tilespmem:s25+$0xFFFFFFA0] =	vst v0;
	(erf) = vrcp.f32 v3;
	v0 =	vpop (erf)  }
0x70: {  	v3 =	vld [tilespmem:s24+$0x0];
	v7 =	vsub.f32 $0.0e+00, v7;
	v5 =	vmul.f32 $1.442695020e+00, v5;
	(erf) = vpow2.f32 v8;
	v8 =	vpop (erf)  }
0x71: {  	v12 =	vld [tilespmem:s24+$0xFFFFFFF0];
	v6 =	vsub.f32 $0.0e+00, v6;
	v9 =	vmul.f32 $1.442695020e+00, v9;
	(erf) = vpow2.f32 v2;
	[tilespmem:s25+$0xFFFFFF30] =	vst v8  }
0x72: {  	v8 =	vld [tilespmem:s24+$0xFFFFFFE0];
	v4 =	vsub.f32 $0.0e+00, v4;
	v14 =	vmul.f32 $1.442695020e+00, v7;
	(erf) = vpow2.f32 v11;
	[tilespmem:s25+$0xFFFFFFD0] =	vst v0;
	v0 =	vpop (erf)  }
0x73: {  	v11 =	vld [tilespmem:s24+$0xFFFFFFD0];
	v1 =	vsub.f32 $0.0e+00, v1;
	v6 =	vmul.f32 $1.442695020e+00, v6;
	v2 =	vpop (erf);
	(erf) = vpow2.f32 v5;
	[tilespmem:s25+$0xFFFFFF20] =	vst v0  }
0x74: {  	v0 =	vld [tilespmem:s24+$0xFFFFFFC0];
	v10 =	vsub.f32 $0.0e+00, v10;
	v4 =	vmul.f32 $1.442695020e+00, v4;
	(erf) = vpow2.f32 v9;
	v5 =	vpop (erf)  }
0x75: {  	v9 =	vld [tilespmem:s24+$0xFFFFFFB0];
	v3 =	vsub.f32 $0.0e+00, v3;
	v17 =	vmul.f32 $1.442695020e+00, v1;
	(erf) = vpow2.f32 v13;
	v7 =	vpop (erf)  }
0x76: {  	v13 =	vld [tilespmem:s24+$0xFFFFFFA0];
	v12 =	vsub.f32 $0.0e+00, v12;
	v18 =	vmul.f32 $1.442695020e+00, v10;
	(erf) = vpow2.f32 v14;
	v14 =	vpop (erf)  }
0x77: {  	v15 =	vld [tilespmem:s24+$0xFFFFFF90];
	v8 =	vsub.f32 $0.0e+00, v8;
	v19 =	vmul.f32 $1.442695020e+00, v3;
	(erf) = vpow2.f32 v6;
	v16 =	vpop (erf)  }
0x78: {  	v6 =	vld [tilespmem:s24+$0xFFFFFF80];
	v11 =	vsub.f32 $0.0e+00, v11;
	v12 =	vmul.f32 $1.442695020e+00, v12;
	(erf) = vpow2.f32 v17;
	v1 =	vpop (erf)  }
0x79: {  	v17 =	vld [tilespmem:s24+$0xFFFFFF70];
	v0 =	vsub.f32 $0.0e+00, v0;
	v8 =	vmul.f32 $1.442695020e+00, v8;
	(erf) = vpow2.f32 v18;
	v10 =	vpop (erf);
	[tilespmem:s25+$0xFFFFFF10] =	vst v1;
	s25 =	smov.u32 s24  }
0x7a: {  	v1 =	vld [tilespmem:s24+$0xFFFFFF60];
	v9 =	vsub.f32 $0.0e+00, v9;
	v11 =	vmul.f32 $1.442695020e+00, v11;
	(erf) = vpow2.f32 v19;
	v3 =	vpop (erf)  }
0x7b: {  	v18 =	vld [tilespmem:s24+$0xFFFFFF50];
	v13 =	vsub.f32 $0.0e+00, v13;
	v3 =	vadd.f32 $1.000000000e+00, v3;
	(erf) = vpow2.f32 v4;
	v4 =	vpop (erf)  }
0x7c: {  	v20 =	vmul.f32 $1.442695020e+00, v0;
	v19 =	vld [tilespmem:s24+$0xFFFFFF40];
	v15 =	vsub.f32 $0.0e+00, v15;
	(erf) = vpow2.f32 v8;
	v21 =	vpop (erf)  }
0x7d: {  	v8 =	vld [tilespmem:s24+$0xFFFFFF30];
	v25 =	vsub.f32 $0.0e+00, v6;
	v6 =	vmul.f32 $1.442695020e+00, v13;
	(erf) = vpow2.f32 v12;
	v12 =	vpop (erf)  }
0x7e: {  	v4 =	vadd.f32 $1.000000000e+00, v4;
	v13 =	vld [tilespmem:s24+$0xFFFFFF20];
	v17 =	vsub.f32 $0.0e+00, v17;
	v15 =	vmul.f32 $1.442695020e+00, v15;
	v22 =	vpop (erf)  }
0x7f: {  	v23 =	vld [tilespmem:s24+$0xFFFFFF10];
	v1 =	vsub.f32 $0.0e+00, v1;
	v24 =	vmul.f32 $1.442695020e+00, v25;
	(erf) = vpow2.f32 v11;
	v11 =	vpop (erf)  }
0x80: {  	v18 =	vsub.f32 $0.0e+00, v18;
	v17 =	vmul.f32 $1.442695020e+00, v17;
	v0 =	vpop (erf);
	(erf) = vrcp.f32 v3  }
0x81: {  	v26 =	vsub.f32 $0.0e+00, v19;
	v19 =	vmul.f32 $1.442695020e+00, v1;
	(erf) = vpow2.f32 v20;
	v20 =	vpop (erf)  }
0x82: {  	v1 =	vsub.f32 $0.0e+00, v8;
	v8 =	vmul.f32 $1.442695020e+00, v9;
	v9 =	vpop (erf);
	(erf) = vrcp.f32 v4  }
0x83: {  	v25 =	vmul.f32 $1.442695020e+00, v26;
	v9 =	vadd.f32 $1.000000000e+00, v9;
	(erf) = vpow2.f32 v6;
	v3 =	vpop (erf)  }
0x84: {  	v6 =	vsub.f32 $0.0e+00, v13;
	v4 =	vsub.f32 $0.0e+00, v23;
	(erf) = vpow2.f32 v15;
	v13 =	vpop (erf)  }
0x85: {  	v15 =	vmul.f32 $1.442695020e+00, v1;
	v23 =	vadd.f32 $1.000000000e+00, v3;
	(erf) = vpow2.f32 v24;
	v24 =	vpop (erf)  }
0x86: {  	v22 =	vadd.f32 $1.000000000e+00, v22;
	v3 =	vmul.f32 $1.442695020e+00, v4;
	(erf) = vpow2.f32 v8;
	v1 =	vpop (erf)  }
0x87: {  	v6 =	vmul.f32 $1.442695020e+00, v6;
	v1 =	vadd.f32 $1.000000000e+00, v1;
	(erf) = vrcp.f32 v23  }
0x88: {  	v18 =	vmul.f32 $1.442695020e+00, v18;
	v4 =	vadd.f32 $1.000000000e+00, v20;
	(erf) = vpow2.f32 v17;
	v17 =	vpop (erf)  }
0x89: {  	v11 =	vadd.f32 $1.000000000e+00, v11;
	v13 =	vadd.f32 $1.000000000e+00, v13;
	v8 =	vpop (erf);
	(erf) = vrcp.f32 v22  }
0x8a: {  	v10 =	vadd.f32 $1.000000000e+00, v10;
	v12 =	vadd.f32 $1.000000000e+00, v12;
	[tilespmem:s24+$0x90] =	vst v8;
	(erf) = vpow2.f32 v19;
	v8 =	vpop (erf)  }
0x8b: {  	v19 =	vadd.f32 $1.000000000e+00, v21;
	v8 =	vadd.f32 $1.000000000e+00, v8;
	(erf) = vrcp.f32 v9;
	v9 =	vpop (erf)  }
0x8c: {  	v20 =	vadd.f32 $1.000000000e+00, v2;
	[tilespmem:s24+$0x80] =	vst v9;
	v9 =	vadd.f32 $1.000000000e+00, v16;
	(erf) = vpow2.f32 v25;
	v16 =	vpop (erf)  }
0x8d: {  	v7 =	vadd.f32 $1.000000000e+00, v7;
	v14 =	vadd.f32 $1.000000000e+00, v14;
	v2 =	vpop (erf);
	(erf) = vrcp.f32 v10  }
0x8e: {  	v21 =	vadd.f32 $1.000000000e+00, v2;
	v2 =	vadd.f32 $1.000000000e+00, v17;
	(erf) = vrcp.f32 v20;
	v10 =	vpop (erf)  }
0x8f: {  	v17 =	vadd.f32 $1.000000000e+00, v10;
	v10 =	vadd.f32 $1.000000000e+00, v5;
	(erf) = vpow2.f32 v18;
	v18 =	vpop (erf)  }
0x90: {  	v5 =	vadd.f32 $1.000000000e+00, v16;
	v16 =	vadd.f32 $1.000000000e+00, v18;
	v18 =	vpop (erf);
	(erf) = vrcp.f32 v12  }
0x91: {  	v12 =	vadd.f32 $1.000000000e+00, v24;
	[tilespmem:s24+$0x0] =	vst v18;
	v18 =	vpop (erf);
	(erf) = vrcp.f32 v7  }
0x92: {  	v7 =	vadd.f32 $1.000000000e+00, v18;
	v18 =	vpop (erf);
	(erf) = vrcp.f32 v10  }
0x93: {  	[tilespmem:s24+$0xA0] =	vst v18;
	v10 =	vpop (erf);
	(erf) = vrcp.f32 v11  }
0x94: {  	v11 =	vadd.f32 $1.000000000e+00, v10;
	v10 =	vpop (erf);
	(erf) = vrcp.f32 v19  }
0x95: {  	[tilespmem:s24+$0x10] =	vst v10;
	v10 =	vpop (erf);
	(erf) = vrcp.f32 v14  }
0x96: {  	v14 =	vadd.f32 $1.000000000e+00, v10;
	v18 =	vpop (erf);
	(erf) = vrcp.f32 v9  }
0x97: {  	v9 =	vpop (erf);
	(erf) = vrcp.f32 v16  }
0x98: {  	[tilespmem:s24+$0xFFFFFF00] =	vst v9;
	v10 =	vpop (erf);
	(erf) = vrcp.f32 v21  }
.Ltmp0:
0x99: {  	(erf) = vrcp.f32 v13;
	v9 =	vpop (erf);
	(pc) =	sbr.rel @p0 .LBB2_2-.Ltmp0, $4  }
0x9a: {  	[tilespmem:s24+$0x60] =	vst v9;
	(erf) = vrcp.f32 v17;
	v9 =	vpop (erf)  }
0x9b: {  	[tilespmem:s24+$0xE0] =	vst v9;
	(erf) = vrcp.f32 v12;
	v12 =	vpop (erf)  }
0x9c: {  	[tilespmem:s24+$0xB0] =	vst v18;
	(erf) = vrcp.f32 v14;
	v9 =	vpop (erf)  }
0x9d: {  	[tilespmem:s24+$0xF0] =	vst v12;
	(erf) = vpow2.f32 v15;
	v12 =	vpop (erf)  }
0x9e: {  	(erf) = vpow2.f32 v6;
	v6 =	vpop (erf)  }
0x9f: {  	(erf) = vpow2.f32 v3;
	v3 =	vpop (erf)  }
0xa0: {  	v0 =	vadd.f32 $1.000000000e+00, v0;
	(erf) = vrcp.f32 v11;
	v11 =	vpop (erf)  }
0xa1: {  	[tilespmem:s25+$0xD0] =	vst v6;
	v6 =	vpop (erf)  }
0xa2: {  	[tilespmem:s25+$0xC0] =	vst v3;
	(erf) = vrcp.f32 v8;
	v3 =	vpop (erf)  }
0xa3: {  	(erf) = vrcp.f32 v4;
	v8 =	vpop (erf)  }
0xa4: {  	v4 =	vadd.f32 $1.000000000e+00, v10;
	(erf) = vrcp.f32 v0;
	v0 =	vpop (erf)  }
0xa5: {  	[tilespmem:s25+$0x70] =	vst v12;
	(erf) = vrcp.f32 v1;
	v1 =	vpop (erf)  }
0xa6: {  	[tilespmem:s25+$0x30] =	vst v3;
	(erf) = vrcp.f32 v4;
	v3 =	vpop (erf)  }
0xa7: {  	[tilespmem:s25+$0x50] =	vst v9;
	(erf) = vrcp.f32 v7;
	v3 =	vadd.f32 $1.000000000e+00, v3  }
0xa8: {  	[tilespmem:s25+$0xFFFFFFB0] =	vst v11;
	v4 =	vpop (erf);
	(erf) = vrcp.f32 v5  }
0xa9: {  	[tilespmem:s25+$0xFFFFFF90] =	vst v6;
	(erf) = vrcp.f32 v2;
	v2 =	vadd.f32 $1.000000000e+00, v4  }
0xaa: {  	[tilespmem:s25+$0xFFFFFF40] =	vst v1;
	v1 =	vpop (erf)  }
0xab: {  	[tilespmem:s25+$0xFFFFFF80] =	vst v8;
	(erf) = vrcp.f32 v3;
	v3 =	vpop (erf)  }
0xac: {  	[tilespmem:s25+$0xFFFFFFE0] =	vst v0;
	v0 =	vadd.f32 $1.000000000e+00, v1;
	v1 =	vpop (erf)  }
0xad: {  	[tilespmem:s25+$0xFFFFFF60] =	vst v3;
	(erf) = vrcp.f32 v2;
	v2 =	vpop (erf)  }
0xae: {  	[tilespmem:s25+$0xFFFFFFC0] =	vst v1;
	v1 =	vpop (erf);
	(erf) = vrcp.f32 v0  }
0xaf: {  	[tilespmem:s25+$0x20] =	vst v2  }
0xb0: {  	v0 =	vpop (erf);
	[tilespmem:s25+$0x40] =	vst v1  }
0xb1: {  	v1 =	vpop (erf);
	[tilespmem:s25+$0xFFFFFFF0] =	vst v0  }
0xb2: {  	v0 =	vpop (erf);
	[tilespmem:s25+$0xFFFFFF50] =	vst v1  }
0xb3: {  	v1 =	vpop (erf);
	[tilespmem:s25+$0xFFFFFF70] =	vst v0  }
0xb4: {  	v0 =	vpop (erf);
	[tilespmem:s25+$0xFFFFFFA0] =	vst v1  }
0xb5: {  	v1 =	vpop (erf);
	[tilespmem:s25+$0xFFFFFFD0] =	vst v0  }
0xb6: {  	[tilespmem:s25+$0xFFFFFF30] =	vst v1;
	v0 =	vpop (erf)  }
0xb7: {  	[tilespmem:s25+$0xFFFFFF20] =	vst v0;
	v0 =	vpop (erf)  }
0xb8: {  	[tilespmem:s25+$0xFFFFFF10] =	vst v0  }
0xb9: {  	[hbm4b:s5+s3] =	stream.linear.scatter [tilespmem:s12], [sflag:$0x5], $0x4000, $0x38;
	[tilespmem:$0x10200] =	vst v63  }
0xba: {  	_ =	swait.ge [sflag:s19], $0x4000  }
0xbb: {  	[sflag:s19] =	ssyncset.done $0x0  }
0xbc: {  	s24 =	simm.s32 $0x4200;
	[sflag:s19] =	ssyncadd.s32 $0xFFFFC000  }
0xbd: {  	v0 =	vld [tilespmem:s24+$0x0]  }
0xbe: {  	v1 =	vld [tilespmem:s24+$0x1F0]  }
0xbf: {  	v2 =	vld [tilespmem:s24+$0x1E0]  }
0xc0: {  	v3 =	vld [tilespmem:s24+$0x1D0]  }
0xc1: {  	v4 =	vld [tilespmem:s24+$0x1C0]  }
0xc2: {  	v5 =	vld [tilespmem:s24+$0x1B0]  }
0xc3: {  	v6 =	vld [tilespmem:s24+$0x190];
	v0 =	vsub.f32 $0.0e+00, v0  }
0xc4: {  	v7 =	vld [tilespmem:s24+$0x180];
	v1 =	vsub.f32 $0.0e+00, v1;
	v2 =	vsub.f32 $0.0e+00, v2  }
0xc5: {  	v8 =	vld [tilespmem:s24+$0x170];
	v3 =	vsub.f32 $0.0e+00, v3;
	v0 =	vmul.f32 $1.442695020e+00, v0  }
0xc6: {  	v9 =	vld [tilespmem:s24+$0x160];
	v4 =	vsub.f32 $0.0e+00, v4;
	v1 =	vmul.f32 $1.442695020e+00, v1;
	v2 =	vmul.f32 $1.442695020e+00, v2  }
0xc7: {  	v5 =	vsub.f32 $0.0e+00, v5;
	v3 =	vmul.f32 $1.442695020e+00, v3;
	(erf) = vpow2.f32 v0;
	v0 =	vld [tilespmem:s24+$0x1A0]  }
0xc8: {  	v6 =	vsub.f32 $0.0e+00, v6;
	v4 =	vmul.f32 $1.442695020e+00, v4;
	(erf) = vpow2.f32 v1;
	v1 =	vld [tilespmem:s24+$0x150]  }
0xc9: {  	v7 =	vsub.f32 $0.0e+00, v7;
	v5 =	vmul.f32 $1.442695020e+00, v5;
	(erf) = vpow2.f32 v2;
	v2 =	vld [tilespmem:s24+$0x140]  }
0xca: {  	v8 =	vsub.f32 $0.0e+00, v8;
	v6 =	vmul.f32 $1.442695020e+00, v6;
	(erf) = vpow2.f32 v3;
	v3 =	vld [tilespmem:s24+$0x120]  }
0xcb: {  	v9 =	vsub.f32 $0.0e+00, v9;
	v7 =	vmul.f32 $1.442695020e+00, v7;
	(erf) = vpow2.f32 v4;
	v4 =	vld [tilespmem:s24+$0x110]  }
0xcc: {  	v8 =	vmul.f32 $1.442695020e+00, v8;
	(erf) = vpow2.f32 v5;
	v0 =	vsub.f32 $0.0e+00, v0;
	v5 =	vld [tilespmem:s24+$0x100]  }
0xcd: {  	v9 =	vmul.f32 $1.442695020e+00, v9;
	(erf) = vpow2.f32 v6;
	v6 =	vld [tilespmem:s24+$0x130];
	v1 =	vsub.f32 $0.0e+00, v1  }
0xce: {  	(erf) = vpow2.f32 v7;
	v0 =	vmul.f32 $1.442695020e+00, v0;
	v2 =	vsub.f32 $0.0e+00, v2;
	v7 =	vld [tilespmem:s24+$0xE0]  }
0xcf: {  	(erf) = vpow2.f32 v8;
	v8 =	vld [tilespmem:s24+$0xF0];
	v1 =	vmul.f32 $1.442695020e+00, v1;
	v3 =	vsub.f32 $0.0e+00, v3  }
0xd0: {  	(erf) = vpow2.f32 v9;
	v2 =	vmul.f32 $1.442695020e+00, v2;
	v4 =	vsub.f32 $0.0e+00, v4  }
0xd1: {  	v10 =	vpop (erf);
	(erf) = vpow2.f32 v0;
	v0 =	vsub.f32 $0.0e+00, v5;
	v3 =	vmul.f32 $1.442695020e+00, v3  }
0xd2: {  	v9 =	vld [tilespmem:s24+$0xD0];
	v11 =	vpop (erf);
	(erf) = vpow2.f32 v1;
	v1 =	vsub.f32 $0.0e+00, v6;
	v4 =	vmul.f32 $1.442695020e+00, v4  }
0xd3: {  	v5 =	vpop (erf);
	v6 =	vld [tilespmem:s24+$0xC0];
	(erf) = vpow2.f32 v2;
	v2 =	vsub.f32 $0.0e+00, v7;
	v0 =	vmul.f32 $1.442695020e+00, v0  }
0xd4: {  	v12 =	vpop (erf);
	v1 =	vmul.f32 $1.442695020e+00, v1;
	v8 =	vsub.f32 $0.0e+00, v8  }
0xd5: {  	v7 =	vpop (erf);
	(erf) = vpow2.f32 v3;
	v3 =	vld [tilespmem:s24+$0xA0];
	v2 =	vmul.f32 $1.442695020e+00, v2  }
0xd6: {  	v13 =	vld [tilespmem:s24+$0x90];
	(erf) = vpow2.f32 v4;
	v4 =	vpop (erf);
	v8 =	vmul.f32 $1.442695020e+00, v8  }
0xd7: {  	v9 =	vsub.f32 $0.0e+00, v9;
	(erf) = vpow2.f32 v0;
	v0 =	vpop (erf)  }
0xd8: {  	v14 =	vld [tilespmem:s24+$0x80];
	(erf) = vpow2.f32 v1;
	v6 =	vsub.f32 $0.0e+00, v6;
	v1 =	vpop (erf)  }
0xd9: {  	v15 =	vld [tilespmem:s24+$0xB0];
	v9 =	vmul.f32 $1.442695020e+00, v9;
	(erf) = vpow2.f32 v2;
	v0 =	vadd.f32 $1.000000000e+00, v0;
	v2 =	vpop (erf)  }
0xda: {  	(erf) = vpow2.f32 v8;
	v3 =	vsub.f32 $0.0e+00, v3;
	v8 =	vpop (erf)  }
0xdb: {  	v16 =	vld [tilespmem:s24+$0x70];
	v6 =	vmul.f32 $1.442695020e+00, v6;
	v17 =	vpop (erf);
	(erf) = vpow2.f32 v9;
	v9 =	vsub.f32 $0.0e+00, v13  }
0xdc: {  	v18 =	vld [tilespmem:s24+$0x60];
	v1 =	vadd.f32 $1.000000000e+00, v1;
	v3 =	vmul.f32 $1.442695020e+00, v3;
	v13 =	vpop (erf);
	(erf) = vrcp.f32 v0  }
0xdd: {  	v14 =	vsub.f32 $0.0e+00, v14;
	v0 =	vpop (erf);
	(erf) = vpow2.f32 v6;
	v9 =	vmul.f32 $1.442695020e+00, v9  }
0xde: {  	v6 =	vsub.f32 $0.0e+00, v15;
	v15 =	vpop (erf);
	(erf) = vrcp.f32 v1  }
0xdf: {  	v14 =	vmul.f32 $1.442695020e+00, v14;
	v1 =	vld [tilespmem:s24+$0x40];
	v19 =	vpop (erf);
	(erf) = vpow2.f32 v3  }
0xe0: {  	v3 =	vsub.f32 $0.0e+00, v16;
	v6 =	vmul.f32 $1.442695020e+00, v6;
	v56 =	vpop (erf);
	(erf) = vpow2.f32 v9  }
0xe1: {  	v18 =	vsub.f32 $0.0e+00, v18;
	v9 =	vpop (erf);
	v16 =	vadd.f32 $1.000000000e+00, v56;
	(erf) = vpow2.f32 v14;
	v14 =	vld [tilespmem:s24+$0x50]  }
0xe2: {  	v3 =	vmul.f32 $1.442695020e+00, v3;
	v20 =	vpop (erf);
	(erf) = vpow2.f32 v6  }
0xe3: {  	v58 =	vmul.f32 $1.442695020e+00, v18;
	v6 =	vadd.f32 $1.000000000e+00, v17;
	v57 =	vpop (erf);
	(erf) = vrcp.f32 v16  }
0xe4: {  	v1 =	vsub.f32 $0.0e+00, v1;
	(erf) = vpow2.f32 v3;
	v3 =	vadd.f32 $1.000000000e+00, v19  }
0xe5: {  	v59 =	vpop (erf);
	(erf) = vrcp.f32 v6  }
0xe6: {  	v60 =	vpop (erf);
	v1 =	vmul.f32 $1.442695020e+00, v1;
	(erf) = vpow2.f32 v58;
	v6 =	vsub.f32 $0.0e+00, v14  }
0xe7: {  	v61 =	vpop (erf);
	(erf) = vrcp.f32 v3  }
0xe8: {  	v4 =	vadd.f32 $1.000000000e+00, v4;
	v3 =	vpop (erf);
	(erf) = vpow2.f32 v1;
	v1 =	vmul.f32 $1.442695020e+00, v6  }
0xe9: {  	v10 =	vadd.f32 $1.000000000e+00, v10;
	v14 =	vpop (erf)  }
0xea: {  	(erf) = vrcp.f32 v4;
	v6 =	vpop (erf)  }
0xeb: {  	v21 =	vld [tilespmem:s24+$0x10];
	v5 =	vadd.f32 $1.000000000e+00, v5;
	v4 =	vadd.f32 $1.000000000e+00, v8;
	(erf) = vrcp.f32 v10;
	v8 =	vpop (erf)  }
0xec: {  	v10 =	vld [tilespmem:s24+$0x30];
	(erf) = vpow2.f32 v1;
	v1 =	vpop (erf)  }
0xed: {  	v11 =	vadd.f32 $1.000000000e+00, v11;
	v13 =	vadd.f32 $1.000000000e+00, v13;
	v22 =	vpop (erf);
	(erf) = vrcp.f32 v4;
	v4 =	vld [tilespmem:s24+$0x20]  }
0xee: {  	v23 =	vpop (erf);
	(erf) = vrcp.f32 v5  }
0xef: {  	v2 =	vadd.f32 $1.000000000e+00, v2;
	v5 =	vpop (erf);
	(erf) = vrcp.f32 v11;
	v11 =	vadd.f32 $1.000000000e+00, v12  }
0xf0: {  	v7 =	vadd.f32 $1.000000000e+00, v7;
	v6 =	vadd.f32 $1.000000000e+00, v6;
	v12 =	vpop (erf);
	(erf) = vrcp.f32 v13  }
0xf1: {  	[tilespmem:s24+$0x190] =	vst v60;
	v10 =	vsub.f32 $0.0e+00, v10;
	v13 =	vpop (erf);
	(erf) = vrcp.f32 v2;
	v2 =	vsub.f32 $0.0e+00, v21  }
0xf2: {  	[tilespmem:s24+$0x180] =	vst v3;
	v1 =	vadd.f32 $1.000000000e+00, v1;
	v62 =	vpop (erf);
	(erf) = vrcp.f32 v11;
	v4 =	vsub.f32 $0.0e+00, v4  }
0xf3: {  	[tilespmem:s24+$0x100] =	vst v22;
	v11 =	vpop (erf);
	(erf) = vrcp.f32 v7;
	v3 =	vmul.f32 $1.442695020e+00, v2;
	v2 =	vadd.f32 $1.000000000e+00, v8  }
0xf4: {  	[tilespmem:s24+$0x1A0] =	vst v5;
	v7 =	vadd.f32 $1.000000000e+00, v9;
	v5 =	vpop (erf);
	(erf) = vrcp.f32 v1  }
0xf5: {  	v63 =	vmul.f32 $1.442695020e+00, v10;
	[tilespmem:s24+$0x110] =	vst v13;
	v9 =	vadd.f32 $1.000000000e+00, v20;
	v10 =	vpop (erf);
	(erf) = vrcp.f32 v6  }
0xf6: {  	[tilespmem:s24+$0x1B0] =	vst v11;
	v6 =	vmul.f32 $1.442695020e+00, v4;
	(erf) = vrcp.f32 v7;
	v4 =	vpop (erf)  }
0xf7: {  	v8 =	vadd.f32 $1.000000000e+00, v61;
	[tilespmem:s24+$0x0] =	vst v5;
	v7 =	vadd.f32 $1.000000000e+00, v62;
	(erf) = vrcp.f32 v2;
	v2 =	vpop (erf)  }
0xf8: {  	v1 =	vadd.f32 $1.000000000e+00, v57;
	v11 =	vadd.f32 $1.000000000e+00, v12;
	[tilespmem:s24+$0x160] =	vst v4;
	(erf) = vrcp.f32 v9;
	v13 =	vpop (erf)  }
0xf9: {  	v5 =	vadd.f32 $1.000000000e+00, v14;
	v4 =	vadd.f32 $1.000000000e+00, v15;
	[tilespmem:s24+$0x1E0] =	vst v2;
	(erf) = vrcp.f32 v7;
	v9 =	vpop (erf)  }
0xfa: {  	s26 =	simm.s32 $0x0;
	s25 =	simm.s32 $0x4200;
	v2 =	vadd.f32 $1.000000000e+00, v59;
	v7 =	vadd.f32 $1.000000000e+00, v23;
	[tilespmem:s24+$0x1F0] =	vst v13;
	(erf) = vpow2.f32 v63;
	v12 =	vpop (erf)  }
.LBB2_4:
0xfb: {  	s26 =	sadd.s32 $0x4, s26;
	s24 =	sadd.s32 $0x200, s24;
	(erf) = vpow2.f32 v6;
	v6 =	vpop (erf)  }
0xfc: {  	p0 =	slt.u32 s26, $0x7C;
	[tilespmem:s25+$0x1D0] =	vst v6;
	(erf) = vpow2.f32 v3;
	v3 =	vpop (erf)  }
0xfd: {  	[tilespmem:s25+$0x1C0] =	vst v3;
	(erf) = vrcp.f32 v11;
	v3 =	vpop (erf)  }
0xfe: {  	v0 =	vadd.f32 $1.000000000e+00, v0;
	[tilespmem:s25+$0x170] =	vst v12;
	v6 =	vpop (erf);
	(erf) = vrcp.f32 v8  }
0xff: {  	v8 =	vld [tilespmem:s24+$0x0];
	[tilespmem:s25+$0xB0] =	vst v3;
	(erf) = vrcp.f32 v4;
	v3 =	vpop (erf)  }
0x100: {  	v10 =	vadd.f32 $1.000000000e+00, v10;
	v4 =	vld [tilespmem:s24+$0x1F0];
	[tilespmem:s25+$0x90] =	vst v6;
	v6 =	vpop (erf);
	(erf) = vrcp.f32 v0  }
0x101: {  	v0 =	vld [tilespmem:s24+$0x1E0];
	[tilespmem:s25+$0x130] =	vst v3;
	v3 =	vpop (erf);
	(erf) = vrcp.f32 v1  }
0x102: {  	v1 =	vld [tilespmem:s24+$0x1D0];
	[tilespmem:s25+$0x80] =	vst v6;
	v6 =	vpop (erf);
	(erf) = vrcp.f32 v10  }
0x103: {  	v10 =	vld [tilespmem:s24+$0x1C0];
	[tilespmem:s25+$0x40] =	vst v6;
	v6 =	vpop (erf);
	(erf) = vrcp.f32 v7  }
0x104: {  	v7 =	vsub.f32 $0.0e+00, v8;
	v8 =	vld [tilespmem:s24+$0x1B0];
	v11 =	vadd.f32 $1.000000000e+00, v6;
	[tilespmem:s25+$0x150] =	vst v9;
	v9 =	vpop (erf);
	(erf) = vrcp.f32 v5  }
0x105: {  	v5 =	vld [tilespmem:s24+$0x1A0];
	v4 =	vsub.f32 $0.0e+00, v4;
	v9 =	vadd.f32 $1.000000000e+00, v9;
	[tilespmem:s25+$0xE0] =	vst v3;
	v3 =	vpop (erf);
	(erf) = vrcp.f32 v2  }
0x106: {  	v2 =	vld [tilespmem:s24+$0x190];
	v0 =	vsub.f32 $0.0e+00, v0;
	v3 =	vadd.f32 $1.000000000e+00, v3;
	(erf) = vrcp.f32 v11;
	v6 =	vpop (erf)  }
0x107: {  	v7 =	vmul.f32 $1.442695020e+00, v7;
	v11 =	vld [tilespmem:s24+$0x180];
	v1 =	vsub.f32 $0.0e+00, v1;
	v13 =	vmul.f32 $1.442695020e+00, v4;
	[tilespmem:s25+$0x60] =	vst v6;
	v6 =	vpop (erf)  }
0x108: {  	v12 =	vld [tilespmem:s24+$0x170];
	v10 =	vsub.f32 $0.0e+00, v10;
	v14 =	vmul.f32 $1.442695020e+00, v0;
	[tilespmem:s25+$0xC0] =	vst v6;
	(erf) = vrcp.f32 v9;
	v6 =	vpop (erf)  }
0x109: {  	v9 =	vld [tilespmem:s24+$0x160];
	v8 =	vsub.f32 $0.0e+00, v8;
	v1 =	vmul.f32 $1.442695020e+00, v1;
	(erf) = vpow2.f32 v7;
	[tilespmem:s25+$0x120] =	vst v6;
	v6 =	vpop (erf)  }
0x10a: {  	v7 =	vld [tilespmem:s24+$0x150];
	v5 =	vsub.f32 $0.0e+00, v5;
	v10 =	vmul.f32 $1.442695020e+00, v10;
	(erf) = vpow2.f32 v13;
	[tilespmem:s25+$0x140] =	vst v6;
	v4 =	vpop (erf)  }
0x10b: {  	v6 =	vld [tilespmem:s24+$0x140];
	v2 =	vsub.f32 $0.0e+00, v2;
	v8 =	vmul.f32 $1.442695020e+00, v8;
	(erf) = vpow2.f32 v14;
	[tilespmem:s25+$0xF0] =	vst v4;
	v0 =	vpop (erf)  }
0x10c: {  	v4 =	vld [tilespmem:s24+$0x130];
	v11 =	vsub.f32 $0.0e+00, v11;
	v13 =	vmul.f32 $1.442695020e+00, v5;
	(erf) = vpow2.f32 v1;
	[tilespmem:s25+$0x50] =	vst v0;
	v0 =	vpop (erf)  }
0x10d: {  	v1 =	vld [tilespmem:s24+$0x120];
	v5 =	vsub.f32 $0.0e+00, v12;
	v2 =	vmul.f32 $1.442695020e+00, v2;
	(erf) = vpow2.f32 v10;
	[tilespmem:s25+$0x70] =	vst v0;
	v0 =	vpop (erf)  }
0x10e: {  	v10 =	vld [tilespmem:s24+$0x110];
	v9 =	vsub.f32 $0.0e+00, v9;
	v11 =	vmul.f32 $1.442695020e+00, v11;
	[tilespmem:s25+$0xA0] =	vst v0;
	(erf) = vrcp.f32 v3;
	v0 =	vpop (erf)  }
0x10f: {  	v3 =	vld [tilespmem:s24+$0x100];
	v7 =	vsub.f32 $0.0e+00, v7;
	v5 =	vmul.f32 $1.442695020e+00, v5;
	(erf) = vpow2.f32 v8;
	v8 =	vpop (erf)  }
0x110: {  	v12 =	vld [tilespmem:s24+$0xF0];
	v6 =	vsub.f32 $0.0e+00, v6;
	v9 =	vmul.f32 $1.442695020e+00, v9;
	(erf) = vpow2.f32 v2;
	[tilespmem:s25+$0x30] =	vst v8  }
0x111: {  	v8 =	vld [tilespmem:s24+$0xE0];
	v4 =	vsub.f32 $0.0e+00, v4;
	v14 =	vmul.f32 $1.442695020e+00, v7;
	(erf) = vpow2.f32 v11;
	[tilespmem:s25+$0xD0] =	vst v0;
	v0 =	vpop (erf)  }
0x112: {  	v11 =	vld [tilespmem:s24+$0xD0];
	v1 =	vsub.f32 $0.0e+00, v1;
	v6 =	vmul.f32 $1.442695020e+00, v6;
	v2 =	vpop (erf);
	(erf) = vpow2.f32 v5;
	[tilespmem:s25+$0x20] =	vst v0  }
0x113: {  	v0 =	vld [tilespmem:s24+$0xC0];
	v10 =	vsub.f32 $0.0e+00, v10;
	v4 =	vmul.f32 $1.442695020e+00, v4;
	(erf) = vpow2.f32 v9;
	v5 =	vpop (erf)  }
0x114: {  	v9 =	vld [tilespmem:s24+$0xB0];
	v3 =	vsub.f32 $0.0e+00, v3;
	v17 =	vmul.f32 $1.442695020e+00, v1;
	(erf) = vpow2.f32 v13;
	v7 =	vpop (erf)  }
0x115: {  	v13 =	vld [tilespmem:s24+$0xA0];
	v12 =	vsub.f32 $0.0e+00, v12;
	v18 =	vmul.f32 $1.442695020e+00, v10;
	(erf) = vpow2.f32 v14;
	v14 =	vpop (erf)  }
0x116: {  	v15 =	vld [tilespmem:s24+$0x90];
	v8 =	vsub.f32 $0.0e+00, v8;
	v19 =	vmul.f32 $1.442695020e+00, v3;
	(erf) = vpow2.f32 v6;
	v16 =	vpop (erf)  }
0x117: {  	v6 =	vld [tilespmem:s24+$0x80];
	v11 =	vsub.f32 $0.0e+00, v11;
	v12 =	vmul.f32 $1.442695020e+00, v12;
	(erf) = vpow2.f32 v17;
	v1 =	vpop (erf)  }
0x118: {  	v17 =	vld [tilespmem:s24+$0x70];
	v0 =	vsub.f32 $0.0e+00, v0;
	v8 =	vmul.f32 $1.442695020e+00, v8;
	(erf) = vpow2.f32 v18;
	v10 =	vpop (erf);
	[tilespmem:s25+$0x10] =	vst v1;
	s25 =	smov.u32 s24  }
0x119: {  	v1 =	vld [tilespmem:s24+$0x60];
	v9 =	vsub.f32 $0.0e+00, v9;
	v11 =	vmul.f32 $1.442695020e+00, v11;
	(erf) = vpow2.f32 v19;
	v3 =	vpop (erf)  }
0x11a: {  	v18 =	vld [tilespmem:s24+$0x50];
	v13 =	vsub.f32 $0.0e+00, v13;
	v3 =	vadd.f32 $1.000000000e+00, v3;
	(erf) = vpow2.f32 v4;
	v4 =	vpop (erf)  }
0x11b: {  	v20 =	vmul.f32 $1.442695020e+00, v0;
	v19 =	vld [tilespmem:s24+$0x40];
	v15 =	vsub.f32 $0.0e+00, v15;
	(erf) = vpow2.f32 v8;
	v21 =	vpop (erf)  }
0x11c: {  	v8 =	vld [tilespmem:s24+$0x30];
	v25 =	vsub.f32 $0.0e+00, v6;
	v6 =	vmul.f32 $1.442695020e+00, v13;
	(erf) = vpow2.f32 v12;
	v12 =	vpop (erf)  }
0x11d: {  	v4 =	vadd.f32 $1.000000000e+00, v4;
	v13 =	vld [tilespmem:s24+$0x20];
	v17 =	vsub.f32 $0.0e+00, v17;
	v15 =	vmul.f32 $1.442695020e+00, v15;
	v22 =	vpop (erf)  }
0x11e: {  	v23 =	vld [tilespmem:s24+$0x10];
	v1 =	vsub.f32 $0.0e+00, v1;
	v24 =	vmul.f32 $1.442695020e+00, v25;
	(erf) = vpow2.f32 v11;
	v11 =	vpop (erf)  }
0x11f: {  	v18 =	vsub.f32 $0.0e+00, v18;
	v17 =	vmul.f32 $1.442695020e+00, v17;
	v0 =	vpop (erf);
	(erf) = vrcp.f32 v3  }
0x120: {  	v26 =	vsub.f32 $0.0e+00, v19;
	v19 =	vmul.f32 $1.442695020e+00, v1;
	(erf) = vpow2.f32 v20;
	v20 =	vpop (erf)  }
0x121: {  	v1 =	vsub.f32 $0.0e+00, v8;
	v8 =	vmul.f32 $1.442695020e+00, v9;
	v9 =	vpop (erf);
	(erf) = vrcp.f32 v4  }
0x122: {  	v25 =	vmul.f32 $1.442695020e+00, v26;
	v9 =	vadd.f32 $1.000000000e+00, v9;
	(erf) = vpow2.f32 v6;
	v3 =	vpop (erf)  }
0x123: {  	v6 =	vsub.f32 $0.0e+00, v13;
	v4 =	vsub.f32 $0.0e+00, v23;
	(erf) = vpow2.f32 v15;
	v13 =	vpop (erf)  }
0x124: {  	v15 =	vmul.f32 $1.442695020e+00, v1;
	v23 =	vadd.f32 $1.000000000e+00, v3;
	(erf) = vpow2.f32 v24;
	v24 =	vpop (erf)  }
0x125: {  	v22 =	vadd.f32 $1.000000000e+00, v22;
	v3 =	vmul.f32 $1.442695020e+00, v4;
	(erf) = vpow2.f32 v8;
	v1 =	vpop (erf)  }
0x126: {  	v6 =	vmul.f32 $1.442695020e+00, v6;
	v1 =	vadd.f32 $1.000000000e+00, v1;
	(erf) = vrcp.f32 v23  }
0x127: {  	v18 =	vmul.f32 $1.442695020e+00, v18;
	v4 =	vadd.f32 $1.000000000e+00, v20;
	(erf) = vpow2.f32 v17;
	v17 =	vpop (erf)  }
0x128: {  	v11 =	vadd.f32 $1.000000000e+00, v11;
	v13 =	vadd.f32 $1.000000000e+00, v13;
	v8 =	vpop (erf);
	(erf) = vrcp.f32 v22  }
0x129: {  	v10 =	vadd.f32 $1.000000000e+00, v10;
	v12 =	vadd.f32 $1.000000000e+00, v12;
	[tilespmem:s24+$0x190] =	vst v8;
	(erf) = vpow2.f32 v19;
	v8 =	vpop (erf)  }
0x12a: {  	v19 =	vadd.f32 $1.000000000e+00, v21;
	v8 =	vadd.f32 $1.000000000e+00, v8;
	(erf) = vrcp.f32 v9;
	v9 =	vpop (erf)  }
0x12b: {  	v20 =	vadd.f32 $1.000000000e+00, v2;
	[tilespmem:s24+$0x180] =	vst v9;
	v9 =	vadd.f32 $1.000000000e+00, v16;
	(erf) = vpow2.f32 v25;
	v16 =	vpop (erf)  }
0x12c: {  	v7 =	vadd.f32 $1.000000000e+00, v7;
	v14 =	vadd.f32 $1.000000000e+00, v14;
	v2 =	vpop (erf);
	(erf) = vrcp.f32 v10  }
0x12d: {  	v21 =	vadd.f32 $1.000000000e+00, v2;
	v2 =	vadd.f32 $1.000000000e+00, v17;
	(erf) = vrcp.f32 v20;
	v10 =	vpop (erf)  }
0x12e: {  	v17 =	vadd.f32 $1.000000000e+00, v10;
	v10 =	vadd.f32 $1.000000000e+00, v5;
	(erf) = vpow2.f32 v18;
	v18 =	vpop (erf)  }
0x12f: {  	v5 =	vadd.f32 $1.000000000e+00, v16;
	v16 =	vadd.f32 $1.000000000e+00, v18;
	v18 =	vpop (erf);
	(erf) = vrcp.f32 v12  }
0x130: {  	v12 =	vadd.f32 $1.000000000e+00, v24;
	[tilespmem:s24+$0x100] =	vst v18;
	v18 =	vpop (erf);
	(erf) = vrcp.f32 v7  }
0x131: {  	v7 =	vadd.f32 $1.000000000e+00, v18;
	v18 =	vpop (erf);
	(erf) = vrcp.f32 v10  }
0x132: {  	[tilespmem:s24+$0x1A0] =	vst v18;
	v10 =	vpop (erf);
	(erf) = vrcp.f32 v11  }
0x133: {  	v11 =	vadd.f32 $1.000000000e+00, v10;
	v10 =	vpop (erf);
	(erf) = vrcp.f32 v19  }
0x134: {  	[tilespmem:s24+$0x110] =	vst v10;
	v10 =	vpop (erf);
	(erf) = vrcp.f32 v14  }
0x135: {  	v14 =	vadd.f32 $1.000000000e+00, v10;
	v18 =	vpop (erf);
	(erf) = vrcp.f32 v9  }
0x136: {  	v9 =	vpop (erf);
	(erf) = vrcp.f32 v16  }
0x137: {  	[tilespmem:s24+$0x0] =	vst v9;
	v10 =	vpop (erf);
	(erf) = vrcp.f32 v21  }
.Ltmp1:
0x138: {  	(erf) = vrcp.f32 v13;
	v9 =	vpop (erf);
	(pc) =	sbr.rel @p0 .LBB2_4-.Ltmp1, $4  }
0x139: {  	[tilespmem:s24+$0x160] =	vst v9;
	(erf) = vrcp.f32 v17;
	v9 =	vpop (erf)  }
0x13a: {  	[tilespmem:s24+$0x1E0] =	vst v9;
	(erf) = vrcp.f32 v12;
	v12 =	vpop (erf)  }
0x13b: {  	[tilespmem:s24+$0x1B0] =	vst v18;
	(erf) = vrcp.f32 v14;
	v9 =	vpop (erf)  }
0x13c: {  	[tilespmem:s24+$0x1F0] =	vst v12;
	(erf) = vpow2.f32 v15;
	v12 =	vpop (erf)  }
0x13d: {  	(erf) = vpow2.f32 v6;
	v6 =	vpop (erf)  }
0x13e: {  	(erf) = vpow2.f32 v3;
	v3 =	vpop (erf)  }
0x13f: {  	v0 =	vadd.f32 $1.000000000e+00, v0;
	(erf) = vrcp.f32 v11;
	v11 =	vpop (erf)  }
0x140: {  	[tilespmem:s25+$0x1D0] =	vst v6;
	v6 =	vpop (erf)  }
0x141: {  	[tilespmem:s25+$0x1C0] =	vst v3;
	(erf) = vrcp.f32 v8;
	v3 =	vpop (erf)  }
0x142: {  	(erf) = vrcp.f32 v4;
	v8 =	vpop (erf)  }
0x143: {  	v4 =	vadd.f32 $1.000000000e+00, v10;
	(erf) = vrcp.f32 v0;
	v0 =	vpop (erf)  }
0x144: {  	[tilespmem:s25+$0x170] =	vst v12;
	(erf) = vrcp.f32 v1;
	v1 =	vpop (erf)  }
0x145: {  	[tilespmem:s25+$0x130] =	vst v3;
	(erf) = vrcp.f32 v4;
	v3 =	vpop (erf)  }
0x146: {  	[tilespmem:s25+$0x150] =	vst v9;
	(erf) = vrcp.f32 v7;
	v3 =	vadd.f32 $1.000000000e+00, v3  }
0x147: {  	[tilespmem:s25+$0xB0] =	vst v11;
	v4 =	vpop (erf);
	(erf) = vrcp.f32 v5  }
0x148: {  	[tilespmem:s25+$0x90] =	vst v6;
	(erf) = vrcp.f32 v2;
	v2 =	vadd.f32 $1.000000000e+00, v4  }
0x149: {  	[tilespmem:s25+$0x40] =	vst v1;
	v1 =	vpop (erf)  }
0x14a: {  	[tilespmem:s25+$0x80] =	vst v8;
	(erf) = vrcp.f32 v3;
	v3 =	vpop (erf)  }
0x14b: {  	[tilespmem:s25+$0xE0] =	vst v0;
	v0 =	vadd.f32 $1.000000000e+00, v1;
	v1 =	vpop (erf)  }
0x14c: {  	[tilespmem:s25+$0x60] =	vst v3;
	(erf) = vrcp.f32 v2;
	v2 =	vpop (erf)  }
0x14d: {  	[tilespmem:s25+$0xC0] =	vst v1;
	v1 =	vpop (erf);
	(erf) = vrcp.f32 v0  }
0x14e: {  	[tilespmem:s25+$0x120] =	vst v2  }
0x14f: {  	v0 =	vpop (erf);
	[tilespmem:s25+$0x140] =	vst v1  }
0x150: {  	v1 =	vpop (erf);
	[tilespmem:s25+$0xF0] =	vst v0  }
0x151: {  	v0 =	vpop (erf);
	[tilespmem:s25+$0x50] =	vst v1  }
0x152: {  	v1 =	vpop (erf);
	[tilespmem:s25+$0x70] =	vst v0  }
0x153: {  	v0 =	vpop (erf);
	[tilespmem:s25+$0xA0] =	vst v1  }
0x154: {  	v1 =	vpop (erf);
	[tilespmem:s25+$0xD0] =	vst v0  }
0x155: {  	[tilespmem:s25+$0x30] =	vst v1;
	v0 =	vpop (erf)  }
0x156: {  	[tilespmem:s25+$0x20] =	vst v0;
	v0 =	vpop (erf)  }
0x157: {  	[tilespmem:s25+$0x10] =	vst v0  }
0x158: {  	[hbm4b:s6+s3] =	stream.linear.scatter [tilespmem:s13], [sflag:$0x5], $0x4000, $0x38;
	[tilespmem:$0x10200] =	vst v63  }
0x159: {  	_ =	swait.ge [sflag:s20], $0x4000  }
0x15a: {  	[sflag:s20] =	ssyncset.done $0x0  }
0x15b: {  	s24 =	simm.s32 $0x8200;
	[sflag:s20] =	ssyncadd.s32 $0xFFFFC000  }
0x15c: {  	v0 =	vld [tilespmem:s24+$0x0]  }
0x15d: {  	v1 =	vld [tilespmem:s24+$0x1F0]  }
0x15e: {  	v2 =	vld [tilespmem:s24+$0x1E0]  }
0x15f: {  	v3 =	vld [tilespmem:s24+$0x1D0]  }
0x160: {  	v4 =	vld [tilespmem:s24+$0x1C0]  }
0x161: {  	v5 =	vld [tilespmem:s24+$0x1B0]  }
0x162: {  	v6 =	vld [tilespmem:s24+$0x190];
	v0 =	vsub.f32 $0.0e+00, v0  }
0x163: {  	v7 =	vld [tilespmem:s24+$0x180];
	v1 =	vsub.f32 $0.0e+00, v1;
	v2 =	vsub.f32 $0.0e+00, v2  }
0x164: {  	v8 =	vld [tilespmem:s24+$0x170];
	v3 =	vsub.f32 $0.0e+00, v3;
	v0 =	vmul.f32 $1.442695020e+00, v0  }
0x165: {  	v9 =	vld [tilespmem:s24+$0x160];
	v4 =	vsub.f32 $0.0e+00, v4;
	v1 =	vmul.f32 $1.442695020e+00, v1;
	v2 =	vmul.f32 $1.442695020e+00, v2  }
0x166: {  	v5 =	vsub.f32 $0.0e+00, v5;
	v3 =	vmul.f32 $1.442695020e+00, v3;
	(erf) = vpow2.f32 v0;
	v0 =	vld [tilespmem:s24+$0x1A0]  }
0x167: {  	v6 =	vsub.f32 $0.0e+00, v6;
	v4 =	vmul.f32 $1.442695020e+00, v4;
	(erf) = vpow2.f32 v1;
	v1 =	vld [tilespmem:s24+$0x150]  }
0x168: {  	v7 =	vsub.f32 $0.0e+00, v7;
	v5 =	vmul.f32 $1.442695020e+00, v5;
	(erf) = vpow2.f32 v2;
	v2 =	vld [tilespmem:s24+$0x140]  }
0x169: {  	v8 =	vsub.f32 $0.0e+00, v8;
	v6 =	vmul.f32 $1.442695020e+00, v6;
	(erf) = vpow2.f32 v3;
	v3 =	vld [tilespmem:s24+$0x120]  }
0x16a: {  	v9 =	vsub.f32 $0.0e+00, v9;
	v7 =	vmul.f32 $1.442695020e+00, v7;
	(erf) = vpow2.f32 v4;
	v4 =	vld [tilespmem:s24+$0x110]  }
0x16b: {  	v8 =	vmul.f32 $1.442695020e+00, v8;
	(erf) = vpow2.f32 v5;
	v0 =	vsub.f32 $0.0e+00, v0;
	v5 =	vld [tilespmem:s24+$0x100]  }
0x16c: {  	v9 =	vmul.f32 $1.442695020e+00, v9;
	(erf) = vpow2.f32 v6;
	v6 =	vld [tilespmem:s24+$0x130];
	v1 =	vsub.f32 $0.0e+00, v1  }
0x16d: {  	(erf) = vpow2.f32 v7;
	v0 =	vmul.f32 $1.442695020e+00, v0;
	v2 =	vsub.f32 $0.0e+00, v2;
	v7 =	vld [tilespmem:s24+$0xE0]  }
0x16e: {  	(erf) = vpow2.f32 v8;
	v8 =	vld [tilespmem:s24+$0xF0];
	v1 =	vmul.f32 $1.442695020e+00, v1;
	v3 =	vsub.f32 $0.0e+00, v3  }
0x16f: {  	(erf) = vpow2.f32 v9;
	v2 =	vmul.f32 $1.442695020e+00, v2;
	v4 =	vsub.f32 $0.0e+00, v4  }
0x170: {  	v10 =	vpop (erf);
	(erf) = vpow2.f32 v0;
	v0 =	vsub.f32 $0.0e+00, v5;
	v3 =	vmul.f32 $1.442695020e+00, v3  }
0x171: {  	v9 =	vld [tilespmem:s24+$0xD0];
	v11 =	vpop (erf);
	(erf) = vpow2.f32 v1;
	v1 =	vsub.f32 $0.0e+00, v6;
	v4 =	vmul.f32 $1.442695020e+00, v4  }
0x172: {  	v5 =	vpop (erf);
	v6 =	vld [tilespmem:s24+$0xC0];
	(erf) = vpow2.f32 v2;
	v2 =	vsub.f32 $0.0e+00, v7;
	v0 =	vmul.f32 $1.442695020e+00, v0  }
0x173: {  	v12 =	vpop (erf);
	v1 =	vmul.f32 $1.442695020e+00, v1;
	v8 =	vsub.f32 $0.0e+00, v8  }
0x174: {  	v7 =	vpop (erf);
	(erf) = vpow2.f32 v3;
	v3 =	vld [tilespmem:s24+$0xA0];
	v2 =	vmul.f32 $1.442695020e+00, v2  }
0x175: {  	v13 =	vld [tilespmem:s24+$0x90];
	(erf) = vpow2.f32 v4;
	v4 =	vpop (erf);
	v8 =	vmul.f32 $1.442695020e+00, v8  }
0x176: {  	v9 =	vsub.f32 $0.0e+00, v9;
	(erf) = vpow2.f32 v0;
	v0 =	vpop (erf)  }
0x177: {  	v14 =	vld [tilespmem:s24+$0x80];
	(erf) = vpow2.f32 v1;
	v6 =	vsub.f32 $0.0e+00, v6;
	v1 =	vpop (erf)  }
0x178: {  	v15 =	vld [tilespmem:s24+$0xB0];
	v9 =	vmul.f32 $1.442695020e+00, v9;
	(erf) = vpow2.f32 v2;
	v0 =	vadd.f32 $1.000000000e+00, v0;
	v2 =	vpop (erf)  }
0x179: {  	(erf) = vpow2.f32 v8;
	v3 =	vsub.f32 $0.0e+00, v3;
	v8 =	vpop (erf)  }
0x17a: {  	v16 =	vld [tilespmem:s24+$0x70];
	v6 =	vmul.f32 $1.442695020e+00, v6;
	v17 =	vpop (erf);
	(erf) = vpow2.f32 v9;
	v9 =	vsub.f32 $0.0e+00, v13  }
0x17b: {  	v18 =	vld [tilespmem:s24+$0x60];
	v1 =	vadd.f32 $1.000000000e+00, v1;
	v3 =	vmul.f32 $1.442695020e+00, v3;
	v13 =	vpop (erf);
	(erf) = vrcp.f32 v0  }
0x17c: {  	v14 =	vsub.f32 $0.0e+00, v14;
	v0 =	vpop (erf);
	(erf) = vpow2.f32 v6;
	v9 =	vmul.f32 $1.442695020e+00, v9  }
0x17d: {  	v6 =	vsub.f32 $0.0e+00, v15;
	v15 =	vpop (erf);
	(erf) = vrcp.f32 v1  }
0x17e: {  	v14 =	vmul.f32 $1.442695020e+00, v14;
	v1 =	vld [tilespmem:s24+$0x40];
	v19 =	vpop (erf);
	(erf) = vpow2.f32 v3  }
0x17f: {  	v3 =	vsub.f32 $0.0e+00, v16;
	v6 =	vmul.f32 $1.442695020e+00, v6;
	v56 =	vpop (erf);
	(erf) = vpow2.f32 v9  }
0x180: {  	v18 =	vsub.f32 $0.0e+00, v18;
	v9 =	vpop (erf);
	v16 =	vadd.f32 $1.000000000e+00, v56;
	(erf) = vpow2.f32 v14;
	v14 =	vld [tilespmem:s24+$0x50]  }
0x181: {  	v3 =	vmul.f32 $1.442695020e+00, v3;
	v20 =	vpop (erf);
	(erf) = vpow2.f32 v6  }
0x182: {  	v58 =	vmul.f32 $1.442695020e+00, v18;
	v6 =	vadd.f32 $1.000000000e+00, v17;
	v57 =	vpop (erf);
	(erf) = vrcp.f32 v16  }
0x183: {  	v1 =	vsub.f32 $0.0e+00, v1;
	(erf) = vpow2.f32 v3;
	v3 =	vadd.f32 $1.000000000e+00, v19  }
0x184: {  	v59 =	vpop (erf);
	(erf) = vrcp.f32 v6  }
0x185: {  	v60 =	vpop (erf);
	v1 =	vmul.f32 $1.442695020e+00, v1;
	(erf) = vpow2.f32 v58;
	v6 =	vsub.f32 $0.0e+00, v14  }
0x186: {  	v61 =	vpop (erf);
	(erf) = vrcp.f32 v3  }
0x187: {  	v4 =	vadd.f32 $1.000000000e+00, v4;
	v3 =	vpop (erf);
	(erf) = vpow2.f32 v1;
	v1 =	vmul.f32 $1.442695020e+00, v6  }
0x188: {  	v10 =	vadd.f32 $1.000000000e+00, v10;
	v14 =	vpop (erf)  }
0x189: {  	(erf) = vrcp.f32 v4;
	v6 =	vpop (erf)  }
0x18a: {  	v21 =	vld [tilespmem:s24+$0x10];
	v5 =	vadd.f32 $1.000000000e+00, v5;
	v4 =	vadd.f32 $1.000000000e+00, v8;
	(erf) = vrcp.f32 v10;
	v8 =	vpop (erf)  }
0x18b: {  	v10 =	vld [tilespmem:s24+$0x30];
	(erf) = vpow2.f32 v1;
	v1 =	vpop (erf)  }
0x18c: {  	v11 =	vadd.f32 $1.000000000e+00, v11;
	v13 =	vadd.f32 $1.000000000e+00, v13;
	v22 =	vpop (erf);
	(erf) = vrcp.f32 v4;
	v4 =	vld [tilespmem:s24+$0x20]  }
0x18d: {  	v23 =	vpop (erf);
	(erf) = vrcp.f32 v5  }
0x18e: {  	v2 =	vadd.f32 $1.000000000e+00, v2;
	v5 =	vpop (erf);
	(erf) = vrcp.f32 v11;
	v11 =	vadd.f32 $1.000000000e+00, v12  }
0x18f: {  	v7 =	vadd.f32 $1.000000000e+00, v7;
	v6 =	vadd.f32 $1.000000000e+00, v6;
	v12 =	vpop (erf);
	(erf) = vrcp.f32 v13  }
0x190: {  	[tilespmem:s24+$0x190] =	vst v60;
	v10 =	vsub.f32 $0.0e+00, v10;
	v13 =	vpop (erf);
	(erf) = vrcp.f32 v2;
	v2 =	vsub.f32 $0.0e+00, v21  }
0x191: {  	[tilespmem:s24+$0x180] =	vst v3;
	v1 =	vadd.f32 $1.000000000e+00, v1;
	v62 =	vpop (erf);
	(erf) = vrcp.f32 v11;
	v4 =	vsub.f32 $0.0e+00, v4  }
0x192: {  	[tilespmem:s24+$0x100] =	vst v22;
	v11 =	vpop (erf);
	(erf) = vrcp.f32 v7;
	v3 =	vmul.f32 $1.442695020e+00, v2;
	v2 =	vadd.f32 $1.000000000e+00, v8  }
0x193: {  	[tilespmem:s24+$0x1A0] =	vst v5;
	v7 =	vadd.f32 $1.000000000e+00, v9;
	v5 =	vpop (erf);
	(erf) = vrcp.f32 v1  }
0x194: {  	v63 =	vmul.f32 $1.442695020e+00, v10;
	[tilespmem:s24+$0x110] =	vst v13;
	v9 =	vadd.f32 $1.000000000e+00, v20;
	v10 =	vpop (erf);
	(erf) = vrcp.f32 v6  }
0x195: {  	[tilespmem:s24+$0x1B0] =	vst v11;
	v6 =	vmul.f32 $1.442695020e+00, v4;
	(erf) = vrcp.f32 v7;
	v4 =	vpop (erf)  }
0x196: {  	v8 =	vadd.f32 $1.000000000e+00, v61;
	[tilespmem:s24+$0x0] =	vst v5;
	v7 =	vadd.f32 $1.000000000e+00, v62;
	(erf) = vrcp.f32 v2;
	v2 =	vpop (erf)  }
0x197: {  	v1 =	vadd.f32 $1.000000000e+00, v57;
	v11 =	vadd.f32 $1.000000000e+00, v12;
	[tilespmem:s24+$0x160] =	vst v4;
	(erf) = vrcp.f32 v9;
	v13 =	vpop (erf)  }
0x198: {  	v5 =	vadd.f32 $1.000000000e+00, v14;
	v4 =	vadd.f32 $1.000000000e+00, v15;
	[tilespmem:s24+$0x1E0] =	vst v2;
	(erf) = vrcp.f32 v7;
	v9 =	vpop (erf)  }
0x199: {  	s26 =	simm.s32 $0x0;
	s25 =	simm.s32 $0x8200;
	v2 =	vadd.f32 $1.000000000e+00, v59;
	v7 =	vadd.f32 $1.000000000e+00, v23;
	[tilespmem:s24+$0x1F0] =	vst v13;
	(erf) = vpow2.f32 v63;
	v12 =	vpop (erf)  }
.LBB2_6:
0x19a: {  	s26 =	sadd.s32 $0x4, s26;
	s24 =	sadd.s32 $0x200, s24;
	(erf) = vpow2.f32 v6;
	v6 =	vpop (erf)  }
0x19b: {  	p0 =	slt.u32 s26, $0x7C;
	[tilespmem:s25+$0x1D0] =	vst v6;
	(erf) = vpow2.f32 v3;
	v3 =	vpop (erf)  }
0x19c: {  	[tilespmem:s25+$0x1C0] =	vst v3;
	(erf) = vrcp.f32 v11;
	v3 =	vpop (erf)  }
0x19d: {  	v0 =	vadd.f32 $1.000000000e+00, v0;
	[tilespmem:s25+$0x170] =	vst v12;
	v6 =	vpop (erf);
	(erf) = vrcp.f32 v8  }
0x19e: {  	v8 =	vld [tilespmem:s24+$0x0];
	[tilespmem:s25+$0xB0] =	vst v3;
	(erf) = vrcp.f32 v4;
	v3 =	vpop (erf)  }
0x19f: {  	v10 =	vadd.f32 $1.000000000e+00, v10;
	v4 =	vld [tilespmem:s24+$0x1F0];
	[tilespmem:s25+$0x90] =	vst v6;
	v6 =	vpop (erf);
	(erf) = vrcp.f32 v0  }
0x1a0: {  	v0 =	vld [tilespmem:s24+$0x1E0];
	[tilespmem:s25+$0x130] =	vst v3;
	v3 =	vpop (erf);
	(erf) = vrcp.f32 v1  }
0x1a1: {  	v1 =	vld [tilespmem:s24+$0x1D0];
	[tilespmem:s25+$0x80] =	vst v6;
	v6 =	vpop (erf);
	(erf) = vrcp.f32 v10  }
0x1a2: {  	v10 =	vld [tilespmem:s24+$0x1C0];
	[tilespmem:s25+$0x40] =	vst v6;
	v6 =	vpop (erf);
	(erf) = vrcp.f32 v7  }
0x1a3: {  	v7 =	vsub.f32 $0.0e+00, v8;
	v8 =	vld [tilespmem:s24+$0x1B0];
	v11 =	vadd.f32 $1.000000000e+00, v6;
	[tilespmem:s25+$0x150] =	vst v9;
	v9 =	vpop (erf);
	(erf) = vrcp.f32 v5  }
0x1a4: {  	v5 =	vld [tilespmem:s24+$0x1A0];
	v4 =	vsub.f32 $0.0e+00, v4;
	v9 =	vadd.f32 $1.000000000e+00, v9;
	[tilespmem:s25+$0xE0] =	vst v3;
	v3 =	vpop (erf);
	(erf) = vrcp.f32 v2  }
0x1a5: {  	v2 =	vld [tilespmem:s24+$0x190];
	v0 =	vsub.f32 $0.0e+00, v0;
	v3 =	vadd.f32 $1.000000000e+00, v3;
	(erf) = vrcp.f32 v11;
	v6 =	vpop (erf)  }
0x1a6: {  	v7 =	vmul.f32 $1.442695020e+00, v7;
	v11 =	vld [tilespmem:s24+$0x180];
	v1 =	vsub.f32 $0.0e+00, v1;
	v13 =	vmul.f32 $1.442695020e+00, v4;
	[tilespmem:s25+$0x60] =	vst v6;
	v6 =	vpop (erf)  }
0x1a7: {  	v12 =	vld [tilespmem:s24+$0x170];
	v10 =	vsub.f32 $0.0e+00, v10;
	v14 =	vmul.f32 $1.442695020e+00, v0;
	[tilespmem:s25+$0xC0] =	vst v6;
	(erf) = vrcp.f32 v9;
	v6 =	vpop (erf)  }
0x1a8: {  	v9 =	vld [tilespmem:s24+$0x160];
	v8 =	vsub.f32 $0.0e+00, v8;
	v1 =	vmul.f32 $1.442695020e+00, v1;
	(erf) = vpow2.f32 v7;
	[tilespmem:s25+$0x120] =	vst v6;
	v6 =	vpop (erf)  }
0x1a9: {  	v7 =	vld [tilespmem:s24+$0x150];
	v5 =	vsub.f32 $0.0e+00, v5;
	v10 =	vmul.f32 $1.442695020e+00, v10;
	(erf) = vpow2.f32 v13;
	[tilespmem:s25+$0x140] =	vst v6;
	v4 =	vpop (erf)  }
0x1aa: {  	v6 =	vld [tilespmem:s24+$0x140];
	v2 =	vsub.f32 $0.0e+00, v2;
	v8 =	vmul.f32 $1.442695020e+00, v8;
	(erf) = vpow2.f32 v14;
	[tilespmem:s25+$0xF0] =	vst v4;
	v0 =	vpop (erf)  }
0x1ab: {  	v4 =	vld [tilespmem:s24+$0x130];
	v11 =	vsub.f32 $0.0e+00, v11;
	v13 =	vmul.f32 $1.442695020e+00, v5;
	(erf) = vpow2.f32 v1;
	[tilespmem:s25+$0x50] =	vst v0;
	v0 =	vpop (erf)  }
0x1ac: {  	v1 =	vld [tilespmem:s24+$0x120];
	v5 =	vsub.f32 $0.0e+00, v12;
	v2 =	vmul.f32 $1.442695020e+00, v2;
	(erf) = vpow2.f32 v10;
	[tilespmem:s25+$0x70] =	vst v0;
	v0 =	vpop (erf)  }
0x1ad: {  	v10 =	vld [tilespmem:s24+$0x110];
	v9 =	vsub.f32 $0.0e+00, v9;
	v11 =	vmul.f32 $1.442695020e+00, v11;
	[tilespmem:s25+$0xA0] =	vst v0;
	(erf) = vrcp.f32 v3;
	v0 =	vpop (erf)  }
0x1ae: {  	v3 =	vld [tilespmem:s24+$0x100];
	v7 =	vsub.f32 $0.0e+00, v7;
	v5 =	vmul.f32 $1.442695020e+00, v5;
	(erf) = vpow2.f32 v8;
	v8 =	vpop (erf)  }
0x1af: {  	v12 =	vld [tilespmem:s24+$0xF0];
	v6 =	vsub.f32 $0.0e+00, v6;
	v9 =	vmul.f32 $1.442695020e+00, v9;
	(erf) = vpow2.f32 v2;
	[tilespmem:s25+$0x30] =	vst v8  }
0x1b0: {  	v8 =	vld [tilespmem:s24+$0xE0];
	v4 =	vsub.f32 $0.0e+00, v4;
	v14 =	vmul.f32 $1.442695020e+00, v7;
	(erf) = vpow2.f32 v11;
	[tilespmem:s25+$0xD0] =	vst v0;
	v0 =	vpop (erf)  }
0x1b1: {  	v11 =	vld [tilespmem:s24+$0xD0];
	v1 =	vsub.f32 $0.0e+00, v1;
	v6 =	vmul.f32 $1.442695020e+00, v6;
	v2 =	vpop (erf);
	(erf) = vpow2.f32 v5;
	[tilespmem:s25+$0x20] =	vst v0  }
0x1b2: {  	v0 =	vld [tilespmem:s24+$0xC0];
	v10 =	vsub.f32 $0.0e+00, v10;
	v4 =	vmul.f32 $1.442695020e+00, v4;
	(erf) = vpow2.f32 v9;
	v5 =	vpop (erf)  }
0x1b3: {  	v9 =	vld [tilespmem:s24+$0xB0];
	v3 =	vsub.f32 $0.0e+00, v3;
	v17 =	vmul.f32 $1.442695020e+00, v1;
	(erf) = vpow2.f32 v13;
	v7 =	vpop (erf)  }
0x1b4: {  	v13 =	vld [tilespmem:s24+$0xA0];
	v12 =	vsub.f32 $0.0e+00, v12;
	v18 =	vmul.f32 $1.442695020e+00, v10;
	(erf) = vpow2.f32 v14;
	v14 =	vpop (erf)  }
0x1b5: {  	v15 =	vld [tilespmem:s24+$0x90];
	v8 =	vsub.f32 $0.0e+00, v8;
	v19 =	vmul.f32 $1.442695020e+00, v3;
	(erf) = vpow2.f32 v6;
	v16 =	vpop (erf)  }
0x1b6: {  	v6 =	vld [tilespmem:s24+$0x80];
	v11 =	vsub.f32 $0.0e+00, v11;
	v12 =	vmul.f32 $1.442695020e+00, v12;
	(erf) = vpow2.f32 v17;
	v1 =	vpop (erf)  }
0x1b7: {  	v17 =	vld [tilespmem:s24+$0x70];
	v0 =	vsub.f32 $0.0e+00, v0;
	v8 =	vmul.f32 $1.442695020e+00, v8;
	(erf) = vpow2.f32 v18;
	v10 =	vpop (erf);
	[tilespmem:s25+$0x10] =	vst v1;
	s25 =	smov.u32 s24  }
0x1b8: {  	v1 =	vld [tilespmem:s24+$0x60];
	v9 =	vsub.f32 $0.0e+00, v9;
	v11 =	vmul.f32 $1.442695020e+00, v11;
	(erf) = vpow2.f32 v19;
	v3 =	vpop (erf)  }
0x1b9: {  	v18 =	vld [tilespmem:s24+$0x50];
	v13 =	vsub.f32 $0.0e+00, v13;
	v3 =	vadd.f32 $1.000000000e+00, v3;
	(erf) = vpow2.f32 v4;
	v4 =	vpop (erf)  }
0x1ba: {  	v20 =	vmul.f32 $1.442695020e+00, v0;
	v19 =	vld [tilespmem:s24+$0x40];
	v15 =	vsub.f32 $0.0e+00, v15;
	(erf) = vpow2.f32 v8;
	v21 =	vpop (erf)  }
0x1bb: {  	v8 =	vld [tilespmem:s24+$0x30];
	v25 =	vsub.f32 $0.0e+00, v6;
	v6 =	vmul.f32 $1.442695020e+00, v13;
	(erf) = vpow2.f32 v12;
	v12 =	vpop (erf)  }
0x1bc: {  	v4 =	vadd.f32 $1.000000000e+00, v4;
	v13 =	vld [tilespmem:s24+$0x20];
	v17 =	vsub.f32 $0.0e+00, v17;
	v15 =	vmul.f32 $1.442695020e+00, v15;
	v22 =	vpop (erf)  }
0x1bd: {  	v23 =	vld [tilespmem:s24+$0x10];
	v1 =	vsub.f32 $0.0e+00, v1;
	v24 =	vmul.f32 $1.442695020e+00, v25;
	(erf) = vpow2.f32 v11;
	v11 =	vpop (erf)  }
0x1be: {  	v18 =	vsub.f32 $0.0e+00, v18;
	v17 =	vmul.f32 $1.442695020e+00, v17;
	v0 =	vpop (erf);
	(erf) = vrcp.f32 v3  }
0x1bf: {  	v26 =	vsub.f32 $0.0e+00, v19;
	v19 =	vmul.f32 $1.442695020e+00, v1;
	(erf) = vpow2.f32 v20;
	v20 =	vpop (erf)  }
0x1c0: {  	v1 =	vsub.f32 $0.0e+00, v8;
	v8 =	vmul.f32 $1.442695020e+00, v9;
	v9 =	vpop (erf);
	(erf) = vrcp.f32 v4  }
0x1c1: {  	v25 =	vmul.f32 $1.442695020e+00, v26;
	v9 =	vadd.f32 $1.000000000e+00, v9;
	(erf) = vpow2.f32 v6;
	v3 =	vpop (erf)  }
0x1c2: {  	v6 =	vsub.f32 $0.0e+00, v13;
	v4 =	vsub.f32 $0.0e+00, v23;
	(erf) = vpow2.f32 v15;
	v13 =	vpop (erf)  }
0x1c3: {  	v15 =	vmul.f32 $1.442695020e+00, v1;
	v23 =	vadd.f32 $1.000000000e+00, v3;
	(erf) = vpow2.f32 v24;
	v24 =	vpop (erf)  }
0x1c4: {  	v22 =	vadd.f32 $1.000000000e+00, v22;
	v3 =	vmul.f32 $1.442695020e+00, v4;
	(erf) = vpow2.f32 v8;
	v1 =	vpop (erf)  }
0x1c5: {  	v6 =	vmul.f32 $1.442695020e+00, v6;
	v1 =	vadd.f32 $1.000000000e+00, v1;
	(erf) = vrcp.f32 v23  }
0x1c6: {  	v18 =	vmul.f32 $1.442695020e+00, v18;
	v4 =	vadd.f32 $1.000000000e+00, v20;
	(erf) = vpow2.f32 v17;
	v17 =	vpop (erf)  }
0x1c7: {  	v11 =	vadd.f32 $1.000000000e+00, v11;
	v13 =	vadd.f32 $1.000000000e+00, v13;
	v8 =	vpop (erf);
	(erf) = vrcp.f32 v22  }
0x1c8: {  	v10 =	vadd.f32 $1.000000000e+00, v10;
	v12 =	vadd.f32 $1.000000000e+00, v12;
	[tilespmem:s24+$0x190] =	vst v8;
	(erf) = vpow2.f32 v19;
	v8 =	vpop (erf)  }
0x1c9: {  	v19 =	vadd.f32 $1.000000000e+00, v21;
	v8 =	vadd.f32 $1.000000000e+00, v8;
	(erf) = vrcp.f32 v9;
	v9 =	vpop (erf)  }
0x1ca: {  	v20 =	vadd.f32 $1.000000000e+00, v2;
	[tilespmem:s24+$0x180] =	vst v9;
	v9 =	vadd.f32 $1.000000000e+00, v16;
	(erf) = vpow2.f32 v25;
	v16 =	vpop (erf)  }
0x1cb: {  	v7 =	vadd.f32 $1.000000000e+00, v7;
	v14 =	vadd.f32 $1.000000000e+00, v14;
	v2 =	vpop (erf);
	(erf) = vrcp.f32 v10  }
0x1cc: {  	v21 =	vadd.f32 $1.000000000e+00, v2;
	v2 =	vadd.f32 $1.000000000e+00, v17;
	(erf) = vrcp.f32 v20;
	v10 =	vpop (erf)  }
0x1cd: {  	v17 =	vadd.f32 $1.000000000e+00, v10;
	v10 =	vadd.f32 $1.000000000e+00, v5;
	(erf) = vpow2.f32 v18;
	v18 =	vpop (erf)  }
0x1ce: {  	v5 =	vadd.f32 $1.000000000e+00, v16;
	v16 =	vadd.f32 $1.000000000e+00, v18;
	v18 =	vpop (erf);
	(erf) = vrcp.f32 v12  }
0x1cf: {  	v12 =	vadd.f32 $1.000000000e+00, v24;
	[tilespmem:s24+$0x100] =	vst v18;
	v18 =	vpop (erf);
	(erf) = vrcp.f32 v7  }
0x1d0: {  	v7 =	vadd.f32 $1.000000000e+00, v18;
	v18 =	vpop (erf);
	(erf) = vrcp.f32 v10  }
0x1d1: {  	[tilespmem:s24+$0x1A0] =	vst v18;
	v10 =	vpop (erf);
	(erf) = vrcp.f32 v11  }
0x1d2: {  	v11 =	vadd.f32 $1.000000000e+00, v10;
	v10 =	vpop (erf);
	(erf) = vrcp.f32 v19  }
0x1d3: {  	[tilespmem:s24+$0x110] =	vst v10;
	v10 =	vpop (erf);
	(erf) = vrcp.f32 v14  }
0x1d4: {  	v14 =	vadd.f32 $1.000000000e+00, v10;
	v18 =	vpop (erf);
	(erf) = vrcp.f32 v9  }
0x1d5: {  	v9 =	vpop (erf);
	(erf) = vrcp.f32 v16  }
0x1d6: {  	[tilespmem:s24+$0x0] =	vst v9;
	v10 =	vpop (erf);
	(erf) = vrcp.f32 v21  }
.Ltmp2:
0x1d7: {  	(erf) = vrcp.f32 v13;
	v9 =	vpop (erf);
	(pc) =	sbr.rel @p0 .LBB2_6-.Ltmp2, $4  }
0x1d8: {  	[tilespmem:s24+$0x160] =	vst v9;
	(erf) = vrcp.f32 v17;
	v9 =	vpop (erf)  }
0x1d9: {  	[tilespmem:s24+$0x1E0] =	vst v9;
	(erf) = vrcp.f32 v12;
	v12 =	vpop (erf)  }
0x1da: {  	[tilespmem:s24+$0x1B0] =	vst v18;
	(erf) = vrcp.f32 v14;
	v9 =	vpop (erf)  }
0x1db: {  	[tilespmem:s24+$0x1F0] =	vst v12;
	(erf) = vpow2.f32 v15;
	v12 =	vpop (erf)  }
0x1dc: {  	(erf) = vpow2.f32 v6;
	v6 =	vpop (erf)  }
0x1dd: {  	(erf) = vpow2.f32 v3;
	v3 =	vpop (erf)  }
0x1de: {  	v0 =	vadd.f32 $1.000000000e+00, v0;
	(erf) = vrcp.f32 v11;
	v11 =	vpop (erf)  }
0x1df: {  	[tilespmem:s25+$0x1D0] =	vst v6;
	v6 =	vpop (erf)  }
0x1e0: {  	[tilespmem:s25+$0x1C0] =	vst v3;
	(erf) = vrcp.f32 v8;
	v3 =	vpop (erf)  }
0x1e1: {  	(erf) = vrcp.f32 v4;
	v8 =	vpop (erf)  }
0x1e2: {  	v4 =	vadd.f32 $1.000000000e+00, v10;
	(erf) = vrcp.f32 v0;
	v0 =	vpop (erf)  }
0x1e3: {  	[tilespmem:s25+$0x170] =	vst v12;
	(erf) = vrcp.f32 v1;
	v1 =	vpop (erf)  }
0x1e4: {  	[tilespmem:s25+$0x130] =	vst v3;
	(erf) = vrcp.f32 v4;
	v3 =	vpop (erf)  }
0x1e5: {  	[tilespmem:s25+$0x150] =	vst v9;
	(erf) = vrcp.f32 v7;
	v3 =	vadd.f32 $1.000000000e+00, v3  }
0x1e6: {  	[tilespmem:s25+$0xB0] =	vst v11;
	v4 =	vpop (erf);
	(erf) = vrcp.f32 v5  }
0x1e7: {  	[tilespmem:s25+$0x90] =	vst v6;
	(erf) = vrcp.f32 v2;
	v2 =	vadd.f32 $1.000000000e+00, v4  }
0x1e8: {  	[tilespmem:s25+$0x40] =	vst v1;
	v1 =	vpop (erf)  }
0x1e9: {  	[tilespmem:s25+$0x80] =	vst v8;
	(erf) = vrcp.f32 v3;
	v3 =	vpop (erf)  }
0x1ea: {  	[tilespmem:s25+$0xE0] =	vst v0;
	v0 =	vadd.f32 $1.000000000e+00, v1;
	v1 =	vpop (erf)  }
0x1eb: {  	[tilespmem:s25+$0x60] =	vst v3;
	(erf) = vrcp.f32 v2;
	v2 =	vpop (erf)  }
0x1ec: {  	[tilespmem:s25+$0xC0] =	vst v1;
	v1 =	vpop (erf);
	(erf) = vrcp.f32 v0  }
0x1ed: {  	[tilespmem:s25+$0x120] =	vst v2  }
0x1ee: {  	v0 =	vpop (erf);
	[tilespmem:s25+$0x140] =	vst v1  }
0x1ef: {  	v1 =	vpop (erf);
	[tilespmem:s25+$0xF0] =	vst v0  }
0x1f0: {  	v0 =	vpop (erf);
	[tilespmem:s25+$0x50] =	vst v1  }
0x1f1: {  	v1 =	vpop (erf);
	[tilespmem:s25+$0x70] =	vst v0  }
0x1f2: {  	v0 =	vpop (erf);
	[tilespmem:s25+$0xA0] =	vst v1  }
0x1f3: {  	v1 =	vpop (erf);
	[tilespmem:s25+$0xD0] =	vst v0  }
0x1f4: {  	[tilespmem:s25+$0x30] =	vst v1;
	v0 =	vpop (erf)  }
0x1f5: {  	[tilespmem:s25+$0x20] =	vst v0;
	v0 =	vpop (erf)  }
0x1f6: {  	[tilespmem:s25+$0x10] =	vst v0  }
0x1f7: {  	[hbm4b:s7+s3] =	stream.linear.scatter [tilespmem:s15], [sflag:$0x5], $0x4000, $0x38;
	[tilespmem:$0x10200] =	vst v63  }
0x1f8: {  	_ =	swait.ge [sflag:s21], $0x4000  }
0x1f9: {  	[sflag:s21] =	ssyncset.done $0x0  }
0x1fa: {  	s24 =	simm.s32 $0xC200;
	[sflag:s21] =	ssyncadd.s32 $0xFFFFC000  }
0x1fb: {  	v0 =	vld [tilespmem:s24+$0x0]  }
0x1fc: {  	v1 =	vld [tilespmem:s24+$0x1F0]  }
0x1fd: {  	v2 =	vld [tilespmem:s24+$0x1E0]  }
0x1fe: {  	v3 =	vld [tilespmem:s24+$0x1D0]  }
0x1ff: {  	v4 =	vld [tilespmem:s24+$0x1C0]  }
0x200: {  	v5 =	vld [tilespmem:s24+$0x1B0]  }
0x201: {  	v6 =	vld [tilespmem:s24+$0x190];
	v0 =	vsub.f32 $0.0e+00, v0  }
0x202: {  	v7 =	vld [tilespmem:s24+$0x180];
	v1 =	vsub.f32 $0.0e+00, v1;
	v2 =	vsub.f32 $0.0e+00, v2  }
0x203: {  	v8 =	vld [tilespmem:s24+$0x170];
	v3 =	vsub.f32 $0.0e+00, v3;
	v0 =	vmul.f32 $1.442695020e+00, v0  }
0x204: {  	v9 =	vld [tilespmem:s24+$0x160];
	v4 =	vsub.f32 $0.0e+00, v4;
	v1 =	vmul.f32 $1.442695020e+00, v1;
	v2 =	vmul.f32 $1.442695020e+00, v2  }
0x205: {  	v5 =	vsub.f32 $0.0e+00, v5;
	v3 =	vmul.f32 $1.442695020e+00, v3;
	(erf) = vpow2.f32 v0;
	v0 =	vld [tilespmem:s24+$0x1A0]  }
0x206: {  	v6 =	vsub.f32 $0.0e+00, v6;
	v4 =	vmul.f32 $1.442695020e+00, v4;
	(erf) = vpow2.f32 v1;
	v1 =	vld [tilespmem:s24+$0x150]  }
0x207: {  	v7 =	vsub.f32 $0.0e+00, v7;
	v5 =	vmul.f32 $1.442695020e+00, v5;
	(erf) = vpow2.f32 v2;
	v2 =	vld [tilespmem:s24+$0x140]  }
0x208: {  	v8 =	vsub.f32 $0.0e+00, v8;
	v6 =	vmul.f32 $1.442695020e+00, v6;
	(erf) = vpow2.f32 v3;
	v3 =	vld [tilespmem:s24+$0x120]  }
0x209: {  	v9 =	vsub.f32 $0.0e+00, v9;
	v7 =	vmul.f32 $1.442695020e+00, v7;
	(erf) = vpow2.f32 v4;
	v4 =	vld [tilespmem:s24+$0x110]  }
0x20a: {  	v8 =	vmul.f32 $1.442695020e+00, v8;
	(erf) = vpow2.f32 v5;
	v0 =	vsub.f32 $0.0e+00, v0;
	v5 =	vld [tilespmem:s24+$0x100]  }
0x20b: {  	v9 =	vmul.f32 $1.442695020e+00, v9;
	(erf) = vpow2.f32 v6;
	v6 =	vld [tilespmem:s24+$0x130];
	v1 =	vsub.f32 $0.0e+00, v1  }
0x20c: {  	(erf) = vpow2.f32 v7;
	v0 =	vmul.f32 $1.442695020e+00, v0;
	v2 =	vsub.f32 $0.0e+00, v2;
	v7 =	vld [tilespmem:s24+$0xE0]  }
0x20d: {  	(erf) = vpow2.f32 v8;
	v8 =	vld [tilespmem:s24+$0xF0];
	v1 =	vmul.f32 $1.442695020e+00, v1;
	v3 =	vsub.f32 $0.0e+00, v3  }
0x20e: {  	(erf) = vpow2.f32 v9;
	v2 =	vmul.f32 $1.442695020e+00, v2;
	v4 =	vsub.f32 $0.0e+00, v4  }
0x20f: {  	v10 =	vpop (erf);
	(erf) = vpow2.f32 v0;
	v0 =	vsub.f32 $0.0e+00, v5;
	v3 =	vmul.f32 $1.442695020e+00, v3  }
0x210: {  	v9 =	vld [tilespmem:s24+$0xD0];
	v11 =	vpop (erf);
	(erf) = vpow2.f32 v1;
	v1 =	vsub.f32 $0.0e+00, v6;
	v4 =	vmul.f32 $1.442695020e+00, v4  }
0x211: {  	v5 =	vpop (erf);
	v6 =	vld [tilespmem:s24+$0xC0];
	(erf) = vpow2.f32 v2;
	v2 =	vsub.f32 $0.0e+00, v7;
	v0 =	vmul.f32 $1.442695020e+00, v0  }
0x212: {  	v12 =	vpop (erf);
	v1 =	vmul.f32 $1.442695020e+00, v1;
	v8 =	vsub.f32 $0.0e+00, v8  }
0x213: {  	v7 =	vpop (erf);
	(erf) = vpow2.f32 v3;
	v3 =	vld [tilespmem:s24+$0xA0];
	v2 =	vmul.f32 $1.442695020e+00, v2  }
0x214: {  	v13 =	vld [tilespmem:s24+$0x90];
	(erf) = vpow2.f32 v4;
	v4 =	vpop (erf);
	v8 =	vmul.f32 $1.442695020e+00, v8  }
0x215: {  	v9 =	vsub.f32 $0.0e+00, v9;
	(erf) = vpow2.f32 v0;
	v0 =	vpop (erf)  }
0x216: {  	v14 =	vld [tilespmem:s24+$0x80];
	(erf) = vpow2.f32 v1;
	v6 =	vsub.f32 $0.0e+00, v6;
	v1 =	vpop (erf)  }
0x217: {  	v15 =	vld [tilespmem:s24+$0xB0];
	v9 =	vmul.f32 $1.442695020e+00, v9;
	(erf) = vpow2.f32 v2;
	v0 =	vadd.f32 $1.000000000e+00, v0;
	v2 =	vpop (erf)  }
0x218: {  	(erf) = vpow2.f32 v8;
	v3 =	vsub.f32 $0.0e+00, v3;
	v8 =	vpop (erf)  }
0x219: {  	v16 =	vld [tilespmem:s24+$0x70];
	v6 =	vmul.f32 $1.442695020e+00, v6;
	v17 =	vpop (erf);
	(erf) = vpow2.f32 v9;
	v9 =	vsub.f32 $0.0e+00, v13  }
0x21a: {  	v18 =	vld [tilespmem:s24+$0x60];
	v1 =	vadd.f32 $1.000000000e+00, v1;
	v3 =	vmul.f32 $1.442695020e+00, v3;
	v13 =	vpop (erf);
	(erf) = vrcp.f32 v0  }
0x21b: {  	v14 =	vsub.f32 $0.0e+00, v14;
	v0 =	vpop (erf);
	(erf) = vpow2.f32 v6;
	v9 =	vmul.f32 $1.442695020e+00, v9  }
0x21c: {  	v6 =	vsub.f32 $0.0e+00, v15;
	v15 =	vpop (erf);
	(erf) = vrcp.f32 v1  }
0x21d: {  	v14 =	vmul.f32 $1.442695020e+00, v14;
	v1 =	vld [tilespmem:s24+$0x40];
	v19 =	vpop (erf);
	(erf) = vpow2.f32 v3  }
0x21e: {  	v3 =	vsub.f32 $0.0e+00, v16;
	v6 =	vmul.f32 $1.442695020e+00, v6;
	v56 =	vpop (erf);
	(erf) = vpow2.f32 v9  }
0x21f: {  	v18 =	vsub.f32 $0.0e+00, v18;
	v9 =	vpop (erf);
	v16 =	vadd.f32 $1.000000000e+00, v56;
	(erf) = vpow2.f32 v14;
	v14 =	vld [tilespmem:s24+$0x50]  }
0x220: {  	v3 =	vmul.f32 $1.442695020e+00, v3;
	v20 =	vpop (erf);
	(erf) = vpow2.f32 v6  }
0x221: {  	v58 =	vmul.f32 $1.442695020e+00, v18;
	v6 =	vadd.f32 $1.000000000e+00, v17;
	v57 =	vpop (erf);
	(erf) = vrcp.f32 v16  }
0x222: {  	v1 =	vsub.f32 $0.0e+00, v1;
	(erf) = vpow2.f32 v3;
	v3 =	vadd.f32 $1.000000000e+00, v19  }
0x223: {  	v59 =	vpop (erf);
	(erf) = vrcp.f32 v6  }
0x224: {  	v60 =	vpop (erf);
	v1 =	vmul.f32 $1.442695020e+00, v1;
	(erf) = vpow2.f32 v58;
	v6 =	vsub.f32 $0.0e+00, v14  }
0x225: {  	v61 =	vpop (erf);
	(erf) = vrcp.f32 v3  }
0x226: {  	v4 =	vadd.f32 $1.000000000e+00, v4;
	v3 =	vpop (erf);
	(erf) = vpow2.f32 v1;
	v1 =	vmul.f32 $1.442695020e+00, v6  }
0x227: {  	v10 =	vadd.f32 $1.000000000e+00, v10;
	v14 =	vpop (erf)  }
0x228: {  	(erf) = vrcp.f32 v4;
	v6 =	vpop (erf)  }
0x229: {  	v21 =	vld [tilespmem:s24+$0x10];
	v5 =	vadd.f32 $1.000000000e+00, v5;
	v4 =	vadd.f32 $1.000000000e+00, v8;
	(erf) = vrcp.f32 v10;
	v8 =	vpop (erf)  }
0x22a: {  	v10 =	vld [tilespmem:s24+$0x30];
	(erf) = vpow2.f32 v1;
	v1 =	vpop (erf)  }
0x22b: {  	v11 =	vadd.f32 $1.000000000e+00, v11;
	v13 =	vadd.f32 $1.000000000e+00, v13;
	v22 =	vpop (erf);
	(erf) = vrcp.f32 v4;
	v4 =	vld [tilespmem:s24+$0x20]  }
0x22c: {  	v23 =	vpop (erf);
	(erf) = vrcp.f32 v5  }
0x22d: {  	v2 =	vadd.f32 $1.000000000e+00, v2;
	v5 =	vpop (erf);
	(erf) = vrcp.f32 v11;
	v11 =	vadd.f32 $1.000000000e+00, v12  }
0x22e: {  	v7 =	vadd.f32 $1.000000000e+00, v7;
	v6 =	vadd.f32 $1.000000000e+00, v6;
	v12 =	vpop (erf);
	(erf) = vrcp.f32 v13  }
0x22f: {  	[tilespmem:s24+$0x190] =	vst v60;
	v10 =	vsub.f32 $0.0e+00, v10;
	v13 =	vpop (erf);
	(erf) = vrcp.f32 v2;
	v2 =	vsub.f32 $0.0e+00, v21  }
0x230: {  	[tilespmem:s24+$0x180] =	vst v3;
	v1 =	vadd.f32 $1.000000000e+00, v1;
	v62 =	vpop (erf);
	(erf) = vrcp.f32 v11;
	v4 =	vsub.f32 $0.0e+00, v4  }
0x231: {  	[tilespmem:s24+$0x100] =	vst v22;
	v11 =	vpop (erf);
	(erf) = vrcp.f32 v7;
	v3 =	vmul.f32 $1.442695020e+00, v2;
	v2 =	vadd.f32 $1.000000000e+00, v8  }
0x232: {  	[tilespmem:s24+$0x1A0] =	vst v5;
	v7 =	vadd.f32 $1.000000000e+00, v9;
	v5 =	vpop (erf);
	(erf) = vrcp.f32 v1  }
0x233: {  	v63 =	vmul.f32 $1.442695020e+00, v10;
	[tilespmem:s24+$0x110] =	vst v13;
	v9 =	vadd.f32 $1.000000000e+00, v20;
	v10 =	vpop (erf);
	(erf) = vrcp.f32 v6  }
0x234: {  	[tilespmem:s24+$0x1B0] =	vst v11;
	v6 =	vmul.f32 $1.442695020e+00, v4;
	(erf) = vrcp.f32 v7;
	v4 =	vpop (erf)  }
0x235: {  	v8 =	vadd.f32 $1.000000000e+00, v61;
	[tilespmem:s24+$0x0] =	vst v5;
	v7 =	vadd.f32 $1.000000000e+00, v62;
	(erf) = vrcp.f32 v2;
	v2 =	vpop (erf)  }
0x236: {  	v1 =	vadd.f32 $1.000000000e+00, v57;
	v11 =	vadd.f32 $1.000000000e+00, v12;
	[tilespmem:s24+$0x160] =	vst v4;
	(erf) = vrcp.f32 v9;
	v13 =	vpop (erf)  }
0x237: {  	v5 =	vadd.f32 $1.000000000e+00, v14;
	v4 =	vadd.f32 $1.000000000e+00, v15;
	[tilespmem:s24+$0x1E0] =	vst v2;
	(erf) = vrcp.f32 v7;
	v9 =	vpop (erf)  }
0x238: {  	s26 =	simm.s32 $0x0;
	s25 =	simm.s32 $0xC200;
	v2 =	vadd.f32 $1.000000000e+00, v59;
	v7 =	vadd.f32 $1.000000000e+00, v23;
	[tilespmem:s24+$0x1F0] =	vst v13;
	(erf) = vpow2.f32 v63;
	v12 =	vpop (erf)  }
.LBB2_8:
0x239: {  	s26 =	sadd.s32 $0x4, s26;
	s24 =	sadd.s32 $0x200, s24;
	(erf) = vpow2.f32 v6;
	v6 =	vpop (erf)  }
0x23a: {  	p0 =	slt.u32 s26, $0x7C;
	[tilespmem:s25+$0x1D0] =	vst v6;
	(erf) = vpow2.f32 v3;
	v3 =	vpop (erf)  }
0x23b: {  	[tilespmem:s25+$0x1C0] =	vst v3;
	(erf) = vrcp.f32 v11;
	v3 =	vpop (erf)  }
0x23c: {  	v0 =	vadd.f32 $1.000000000e+00, v0;
	[tilespmem:s25+$0x170] =	vst v12;
	v6 =	vpop (erf);
	(erf) = vrcp.f32 v8  }
0x23d: {  	v8 =	vld [tilespmem:s24+$0x0];
	[tilespmem:s25+$0xB0] =	vst v3;
	(erf) = vrcp.f32 v4;
	v3 =	vpop (erf)  }
0x23e: {  	v10 =	vadd.f32 $1.000000000e+00, v10;
	v4 =	vld [tilespmem:s24+$0x1F0];
	[tilespmem:s25+$0x90] =	vst v6;
	v6 =	vpop (erf);
	(erf) = vrcp.f32 v0  }
0x23f: {  	v0 =	vld [tilespmem:s24+$0x1E0];
	[tilespmem:s25+$0x130] =	vst v3;
	v3 =	vpop (erf);
	(erf) = vrcp.f32 v1  }
0x240: {  	v1 =	vld [tilespmem:s24+$0x1D0];
	[tilespmem:s25+$0x80] =	vst v6;
	v6 =	vpop (erf);
	(erf) = vrcp.f32 v10  }
0x241: {  	v10 =	vld [tilespmem:s24+$0x1C0];
	[tilespmem:s25+$0x40] =	vst v6;
	v6 =	vpop (erf);
	(erf) = vrcp.f32 v7  }
0x242: {  	v7 =	vsub.f32 $0.0e+00, v8;
	v8 =	vld [tilespmem:s24+$0x1B0];
	v11 =	vadd.f32 $1.000000000e+00, v6;
	[tilespmem:s25+$0x150] =	vst v9;
	v9 =	vpop (erf);
	(erf) = vrcp.f32 v5  }
0x243: {  	v5 =	vld [tilespmem:s24+$0x1A0];
	v4 =	vsub.f32 $0.0e+00, v4;
	v9 =	vadd.f32 $1.000000000e+00, v9;
	[tilespmem:s25+$0xE0] =	vst v3;
	v3 =	vpop (erf);
	(erf) = vrcp.f32 v2  }
0x244: {  	v2 =	vld [tilespmem:s24+$0x190];
	v0 =	vsub.f32 $0.0e+00, v0;
	v3 =	vadd.f32 $1.000000000e+00, v3;
	(erf) = vrcp.f32 v11;
	v6 =	vpop (erf)  }
0x245: {  	v7 =	vmul.f32 $1.442695020e+00, v7;
	v11 =	vld [tilespmem:s24+$0x180];
	v1 =	vsub.f32 $0.0e+00, v1;
	v13 =	vmul.f32 $1.442695020e+00, v4;
	[tilespmem:s25+$0x60] =	vst v6;
	v6 =	vpop (erf)  }
0x246: {  	v12 =	vld [tilespmem:s24+$0x170];
	v10 =	vsub.f32 $0.0e+00, v10;
	v14 =	vmul.f32 $1.442695020e+00, v0;
	[tilespmem:s25+$0xC0] =	vst v6;
	(erf) = vrcp.f32 v9;
	v6 =	vpop (erf)  }
0x247: {  	v9 =	vld [tilespmem:s24+$0x160];
	v8 =	vsub.f32 $0.0e+00, v8;
	v1 =	vmul.f32 $1.442695020e+00, v1;
	(erf) = vpow2.f32 v7;
	[tilespmem:s25+$0x120] =	vst v6;
	v6 =	vpop (erf)  }
0x248: {  	v7 =	vld [tilespmem:s24+$0x150];
	v5 =	vsub.f32 $0.0e+00, v5;
	v10 =	vmul.f32 $1.442695020e+00, v10;
	(erf) = vpow2.f32 v13;
	[tilespmem:s25+$0x140] =	vst v6;
	v4 =	vpop (erf)  }
0x249: {  	v6 =	vld [tilespmem:s24+$0x140];
	v2 =	vsub.f32 $0.0e+00, v2;
	v8 =	vmul.f32 $1.442695020e+00, v8;
	(erf) = vpow2.f32 v14;
	[tilespmem:s25+$0xF0] =	vst v4;
	v0 =	vpop (erf)  }
0x24a: {  	v4 =	vld [tilespmem:s24+$0x130];
	v11 =	vsub.f32 $0.0e+00, v11;
	v13 =	vmul.f32 $1.442695020e+00, v5;
	(erf) = vpow2.f32 v1;
	[tilespmem:s25+$0x50] =	vst v0;
	v0 =	vpop (erf)  }
0x24b: {  	v1 =	vld [tilespmem:s24+$0x120];
	v5 =	vsub.f32 $0.0e+00, v12;
	v2 =	vmul.f32 $1.442695020e+00, v2;
	(erf) = vpow2.f32 v10;
	[tilespmem:s25+$0x70] =	vst v0;
	v0 =	vpop (erf)  }
0x24c: {  	v10 =	vld [tilespmem:s24+$0x110];
	v9 =	vsub.f32 $0.0e+00, v9;
	v11 =	vmul.f32 $1.442695020e+00, v11;
	[tilespmem:s25+$0xA0] =	vst v0;
	(erf) = vrcp.f32 v3;
	v0 =	vpop (erf)  }
0x24d: {  	v3 =	vld [tilespmem:s24+$0x100];
	v7 =	vsub.f32 $0.0e+00, v7;
	v5 =	vmul.f32 $1.442695020e+00, v5;
	(erf) = vpow2.f32 v8;
	v8 =	vpop (erf)  }
0x24e: {  	v12 =	vld [tilespmem:s24+$0xF0];
	v6 =	vsub.f32 $0.0e+00, v6;
	v9 =	vmul.f32 $1.442695020e+00, v9;
	(erf) = vpow2.f32 v2;
	[tilespmem:s25+$0x30] =	vst v8  }
0x24f: {  	v8 =	vld [tilespmem:s24+$0xE0];
	v4 =	vsub.f32 $0.0e+00, v4;
	v14 =	vmul.f32 $1.442695020e+00, v7;
	(erf) = vpow2.f32 v11;
	[tilespmem:s25+$0xD0] =	vst v0;
	v0 =	vpop (erf)  }
0x250: {  	v11 =	vld [tilespmem:s24+$0xD0];
	v1 =	vsub.f32 $0.0e+00, v1;
	v6 =	vmul.f32 $1.442695020e+00, v6;
	v2 =	vpop (erf);
	(erf) = vpow2.f32 v5;
	[tilespmem:s25+$0x20] =	vst v0  }
0x251: {  	v0 =	vld [tilespmem:s24+$0xC0];
	v10 =	vsub.f32 $0.0e+00, v10;
	v4 =	vmul.f32 $1.442695020e+00, v4;
	(erf) = vpow2.f32 v9;
	v5 =	vpop (erf)  }
0x252: {  	v9 =	vld [tilespmem:s24+$0xB0];
	v3 =	vsub.f32 $0.0e+00, v3;
	v17 =	vmul.f32 $1.442695020e+00, v1;
	(erf) = vpow2.f32 v13;
	v7 =	vpop (erf)  }
0x253: {  	v13 =	vld [tilespmem:s24+$0xA0];
	v12 =	vsub.f32 $0.0e+00, v12;
	v18 =	vmul.f32 $1.442695020e+00, v10;
	(erf) = vpow2.f32 v14;
	v14 =	vpop (erf)  }
0x254: {  	v15 =	vld [tilespmem:s24+$0x90];
	v8 =	vsub.f32 $0.0e+00, v8;
	v19 =	vmul.f32 $1.442695020e+00, v3;
	(erf) = vpow2.f32 v6;
	v16 =	vpop (erf)  }
0x255: {  	v6 =	vld [tilespmem:s24+$0x80];
	v11 =	vsub.f32 $0.0e+00, v11;
	v12 =	vmul.f32 $1.442695020e+00, v12;
	(erf) = vpow2.f32 v17;
	v1 =	vpop (erf)  }
0x256: {  	v17 =	vld [tilespmem:s24+$0x70];
	v0 =	vsub.f32 $0.0e+00, v0;
	v8 =	vmul.f32 $1.442695020e+00, v8;
	(erf) = vpow2.f32 v18;
	v10 =	vpop (erf);
	[tilespmem:s25+$0x10] =	vst v1;
	s25 =	smov.u32 s24  }
0x257: {  	v1 =	vld [tilespmem:s24+$0x60];
	v9 =	vsub.f32 $0.0e+00, v9;
	v11 =	vmul.f32 $1.442695020e+00, v11;
	(erf) = vpow2.f32 v19;
	v3 =	vpop (erf)  }
0x258: {  	v18 =	vld [tilespmem:s24+$0x50];
	v13 =	vsub.f32 $0.0e+00, v13;
	v3 =	vadd.f32 $1.000000000e+00, v3;
	(erf) = vpow2.f32 v4;
	v4 =	vpop (erf)  }
0x259: {  	v20 =	vmul.f32 $1.442695020e+00, v0;
	v19 =	vld [tilespmem:s24+$0x40];
	v15 =	vsub.f32 $0.0e+00, v15;
	(erf) = vpow2.f32 v8;
	v21 =	vpop (erf)  }
0x25a: {  	v8 =	vld [tilespmem:s24+$0x30];
	v25 =	vsub.f32 $0.0e+00, v6;
	v6 =	vmul.f32 $1.442695020e+00, v13;
	(erf) = vpow2.f32 v12;
	v12 =	vpop (erf)  }
0x25b: {  	v4 =	vadd.f32 $1.000000000e+00, v4;
	v13 =	vld [tilespmem:s24+$0x20];
	v17 =	vsub.f32 $0.0e+00, v17;
	v15 =	vmul.f32 $1.442695020e+00, v15;
	v22 =	vpop (erf)  }
0x25c: {  	v23 =	vld [tilespmem:s24+$0x10];
	v1 =	vsub.f32 $0.0e+00, v1;
	v24 =	vmul.f32 $1.442695020e+00, v25;
	(erf) = vpow2.f32 v11;
	v11 =	vpop (erf)  }
0x25d: {  	v18 =	vsub.f32 $0.0e+00, v18;
	v17 =	vmul.f32 $1.442695020e+00, v17;
	v0 =	vpop (erf);
	(erf) = vrcp.f32 v3  }
0x25e: {  	v26 =	vsub.f32 $0.0e+00, v19;
	v19 =	vmul.f32 $1.442695020e+00, v1;
	(erf) = vpow2.f32 v20;
	v20 =	vpop (erf)  }
0x25f: {  	v1 =	vsub.f32 $0.0e+00, v8;
	v8 =	vmul.f32 $1.442695020e+00, v9;
	v9 =	vpop (erf);
	(erf) = vrcp.f32 v4  }
0x260: {  	v25 =	vmul.f32 $1.442695020e+00, v26;
	v9 =	vadd.f32 $1.000000000e+00, v9;
	(erf) = vpow2.f32 v6;
	v3 =	vpop (erf)  }
0x261: {  	v6 =	vsub.f32 $0.0e+00, v13;
	v4 =	vsub.f32 $0.0e+00, v23;
	(erf) = vpow2.f32 v15;
	v13 =	vpop (erf)  }
0x262: {  	v15 =	vmul.f32 $1.442695020e+00, v1;
	v23 =	vadd.f32 $1.000000000e+00, v3;
	(erf) = vpow2.f32 v24;
	v24 =	vpop (erf)  }
0x263: {  	v22 =	vadd.f32 $1.000000000e+00, v22;
	v3 =	vmul.f32 $1.442695020e+00, v4;
	(erf) = vpow2.f32 v8;
	v1 =	vpop (erf)  }
0x264: {  	v6 =	vmul.f32 $1.442695020e+00, v6;
	v1 =	vadd.f32 $1.000000000e+00, v1;
	(erf) = vrcp.f32 v23  }
0x265: {  	v18 =	vmul.f32 $1.442695020e+00, v18;
	v4 =	vadd.f32 $1.000000000e+00, v20;
	(erf) = vpow2.f32 v17;
	v17 =	vpop (erf)  }
0x266: {  	v11 =	vadd.f32 $1.000000000e+00, v11;
	v13 =	vadd.f32 $1.000000000e+00, v13;
	v8 =	vpop (erf);
	(erf) = vrcp.f32 v22  }
0x267: {  	v10 =	vadd.f32 $1.000000000e+00, v10;
	v12 =	vadd.f32 $1.000000000e+00, v12;
	[tilespmem:s24+$0x190] =	vst v8;
	(erf) = vpow2.f32 v19;
	v8 =	vpop (erf)  }
0x268: {  	v19 =	vadd.f32 $1.000000000e+00, v21;
	v8 =	vadd.f32 $1.000000000e+00, v8;
	(erf) = vrcp.f32 v9;
	v9 =	vpop (erf)  }
0x269: {  	v20 =	vadd.f32 $1.000000000e+00, v2;
	[tilespmem:s24+$0x180] =	vst v9;
	v9 =	vadd.f32 $1.000000000e+00, v16;
	(erf) = vpow2.f32 v25;
	v16 =	vpop (erf)  }
0x26a: {  	v7 =	vadd.f32 $1.000000000e+00, v7;
	v14 =	vadd.f32 $1.000000000e+00, v14;
	v2 =	vpop (erf);
	(erf) = vrcp.f32 v10  }
0x26b: {  	v21 =	vadd.f32 $1.000000000e+00, v2;
	v2 =	vadd.f32 $1.000000000e+00, v17;
	(erf) = vrcp.f32 v20;
	v10 =	vpop (erf)  }
0x26c: {  	v17 =	vadd.f32 $1.000000000e+00, v10;
	v10 =	vadd.f32 $1.000000000e+00, v5;
	(erf) = vpow2.f32 v18;
	v18 =	vpop (erf)  }
0x26d: {  	v5 =	vadd.f32 $1.000000000e+00, v16;
	v16 =	vadd.f32 $1.000000000e+00, v18;
	v18 =	vpop (erf);
	(erf) = vrcp.f32 v12  }
0x26e: {  	v12 =	vadd.f32 $1.000000000e+00, v24;
	[tilespmem:s24+$0x100] =	vst v18;
	v18 =	vpop (erf);
	(erf) = vrcp.f32 v7  }
0x26f: {  	v7 =	vadd.f32 $1.000000000e+00, v18;
	v18 =	vpop (erf);
	(erf) = vrcp.f32 v10  }
0x270: {  	[tilespmem:s24+$0x1A0] =	vst v18;
	v10 =	vpop (erf);
	(erf) = vrcp.f32 v11  }
0x271: {  	v11 =	vadd.f32 $1.000000000e+00, v10;
	v10 =	vpop (erf);
	(erf) = vrcp.f32 v19  }
0x272: {  	[tilespmem:s24+$0x110] =	vst v10;
	v10 =	vpop (erf);
	(erf) = vrcp.f32 v14  }
0x273: {  	v14 =	vadd.f32 $1.000000000e+00, v10;
	v18 =	vpop (erf);
	(erf) = vrcp.f32 v9  }
0x274: {  	v9 =	vpop (erf);
	(erf) = vrcp.f32 v16  }
0x275: {  	[tilespmem:s24+$0x0] =	vst v9;
	v10 =	vpop (erf);
	(erf) = vrcp.f32 v21  }
.Ltmp3:
0x276: {  	(erf) = vrcp.f32 v13;
	v9 =	vpop (erf);
	(pc) =	sbr.rel @p0 .LBB2_8-.Ltmp3, $4  }
0x277: {  	[tilespmem:s24+$0x160] =	vst v9;
	(erf) = vrcp.f32 v17;
	v9 =	vpop (erf)  }
0x278: {  	[tilespmem:s24+$0x1E0] =	vst v9;
	(erf) = vrcp.f32 v12;
	v12 =	vpop (erf)  }
0x279: {  	[tilespmem:s24+$0x1B0] =	vst v18;
	(erf) = vrcp.f32 v14;
	v9 =	vpop (erf)  }
0x27a: {  	[tilespmem:s24+$0x1F0] =	vst v12;
	(erf) = vpow2.f32 v15;
	v12 =	vpop (erf)  }
0x27b: {  	(erf) = vpow2.f32 v6;
	v38 =	vpop (erf)  }
0x27c: {  	(erf) = vpow2.f32 v3;
	v39 =	vpop (erf)  }
0x27d: {  	(erf) = vrcp.f32 v11;
	v40 =	vpop (erf)  }
0x27e: {  	v0 =	vadd.f32 $1.000000000e+00, v0;
	[tilespmem:s25+$0x170] =	vst v12;
	v41 =	vpop (erf);
	(erf) = vrcp.f32 v8  }
0x27f: {  	[tilespmem:s25+$0x150] =	vst v9;
	(erf) = vrcp.f32 v4;
	v42 =	vpop (erf)  }
0x280: {  	[tilespmem:s25+$0x1D0] =	vst v38;
	v44 =	vpop (erf);
	(erf) = vrcp.f32 v0  }
0x281: {  	v43 =	vadd.f32 $1.000000000e+00, v10;
	[tilespmem:s25+$0x1C0] =	vst v39;
	v45 =	vpop (erf)  }
0x282: {  	[tilespmem:s25+$0xB0] =	vst v40;
	(erf) = vrcp.f32 v1;
	v46 =	vpop (erf)  }
0x283: {  	[tilespmem:s25+$0x90] =	vst v41;
	(erf) = vrcp.f32 v43;
	v47 =	vpop (erf)  }
0x284: {  	[tilespmem:s25+$0x130] =	vst v42;
	(erf) = vrcp.f32 v7;
	v48 =	vpop (erf)  }
0x285: {  	[tilespmem:s25+$0x80] =	vst v44;
	v3 =	vadd.f32 $1.000000000e+00, v47;
	(erf) = vrcp.f32 v5;
	v49 =	vpop (erf)  }
0x286: {  	[tilespmem:s25+$0xE0] =	vst v45;
	(erf) = vrcp.f32 v2;
	v50 =	vadd.f32 $1.000000000e+00, v48;
	v51 =	vpop (erf)  }
0x287: {  	[tilespmem:s25+$0x40] =	vst v46;
	(erf) = vrcp.f32 v3;
	v52 =	vadd.f32 $1.000000000e+00, v49;
	v53 =	vpop (erf)  }
0x288: {  	[tilespmem:s25+$0x60] =	vst v51;
	(erf) = vrcp.f32 v50;
	v54 =	vpop (erf)  }
0x289: {  	[tilespmem:s25+$0xC0] =	vst v53;
	v55 =	vpop (erf);
	(erf) = vrcp.f32 v52  }
0x28a: {  	[tilespmem:s25+$0x120] =	vst v54  }
0x28b: {  	v56 =	vpop (erf);
	[tilespmem:s25+$0x140] =	vst v55  }
0x28c: {  	v57 =	vpop (erf);
	[tilespmem:s25+$0xF0] =	vst v56  }
0x28d: {  	v58 =	vpop (erf);
	[tilespmem:s25+$0x50] =	vst v57  }
0x28e: {  	v59 =	vpop (erf);
	[tilespmem:s25+$0x70] =	vst v58  }
0x28f: {  	v60 =	vpop (erf);
	[tilespmem:s25+$0xA0] =	vst v59  }
0x290: {  	v61 =	vpop (erf);
	[tilespmem:s25+$0xD0] =	vst v60  }
0x291: {  	[tilespmem:s25+$0x30] =	vst v61;
	v62 =	vpop (erf)  }
0x292: {  	[tilespmem:s25+$0x20] =	vst v62;
	v63 =	vpop (erf)  }
0x293: {  	[tilespmem:s25+$0x10] =	vst v63  }
0x294: {  	[hbm4b:s8+s3] =	stream.linear.scatter [tilespmem:s17], [sflag:$0x5], $0x4000, $0x38;
	[tilespmem:$0x10200] =	vst v63  }
0x295: {  	_ =	swait.ge [sflag:s22], $0x4000  }
0x296: {  	[sflag:s22] =	ssyncset.done $0x0  }
0x297: {  	[sflag:s22] =	ssyncadd.s32 $0xFFFFC000  }
0x298: {  	_ =	swait.ge [sflag:s22], $0x4000  }
0x299: {  	[sflag:s22] =	ssyncset.done $0x0  }
0x29a: {  	s23 =	sadd.s32 $0x1, s23;
	[sflag:s22] =	ssyncadd.s32 $0xFFFFC000  }
0x29b: {  	p0 =	sne.s32 s23, s9;
	_ =	swait.ge [sflag:s22], $0x4000  }
.Ltmp4:
0x29c: {  	[sflag:s22] =	ssyncset.done $0x0;
	(pc) =	sbr.rel @p0 .LBB2_1-.Ltmp4, $4  }
0x29d: {  	[sflag:s22] =	ssyncadd.s32 $0xFFFFC000  }
0x29e: {  	_ =	swait.ge [sflag:s22], $0x4000  }
0x29f: {  	[sflag:s22] =	ssyncset.done $0x0  }
0x2a0: {  	[sflag:s22] =	ssyncadd.s32 $0xFFFFC000  }
0x2a1: {  	_ =	sfence.sel $0x180000  }
0x2a2: {  	[bflag:$0x0] =	sbarrier.arrive $0xFFFF  }
0x2a3: {  	p0 =	sne.s32 s2, $0x0;
	_ =	strace $0x90000047  }
0x2a4: {  	s0 =	sadd.s32 @!p0 $0x100000, s0;
	[bflag:$0x2] =	sbarrier.arrive $0xFFFF  }
0x2a5: {  	[sflag:s0] =	ssyncadd.tile.s32 @!p0 $0x1;
	_ =	shalt  }
.Lfunc_end2:
_tile_overlayer_lowered:
.L_overlay_start_2:
0x2a6: {  	(tag) =	ssettag $0x2  }
0x2a7: {  	s0 =	rddreg [dreg:$0x0];
	s2 =	stileid.u32  }
0x2a8: {  	s1 =	rddreg [dreg:$0x1];
	p0 =	sne.s32 s2, $0x0  }
0x2a9: {  	s3 =	rddreg [dreg:$0x2];
	[bflag:$0x3] =	sbarrier.arrive $0xFFFF;
	s2 =	simm.s32 @!p0 $0x1C06  }
0x2aa: {  	[timem:s3], [sflag:s2] =	dma.local @!p0 [hbm:s0], s1  }
0x2ab: {  	s0 =	simm.s32 @!p0 $0x6  }
0x2ac: {  	_ =	swait.ge @!p0 [sflag:s0], s1  }
0x2ad: {  	s1 =	ssub.s32 @!p0 $0x0, s1;
	[sflag:s0] =	ssyncset.done @!p0 $0x0  }
0x2ae: {  	[sflag:s0] =	ssyncadd.s32 @!p0 s1  }
0x2af: {  	[bflag:$0x3] =	sbarrier.arrive $0xFFFF  }
0x2b0: {  	_ =	shalt  }

</sc_bundles>
